<compile_context>
chip_gen: v7x
topology: tpu7x:2x2x1
jax: 0.10.2.dev20260603
libtpu: 0.0.44.dev20260713+nightly
codegen_flags: <defaults>
</compile_context>

<pallas_src>
import functools

import jax
import jax.numpy as jnp
from jax import lax
from jax.experimental import pallas as pl
from jax.experimental.pallas import tpu as pltpu
from jax.experimental.pallas import tpu_sc as plsc

_N = 10000
_E = 160000
_D = 512
_NP = 10240
_EP = 163840
_NW = 32
_NCH = 40
_RPT = _NP // 16
_BN = 512
_NCK = 4


def _fill(buf, n, val, dtype):
    v = jnp.full((16,), val, dtype)

    @pl.loop(0, n // 16)
    def _(i):
        buf[pl.ds(i * 16, 16)] = v




def _sc_deg_body(dst_hbm, degp_hbm, acc, dstbuf, ones, zbuf):
    c = lax.axis_index("c")
    s = lax.axis_index("s")
    wid = c * 16 + s
    _fill(zbuf, _RPT, 0.0, jnp.float32)
    _fill(ones, 128, 1.0, jnp.float32)
    pltpu.sync_copy(zbuf, acc.at[pl.ds(s * _RPT, _RPT)])
    pltpu.sync_copy(dst_hbm.at[wid], dstbuf)
    plsc.subcore_barrier()

    @pl.loop(0, _NCH)
    def _(j):
        pltpu.sync_copy(ones, acc.at[dstbuf.at[j]], add=True)

    plsc.subcore_barrier()
    sl = pl.ds(s * _RPT, _RPT)
    pltpu.sync_copy(acc.at[sl], degp_hbm.at[c, sl])


def _sc_cmat_body(src_hbm, dst_hbm, x_hbm, dinv_hbm, cp_hbm,
                  acc, srcbuf, dstbuf, xbuf, dinvbuf, valbuf, fidx, zbuf):
    c = lax.axis_index("c")
    s = lax.axis_index("s")
    wid = c * 16 + s
    _fill(zbuf, _RPT, 0.0, jnp.float32)

    @pl.loop(0, 8)
    def _(t):
        pltpu.sync_copy(zbuf, acc.at[pl.ds((s * 8 + t) * _RPT, _RPT)])

    pltpu.sync_copy(src_hbm.at[wid], srcbuf)
    pltpu.sync_copy(dst_hbm.at[wid], dstbuf)
    pltpu.sync_copy(x_hbm, xbuf)
    pltpu.sync_copy(dinv_hbm, dinvbuf)
    plsc.subcore_barrier()

    @pl.loop(0, _NCH)
    def _(j):
        for k in range(8):
            sl = pl.ds(k * 16, 16)
            s16 = srcbuf[j, sl]
            d16 = dstbuf[j, sl]
            xs = plsc.load_gather(xbuf, [s16])
            dv = plsc.load_gather(dinvbuf, [s16])
            valbuf[0, sl] = dv
            fidx[0, sl] = d16 * 8 + xs
        pltpu.sync_copy(valbuf.at[0], acc.at[fidx.at[0]], add=True)

    plsc.subcore_barrier()

    @pl.loop(0, 8)
    def _(t):
        sl = pl.ds((s * 8 + t) * _RPT, _RPT)
        pltpu.sync_copy(acc.at[sl], cp_hbm.at[c, sl])


def _sc_uprop_body(src_hbm, dst_hbm, u_hbm, vp_hbm,
                   acc, srcbuf, dstbuf, ubuf, gbuf, zbuf):
    c = lax.axis_index("c")
    s = lax.axis_index("s")
    wid = c * 16 + s
    _fill(zbuf, _RPT, 0.0, jnp.float32)
    pltpu.sync_copy(zbuf, acc.at[pl.ds(s * _RPT, _RPT)])
    pltpu.sync_copy(src_hbm.at[wid], srcbuf)
    pltpu.sync_copy(dst_hbm.at[wid], dstbuf)
    pltpu.sync_copy(u_hbm, ubuf)
    plsc.subcore_barrier()

    @pl.loop(0, _NCH)
    def _(j):
        for k in range(8):
            sl = pl.ds(k * 16, 16)
            s16 = srcbuf[j, sl]
            gbuf[0, sl] = plsc.load_gather(ubuf, [s16])
        pltpu.sync_copy(gbuf.at[0], acc.at[dstbuf.at[j]], add=True)

    plsc.subcore_barrier()
    sl = pl.ds(s * _RPT, _RPT)
    pltpu.sync_copy(acc.at[sl], vp_hbm.at[c, sl])


def _sc_prop_body(qf_hbm, src_hbm, dst_hbm, sf_hbm,
                  acc, srcbuf, dstbuf, r0, r1, gs0, gs1, ss0, ss1):
    c = lax.axis_index("c")
    s = lax.axis_index("s")

    for r in range(2):
        chunk = 2 * r + c
        base = chunk * _NP

        pltpu.sync_copy(qf_hbm.at[pl.ds(base + s * _RPT, _RPT)],
                        acc.at[pl.ds(s * _RPT, _RPT)])
        plsc.subcore_barrier()

        for w in range(2):
            wid = s + 16 * w
            pltpu.sync_copy(src_hbm.at[wid], srcbuf)
            pltpu.sync_copy(dst_hbm.at[wid], dstbuf)

            @pl.loop(0, _NCH)
            def _(j):
                for k in range(8):
                    sl = pl.ds(k * 16, 16)
                    srcbuf[j, sl] = srcbuf[j, sl] + base

            @pl.loop(0, _NCH, step=2)
            def _(j):
                g0 = pltpu.async_copy(qf_hbm.at[srcbuf.at[j]], r0, gs0)
                g1 = pltpu.async_copy(qf_hbm.at[srcbuf.at[j + 1]], r1, gs1)
                g0.wait()
                s0 = pltpu.async_copy(r0, acc.at[dstbuf.at[j]], ss0,
                                      add=True)
                g1.wait()
                s1 = pltpu.async_copy(r1, acc.at[dstbuf.at[j + 1]], ss1,
                                      add=True)
                s0.wait()
                s1.wait()

        plsc.subcore_barrier()
        pltpu.sync_copy(acc.at[pl.ds(s * _RPT, _RPT)],
                        sf_hbm.at[pl.ds(base + s * _RPT, _RPT)])
        plsc.subcore_barrier()




def _tc_prep_body(degp_ref, dinv_ref):
    p = degp_ref[0] + degp_ref[1]
    dinv_ref[...] = lax.rsqrt(1.0 + p)


def _tc_l1_body(cp_ref, x_ref, dinv_ref, emb_ref, w1_ref, b1_ref, w2_ref,
                q_ref):
    f32 = jnp.float32
    cmat = cp_ref[0] + cp_ref[1]
    xi = x_ref[...][:, 0]
    dv = dinv_ref[...]
    classes = lax.broadcasted_iota(jnp.int32, (_BN, 8), 1)
    cmat = cmat + jnp.where(classes == xi[:, None], dv, 0.0)
    z = lax.dot_general(emb_ref[...], w1_ref[...],
                        (((1,), (1,)), ((), ())),
                        preferred_element_type=f32)
    s1 = lax.dot_general(cmat, z, (((1,), (0,)), ((), ())),
                         preferred_element_type=f32)
    h = jnp.maximum(dv * s1 + b1_ref[...], 0.0)
    q = dv * lax.dot_general(h, w2_ref[...], (((1,), (1,)), ((), ())),
                             preferred_element_type=f32)
    for ck in range(_NCK):
        q_ref[ck] = q[:, ck * 128:(ck + 1) * 128]


def _tc_mid_body(s_ref, dinv_ref, b_ref, w_ref, q_ref):
    f32 = jnp.float32
    sfull = jnp.concatenate([s_ref[ck] for ck in range(_NCK)], axis=-1)
    dv = dinv_ref[...]
    h = jnp.maximum(dv * sfull + b_ref[...], 0.0)
    q = dv * lax.dot_general(h, w_ref[...], (((1,), (1,)), ((), ())),
                             preferred_element_type=f32)
    for ck in range(_NCK):
        q_ref[ck] = q[:, ck * 128:(ck + 1) * 128]


def _tc_head_body(s_ref, dinv_ref, b_ref, w4_ref, u_ref):
    f32 = jnp.float32
    sfull = jnp.concatenate([s_ref[ck] for ck in range(_NCK)], axis=-1)
    dv = dinv_ref[...]
    h = jnp.maximum(dv * sfull + b_ref[...], 0.0)
    t = lax.dot_general(h, w4_ref[...], (((1,), (1,)), ((), ())),
                        preferred_element_type=f32)
    u_ref[...] = dv * t


def _tc_fin_body(u_ref, vp_ref, dinv_ref, b4_ref, o_ref):
    v = u_ref[...] + vp_ref[0] + vp_ref[1]
    o_ref[...] = jax.nn.sigmoid(dinv_ref[...] * v + b4_ref[0, 0])




def _build(interpret=False):
    f32 = jnp.float32
    i32 = jnp.int32
    mesh = plsc.VectorSubcoreMesh(core_axis_name="c", subcore_axis_name="s",
                                  num_cores=2, num_subcores=16)
    sc_params = pltpu.CompilerParams(needs_layout_passes=False)

    sc_deg = pl.kernel(
        _sc_deg_body,
        out_type=jax.ShapeDtypeStruct((2, _NP), f32),
        mesh=mesh,
        scratch_types=[
            pltpu.VMEM_SHARED((_NP,), f32),
            pltpu.VMEM((_NCH, 128), i32),
            pltpu.VMEM((128,), f32),
            pltpu.VMEM((_RPT,), f32),
        ],
        interpret=interpret,
        compiler_params=sc_params,
    )

    sc_cmat = pl.kernel(
        _sc_cmat_body,
        out_type=jax.ShapeDtypeStruct((2, 8 * _NP), f32),
        mesh=mesh,
        scratch_types=[
            pltpu.VMEM_SHARED((8 * _NP,), f32),
            pltpu.VMEM((_NCH, 128), i32),
            pltpu.VMEM((_NCH, 128), i32),
            pltpu.VMEM((_NP,), i32),
            pltpu.VMEM((_NP,), f32),
            pltpu.VMEM((1, 128), f32),
            pltpu.VMEM((1, 128), i32),
            pltpu.VMEM((_RPT,), f32),
        ],
        interpret=interpret,
        compiler_params=sc_params,
    )

    sc_uprop = pl.kernel(
        _sc_uprop_body,
        out_type=jax.ShapeDtypeStruct((2, _NP), f32),
        mesh=mesh,
        scratch_types=[
            pltpu.VMEM_SHARED((_NP,), f32),
            pltpu.VMEM((_NCH, 128), i32),
            pltpu.VMEM((_NCH, 128), i32),
            pltpu.VMEM((_NP,), f32),
            pltpu.VMEM((1, 128), f32),
            pltpu.VMEM((_RPT,), f32),
        ],
        interpret=interpret,
        compiler_params=sc_params,
    )

    sc_prop = pl.kernel(
        _sc_prop_body,
        out_type=jax.ShapeDtypeStruct((_NCK * _NP, 128), f32),
        mesh=mesh,
        scratch_types=[
            pltpu.VMEM_SHARED((_NP, 128), f32),
            pltpu.VMEM((_NCH, 128), i32),
            pltpu.VMEM((_NCH, 128), i32),
            pltpu.VMEM((128, 128), f32),
            pltpu.VMEM((128, 128), f32),
            pltpu.SemaphoreType.DMA,
            pltpu.SemaphoreType.DMA,
            pltpu.SemaphoreType.DMA,
            pltpu.SemaphoreType.DMA,
        ],
        interpret=interpret,
        compiler_params=sc_params,
    )

    ngrid = _NP // _BN
    tc_prep = pl.pallas_call(
        _tc_prep_body,
        grid=(ngrid,),
        in_specs=[pl.BlockSpec((2, _BN, 1), lambda i: (0, i, 0))],
        out_specs=pl.BlockSpec((_BN, 1), lambda i: (i, 0)),
        out_shape=jax.ShapeDtypeStruct((_NP, 1), f32),
        interpret=interpret,
    )

    tc_l1 = pl.pallas_call(
        _tc_l1_body,
        grid=(ngrid,),
        in_specs=[
            pl.BlockSpec((2, _BN, 8), lambda i: (0, i, 0)),
            pl.BlockSpec((_BN, 1), lambda i: (i, 0)),
            pl.BlockSpec((_BN, 1), lambda i: (i, 0)),
            pl.BlockSpec((8, _D), lambda i: (0, 0)),
            pl.BlockSpec((_D, _D), lambda i: (0, 0)),
            pl.BlockSpec((1, _D), lambda i: (0, 0)),
            pl.BlockSpec((_D, _D), lambda i: (0, 0)),
        ],
        out_specs=pl.BlockSpec((_NCK, _BN, 128), lambda i: (0, i, 0)),
        out_shape=jax.ShapeDtypeStruct((_NCK, _NP, 128), f32),
        interpret=interpret,
    )

    tc_mid = pl.pallas_call(
        _tc_mid_body,
        grid=(ngrid,),
        in_specs=[
            pl.BlockSpec((_NCK, _BN, 128), lambda i: (0, i, 0)),
            pl.BlockSpec((_BN, 1), lambda i: (i, 0)),
            pl.BlockSpec((1, _D), lambda i: (0, 0)),
            pl.BlockSpec((_D, _D), lambda i: (0, 0)),
        ],
        out_specs=pl.BlockSpec((_NCK, _BN, 128), lambda i: (0, i, 0)),
        out_shape=jax.ShapeDtypeStruct((_NCK, _NP, 128), f32),
        interpret=interpret,
    )

    tc_head = pl.pallas_call(
        _tc_head_body,
        grid=(ngrid,),
        in_specs=[
            pl.BlockSpec((_NCK, _BN, 128), lambda i: (0, i, 0)),
            pl.BlockSpec((_BN, 1), lambda i: (i, 0)),
            pl.BlockSpec((1, _D), lambda i: (0, 0)),
            pl.BlockSpec((1, _D), lambda i: (0, 0)),
        ],
        out_specs=pl.BlockSpec((_BN, 1), lambda i: (i, 0)),
        out_shape=jax.ShapeDtypeStruct((_NP, 1), f32),
        interpret=interpret,
    )

    tc_fin = pl.pallas_call(
        _tc_fin_body,
        grid=(ngrid,),
        in_specs=[
            pl.BlockSpec((_BN, 1), lambda i: (i, 0)),
            pl.BlockSpec((2, _BN, 1), lambda i: (0, i, 0)),
            pl.BlockSpec((_BN, 1), lambda i: (i, 0)),
            pl.BlockSpec((1, 1), lambda i: (0, 0)),
        ],
        out_specs=pl.BlockSpec((_BN, 1), lambda i: (i, 0)),
        out_shape=jax.ShapeDtypeStruct((_NP, 1), f32),
        interpret=interpret,
    )

    return dict(sc_deg=sc_deg, sc_cmat=sc_cmat, sc_uprop=sc_uprop,
                sc_prop=sc_prop, tc_prep=tc_prep, tc_l1=tc_l1,
                tc_mid=tc_mid, tc_head=tc_head, tc_fin=tc_fin)


_K = _build()


def kernel(x, edge_index, emb, W1, b1, W2, b2, W3, b3, W4, b4):
    f32 = jnp.float32
    i32 = jnp.int32
    src = edge_index[0].astype(i32)
    dst = edge_index[1].astype(i32)
    pad_e = jnp.full((_EP - _E,), _N, i32)
    srcp = jnp.concatenate([src, pad_e]).reshape(_NW, _NCH, 128)
    dstp = jnp.concatenate([dst, pad_e]).reshape(_NW, _NCH, 128)
    xp = jnp.concatenate([x.astype(i32), jnp.zeros((_NP - _N,), i32)])
    emb8 = jnp.zeros((8, _D), f32).at[:3, :].set(emb)

    degp = _K["sc_deg"](dstp)
    dinv = _K["tc_prep"](degp.reshape(2, _NP, 1))
    cp = _K["sc_cmat"](srcp, dstp, xp, dinv.reshape(_NP))
    q = _K["tc_l1"](cp.reshape(2, _NP, 8), xp.reshape(_NP, 1), dinv,
                    emb8, W1, b1.reshape(1, _D), W2)
    sf = _K["sc_prop"](q.reshape(_NCK * _NP, 128), srcp, dstp)
    q = _K["tc_mid"](sf.reshape(_NCK, _NP, 128), dinv,
                     b2.reshape(1, _D), W3)
    sf = _K["sc_prop"](q.reshape(_NCK * _NP, 128), srcp, dstp)
    u = _K["tc_head"](sf.reshape(_NCK, _NP, 128), dinv,
                      b3.reshape(1, _D), W4)
    vp = _K["sc_uprop"](srcp, dstp, u.reshape(_NP))
    o = _K["tc_fin"](u, vp.reshape(2, _NP, 1), dinv,
                     b4.reshape(1, 1))
    return o.reshape(_NP)[:_N]

# --- scband reference (transcript-rebuilt; emitter-appended) ---
"""Pipeline reference for scband-gcn-77644418777840 (READ-ONLY COPY).

The authoritative reference and input builder live on the scoring server;
editing this copy changes nothing except your own understanding.
"""

import jax, jax.numpy as jnp
import numpy as np

N = 10000
E = 160000
D = 512

def setup_inputs(seed: int = 0) -> dict:
    key = jax.random.key(seed)
    ks = jax.random.split(key, 12)
    x = jax.random.randint(ks[0], (N,), 0, 3, dtype=jnp.int32)
    edge_index = jax.random.randint(ks[1], (2, E), 0, N, dtype=jnp.int32)
    emb = jax.random.normal(ks[2], (3, D), dtype=jnp.float32)
    s = 1.0 / np.sqrt(D)
    W1 = jax.random.normal(ks[3], (512, D), dtype=jnp.float32) * s
    b1 = jnp.zeros((512,), dtype=jnp.float32)
    W2 = jax.random.normal(ks[4], (512, 512), dtype=jnp.float32) * s
    b2 = jnp.zeros((512,), dtype=jnp.float32)
    W3 = jax.random.normal(ks[5], (512, 512), dtype=jnp.float32) * s
    b3 = jnp.zeros((512,), dtype=jnp.float32)
    W4 = jax.random.normal(ks[6], (1, 512), dtype=jnp.float32) * s
    b4 = jnp.zeros((1,), dtype=jnp.float32)
    return {"x": x, "edge_index": edge_index, "emb": emb, "W1": W1, "b1": b1, "W2": W2, "b2": b2, "W3": W3, "b3": b3, "W4": W4, "b4": b4}

def _gcn_conv(h, src, dst, W, b, n):
    # PyG GCNConv (eval): h' = D^-1/2 (A + I) D^-1/2 (h W^T) + b
    h = h @ W.T
    deg = jax.ops.segment_sum(jnp.ones_like(dst, dtype=h.dtype), dst, num_segments=n)
    dinv = jnp.where(deg > 0, deg ** -0.5, 0.0)
    norm = dinv[src] * dinv[dst]
    msg = h[src] * norm[:, None]
    out = jax.ops.segment_sum(msg, dst, num_segments=n)
    return out + b

def reference(x, edge_index, emb, W1, b1, W2, b2, W3, b3, W4, b4):
    n = x.shape[0]
    loops = jnp.arange(n, dtype=edge_index.dtype)
    src = jnp.concatenate([edge_index[0], loops])
    dst = jnp.concatenate([edge_index[1], loops])
    h = emb[x]                      # embedding lookup [N, 512]
    h = h.reshape(h.shape[0], -1)   # steps_memorized=1 -> [N, 512]
    h = jax.nn.relu(_gcn_conv(h, src, dst, W1, b1, n))
    h = jax.nn.relu(_gcn_conv(h, src, dst, W2, b2, n))
    h = jax.nn.relu(_gcn_conv(h, src, dst, W3, b3, n))
    h = _gcn_conv(h, src, dst, W4, b4, n)  # [N, 1]
    h = jnp.squeeze(h, axis=-1)
    return jax.nn.sigmoid(h)

if __name__ == "__main__":
    import jax
    _d = setup_inputs()
    print(jax.jit(kernel)(*tuple(_d.values())))

</pallas_src>

<mosaic_0001>
#map = affine_map<(d0, d1) -> (0, 0, 0)>
#map1 = affine_map<(d0, d1) -> (0)>
#map2 = affine_map<(d0, d1) -> (0, 0)>
module attributes {stable_mosaic.version = 14 : i64} {
  func.func @_sc_cmat_body(%arg0: i32, %arg1: i32, %arg2: memref<32x40x128xi32, #tpu.memory_space<hbm>>, %arg3: memref<32x40x128xi32, #tpu.memory_space<hbm>>, %arg4: memref<10240xi32, #tpu.memory_space<hbm>>, %arg5: memref<10240xf32, #tpu.memory_space<hbm>>, %arg6: memref<2x81920xf32, #tpu.memory_space<hbm>>, %arg7: memref<81920xf32, #tpu.memory_space<vmem_shared>>, %arg8: memref<40x128xi32, #tpu.memory_space<vmem>>, %arg9: memref<40x128xi32, #tpu.memory_space<vmem>>, %arg10: memref<10240xi32, #tpu.memory_space<vmem>>, %arg11: memref<10240xf32, #tpu.memory_space<vmem>>, %arg12: memref<1x128xf32, #tpu.memory_space<vmem>>, %arg13: memref<1x128xi32, #tpu.memory_space<vmem>>, %arg14: memref<640xf32, #tpu.memory_space<vmem>>) attributes {dimension_semantics = [#tpu.dimension_semantics<core_parallel>, #tpu.dimension_semantics<subcore_parallel>], iteration_bounds = array<i64: 2, 16>, scalar_prefetch = 0 : i64, scratch_operands = 8 : i64, tpu.core_type = #tpu.core_type<sc_vector_subcore>, window_params = [{transform_indices = #map}, {transform_indices = #map}, {transform_indices = #map1}, {transform_indices = #map1}, {transform_indices = #map2}]} {
    %mul3A = arith.constant 16 : i32
    %mul3A_0 = arith.muli %arg0, %mul3A : i32
    %add3A = arith.addi %mul3A_0, %arg1 : i32
    %broadcast_in_dim3A = arith.constant 0.000000e+00 : f32
    %broadcast_in_dim3A_1 = vector.broadcast %broadcast_in_dim3A : f32 to vector<16xf32>
    %scan3A = arith.constant 0 : i32
    %scan3A_2 = arith.constant 40 : i32
    %scan3A_3 = arith.addi %scan3A, %scan3A_2 : i32
    %scan3A_4 = arith.constant 1 : i32
    scf.for %scan3A_22 = %scan3A to %scan3A_3 step %scan3A_4  : i32 {
      %mul3A_23 = arith.constant 1 : i32
      %mul3A_24 = arith.muli %scan3A_22, %mul3A_23 : i32
      %add3A_25 = arith.constant 0 : i32
      %add3A_26 = arith.addi %add3A_25, %mul3A_24 : i32
      %mul3A_27 = arith.constant 16 : i32
      %mul3A_28 = arith.muli %add3A_26, %mul3A_27 : i32
      %swap3A = arith.index_cast %mul3A_28 : i32 to index
      %swap3A_29 = tpu.vector_load %arg14[%swap3A] {strides = array<i32>} : memref<640xf32, #tpu.memory_space<vmem>>, vector<16xf32>,
      tpu.vector_store %arg14[%swap3A], %broadcast_in_dim3A_1 {strides = array<i32>} : memref<640xf32, #tpu.memory_space<vmem>>, vector<16xf32>,
    }
    %scan3A_5 = arith.constant 40 : i32
    %scan3A_6 = arith.constant 0 : i32
    %scan3A_7 = arith.constant 8 : i32
    %scan3A_8 = arith.addi %scan3A_6, %scan3A_7 : i32
    %scan3A_9 = arith.constant 1 : i32
    scf.for %scan3A_22 = %scan3A_6 to %scan3A_8 step %scan3A_9  : i32 {
      %mul3A_23 = arith.constant 1 : i32
      %mul3A_24 = arith.muli %scan3A_22, %mul3A_23 : i32
      %add3A_25 = arith.constant 0 : i32
      %add3A_26 = arith.addi %add3A_25, %mul3A_24 : i32
      %mul3A_27 = arith.constant 8 : i32
      %mul3A_28 = arith.muli %arg1, %mul3A_27 : i32
      %add3A_29 = arith.addi %mul3A_28, %add3A_26 : i32
      %mul3A_30 = arith.constant 640 : i32
      %mul3A_31 = arith.muli %add3A_29, %mul3A_30 : i32
      "tpu.region"() ({
        %run_scoped3A = tpu.sem_alloc : memref<!tpu.dma_semaphore, #tpu.memory_space<semaphore_mem>>
        %dma_start3A = tpu.memref_slice %arg7[%mul3A_31] : memref<81920xf32, #tpu.memory_space<vmem_shared>> -> memref<640xf32, #tpu.memory_space<vmem_shared>>
        %dma_start3A_32 = tpu.memref_slice %arg7[%mul3A_31] : memref<81920xf32, #tpu.memory_space<vmem_shared>> -> memref<640xf32, #tpu.memory_space<vmem_shared>>
        tpu.enqueue_dma source(%arg14 : memref<640xf32, #tpu.memory_space<vmem>>) target(%dma_start3A_32 : memref<640xf32, #tpu.memory_space<vmem_shared>>) target_semaphore(%run_scoped3A : memref<!tpu.dma_semaphore, #tpu.memory_space<semaphore_mem>>)
        %dma_wait3A = tpu.memref_slice %arg7[%mul3A_31] : memref<81920xf32, #tpu.memory_space<vmem_shared>> -> memref<640xf32, #tpu.memory_space<vmem_shared>>
        %dma_wait3A_33 = tpu.memref_slice %arg7[%mul3A_31] : memref<81920xf32, #tpu.memory_space<vmem_shared>> -> memref<640xf32, #tpu.memory_space<vmem_shared>>
        tpu.wait_dma2 semaphore(%run_scoped3A : memref<!tpu.dma_semaphore, #tpu.memory_space<semaphore_mem>>) src(%arg14 : memref<640xf32, #tpu.memory_space<vmem>>) dst(%dma_wait3A_33 : memref<640xf32, #tpu.memory_space<vmem_shared>>)
        tpu.yield
      }) : () -> ()
    }
    %scan3A_10 = arith.constant 8 : i32
    "tpu.region"() ({
      %run_scoped3A = tpu.sem_alloc : memref<!tpu.dma_semaphore, #tpu.memory_space<semaphore_mem>>
      %dma_start3A = arith.constant 0 : i32
      %dma_start3A_22 = arith.constant 0 : i32
      %dma_start3A_23 = tpu.memref_slice %arg2[%add3A, %dma_start3A, %dma_start3A_22] : memref<32x40x128xi32, #tpu.memory_space<hbm>> -> memref<1x40x128xi32, #tpu.memory_space<hbm>>
      %dma_start3A_24 = tpu.memref_squeeze %dma_start3A_23 : memref<1x40x128xi32, #tpu.memory_space<hbm>> -> memref<40x128xi32, #tpu.memory_space<hbm>>
      %dma_start3A_25 = arith.constant 0 : i32
      %dma_start3A_26 = arith.constant 0 : i32
      %dma_start3A_27 = tpu.memref_slice %arg2[%add3A, %dma_start3A_25, %dma_start3A_26] : memref<32x40x128xi32, #tpu.memory_space<hbm>> -> memref<1x40x128xi32, #tpu.memory_space<hbm>>
      %dma_start3A_28 = tpu.memref_squeeze %dma_start3A_27 : memref<1x40x128xi32, #tpu.memory_space<hbm>> -> memref<40x128xi32, #tpu.memory_space<hbm>>
      tpu.enqueue_dma source(%dma_start3A_28 : memref<40x128xi32, #tpu.memory_space<hbm>>) target(%arg8 : memref<40x128xi32, #tpu.memory_space<vmem>>) target_semaphore(%run_scoped3A : memref<!tpu.dma_semaphore, #tpu.memory_space<semaphore_mem>>)
      %dma_wait3A = arith.constant 0 : i32
      %dma_wait3A_29 = arith.constant 0 : i32
      %dma_wait3A_30 = tpu.memref_slice %arg2[%add3A, %dma_wait3A, %dma_wait3A_29] : memref<32x40x128xi32, #tpu.memory_space<hbm>> -> memref<1x40x128xi32, #tpu.memory_space<hbm>>
      %dma_wait3A_31 = tpu.memref_squeeze %dma_wait3A_30 : memref<1x40x128xi32, #tpu.memory_space<hbm>> -> memref<40x128xi32, #tpu.memory_space<hbm>>
      %dma_wait3A_32 = arith.constant 0 : i32
      %dma_wait3A_33 = arith.constant 0 : i32
      %dma_wait3A_34 = tpu.memref_slice %arg2[%add3A, %dma_wait3A_32, %dma_wait3A_33] : memref<32x40x128xi32, #tpu.memory_space<hbm>> -> memref<1x40x128xi32, #tpu.memory_space<hbm>>
      %dma_wait3A_35 = tpu.memref_squeeze %dma_wait3A_34 : memref<1x40x128xi32, #tpu.memory_space<hbm>> -> memref<40x128xi32, #tpu.memory_space<hbm>>
      tpu.wait_dma2 semaphore(%run_scoped3A : memref<!tpu.dma_semaphore, #tpu.memory_space<semaphore_mem>>) src(%dma_wait3A_35 : memref<40x128xi32, #tpu.memory_space<hbm>>) dst(%arg8 : memref<40x128xi32, #tpu.memory_space<vmem>>)
      tpu.yield
    }) : () -> ()
    "tpu.region"() ({
      %run_scoped3A = tpu.sem_alloc : memref<!tpu.dma_semaphore, #tpu.memory_space<semaphore_mem>>
      %dma_start3A = arith.constant 0 : i32
      %dma_start3A_22 = arith.constant 0 : i32
      %dma_start3A_23 = tpu.memref_slice %arg3[%add3A, %dma_start3A, %dma_start3A_22] : memref<32x40x128xi32, #tpu.memory_space<hbm>> -> memref<1x40x128xi32, #tpu.memory_space<hbm>>
      %dma_start3A_24 = tpu.memref_squeeze %dma_start3A_23 : memref<1x40x128xi32, #tpu.memory_space<hbm>> -> memref<40x128xi32, #tpu.memory_space<hbm>>
      %dma_start3A_25 = arith.constant 0 : i32
      %dma_start3A_26 = arith.constant 0 : i32
      %dma_start3A_27 = tpu.memref_slice %arg3[%add3A, %dma_start3A_25, %dma_start3A_26] : memref<32x40x128xi32, #tpu.memory_space<hbm>> -> memref<1x40x128xi32, #tpu.memory_space<hbm>>
      %dma_start3A_28 = tpu.memref_squeeze %dma_start3A_27 : memref<1x40x128xi32, #tpu.memory_space<hbm>> -> memref<40x128xi32, #tpu.memory_space<hbm>>
      tpu.enqueue_dma source(%dma_start3A_28 : memref<40x128xi32, #tpu.memory_space<hbm>>) target(%arg9 : memref<40x128xi32, #tpu.memory_space<vmem>>) target_semaphore(%run_scoped3A : memref<!tpu.dma_semaphore, #tpu.memory_space<semaphore_mem>>)
      %dma_wait3A = arith.constant 0 : i32
      %dma_wait3A_29 = arith.constant 0 : i32
      %dma_wait3A_30 = tpu.memref_slice %arg3[%add3A, %dma_wait3A, %dma_wait3A_29] : memref<32x40x128xi32, #tpu.memory_space<hbm>> -> memref<1x40x128xi32, #tpu.memory_space<hbm>>
      %dma_wait3A_31 = tpu.memref_squeeze %dma_wait3A_30 : memref<1x40x128xi32, #tpu.memory_space<hbm>> -> memref<40x128xi32, #tpu.memory_space<hbm>>
      %dma_wait3A_32 = arith.constant 0 : i32
      %dma_wait3A_33 = arith.constant 0 : i32
      %dma_wait3A_34 = tpu.memref_slice %arg3[%add3A, %dma_wait3A_32, %dma_wait3A_33] : memref<32x40x128xi32, #tpu.memory_space<hbm>> -> memref<1x40x128xi32, #tpu.memory_space<hbm>>
      %dma_wait3A_35 = tpu.memref_squeeze %dma_wait3A_34 : memref<1x40x128xi32, #tpu.memory_space<hbm>> -> memref<40x128xi32, #tpu.memory_space<hbm>>
      tpu.wait_dma2 semaphore(%run_scoped3A : memref<!tpu.dma_semaphore, #tpu.memory_space<semaphore_mem>>) src(%dma_wait3A_35 : memref<40x128xi32, #tpu.memory_space<hbm>>) dst(%arg9 : memref<40x128xi32, #tpu.memory_space<vmem>>)
      tpu.yield
    }) : () -> ()
    "tpu.region"() ({
      %run_scoped3A = tpu.sem_alloc : memref<!tpu.dma_semaphore, #tpu.memory_space<semaphore_mem>>
      tpu.enqueue_dma source(%arg4 : memref<10240xi32, #tpu.memory_space<hbm>>) target(%arg10 : memref<10240xi32, #tpu.memory_space<vmem>>) target_semaphore(%run_scoped3A : memref<!tpu.dma_semaphore, #tpu.memory_space<semaphore_mem>>)
      tpu.wait_dma2 semaphore(%run_scoped3A : memref<!tpu.dma_semaphore, #tpu.memory_space<semaphore_mem>>) src(%arg4 : memref<10240xi32, #tpu.memory_space<hbm>>) dst(%arg10 : memref<10240xi32, #tpu.memory_space<vmem>>)
      tpu.yield
    }) : () -> ()
    "tpu.region"() ({
      %run_scoped3A = tpu.sem_alloc : memref<!tpu.dma_semaphore, #tpu.memory_space<semaphore_mem>>
      tpu.enqueue_dma source(%arg5 : memref<10240xf32, #tpu.memory_space<hbm>>) target(%arg11 : memref<10240xf32, #tpu.memory_space<vmem>>) target_semaphore(%run_scoped3A : memref<!tpu.dma_semaphore, #tpu.memory_space<semaphore_mem>>)
      tpu.wait_dma2 semaphore(%run_scoped3A : memref<!tpu.dma_semaphore, #tpu.memory_space<semaphore_mem>>) src(%arg5 : memref<10240xf32, #tpu.memory_space<hbm>>) dst(%arg11 : memref<10240xf32, #tpu.memory_space<vmem>>)
      tpu.yield
    }) : () -> ()
    %barrier3A = arith.constant 0 : index
    tpu.barrier barrier_id(%barrier3A)
    %scan3A_11 = arith.constant 0 : i32
    %scan3A_12 = arith.constant 40 : i32
    %scan3A_13 = arith.addi %scan3A_11, %scan3A_12 : i32
    %scan3A_14 = arith.constant 1 : i32
    scf.for %scan3A_22 = %scan3A_11 to %scan3A_13 step %scan3A_14  : i32 {
      %mul3A_23 = arith.constant 1 : i32
      %mul3A_24 = arith.muli %scan3A_22, %mul3A_23 : i32
      %add3A_25 = arith.constant 0 : i32
      %add3A_26 = arith.addi %add3A_25, %mul3A_24 : i32
      %get3A = arith.index_cast %add3A_26 : i32 to index
      %get3A_27 = arith.constant 0 : index
      %get3A_28 = tpu.vector_load %arg8[%get3A, %get3A_27] {strides = array<i32>} : memref<40x128xi32, #tpu.memory_space<vmem>>, vector<16xi32>,
      %get3A_29 = arith.index_cast %add3A_26 : i32 to index
      %get3A_30 = arith.constant 0 : index
      %get3A_31 = tpu.vector_load %arg9[%get3A_29, %get3A_30] {strides = array<i32>} : memref<40x128xi32, #tpu.memory_space<vmem>>, vector<16xi32>,
      %gather3A = tpu.vector_load_idx %arg10[%get3A_28] : memref<10240xi32, #tpu.memory_space<vmem>>[vector<16xi32>], vector<16xi32>,
      %gather3A_32 = tpu.vector_load_idx %arg11[%get3A_28] : memref<10240xf32, #tpu.memory_space<vmem>>[vector<16xi32>], vector<16xf32>,
      %swap3A = arith.constant 0 : i32
      %swap3A_33 = arith.index_cast %swap3A : i32 to index
      %swap3A_34 = arith.constant 0 : index
      %swap3A_35 = tpu.vector_load %arg12[%swap3A_33, %swap3A_34] {strides = array<i32>} : memref<1x128xf32, #tpu.memory_space<vmem>>, vector<16xf32>,
      tpu.vector_store %arg12[%swap3A_33, %swap3A_34], %gather3A_32 {strides = array<i32>} : memref<1x128xf32, #tpu.memory_space<vmem>>, vector<16xf32>,
      %mul3A_36 = arith.constant 8 : i32
      %mul3A_37 = vector.broadcast %mul3A_36 : i32 to vector<16xi32>
      %mul3A_38 = arith.muli %get3A_31, %mul3A_37 : vector<16xi32>
      %add3A_39 = arith.addi %mul3A_38, %gather3A : vector<16xi32>
      %swap3A_40 = arith.constant 0 : i32
      %swap3A_41 = arith.index_cast %swap3A_40 : i32 to index
      %swap3A_42 = arith.constant 0 : index
      %swap3A_43 = tpu.vector_load %arg13[%swap3A_41, %swap3A_42] {strides = array<i32>} : memref<1x128xi32, #tpu.memory_space<vmem>>, vector<16xi32>,
      tpu.vector_store %arg13[%swap3A_41, %swap3A_42], %add3A_39 {strides = array<i32>} : memref<1x128xi32, #tpu.memory_space<vmem>>, vector<16xi32>,
      %get3A_44 = arith.index_cast %add3A_26 : i32 to index
      %get3A_45 = arith.constant 16 : index
      %get3A_46 = tpu.vector_load %arg8[%get3A_44, %get3A_45] {strides = array<i32>} : memref<40x128xi32, #tpu.memory_space<vmem>>, vector<16xi32>,
      %get3A_47 = arith.index_cast %add3A_26 : i32 to index
      %get3A_48 = arith.constant 16 : index
      %get3A_49 = tpu.vector_load %arg9[%get3A_47, %get3A_48] {strides = array<i32>} : memref<40x128xi32, #tpu.memory_space<vmem>>, vector<16xi32>,
      %gather3A_50 = tpu.vector_load_idx %arg10[%get3A_46] : memref<10240xi32, #tpu.memory_space<vmem>>[vector<16xi32>], vector<16xi32>,
      %gather3A_51 = tpu.vector_load_idx %arg11[%get3A_46] : memref<10240xf32, #tpu.memory_space<vmem>>[vector<16xi32>], vector<16xf32>,
      %swap3A_52 = arith.constant 0 : i32
      %swap3A_53 = arith.index_cast %swap3A_52 : i32 to index
      %swap3A_54 = arith.constant 16 : index
      %swap3A_55 = tpu.vector_load %arg12[%swap3A_53, %swap3A_54] {strides = array<i32>} : memref<1x128xf32, #tpu.memory_space<vmem>>, vector<16xf32>,
      tpu.vector_store %arg12[%swap3A_53, %swap3A_54], %gather3A_51 {strides = array<i32>} : memref<1x128xf32, #tpu.memory_space<vmem>>, vector<16xf32>,
      %mul3A_56 = arith.constant 8 : i32
      %mul3A_57 = vector.broadcast %mul3A_56 : i32 to vector<16xi32>
      %mul3A_58 = arith.muli %get3A_49, %mul3A_57 : vector<16xi32>
      %add3A_59 = arith.addi %mul3A_58, %gather3A_50 : vector<16xi32>
      %swap3A_60 = arith.constant 0 : i32
      %swap3A_61 = arith.index_cast %swap3A_60 : i32 to index
      %swap3A_62 = arith.constant 16 : index
      %swap3A_63 = tpu.vector_load %arg13[%swap3A_61, %swap3A_62] {strides = array<i32>} : memref<1x128xi32, #tpu.memory_space<vmem>>, vector<16xi32>,
      tpu.vector_store %arg13[%swap3A_61, %swap3A_62], %add3A_59 {strides = array<i32>} : memref<1x128xi32, #tpu.memory_space<vmem>>, vector<16xi32>,
      %get3A_64 = arith.index_cast %add3A_26 : i32 to index
      %get3A_65 = arith.constant 32 : index
      %get3A_66 = tpu.vector_load %arg8[%get3A_64, %get3A_65] {strides = array<i32>} : memref<40x128xi32, #tpu.memory_space<vmem>>, vector<16xi32>,
      %get3A_67 = arith.index_cast %add3A_26 : i32 to index
      %get3A_68 = arith.constant 32 : index
      %get3A_69 = tpu.vector_load %arg9[%get3A_67, %get3A_68] {strides = array<i32>} : memref<40x128xi32, #tpu.memory_space<vmem>>, vector<16xi32>,
      %gather3A_70 = tpu.vector_load_idx %arg10[%get3A_66] : memref<10240xi32, #tpu.memory_space<vmem>>[vector<16xi32>], vector<16xi32>,
      %gather3A_71 = tpu.vector_load_idx %arg11[%get3A_66] : memref<10240xf32, #tpu.memory_space<vmem>>[vector<16xi32>], vector<16xf32>,
      %swap3A_72 = arith.constant 0 : i32
      %swap3A_73 = arith.index_cast %swap3A_72 : i32 to index
      %swap3A_74 = arith.constant 32 : index
      %swap3A_75 = tpu.vector_load %arg12[%swap3A_73, %swap3A_74] {strides = array<i32>} : memref<1x128xf32, #tpu.memory_space<vmem>>, vector<16xf32>,
      tpu.vector_store %arg12[%swap3A_73, %swap3A_74], %gather3A_71 {strides = array<i32>} : memref<1x128xf32, #tpu.memory_space<vmem>>, vector<16xf32>,
      %mul3A_76 = arith.constant 8 : i32
      %mul3A_77 = vector.broadcast %mul3A_76 : i32 to vector<16xi32>
      %mul3A_78 = arith.muli %get3A_69, %mul3A_77 : vector<16xi32>
      %add3A_79 = arith.addi %mul3A_78, %gather3A_70 : vector<16xi32>
      %swap3A_80 = arith.constant 0 : i32
      %swap3A_81 = arith.index_cast %swap3A_80 : i32 to index
      %swap3A_82 = arith.constant 32 : index
      %swap3A_83 = tpu.vector_load %arg13[%swap3A_81, %swap3A_82] {strides = array<i32>} : memref<1x128xi32, #tpu.memory_space<vmem>>, vector<16xi32>,
      tpu.vector_store %arg13[%swap3A_81, %swap3A_82], %add3A_79 {strides = array<i32>} : memref<1x128xi32, #tpu.memory_space<vmem>>, vector<16xi32>,
      %get3A_84 = arith.index_cast %add3A_26 : i32 to index
      %get3A_85 = arith.constant 48 : index
      %get3A_86 = tpu.vector_load %arg8[%get3A_84, %get3A_85] {strides = array<i32>} : memref<40x128xi32, #tpu.memory_space<vmem>>, vector<16xi32>,
      %get3A_87 = arith.index_cast %add3A_26 : i32 to index
      %get3A_88 = arith.constant 48 : index
      %get3A_89 = tpu.vector_load %arg9[%get3A_87, %get3A_88] {strides = array<i32>} : memref<40x128xi32, #tpu.memory_space<vmem>>, vector<16xi32>,
      %gather3A_90 = tpu.vector_load_idx %arg10[%get3A_86] : memref<10240xi32, #tpu.memory_space<vmem>>[vector<16xi32>], vector<16xi32>,
      %gather3A_91 = tpu.vector_load_idx %arg11[%get3A_86] : memref<10240xf32, #tpu.memory_space<vmem>>[vector<16xi32>], vector<16xf32>,
      %swap3A_92 = arith.constant 0 : i32
      %swap3A_93 = arith.index_cast %swap3A_92 : i32 to index
      %swap3A_94 = arith.constant 48 : index
      %swap3A_95 = tpu.vector_load %arg12[%swap3A_93, %swap3A_94] {strides = array<i32>} : memref<1x128xf32, #tpu.memory_space<vmem>>, vector<16xf32>,
      tpu.vector_store %arg12[%swap3A_93, %swap3A_94], %gather3A_91 {strides = array<i32>} : memref<1x128xf32, #tpu.memory_space<vmem>>, vector<16xf32>,
      %mul3A_96 = arith.constant 8 : i32
      %mul3A_97 = vector.broadcast %mul3A_96 : i32 to vector<16xi32>
      %mul3A_98 = arith.muli %get3A_89, %mul3A_97 : vector<16xi32>
      %add3A_99 = arith.addi %mul3A_98, %gather3A_90 : vector<16xi32>
      %swap3A_100 = arith.constant 0 : i32
      %swap3A_101 = arith.index_cast %swap3A_100 : i32 to index
      %swap3A_102 = arith.constant 48 : index
      %swap3A_103 = tpu.vector_load %arg13[%swap3A_101, %swap3A_102] {strides = array<i32>} : memref<1x128xi32, #tpu.memory_space<vmem>>, vector<16xi32>,
      tpu.vector_store %arg13[%swap3A_101, %swap3A_102], %add3A_99 {strides = array<i32>} : memref<1x128xi32, #tpu.memory_space<vmem>>, vector<16xi32>,
      %get3A_104 = arith.index_cast %add3A_26 : i32 to index
      %get3A_105 = arith.constant 64 : index
      %get3A_106 = tpu.vector_load %arg8[%get3A_104, %get3A_105] {strides = array<i32>} : memref<40x128xi32, #tpu.memory_space<vmem>>, vector<16xi32>,
      %get3A_107 = arith.index_cast %add3A_26 : i32 to index
      %get3A_108 = arith.constant 64 : index
      %get3A_109 = tpu.vector_load %arg9[%get3A_107, %get3A_108] {strides = array<i32>} : memref<40x128xi32, #tpu.memory_space<vmem>>, vector<16xi32>,
      %gather3A_110 = tpu.vector_load_idx %arg10[%get3A_106] : memref<10240xi32, #tpu.memory_space<vmem>>[vector<16xi32>], vector<16xi32>,
      %gather3A_111 = tpu.vector_load_idx %arg11[%get3A_106] : memref<10240xf32, #tpu.memory_space<vmem>>[vector<16xi32>], vector<16xf32>,
      %swap3A_112 = arith.constant 0 : i32
      %swap3A_113 = arith.index_cast %swap3A_112 : i32 to index
      %swap3A_114 = arith.constant 64 : index
      %swap3A_115 = tpu.vector_load %arg12[%swap3A_113, %swap3A_114] {strides = array<i32>} : memref<1x128xf32, #tpu.memory_space<vmem>>, vector<16xf32>,
      tpu.vector_store %arg12[%swap3A_113, %swap3A_114], %gather3A_111 {strides = array<i32>} : memref<1x128xf32, #tpu.memory_space<vmem>>, vector<16xf32>,
      %mul3A_116 = arith.constant 8 : i32
      %mul3A_117 = vector.broadcast %mul3A_116 : i32 to vector<16xi32>
      %mul3A_118 = arith.muli %get3A_109, %mul3A_117 : vector<16xi32>
      %add3A_119 = arith.addi %mul3A_118, %gather3A_110 : vector<16xi32>
      %swap3A_120 = arith.constant 0 : i32
      %swap3A_121 = arith.index_cast %swap3A_120 : i32 to index
      %swap3A_122 = arith.constant 64 : index
      %swap3A_123 = tpu.vector_load %arg13[%swap3A_121, %swap3A_122] {strides = array<i32>} : memref<1x128xi32, #tpu.memory_space<vmem>>, vector<16xi32>,
      tpu.vector_store %arg13[%swap3A_121, %swap3A_122], %add3A_119 {strides = array<i32>} : memref<1x128xi32, #tpu.memory_space<vmem>>, vector<16xi32>,
      %get3A_124 = arith.index_cast %add3A_26 : i32 to index
      %get3A_125 = arith.constant 80 : index
      %get3A_126 = tpu.vector_load %arg8[%get3A_124, %get3A_125] {strides = array<i32>} : memref<40x128xi32, #tpu.memory_space<vmem>>, vector<16xi32>,
      %get3A_127 = arith.index_cast %add3A_26 : i32 to index
      %get3A_128 = arith.constant 80 : index
      %get3A_129 = tpu.vector_load %arg9[%get3A_127, %get3A_128] {strides = array<i32>} : memref<40x128xi32, #tpu.memory_space<vmem>>, vector<16xi32>,
      %gather3A_130 = tpu.vector_load_idx %arg10[%get3A_126] : memref<10240xi32, #tpu.memory_space<vmem>>[vector<16xi32>], vector<16xi32>,
      %gather3A_131 = tpu.vector_load_idx %arg11[%get3A_126] : memref<10240xf32, #tpu.memory_space<vmem>>[vector<16xi32>], vector<16xf32>,
      %swap3A_132 = arith.constant 0 : i32
      %swap3A_133 = arith.index_cast %swap3A_132 : i32 to index
      %swap3A_134 = arith.constant 80 : index
      %swap3A_135 = tpu.vector_load %arg12[%swap3A_133, %swap3A_134] {strides = array<i32>} : memref<1x128xf32, #tpu.memory_space<vmem>>, vector<16xf32>,
      tpu.vector_store %arg12[%swap3A_133, %swap3A_134], %gather3A_131 {strides = array<i32>} : memref<1x128xf32, #tpu.memory_space<vmem>>, vector<16xf32>,
      %mul3A_136 = arith.constant 8 : i32
      %mul3A_137 = vector.broadcast %mul3A_136 : i32 to vector<16xi32>
      %mul3A_138 = arith.muli %get3A_129, %mul3A_137 : vector<16xi32>
      %add3A_139 = arith.addi %mul3A_138, %gather3A_130 : vector<16xi32>
      %swap3A_140 = arith.constant 0 : i32
      %swap3A_141 = arith.index_cast %swap3A_140 : i32 to index
      %swap3A_142 = arith.constant 80 : index
      %swap3A_143 = tpu.vector_load %arg13[%swap3A_141, %swap3A_142] {strides = array<i32>} : memref<1x128xi32, #tpu.memory_space<vmem>>, vector<16xi32>,
      tpu.vector_store %arg13[%swap3A_141, %swap3A_142], %add3A_139 {strides = array<i32>} : memref<1x128xi32, #tpu.memory_space<vmem>>, vector<16xi32>,
      %get3A_144 = arith.index_cast %add3A_26 : i32 to index
      %get3A_145 = arith.constant 96 : index
      %get3A_146 = tpu.vector_load %arg8[%get3A_144, %get3A_145] {strides = array<i32>} : memref<40x128xi32, #tpu.memory_space<vmem>>, vector<16xi32>,
      %get3A_147 = arith.index_cast %add3A_26 : i32 to index
      %get3A_148 = arith.constant 96 : index
      %get3A_149 = tpu.vector_load %arg9[%get3A_147, %get3A_148] {strides = array<i32>} : memref<40x128xi32, #tpu.memory_space<vmem>>, vector<16xi32>,
      %gather3A_150 = tpu.vector_load_idx %arg10[%get3A_146] : memref<10240xi32, #tpu.memory_space<vmem>>[vector<16xi32>], vector<16xi32>,
      %gather3A_151 = tpu.vector_load_idx %arg11[%get3A_146] : memref<10240xf32, #tpu.memory_space<vmem>>[vector<16xi32>], vector<16xf32>,
      %swap3A_152 = arith.constant 0 : i32
      %swap3A_153 = arith.index_cast %swap3A_152 : i32 to index
      %swap3A_154 = arith.constant 96 : index
      %swap3A_155 = tpu.vector_load %arg12[%swap3A_153, %swap3A_154] {strides = array<i32>} : memref<1x128xf32, #tpu.memory_space<vmem>>, vector<16xf32>,
      tpu.vector_store %arg12[%swap3A_153, %swap3A_154], %gather3A_151 {strides = array<i32>} : memref<1x128xf32, #tpu.memory_space<vmem>>, vector<16xf32>,
      %mul3A_156 = arith.constant 8 : i32
      %mul3A_157 = vector.broadcast %mul3A_156 : i32 to vector<16xi32>
      %mul3A_158 = arith.muli %get3A_149, %mul3A_157 : vector<16xi32>
      %add3A_159 = arith.addi %mul3A_158, %gather3A_150 : vector<16xi32>
      %swap3A_160 = arith.constant 0 : i32
      %swap3A_161 = arith.index_cast %swap3A_160 : i32 to index
      %swap3A_162 = arith.constant 96 : index
      %swap3A_163 = tpu.vector_load %arg13[%swap3A_161, %swap3A_162] {strides = array<i32>} : memref<1x128xi32, #tpu.memory_space<vmem>>, vector<16xi32>,
      tpu.vector_store %arg13[%swap3A_161, %swap3A_162], %add3A_159 {strides = array<i32>} : memref<1x128xi32, #tpu.memory_space<vmem>>, vector<16xi32>,
      %get3A_164 = arith.index_cast %add3A_26 : i32 to index
      %get3A_165 = arith.constant 112 : index
      %get3A_166 = tpu.vector_load %arg8[%get3A_164, %get3A_165] {strides = array<i32>} : memref<40x128xi32, #tpu.memory_space<vmem>>, vector<16xi32>,
      %get3A_167 = arith.index_cast %add3A_26 : i32 to index
      %get3A_168 = arith.constant 112 : index
      %get3A_169 = tpu.vector_load %arg9[%get3A_167, %get3A_168] {strides = array<i32>} : memref<40x128xi32, #tpu.memory_space<vmem>>, vector<16xi32>,
      %gather3A_170 = tpu.vector_load_idx %arg10[%get3A_166] : memref<10240xi32, #tpu.memory_space<vmem>>[vector<16xi32>], vector<16xi32>,
      %gather3A_171 = tpu.vector_load_idx %arg11[%get3A_166] : memref<10240xf32, #tpu.memory_space<vmem>>[vector<16xi32>], vector<16xf32>,
      %swap3A_172 = arith.constant 0 : i32
      %swap3A_173 = arith.index_cast %swap3A_172 : i32 to index
      %swap3A_174 = arith.constant 112 : index
      %swap3A_175 = tpu.vector_load %arg12[%swap3A_173, %swap3A_174] {strides = array<i32>} : memref<1x128xf32, #tpu.memory_space<vmem>>, vector<16xf32>,
      tpu.vector_store %arg12[%swap3A_173, %swap3A_174], %gather3A_171 {strides = array<i32>} : memref<1x128xf32, #tpu.memory_space<vmem>>, vector<16xf32>,
      %mul3A_176 = arith.constant 8 : i32
      %mul3A_177 = vector.broadcast %mul3A_176 : i32 to vector<16xi32>
      %mul3A_178 = arith.muli %get3A_169, %mul3A_177 : vector<16xi32>
      %add3A_179 = arith.addi %mul3A_178, %gather3A_170 : vector<16xi32>
      %swap3A_180 = arith.constant 0 : i32
      %swap3A_181 = arith.index_cast %swap3A_180 : i32 to index
      %swap3A_182 = arith.constant 112 : index
      %swap3A_183 = tpu.vector_load %arg13[%swap3A_181, %swap3A_182] {strides = array<i32>} : memref<1x128xi32, #tpu.memory_space<vmem>>, vector<16xi32>,
      tpu.vector_store %arg13[%swap3A_181, %swap3A_182], %add3A_179 {strides = array<i32>} : memref<1x128xi32, #tpu.memory_space<vmem>>, vector<16xi32>,
      %run_scoped3A = arith.constant 0 : i32
      %run_scoped3A_184 = arith.constant 0 : i32
      "tpu.region"() ({
        %run_scoped3A_185 = tpu.sem_alloc : memref<!tpu.dma_semaphore, #tpu.memory_space<semaphore_mem>>
        %dma_start3A = arith.constant 0 : i32
        %dma_start3A_186 = tpu.memref_slice %arg12[%run_scoped3A, %dma_start3A] : memref<1x128xf32, #tpu.memory_space<vmem>> -> memref<1x128xf32, #tpu.memory_space<vmem>>
        %dma_start3A_187 = tpu.memref_squeeze %dma_start3A_186 : memref<1x128xf32, #tpu.memory_space<vmem>> -> memref<128xf32, #tpu.memory_space<vmem>>
        %dma_start3A_188 = arith.constant 0 : i32
        %dma_start3A_189 = tpu.memref_slice %arg13[%run_scoped3A_184, %dma_start3A_188] : memref<1x128xi32, #tpu.memory_space<vmem>> -> memref<1x128xi32, #tpu.memory_space<vmem>>
        %dma_start3A_190 = tpu.memref_squeeze %dma_start3A_189 : memref<1x128xi32, #tpu.memory_space<vmem>> -> memref<128xi32, #tpu.memory_space<vmem>>
        %dma_start3A_191 = arith.constant 0 : i32
        %dma_start3A_192 = tpu.memref_slice %arg7[%dma_start3A_191] : memref<81920xf32, #tpu.memory_space<vmem_shared>> -> memref<81920xf32, #tpu.memory_space<vmem_shared>>
        tpu.enqueue_indirect_dma source(%dma_start3A_187 : memref<128xf32, #tpu.memory_space<vmem>>) target(%dma_start3A_192 : memref<81920xf32, #tpu.memory_space<vmem_shared>>) offsets(%dma_start3A_190 : memref<128xi32, #tpu.memory_space<vmem>>) semaphore(%run_scoped3A_185 : memref<!tpu.dma_semaphore, #tpu.memory_space<semaphore_mem>>) {add = true}
        %dma_wait3A = arith.constant 0 : i32
        %dma_wait3A_193 = tpu.memref_slice %arg12[%run_scoped3A, %dma_wait3A] : memref<1x128xf32, #tpu.memory_space<vmem>> -> memref<1x128xf32, #tpu.memory_space<vmem>>
        %dma_wait3A_194 = tpu.memref_squeeze %dma_wait3A_193 : memref<1x128xf32, #tpu.memory_space<vmem>> -> memref<128xf32, #tpu.memory_space<vmem>>
        %dma_wait3A_195 = arith.constant 0 : i32
        %dma_wait3A_196 = tpu.memref_slice %arg13[%run_scoped3A_184, %dma_wait3A_195] : memref<1x128xi32, #tpu.memory_space<vmem>> -> memref<1x128xi32, #tpu.memory_space<vmem>>
        %dma_wait3A_197 = tpu.memref_squeeze %dma_wait3A_196 : memref<1x128xi32, #tpu.memory_space<vmem>> -> memref<128xi32, #tpu.memory_space<vmem>>
        %dma_wait3A_198 = arith.constant 0 : i32
        %dma_wait3A_199 = tpu.memref_slice %arg7[%dma_wait3A_198] : memref<81920xf32, #tpu.memory_space<vmem_shared>> -> memref<81920xf32, #tpu.memory_space<vmem_shared>>
        tpu.wait_indirect_dma semaphore(%run_scoped3A_185 : memref<!tpu.dma_semaphore, #tpu.memory_space<semaphore_mem>>) src(%dma_wait3A_194 : memref<128xf32, #tpu.memory_space<vmem>>) dst(%dma_wait3A_199 : memref<81920xf32, #tpu.memory_space<vmem_shared>>)
        tpu.yield
      }) : () -> ()
    }
    %scan3A_15 = arith.constant 40 : i32
    %barrier3A_16 = arith.constant 0 : index
    tpu.barrier barrier_id(%barrier3A_16)
    %scan3A_17 = arith.constant 0 : i32
    %scan3A_18 = arith.constant 8 : i32
    %scan3A_19 = arith.addi %scan3A_17, %scan3A_18 : i32
    %scan3A_20 = arith.constant 1 : i32
    scf.for %scan3A_22 = %scan3A_17 to %scan3A_19 step %scan3A_20  : i32 {
      %mul3A_23 = arith.constant 1 : i32
      %mul3A_24 = arith.muli %scan3A_22, %mul3A_23 : i32
      %add3A_25 = arith.constant 0 : i32
      %add3A_26 = arith.addi %add3A_25, %mul3A_24 : i32
      %mul3A_27 = arith.constant 8 : i32
      %mul3A_28 = arith.muli %arg1, %mul3A_27 : i32
      %add3A_29 = arith.addi %mul3A_28, %add3A_26 : i32
      %mul3A_30 = arith.constant 640 : i32
      %mul3A_31 = arith.muli %add3A_29, %mul3A_30 : i32
      "tpu.region"() ({
        %run_scoped3A = tpu.sem_alloc : memref<!tpu.dma_semaphore, #tpu.memory_space<semaphore_mem>>
        %dma_start3A = tpu.memref_slice %arg6[%arg0, %mul3A_31] : memref<2x81920xf32, #tpu.memory_space<hbm>> -> memref<1x640xf32, #tpu.memory_space<hbm>>
        %dma_start3A_32 = tpu.memref_squeeze %dma_start3A : memref<1x640xf32, #tpu.memory_space<hbm>> -> memref<640xf32, #tpu.memory_space<hbm>>
        %dma_start3A_33 = tpu.memref_slice %arg7[%mul3A_31] : memref<81920xf32, #tpu.memory_space<vmem_shared>> -> memref<640xf32, #tpu.memory_space<vmem_shared>>
        tpu.enqueue_dma source(%dma_start3A_33 : memref<640xf32, #tpu.memory_space<vmem_shared>>) target(%dma_start3A_32 : memref<640xf32, #tpu.memory_space<hbm>>) target_semaphore(%run_scoped3A : memref<!tpu.dma_semaphore, #tpu.memory_space<semaphore_mem>>)
        %dma_wait3A = tpu.memref_slice %arg6[%arg0, %mul3A_31] : memref<2x81920xf32, #tpu.memory_space<hbm>> -> memref<1x640xf32, #tpu.memory_space<hbm>>
        %dma_wait3A_34 = tpu.memref_squeeze %dma_wait3A : memref<1x640xf32, #tpu.memory_space<hbm>> -> memref<640xf32, #tpu.memory_space<hbm>>
        %dma_wait3A_35 = tpu.memref_slice %arg7[%mul3A_31] : memref<81920xf32, #tpu.memory_space<vmem_shared>> -> memref<640xf32, #tpu.memory_space<vmem_shared>>
        tpu.wait_dma2 semaphore(%run_scoped3A : memref<!tpu.dma_semaphore, #tpu.memory_space<semaphore_mem>>) src(%dma_wait3A_35 : memref<640xf32, #tpu.memory_space<vmem_shared>>) dst(%dma_wait3A_34 : memref<640xf32, #tpu.memory_space<hbm>>)
        tpu.yield
      }) : () -> ()
    }
    %scan3A_21 = arith.constant 8 : i32
    return
  }
}

#map = affine_map<(d0, d1) -> (0, 0, 0)>
#map1 = affine_map<(d0, d1) -> (0, 0)>
module attributes {stable_mosaic.version = 14 : i64} {
  func.func @_sc_deg_body(%arg0: i32, %arg1: i32, %arg2: memref<32x40x128xi32, #tpu.memory_space<hbm>>, %arg3: memref<2x10240xf32, #tpu.memory_space<hbm>>, %arg4: memref<10240xf32, #tpu.memory_space<vmem_shared>>, %arg5: memref<40x128xi32, #tpu.memory_space<vmem>>, %arg6: memref<128xf32, #tpu.memory_space<vmem>>, %arg7: memref<640xf32, #tpu.memory_space<vmem>>) attributes {dimension_semantics = [#tpu.dimension_semantics<core_parallel>, #tpu.dimension_semantics<subcore_parallel>], iteration_bounds = array<i64: 2, 16>, scalar_prefetch = 0 : i64, scratch_operands = 4 : i64, tpu.core_type = #tpu.core_type<sc_vector_subcore>, window_params = [{transform_indices = #map}, {transform_indices = #map1}]} {
    %mul3A = arith.constant 16 : i32
    %mul3A_0 = arith.muli %arg0, %mul3A : i32
    %add3A = arith.addi %mul3A_0, %arg1 : i32
    %broadcast_in_dim3A = arith.constant 0.000000e+00 : f32
    %broadcast_in_dim3A_1 = vector.broadcast %broadcast_in_dim3A : f32 to vector<16xf32>
    %scan3A = arith.constant 0 : i32
    %scan3A_2 = arith.constant 40 : i32
    %scan3A_3 = arith.addi %scan3A, %scan3A_2 : i32
    %scan3A_4 = arith.constant 1 : i32
    scf.for %scan3A_23 = %scan3A to %scan3A_3 step %scan3A_4  : i32 {
      %mul3A_24 = arith.constant 1 : i32
      %mul3A_25 = arith.muli %scan3A_23, %mul3A_24 : i32
      %add3A_26 = arith.constant 0 : i32
      %add3A_27 = arith.addi %add3A_26, %mul3A_25 : i32
      %mul3A_28 = arith.constant 16 : i32
      %mul3A_29 = arith.muli %add3A_27, %mul3A_28 : i32
      %swap3A = arith.index_cast %mul3A_29 : i32 to index
      %swap3A_30 = tpu.vector_load %arg7[%swap3A] {strides = array<i32>} : memref<640xf32, #tpu.memory_space<vmem>>, vector<16xf32>,
      tpu.vector_store %arg7[%swap3A], %broadcast_in_dim3A_1 {strides = array<i32>} : memref<640xf32, #tpu.memory_space<vmem>>, vector<16xf32>,
    }
    %scan3A_5 = arith.constant 40 : i32
    %broadcast_in_dim3A_6 = arith.constant 1.000000e+00 : f32
    %broadcast_in_dim3A_7 = vector.broadcast %broadcast_in_dim3A_6 : f32 to vector<16xf32>
    %scan3A_8 = arith.constant 0 : i32
    %scan3A_9 = arith.constant 8 : i32
    %scan3A_10 = arith.addi %scan3A_8, %scan3A_9 : i32
    %scan3A_11 = arith.constant 1 : i32
    scf.for %scan3A_23 = %scan3A_8 to %scan3A_10 step %scan3A_11  : i32 {
      %mul3A_24 = arith.constant 1 : i32
      %mul3A_25 = arith.muli %scan3A_23, %mul3A_24 : i32
      %add3A_26 = arith.constant 0 : i32
      %add3A_27 = arith.addi %add3A_26, %mul3A_25 : i32
      %mul3A_28 = arith.constant 16 : i32
      %mul3A_29 = arith.muli %add3A_27, %mul3A_28 : i32
      %swap3A = arith.index_cast %mul3A_29 : i32 to index
      %swap3A_30 = tpu.vector_load %arg6[%swap3A] {strides = array<i32>} : memref<128xf32, #tpu.memory_space<vmem>>, vector<16xf32>,
      tpu.vector_store %arg6[%swap3A], %broadcast_in_dim3A_7 {strides = array<i32>} : memref<128xf32, #tpu.memory_space<vmem>>, vector<16xf32>,
    }
    %scan3A_12 = arith.constant 8 : i32
    %mul3A_13 = arith.constant 640 : i32
    %mul3A_14 = arith.muli %arg1, %mul3A_13 : i32
    "tpu.region"() ({
      %run_scoped3A = tpu.sem_alloc : memref<!tpu.dma_semaphore, #tpu.memory_space<semaphore_mem>>
      %dma_start3A = tpu.memref_slice %arg4[%mul3A_14] : memref<10240xf32, #tpu.memory_space<vmem_shared>> -> memref<640xf32, #tpu.memory_space<vmem_shared>>
      %dma_start3A_23 = tpu.memref_slice %arg4[%mul3A_14] : memref<10240xf32, #tpu.memory_space<vmem_shared>> -> memref<640xf32, #tpu.memory_space<vmem_shared>>
      tpu.enqueue_dma source(%arg7 : memref<640xf32, #tpu.memory_space<vmem>>) target(%dma_start3A_23 : memref<640xf32, #tpu.memory_space<vmem_shared>>) target_semaphore(%run_scoped3A : memref<!tpu.dma_semaphore, #tpu.memory_space<semaphore_mem>>)
      %dma_wait3A = tpu.memref_slice %arg4[%mul3A_14] : memref<10240xf32, #tpu.memory_space<vmem_shared>> -> memref<640xf32, #tpu.memory_space<vmem_shared>>
      %dma_wait3A_24 = tpu.memref_slice %arg4[%mul3A_14] : memref<10240xf32, #tpu.memory_space<vmem_shared>> -> memref<640xf32, #tpu.memory_space<vmem_shared>>
      tpu.wait_dma2 semaphore(%run_scoped3A : memref<!tpu.dma_semaphore, #tpu.memory_space<semaphore_mem>>) src(%arg7 : memref<640xf32, #tpu.memory_space<vmem>>) dst(%dma_wait3A_24 : memref<640xf32, #tpu.memory_space<vmem_shared>>)
      tpu.yield
    }) : () -> ()
    "tpu.region"() ({
      %run_scoped3A = tpu.sem_alloc : memref<!tpu.dma_semaphore, #tpu.memory_space<semaphore_mem>>
      %dma_start3A = arith.constant 0 : i32
      %dma_start3A_23 = arith.constant 0 : i32
      %dma_start3A_24 = tpu.memref_slice %arg2[%add3A, %dma_start3A, %dma_start3A_23] : memref<32x40x128xi32, #tpu.memory_space<hbm>> -> memref<1x40x128xi32, #tpu.memory_space<hbm>>
      %dma_start3A_25 = tpu.memref_squeeze %dma_start3A_24 : memref<1x40x128xi32, #tpu.memory_space<hbm>> -> memref<40x128xi32, #tpu.memory_space<hbm>>
      %dma_start3A_26 = arith.constant 0 : i32
      %dma_start3A_27 = arith.constant 0 : i32
      %dma_start3A_28 = tpu.memref_slice %arg2[%add3A, %dma_start3A_26, %dma_start3A_27] : memref<32x40x128xi32, #tpu.memory_space<hbm>> -> memref<1x40x128xi32, #tpu.memory_space<hbm>>
      %dma_start3A_29 = tpu.memref_squeeze %dma_start3A_28 : memref<1x40x128xi32, #tpu.memory_space<hbm>> -> memref<40x128xi32, #tpu.memory_space<hbm>>
      tpu.enqueue_dma source(%dma_start3A_29 : memref<40x128xi32, #tpu.memory_space<hbm>>) target(%arg5 : memref<40x128xi32, #tpu.memory_space<vmem>>) target_semaphore(%run_scoped3A : memref<!tpu.dma_semaphore, #tpu.memory_space<semaphore_mem>>)
      %dma_wait3A = arith.constant 0 : i32
      %dma_wait3A_30 = arith.constant 0 : i32
      %dma_wait3A_31 = tpu.memref_slice %arg2[%add3A, %dma_wait3A, %dma_wait3A_30] : memref<32x40x128xi32, #tpu.memory_space<hbm>> -> memref<1x40x128xi32, #tpu.memory_space<hbm>>
      %dma_wait3A_32 = tpu.memref_squeeze %dma_wait3A_31 : memref<1x40x128xi32, #tpu.memory_space<hbm>> -> memref<40x128xi32, #tpu.memory_space<hbm>>
      %dma_wait3A_33 = arith.constant 0 : i32
      %dma_wait3A_34 = arith.constant 0 : i32
      %dma_wait3A_35 = tpu.memref_slice %arg2[%add3A, %dma_wait3A_33, %dma_wait3A_34] : memref<32x40x128xi32, #tpu.memory_space<hbm>> -> memref<1x40x128xi32, #tpu.memory_space<hbm>>
      %dma_wait3A_36 = tpu.memref_squeeze %dma_wait3A_35 : memref<1x40x128xi32, #tpu.memory_space<hbm>> -> memref<40x128xi32, #tpu.memory_space<hbm>>
      tpu.wait_dma2 semaphore(%run_scoped3A : memref<!tpu.dma_semaphore, #tpu.memory_space<semaphore_mem>>) src(%dma_wait3A_36 : memref<40x128xi32, #tpu.memory_space<hbm>>) dst(%arg5 : memref<40x128xi32, #tpu.memory_space<vmem>>)
      tpu.yield
    }) : () -> ()
    %barrier3A = arith.constant 0 : index
    tpu.barrier barrier_id(%barrier3A)
    %scan3A_15 = arith.constant 0 : i32
    %scan3A_16 = arith.constant 40 : i32
    %scan3A_17 = arith.addi %scan3A_15, %scan3A_16 : i32
    %scan3A_18 = arith.constant 1 : i32
    scf.for %scan3A_23 = %scan3A_15 to %scan3A_17 step %scan3A_18  : i32 {
      %mul3A_24 = arith.constant 1 : i32
      %mul3A_25 = arith.muli %scan3A_23, %mul3A_24 : i32
      %add3A_26 = arith.constant 0 : i32
      %add3A_27 = arith.addi %add3A_26, %mul3A_25 : i32
      "tpu.region"() ({
        %run_scoped3A = tpu.sem_alloc : memref<!tpu.dma_semaphore, #tpu.memory_space<semaphore_mem>>
        %dma_start3A = arith.constant 0 : i32
        %dma_start3A_28 = tpu.memref_slice %arg5[%add3A_27, %dma_start3A] : memref<40x128xi32, #tpu.memory_space<vmem>> -> memref<1x128xi32, #tpu.memory_space<vmem>>
        %dma_start3A_29 = tpu.memref_squeeze %dma_start3A_28 : memref<1x128xi32, #tpu.memory_space<vmem>> -> memref<128xi32, #tpu.memory_space<vmem>>
        %dma_start3A_30 = arith.constant 0 : i32
        %dma_start3A_31 = tpu.memref_slice %arg4[%dma_start3A_30] : memref<10240xf32, #tpu.memory_space<vmem_shared>> -> memref<10240xf32, #tpu.memory_space<vmem_shared>>
        tpu.enqueue_indirect_dma source(%arg6 : memref<128xf32, #tpu.memory_space<vmem>>) target(%dma_start3A_31 : memref<10240xf32, #tpu.memory_space<vmem_shared>>) offsets(%dma_start3A_29 : memref<128xi32, #tpu.memory_space<vmem>>) semaphore(%run_scoped3A : memref<!tpu.dma_semaphore, #tpu.memory_space<semaphore_mem>>) {add = true}
        %dma_wait3A = arith.constant 0 : i32
        %dma_wait3A_32 = tpu.memref_slice %arg5[%add3A_27, %dma_wait3A] : memref<40x128xi32, #tpu.memory_space<vmem>> -> memref<1x128xi32, #tpu.memory_space<vmem>>
        %dma_wait3A_33 = tpu.memref_squeeze %dma_wait3A_32 : memref<1x128xi32, #tpu.memory_space<vmem>> -> memref<128xi32, #tpu.memory_space<vmem>>
        %dma_wait3A_34 = arith.constant 0 : i32
        %dma_wait3A_35 = tpu.memref_slice %arg4[%dma_wait3A_34] : memref<10240xf32, #tpu.memory_space<vmem_shared>> -> memref<10240xf32, #tpu.memory_space<vmem_shared>>
        tpu.wait_indirect_dma semaphore(%run_scoped3A : memref<!tpu.dma_semaphore, #tpu.memory_space<semaphore_mem>>) src(%arg6 : memref<128xf32, #tpu.memory_space<vmem>>) dst(%dma_wait3A_35 : memref<10240xf32, #tpu.memory_space<vmem_shared>>)
        tpu.yield
      }) : () -> ()
    }
    %scan3A_19 = arith.constant 40 : i32
    %barrier3A_20 = arith.constant 0 : index
    tpu.barrier barrier_id(%barrier3A_20)
    %mul3A_21 = arith.constant 640 : i32
    %mul3A_22 = arith.muli %arg1, %mul3A_21 : i32
    "tpu.region"() ({
      %run_scoped3A = tpu.sem_alloc : memref<!tpu.dma_semaphore, #tpu.memory_space<semaphore_mem>>
      %dma_start3A = tpu.memref_slice %arg3[%arg0, %mul3A_22] : memref<2x10240xf32, #tpu.memory_space<hbm>> -> memref<1x640xf32, #tpu.memory_space<hbm>>
      %dma_start3A_23 = tpu.memref_squeeze %dma_start3A : memref<1x640xf32, #tpu.memory_space<hbm>> -> memref<640xf32, #tpu.memory_space<hbm>>
      %dma_start3A_24 = tpu.memref_slice %arg4[%mul3A_22] : memref<10240xf32, #tpu.memory_space<vmem_shared>> -> memref<640xf32, #tpu.memory_space<vmem_shared>>
      tpu.enqueue_dma source(%dma_start3A_24 : memref<640xf32, #tpu.memory_space<vmem_shared>>) target(%dma_start3A_23 : memref<640xf32, #tpu.memory_space<hbm>>) target_semaphore(%run_scoped3A : memref<!tpu.dma_semaphore, #tpu.memory_space<semaphore_mem>>)
      %dma_wait3A = tpu.memref_slice %arg3[%arg0, %mul3A_22] : memref<2x10240xf32, #tpu.memory_space<hbm>> -> memref<1x640xf32, #tpu.memory_space<hbm>>
      %dma_wait3A_25 = tpu.memref_squeeze %dma_wait3A : memref<1x640xf32, #tpu.memory_space<hbm>> -> memref<640xf32, #tpu.memory_space<hbm>>
      %dma_wait3A_26 = tpu.memref_slice %arg4[%mul3A_22] : memref<10240xf32, #tpu.memory_space<vmem_shared>> -> memref<640xf32, #tpu.memory_space<vmem_shared>>
      tpu.wait_dma2 semaphore(%run_scoped3A : memref<!tpu.dma_semaphore, #tpu.memory_space<semaphore_mem>>) src(%dma_wait3A_26 : memref<640xf32, #tpu.memory_space<vmem_shared>>) dst(%dma_wait3A_25 : memref<640xf32, #tpu.memory_space<hbm>>)
      tpu.yield
    }) : () -> ()
    return
  }
}

#map = affine_map<(d0, d1) -> (0, 0)>
#map1 = affine_map<(d0, d1) -> (0, 0, 0)>
module attributes {stable_mosaic.version = 14 : i64} {
  func.func @_sc_prop_body(%arg0: i32, %arg1: i32, %arg2: memref<40960x128xf32, #tpu.memory_space<hbm>>, %arg3: memref<32x40x128xi32, #tpu.memory_space<hbm>>, %arg4: memref<32x40x128xi32, #tpu.memory_space<hbm>>, %arg5: memref<40960x128xf32, #tpu.memory_space<hbm>>, %arg6: memref<10240x128xf32, #tpu.memory_space<vmem_shared>>, %arg7: memref<40x128xi32, #tpu.memory_space<vmem>>, %arg8: memref<40x128xi32, #tpu.memory_space<vmem>>, %arg9: memref<128x128xf32, #tpu.memory_space<vmem>>, %arg10: memref<128x128xf32, #tpu.memory_space<vmem>>, %arg11: memref<!tpu.dma_semaphore, #tpu.memory_space<semaphore_mem>>, %arg12: memref<!tpu.dma_semaphore, #tpu.memory_space<semaphore_mem>>, %arg13: memref<!tpu.dma_semaphore, #tpu.memory_space<semaphore_mem>>, %arg14: memref<!tpu.dma_semaphore, #tpu.memory_space<semaphore_mem>>) attributes {dimension_semantics = [#tpu.dimension_semantics<core_parallel>, #tpu.dimension_semantics<subcore_parallel>], iteration_bounds = array<i64: 2, 16>, scalar_prefetch = 0 : i64, scratch_operands = 9 : i64, tpu.core_type = #tpu.core_type<sc_vector_subcore>, window_params = [{transform_indices = #map}, {transform_indices = #map1}, {transform_indices = #map1}, {transform_indices = #map}]} {
    %add3A = arith.constant 0 : i32
    %add3A_0 = arith.addi %add3A, %arg0 : i32
    %mul3A = arith.constant 10240 : i32
    %mul3A_1 = arith.muli %add3A_0, %mul3A : i32
    %mul3A_2 = arith.constant 640 : i32
    %mul3A_3 = arith.muli %arg1, %mul3A_2 : i32
    %add3A_4 = arith.addi %mul3A_1, %mul3A_3 : i32
    %mul3A_5 = arith.constant 640 : i32
    %mul3A_6 = arith.muli %arg1, %mul3A_5 : i32
    "tpu.region"() ({
      %run_scoped3A = tpu.sem_alloc : memref<!tpu.dma_semaphore, #tpu.memory_space<semaphore_mem>>
      %dma_start3A = arith.constant 0 : i32
      %dma_start3A_78 = tpu.memref_slice %arg6[%mul3A_6, %dma_start3A] : memref<10240x128xf32, #tpu.memory_space<vmem_shared>> -> memref<640x128xf32, #tpu.memory_space<vmem_shared>>
      %dma_start3A_79 = arith.constant 0 : i32
      %dma_start3A_80 = tpu.memref_slice %arg2[%add3A_4, %dma_start3A_79] : memref<40960x128xf32, #tpu.memory_space<hbm>> -> memref<640x128xf32, #tpu.memory_space<hbm>>
      tpu.enqueue_dma source(%dma_start3A_80 : memref<640x128xf32, #tpu.memory_space<hbm>>) target(%dma_start3A_78 : memref<640x128xf32, #tpu.memory_space<vmem_shared>>) target_semaphore(%run_scoped3A : memref<!tpu.dma_semaphore, #tpu.memory_space<semaphore_mem>>)
      %dma_wait3A = arith.constant 0 : i32
      %dma_wait3A_81 = tpu.memref_slice %arg6[%mul3A_6, %dma_wait3A] : memref<10240x128xf32, #tpu.memory_space<vmem_shared>> -> memref<640x128xf32, #tpu.memory_space<vmem_shared>>
      %dma_wait3A_82 = arith.constant 0 : i32
      %dma_wait3A_83 = tpu.memref_slice %arg2[%add3A_4, %dma_wait3A_82] : memref<40960x128xf32, #tpu.memory_space<hbm>> -> memref<640x128xf32, #tpu.memory_space<hbm>>
      tpu.wait_dma2 semaphore(%run_scoped3A : memref<!tpu.dma_semaphore, #tpu.memory_space<semaphore_mem>>) src(%dma_wait3A_83 : memref<640x128xf32, #tpu.memory_space<hbm>>) dst(%dma_wait3A_81 : memref<640x128xf32, #tpu.memory_space<vmem_shared>>)
      tpu.yield
    }) : () -> ()
    %barrier3A = arith.constant 0 : index
    tpu.barrier barrier_id(%barrier3A)
    %add3A_7 = arith.constant 0 : i32
    %add3A_8 = arith.addi %arg1, %add3A_7 : i32
    "tpu.region"() ({
      %run_scoped3A = tpu.sem_alloc : memref<!tpu.dma_semaphore, #tpu.memory_space<semaphore_mem>>
      %dma_start3A = arith.constant 0 : i32
      %dma_start3A_78 = arith.constant 0 : i32
      %dma_start3A_79 = tpu.memref_slice %arg3[%add3A_8, %dma_start3A, %dma_start3A_78] : memref<32x40x128xi32, #tpu.memory_space<hbm>> -> memref<1x40x128xi32, #tpu.memory_space<hbm>>
      %dma_start3A_80 = tpu.memref_squeeze %dma_start3A_79 : memref<1x40x128xi32, #tpu.memory_space<hbm>> -> memref<40x128xi32, #tpu.memory_space<hbm>>
      %dma_start3A_81 = arith.constant 0 : i32
      %dma_start3A_82 = arith.constant 0 : i32
      %dma_start3A_83 = tpu.memref_slice %arg3[%add3A_8, %dma_start3A_81, %dma_start3A_82] : memref<32x40x128xi32, #tpu.memory_space<hbm>> -> memref<1x40x128xi32, #tpu.memory_space<hbm>>
      %dma_start3A_84 = tpu.memref_squeeze %dma_start3A_83 : memref<1x40x128xi32, #tpu.memory_space<hbm>> -> memref<40x128xi32, #tpu.memory_space<hbm>>
      tpu.enqueue_dma source(%dma_start3A_84 : memref<40x128xi32, #tpu.memory_space<hbm>>) target(%arg7 : memref<40x128xi32, #tpu.memory_space<vmem>>) target_semaphore(%run_scoped3A : memref<!tpu.dma_semaphore, #tpu.memory_space<semaphore_mem>>)
      %dma_wait3A = arith.constant 0 : i32
      %dma_wait3A_85 = arith.constant 0 : i32
      %dma_wait3A_86 = tpu.memref_slice %arg3[%add3A_8, %dma_wait3A, %dma_wait3A_85] : memref<32x40x128xi32, #tpu.memory_space<hbm>> -> memref<1x40x128xi32, #tpu.memory_space<hbm>>
      %dma_wait3A_87 = tpu.memref_squeeze %dma_wait3A_86 : memref<1x40x128xi32, #tpu.memory_space<hbm>> -> memref<40x128xi32, #tpu.memory_space<hbm>>
      %dma_wait3A_88 = arith.constant 0 : i32
      %dma_wait3A_89 = arith.constant 0 : i32
      %dma_wait3A_90 = tpu.memref_slice %arg3[%add3A_8, %dma_wait3A_88, %dma_wait3A_89] : memref<32x40x128xi32, #tpu.memory_space<hbm>> -> memref<1x40x128xi32, #tpu.memory_space<hbm>>
      %dma_wait3A_91 = tpu.memref_squeeze %dma_wait3A_90 : memref<1x40x128xi32, #tpu.memory_space<hbm>> -> memref<40x128xi32, #tpu.memory_space<hbm>>
      tpu.wait_dma2 semaphore(%run_scoped3A : memref<!tpu.dma_semaphore, #tpu.memory_space<semaphore_mem>>) src(%dma_wait3A_91 : memref<40x128xi32, #tpu.memory_space<hbm>>) dst(%arg7 : memref<40x128xi32, #tpu.memory_space<vmem>>)
      tpu.yield
    }) : () -> ()
    "tpu.region"() ({
      %run_scoped3A = tpu.sem_alloc : memref<!tpu.dma_semaphore, #tpu.memory_space<semaphore_mem>>
      %dma_start3A = arith.constant 0 : i32
      %dma_start3A_78 = arith.constant 0 : i32
      %dma_start3A_79 = tpu.memref_slice %arg4[%add3A_8, %dma_start3A, %dma_start3A_78] : memref<32x40x128xi32, #tpu.memory_space<hbm>> -> memref<1x40x128xi32, #tpu.memory_space<hbm>>
      %dma_start3A_80 = tpu.memref_squeeze %dma_start3A_79 : memref<1x40x128xi32, #tpu.memory_space<hbm>> -> memref<40x128xi32, #tpu.memory_space<hbm>>
      %dma_start3A_81 = arith.constant 0 : i32
      %dma_start3A_82 = arith.constant 0 : i32
      %dma_start3A_83 = tpu.memref_slice %arg4[%add3A_8, %dma_start3A_81, %dma_start3A_82] : memref<32x40x128xi32, #tpu.memory_space<hbm>> -> memref<1x40x128xi32, #tpu.memory_space<hbm>>
      %dma_start3A_84 = tpu.memref_squeeze %dma_start3A_83 : memref<1x40x128xi32, #tpu.memory_space<hbm>> -> memref<40x128xi32, #tpu.memory_space<hbm>>
      tpu.enqueue_dma source(%dma_start3A_84 : memref<40x128xi32, #tpu.memory_space<hbm>>) target(%arg8 : memref<40x128xi32, #tpu.memory_space<vmem>>) target_semaphore(%run_scoped3A : memref<!tpu.dma_semaphore, #tpu.memory_space<semaphore_mem>>)
      %dma_wait3A = arith.constant 0 : i32
      %dma_wait3A_85 = arith.constant 0 : i32
      %dma_wait3A_86 = tpu.memref_slice %arg4[%add3A_8, %dma_wait3A, %dma_wait3A_85] : memref<32x40x128xi32, #tpu.memory_space<hbm>> -> memref<1x40x128xi32, #tpu.memory_space<hbm>>
      %dma_wait3A_87 = tpu.memref_squeeze %dma_wait3A_86 : memref<1x40x128xi32, #tpu.memory_space<hbm>> -> memref<40x128xi32, #tpu.memory_space<hbm>>
      %dma_wait3A_88 = arith.constant 0 : i32
      %dma_wait3A_89 = arith.constant 0 : i32
      %dma_wait3A_90 = tpu.memref_slice %arg4[%add3A_8, %dma_wait3A_88, %dma_wait3A_89] : memref<32x40x128xi32, #tpu.memory_space<hbm>> -> memref<1x40x128xi32, #tpu.memory_space<hbm>>
      %dma_wait3A_91 = tpu.memref_squeeze %dma_wait3A_90 : memref<1x40x128xi32, #tpu.memory_space<hbm>> -> memref<40x128xi32, #tpu.memory_space<hbm>>
      tpu.wait_dma2 semaphore(%run_scoped3A : memref<!tpu.dma_semaphore, #tpu.memory_space<semaphore_mem>>) src(%dma_wait3A_91 : memref<40x128xi32, #tpu.memory_space<hbm>>) dst(%arg8 : memref<40x128xi32, #tpu.memory_space<vmem>>)
      tpu.yield
    }) : () -> ()
    %scan3A = arith.constant 0 : i32
    %scan3A_9 = arith.constant 40 : i32
    %scan3A_10 = arith.addi %scan3A, %scan3A_9 : i32
    %scan3A_11 = arith.constant 1 : i32
    scf.for %scan3A_78 = %scan3A to %scan3A_10 step %scan3A_11  : i32 {
      %mul3A_79 = arith.constant 1 : i32
      %mul3A_80 = arith.muli %scan3A_78, %mul3A_79 : i32
      %add3A_81 = arith.constant 0 : i32
      %add3A_82 = arith.addi %add3A_81, %mul3A_80 : i32
      %get3A = arith.index_cast %add3A_82 : i32 to index
      %get3A_83 = arith.constant 0 : index
      %get3A_84 = tpu.vector_load %arg7[%get3A, %get3A_83] {strides = array<i32>} : memref<40x128xi32, #tpu.memory_space<vmem>>, vector<16xi32>,
      %add3A_85 = vector.broadcast %mul3A_1 : i32 to vector<16xi32>
      %add3A_86 = arith.addi %get3A_84, %add3A_85 : vector<16xi32>
      %swap3A = arith.index_cast %add3A_82 : i32 to index
      %swap3A_87 = arith.constant 0 : index
      %swap3A_88 = tpu.vector_load %arg7[%swap3A, %swap3A_87] {strides = array<i32>} : memref<40x128xi32, #tpu.memory_space<vmem>>, vector<16xi32>,
      tpu.vector_store %arg7[%swap3A, %swap3A_87], %add3A_86 {strides = array<i32>} : memref<40x128xi32, #tpu.memory_space<vmem>>, vector<16xi32>,
      %get3A_89 = arith.index_cast %add3A_82 : i32 to index
      %get3A_90 = arith.constant 16 : index
      %get3A_91 = tpu.vector_load %arg7[%get3A_89, %get3A_90] {strides = array<i32>} : memref<40x128xi32, #tpu.memory_space<vmem>>, vector<16xi32>,
      %add3A_92 = vector.broadcast %mul3A_1 : i32 to vector<16xi32>
      %add3A_93 = arith.addi %get3A_91, %add3A_92 : vector<16xi32>
      %swap3A_94 = arith.index_cast %add3A_82 : i32 to index
      %swap3A_95 = arith.constant 16 : index
      %swap3A_96 = tpu.vector_load %arg7[%swap3A_94, %swap3A_95] {strides = array<i32>} : memref<40x128xi32, #tpu.memory_space<vmem>>, vector<16xi32>,
      tpu.vector_store %arg7[%swap3A_94, %swap3A_95], %add3A_93 {strides = array<i32>} : memref<40x128xi32, #tpu.memory_space<vmem>>, vector<16xi32>,
      %get3A_97 = arith.index_cast %add3A_82 : i32 to index
      %get3A_98 = arith.constant 32 : index
      %get3A_99 = tpu.vector_load %arg7[%get3A_97, %get3A_98] {strides = array<i32>} : memref<40x128xi32, #tpu.memory_space<vmem>>, vector<16xi32>,
      %add3A_100 = vector.broadcast %mul3A_1 : i32 to vector<16xi32>
      %add3A_101 = arith.addi %get3A_99, %add3A_100 : vector<16xi32>
      %swap3A_102 = arith.index_cast %add3A_82 : i32 to index
      %swap3A_103 = arith.constant 32 : index
      %swap3A_104 = tpu.vector_load %arg7[%swap3A_102, %swap3A_103] {strides = array<i32>} : memref<40x128xi32, #tpu.memory_space<vmem>>, vector<16xi32>,
      tpu.vector_store %arg7[%swap3A_102, %swap3A_103], %add3A_101 {strides = array<i32>} : memref<40x128xi32, #tpu.memory_space<vmem>>, vector<16xi32>,
      %get3A_105 = arith.index_cast %add3A_82 : i32 to index
      %get3A_106 = arith.constant 48 : index
      %get3A_107 = tpu.vector_load %arg7[%get3A_105, %get3A_106] {strides = array<i32>} : memref<40x128xi32, #tpu.memory_space<vmem>>, vector<16xi32>,
      %add3A_108 = vector.broadcast %mul3A_1 : i32 to vector<16xi32>
      %add3A_109 = arith.addi %get3A_107, %add3A_108 : vector<16xi32>
      %swap3A_110 = arith.index_cast %add3A_82 : i32 to index
      %swap3A_111 = arith.constant 48 : index
      %swap3A_112 = tpu.vector_load %arg7[%swap3A_110, %swap3A_111] {strides = array<i32>} : memref<40x128xi32, #tpu.memory_space<vmem>>, vector<16xi32>,
      tpu.vector_store %arg7[%swap3A_110, %swap3A_111], %add3A_109 {strides = array<i32>} : memref<40x128xi32, #tpu.memory_space<vmem>>, vector<16xi32>,
      %get3A_113 = arith.index_cast %add3A_82 : i32 to index
      %get3A_114 = arith.constant 64 : index
      %get3A_115 = tpu.vector_load %arg7[%get3A_113, %get3A_114] {strides = array<i32>} : memref<40x128xi32, #tpu.memory_space<vmem>>, vector<16xi32>,
      %add3A_116 = vector.broadcast %mul3A_1 : i32 to vector<16xi32>
      %add3A_117 = arith.addi %get3A_115, %add3A_116 : vector<16xi32>
      %swap3A_118 = arith.index_cast %add3A_82 : i32 to index
      %swap3A_119 = arith.constant 64 : index
      %swap3A_120 = tpu.vector_load %arg7[%swap3A_118, %swap3A_119] {strides = array<i32>} : memref<40x128xi32, #tpu.memory_space<vmem>>, vector<16xi32>,
      tpu.vector_store %arg7[%swap3A_118, %swap3A_119], %add3A_117 {strides = array<i32>} : memref<40x128xi32, #tpu.memory_space<vmem>>, vector<16xi32>,
      %get3A_121 = arith.index_cast %add3A_82 : i32 to index
      %get3A_122 = arith.constant 80 : index
      %get3A_123 = tpu.vector_load %arg7[%get3A_121, %get3A_122] {strides = array<i32>} : memref<40x128xi32, #tpu.memory_space<vmem>>, vector<16xi32>,
      %add3A_124 = vector.broadcast %mul3A_1 : i32 to vector<16xi32>
      %add3A_125 = arith.addi %get3A_123, %add3A_124 : vector<16xi32>
      %swap3A_126 = arith.index_cast %add3A_82 : i32 to index
      %swap3A_127 = arith.constant 80 : index
      %swap3A_128 = tpu.vector_load %arg7[%swap3A_126, %swap3A_127] {strides = array<i32>} : memref<40x128xi32, #tpu.memory_space<vmem>>, vector<16xi32>,
      tpu.vector_store %arg7[%swap3A_126, %swap3A_127], %add3A_125 {strides = array<i32>} : memref<40x128xi32, #tpu.memory_space<vmem>>, vector<16xi32>,
      %get3A_129 = arith.index_cast %add3A_82 : i32 to index
      %get3A_130 = arith.constant 96 : index
      %get3A_131 = tpu.vector_load %arg7[%get3A_129, %get3A_130] {strides = array<i32>} : memref<40x128xi32, #tpu.memory_space<vmem>>, vector<16xi32>,
      %add3A_132 = vector.broadcast %mul3A_1 : i32 to vector<16xi32>
      %add3A_133 = arith.addi %get3A_131, %add3A_132 : vector<16xi32>
      %swap3A_134 = arith.index_cast %add3A_82 : i32 to index
      %swap3A_135 = arith.constant 96 : index
      %swap3A_136 = tpu.vector_load %arg7[%swap3A_134, %swap3A_135] {strides = array<i32>} : memref<40x128xi32, #tpu.memory_space<vmem>>, vector<16xi32>,
      tpu.vector_store %arg7[%swap3A_134, %swap3A_135], %add3A_133 {strides = array<i32>} : memref<40x128xi32, #tpu.memory_space<vmem>>, vector<16xi32>,
      %get3A_137 = arith.index_cast %add3A_82 : i32 to index
      %get3A_138 = arith.constant 112 : index
      %get3A_139 = tpu.vector_load %arg7[%get3A_137, %get3A_138] {strides = array<i32>} : memref<40x128xi32, #tpu.memory_space<vmem>>, vector<16xi32>,
      %add3A_140 = vector.broadcast %mul3A_1 : i32 to vector<16xi32>
      %add3A_141 = arith.addi %get3A_139, %add3A_140 : vector<16xi32>
      %swap3A_142 = arith.index_cast %add3A_82 : i32 to index
      %swap3A_143 = arith.constant 112 : index
      %swap3A_144 = tpu.vector_load %arg7[%swap3A_142, %swap3A_143] {strides = array<i32>} : memref<40x128xi32, #tpu.memory_space<vmem>>, vector<16xi32>,
      tpu.vector_store %arg7[%swap3A_142, %swap3A_143], %add3A_141 {strides = array<i32>} : memref<40x128xi32, #tpu.memory_space<vmem>>, vector<16xi32>,
    }
    %scan3A_12 = arith.constant 40 : i32
    %scan3A_13 = arith.constant 0 : i32
    %scan3A_14 = arith.constant 20 : i32
    %scan3A_15 = arith.addi %scan3A_13, %scan3A_14 : i32
    %scan3A_16 = arith.constant 1 : i32
    scf.for %scan3A_78 = %scan3A_13 to %scan3A_15 step %scan3A_16  : i32 {
      %mul3A_79 = arith.constant 2 : i32
      %mul3A_80 = arith.muli %scan3A_78, %mul3A_79 : i32
      %add3A_81 = arith.constant 0 : i32
      %add3A_82 = arith.addi %add3A_81, %mul3A_80 : i32
      %dma_start3A = arith.constant 0 : i32
      %dma_start3A_83 = tpu.memref_slice %arg7[%add3A_82, %dma_start3A] : memref<40x128xi32, #tpu.memory_space<vmem>> -> memref<1x128xi32, #tpu.memory_space<vmem>>
      %dma_start3A_84 = tpu.memref_squeeze %dma_start3A_83 : memref<1x128xi32, #tpu.memory_space<vmem>> -> memref<128xi32, #tpu.memory_space<vmem>>
      %dma_start3A_85 = arith.constant 0 : i32
      %dma_start3A_86 = arith.constant 0 : i32
      %dma_start3A_87 = tpu.memref_slice %arg2[%dma_start3A_85, %dma_start3A_86] : memref<40960x128xf32, #tpu.memory_space<hbm>> -> memref<40960x128xf32, #tpu.memory_space<hbm>>
      tpu.enqueue_indirect_dma source(%dma_start3A_87 : memref<40960x128xf32, #tpu.memory_space<hbm>>) target(%arg9 : memref<128x128xf32, #tpu.memory_space<vmem>>) offsets(%dma_start3A_84 : memref<128xi32, #tpu.memory_space<vmem>>) semaphore(%arg11 : memref<!tpu.dma_semaphore, #tpu.memory_space<semaphore_mem>>)
      %add3A_88 = arith.constant 1 : i32
      %add3A_89 = arith.addi %add3A_82, %add3A_88 : i32
      %dma_start3A_90 = arith.constant 0 : i32
      %dma_start3A_91 = tpu.memref_slice %arg7[%add3A_89, %dma_start3A_90] : memref<40x128xi32, #tpu.memory_space<vmem>> -> memref<1x128xi32, #tpu.memory_space<vmem>>
      %dma_start3A_92 = tpu.memref_squeeze %dma_start3A_91 : memref<1x128xi32, #tpu.memory_space<vmem>> -> memref<128xi32, #tpu.memory_space<vmem>>
      %dma_start3A_93 = arith.constant 0 : i32
      %dma_start3A_94 = arith.constant 0 : i32
      %dma_start3A_95 = tpu.memref_slice %arg2[%dma_start3A_93, %dma_start3A_94] : memref<40960x128xf32, #tpu.memory_space<hbm>> -> memref<40960x128xf32, #tpu.memory_space<hbm>>
      tpu.enqueue_indirect_dma source(%dma_start3A_95 : memref<40960x128xf32, #tpu.memory_space<hbm>>) target(%arg10 : memref<128x128xf32, #tpu.memory_space<vmem>>) offsets(%dma_start3A_92 : memref<128xi32, #tpu.memory_space<vmem>>) semaphore(%arg12 : memref<!tpu.dma_semaphore, #tpu.memory_space<semaphore_mem>>)
      %dma_wait3A = arith.constant 0 : i32
      %dma_wait3A_96 = tpu.memref_slice %arg7[%add3A_82, %dma_wait3A] : memref<40x128xi32, #tpu.memory_space<vmem>> -> memref<1x128xi32, #tpu.memory_space<vmem>>
      %dma_wait3A_97 = tpu.memref_squeeze %dma_wait3A_96 : memref<1x128xi32, #tpu.memory_space<vmem>> -> memref<128xi32, #tpu.memory_space<vmem>>
      %dma_wait3A_98 = arith.constant 0 : i32
      %dma_wait3A_99 = arith.constant 0 : i32
      %dma_wait3A_100 = tpu.memref_slice %arg2[%dma_wait3A_98, %dma_wait3A_99] : memref<40960x128xf32, #tpu.memory_space<hbm>> -> memref<40960x128xf32, #tpu.memory_space<hbm>>
      tpu.wait_indirect_dma semaphore(%arg11 : memref<!tpu.dma_semaphore, #tpu.memory_space<semaphore_mem>>) src(%dma_wait3A_100 : memref<40960x128xf32, #tpu.memory_space<hbm>>) dst(%arg9 : memref<128x128xf32, #tpu.memory_space<vmem>>)
      %dma_start3A_101 = arith.constant 0 : i32
      %dma_start3A_102 = tpu.memref_slice %arg8[%add3A_82, %dma_start3A_101] : memref<40x128xi32, #tpu.memory_space<vmem>> -> memref<1x128xi32, #tpu.memory_space<vmem>>
      %dma_start3A_103 = tpu.memref_squeeze %dma_start3A_102 : memref<1x128xi32, #tpu.memory_space<vmem>> -> memref<128xi32, #tpu.memory_space<vmem>>
      %dma_start3A_104 = arith.constant 0 : i32
      %dma_start3A_105 = arith.constant 0 : i32
      %dma_start3A_106 = tpu.memref_slice %arg6[%dma_start3A_104, %dma_start3A_105] : memref<10240x128xf32, #tpu.memory_space<vmem_shared>> -> memref<10240x128xf32, #tpu.memory_space<vmem_shared>>
      tpu.enqueue_indirect_dma source(%arg9 : memref<128x128xf32, #tpu.memory_space<vmem>>) target(%dma_start3A_106 : memref<10240x128xf32, #tpu.memory_space<vmem_shared>>) offsets(%dma_start3A_103 : memref<128xi32, #tpu.memory_space<vmem>>) semaphore(%arg13 : memref<!tpu.dma_semaphore, #tpu.memory_space<semaphore_mem>>) {add = true}
      %dma_wait3A_107 = arith.constant 0 : i32
      %dma_wait3A_108 = tpu.memref_slice %arg7[%add3A_89, %dma_wait3A_107] : memref<40x128xi32, #tpu.memory_space<vmem>> -> memref<1x128xi32, #tpu.memory_space<vmem>>
      %dma_wait3A_109 = tpu.memref_squeeze %dma_wait3A_108 : memref<1x128xi32, #tpu.memory_space<vmem>> -> memref<128xi32, #tpu.memory_space<vmem>>
      %dma_wait3A_110 = arith.constant 0 : i32
      %dma_wait3A_111 = arith.constant 0 : i32
      %dma_wait3A_112 = tpu.memref_slice %arg2[%dma_wait3A_110, %dma_wait3A_111] : memref<40960x128xf32, #tpu.memory_space<hbm>> -> memref<40960x128xf32, #tpu.memory_space<hbm>>
      tpu.wait_indirect_dma semaphore(%arg12 : memref<!tpu.dma_semaphore, #tpu.memory_space<semaphore_mem>>) src(%dma_wait3A_112 : memref<40960x128xf32, #tpu.memory_space<hbm>>) dst(%arg10 : memref<128x128xf32, #tpu.memory_space<vmem>>)
      %add3A_113 = arith.constant 1 : i32
      %add3A_114 = arith.addi %add3A_82, %add3A_113 : i32
      %dma_start3A_115 = arith.constant 0 : i32
      %dma_start3A_116 = tpu.memref_slice %arg8[%add3A_114, %dma_start3A_115] : memref<40x128xi32, #tpu.memory_space<vmem>> -> memref<1x128xi32, #tpu.memory_space<vmem>>
      %dma_start3A_117 = tpu.memref_squeeze %dma_start3A_116 : memref<1x128xi32, #tpu.memory_space<vmem>> -> memref<128xi32, #tpu.memory_space<vmem>>
      %dma_start3A_118 = arith.constant 0 : i32
      %dma_start3A_119 = arith.constant 0 : i32
      %dma_start3A_120 = tpu.memref_slice %arg6[%dma_start3A_118, %dma_start3A_119] : memref<10240x128xf32, #tpu.memory_space<vmem_shared>> -> memref<10240x128xf32, #tpu.memory_space<vmem_shared>>
      tpu.enqueue_indirect_dma source(%arg10 : memref<128x128xf32, #tpu.memory_space<vmem>>) target(%dma_start3A_120 : memref<10240x128xf32, #tpu.memory_space<vmem_shared>>) offsets(%dma_start3A_117 : memref<128xi32, #tpu.memory_space<vmem>>) semaphore(%arg14 : memref<!tpu.dma_semaphore, #tpu.memory_space<semaphore_mem>>) {add = true}
      %dma_wait3A_121 = arith.constant 0 : i32
      %dma_wait3A_122 = tpu.memref_slice %arg8[%add3A_82, %dma_wait3A_121] : memref<40x128xi32, #tpu.memory_space<vmem>> -> memref<1x128xi32, #tpu.memory_space<vmem>>
      %dma_wait3A_123 = tpu.memref_squeeze %dma_wait3A_122 : memref<1x128xi32, #tpu.memory_space<vmem>> -> memref<128xi32, #tpu.memory_space<vmem>>
      %dma_wait3A_124 = arith.constant 0 : i32
      %dma_wait3A_125 = arith.constant 0 : i32
      %dma_wait3A_126 = tpu.memref_slice %arg6[%dma_wait3A_124, %dma_wait3A_125] : memref<10240x128xf32, #tpu.memory_space<vmem_shared>> -> memref<10240x128xf32, #tpu.memory_space<vmem_shared>>
      tpu.wait_indirect_dma semaphore(%arg13 : memref<!tpu.dma_semaphore, #tpu.memory_space<semaphore_mem>>) src(%arg9 : memref<128x128xf32, #tpu.memory_space<vmem>>) dst(%dma_wait3A_126 : memref<10240x128xf32, #tpu.memory_space<vmem_shared>>)
      %dma_wait3A_127 = arith.constant 0 : i32
      %dma_wait3A_128 = tpu.memref_slice %arg8[%add3A_114, %dma_wait3A_127] : memref<40x128xi32, #tpu.memory_space<vmem>> -> memref<1x128xi32, #tpu.memory_space<vmem>>
      %dma_wait3A_129 = tpu.memref_squeeze %dma_wait3A_128 : memref<1x128xi32, #tpu.memory_space<vmem>> -> memref<128xi32, #tpu.memory_space<vmem>>
      %dma_wait3A_130 = arith.constant 0 : i32
      %dma_wait3A_131 = arith.constant 0 : i32
      %dma_wait3A_132 = tpu.memref_slice %arg6[%dma_wait3A_130, %dma_wait3A_131] : memref<10240x128xf32, #tpu.memory_space<vmem_shared>> -> memref<10240x128xf32, #tpu.memory_space<vmem_shared>>
      tpu.wait_indirect_dma semaphore(%arg14 : memref<!tpu.dma_semaphore, #tpu.memory_space<semaphore_mem>>) src(%arg10 : memref<128x128xf32, #tpu.memory_space<vmem>>) dst(%dma_wait3A_132 : memref<10240x128xf32, #tpu.memory_space<vmem_shared>>)
    }
    %scan3A_17 = arith.constant 20 : i32
    %add3A_18 = arith.constant 16 : i32
    %add3A_19 = arith.addi %arg1, %add3A_18 : i32
    "tpu.region"() ({
      %run_scoped3A = tpu.sem_alloc : memref<!tpu.dma_semaphore, #tpu.memory_space<semaphore_mem>>
      %dma_start3A = arith.constant 0 : i32
      %dma_start3A_78 = arith.constant 0 : i32
      %dma_start3A_79 = tpu.memref_slice %arg3[%add3A_19, %dma_start3A, %dma_start3A_78] : memref<32x40x128xi32, #tpu.memory_space<hbm>> -> memref<1x40x128xi32, #tpu.memory_space<hbm>>
      %dma_start3A_80 = tpu.memref_squeeze %dma_start3A_79 : memref<1x40x128xi32, #tpu.memory_space<hbm>> -> memref<40x128xi32, #tpu.memory_space<hbm>>
      %dma_start3A_81 = arith.constant 0 : i32
      %dma_start3A_82 = arith.constant 0 : i32
      %dma_start3A_83 = tpu.memref_slice %arg3[%add3A_19, %dma_start3A_81, %dma_start3A_82] : memref<32x40x128xi32, #tpu.memory_space<hbm>> -> memref<1x40x128xi32, #tpu.memory_space<hbm>>
      %dma_start3A_84 = tpu.memref_squeeze %dma_start3A_83 : memref<1x40x128xi32, #tpu.memory_space<hbm>> -> memref<40x128xi32, #tpu.memory_space<hbm>>
      tpu.enqueue_dma source(%dma_start3A_84 : memref<40x128xi32, #tpu.memory_space<hbm>>) target(%arg7 : memref<40x128xi32, #tpu.memory_space<vmem>>) target_semaphore(%run_scoped3A : memref<!tpu.dma_semaphore, #tpu.memory_space<semaphore_mem>>)
      %dma_wait3A = arith.constant 0 : i32
      %dma_wait3A_85 = arith.constant 0 : i32
      %dma_wait3A_86 = tpu.memref_slice %arg3[%add3A_19, %dma_wait3A, %dma_wait3A_85] : memref<32x40x128xi32, #tpu.memory_space<hbm>> -> memref<1x40x128xi32, #tpu.memory_space<hbm>>
      %dma_wait3A_87 = tpu.memref_squeeze %dma_wait3A_86 : memref<1x40x128xi32, #tpu.memory_space<hbm>> -> memref<40x128xi32, #tpu.memory_space<hbm>>
      %dma_wait3A_88 = arith.constant 0 : i32
      %dma_wait3A_89 = arith.constant 0 : i32
      %dma_wait3A_90 = tpu.memref_slice %arg3[%add3A_19, %dma_wait3A_88, %dma_wait3A_89] : memref<32x40x128xi32, #tpu.memory_space<hbm>> -> memref<1x40x128xi32, #tpu.memory_space<hbm>>
      %dma_wait3A_91 = tpu.memref_squeeze %dma_wait3A_90 : memref<1x40x128xi32, #tpu.memory_space<hbm>> -> memref<40x128xi32, #tpu.memory_space<hbm>>
      tpu.wait_dma2 semaphore(%run_scoped3A : memref<!tpu.dma_semaphore, #tpu.memory_space<semaphore_mem>>) src(%dma_wait3A_91 : memref<40x128xi32, #tpu.memory_space<hbm>>) dst(%arg7 : memref<40x128xi32, #tpu.memory_space<vmem>>)
      tpu.yield
    }) : () -> ()
    "tpu.region"() ({
      %run_scoped3A = tpu.sem_alloc : memref<!tpu.dma_semaphore, #tpu.memory_space<semaphore_mem>>
      %dma_start3A = arith.constant 0 : i32
      %dma_start3A_78 = arith.constant 0 : i32
      %dma_start3A_79 = tpu.memref_slice %arg4[%add3A_19, %dma_start3A, %dma_start3A_78] : memref<32x40x128xi32, #tpu.memory_space<hbm>> -> memref<1x40x128xi32, #tpu.memory_space<hbm>>
      %dma_start3A_80 = tpu.memref_squeeze %dma_start3A_79 : memref<1x40x128xi32, #tpu.memory_space<hbm>> -> memref<40x128xi32, #tpu.memory_space<hbm>>
      %dma_start3A_81 = arith.constant 0 : i32
      %dma_start3A_82 = arith.constant 0 : i32
      %dma_start3A_83 = tpu.memref_slice %arg4[%add3A_19, %dma_start3A_81, %dma_start3A_82] : memref<32x40x128xi32, #tpu.memory_space<hbm>> -> memref<1x40x128xi32, #tpu.memory_space<hbm>>
      %dma_start3A_84 = tpu.memref_squeeze %dma_start3A_83 : memref<1x40x128xi32, #tpu.memory_space<hbm>> -> memref<40x128xi32, #tpu.memory_space<hbm>>
      tpu.enqueue_dma source(%dma_start3A_84 : memref<40x128xi32, #tpu.memory_space<hbm>>) target(%arg8 : memref<40x128xi32, #tpu.memory_space<vmem>>) target_semaphore(%run_scoped3A : memref<!tpu.dma_semaphore, #tpu.memory_space<semaphore_mem>>)
      %dma_wait3A = arith.constant 0 : i32
      %dma_wait3A_85 = arith.constant 0 : i32
      %dma_wait3A_86 = tpu.memref_slice %arg4[%add3A_19, %dma_wait3A, %dma_wait3A_85] : memref<32x40x128xi32, #tpu.memory_space<hbm>> -> memref<1x40x128xi32, #tpu.memory_space<hbm>>
      %dma_wait3A_87 = tpu.memref_squeeze %dma_wait3A_86 : memref<1x40x128xi32, #tpu.memory_space<hbm>> -> memref<40x128xi32, #tpu.memory_space<hbm>>
      %dma_wait3A_88 = arith.constant 0 : i32
      %dma_wait3A_89 = arith.constant 0 : i32
      %dma_wait3A_90 = tpu.memref_slice %arg4[%add3A_19, %dma_wait3A_88, %dma_wait3A_89] : memref<32x40x128xi32, #tpu.memory_space<hbm>> -> memref<1x40x128xi32, #tpu.memory_space<hbm>>
      %dma_wait3A_91 = tpu.memref_squeeze %dma_wait3A_90 : memref<1x40x128xi32, #tpu.memory_space<hbm>> -> memref<40x128xi32, #tpu.memory_space<hbm>>
      tpu.wait_dma2 semaphore(%run_scoped3A : memref<!tpu.dma_semaphore, #tpu.memory_space<semaphore_mem>>) src(%dma_wait3A_91 : memref<40x128xi32, #tpu.memory_space<hbm>>) dst(%arg8 : memref<40x128xi32, #tpu.memory_space<vmem>>)
      tpu.yield
    }) : () -> ()
    %scan3A_20 = arith.constant 0 : i32
    %scan3A_21 = arith.constant 40 : i32
    %scan3A_22 = arith.addi %scan3A_20, %scan3A_21 : i32
    %scan3A_23 = arith.constant 1 : i32
    scf.for %scan3A_78 = %scan3A_20 to %scan3A_22 step %scan3A_23  : i32 {
      %mul3A_79 = arith.constant 1 : i32
      %mul3A_80 = arith.muli %scan3A_78, %mul3A_79 : i32
      %add3A_81 = arith.constant 0 : i32
      %add3A_82 = arith.addi %add3A_81, %mul3A_80 : i32
      %get3A = arith.index_cast %add3A_82 : i32 to index
      %get3A_83 = arith.constant 0 : index
      %get3A_84 = tpu.vector_load %arg7[%get3A, %get3A_83] {strides = array<i32>} : memref<40x128xi32, #tpu.memory_space<vmem>>, vector<16xi32>,
      %add3A_85 = vector.broadcast %mul3A_1 : i32 to vector<16xi32>
      %add3A_86 = arith.addi %get3A_84, %add3A_85 : vector<16xi32>
      %swap3A = arith.index_cast %add3A_82 : i32 to index
      %swap3A_87 = arith.constant 0 : index
      %swap3A_88 = tpu.vector_load %arg7[%swap3A, %swap3A_87] {strides = array<i32>} : memref<40x128xi32, #tpu.memory_space<vmem>>, vector<16xi32>,
      tpu.vector_store %arg7[%swap3A, %swap3A_87], %add3A_86 {strides = array<i32>} : memref<40x128xi32, #tpu.memory_space<vmem>>, vector<16xi32>,
      %get3A_89 = arith.index_cast %add3A_82 : i32 to index
      %get3A_90 = arith.constant 16 : index
      %get3A_91 = tpu.vector_load %arg7[%get3A_89, %get3A_90] {strides = array<i32>} : memref<40x128xi32, #tpu.memory_space<vmem>>, vector<16xi32>,
      %add3A_92 = vector.broadcast %mul3A_1 : i32 to vector<16xi32>
      %add3A_93 = arith.addi %get3A_91, %add3A_92 : vector<16xi32>
      %swap3A_94 = arith.index_cast %add3A_82 : i32 to index
      %swap3A_95 = arith.constant 16 : index
      %swap3A_96 = tpu.vector_load %arg7[%swap3A_94, %swap3A_95] {strides = array<i32>} : memref<40x128xi32, #tpu.memory_space<vmem>>, vector<16xi32>,
      tpu.vector_store %arg7[%swap3A_94, %swap3A_95], %add3A_93 {strides = array<i32>} : memref<40x128xi32, #tpu.memory_space<vmem>>, vector<16xi32>,
      %get3A_97 = arith.index_cast %add3A_82 : i32 to index
      %get3A_98 = arith.constant 32 : index
      %get3A_99 = tpu.vector_load %arg7[%get3A_97, %get3A_98] {strides = array<i32>} : memref<40x128xi32, #tpu.memory_space<vmem>>, vector<16xi32>,
      %add3A_100 = vector.broadcast %mul3A_1 : i32 to vector<16xi32>
      %add3A_101 = arith.addi %get3A_99, %add3A_100 : vector<16xi32>
      %swap3A_102 = arith.index_cast %add3A_82 : i32 to index
      %swap3A_103 = arith.constant 32 : index
      %swap3A_104 = tpu.vector_load %arg7[%swap3A_102, %swap3A_103] {strides = array<i32>} : memref<40x128xi32, #tpu.memory_space<vmem>>, vector<16xi32>,
      tpu.vector_store %arg7[%swap3A_102, %swap3A_103], %add3A_101 {strides = array<i32>} : memref<40x128xi32, #tpu.memory_space<vmem>>, vector<16xi32>,
      %get3A_105 = arith.index_cast %add3A_82 : i32 to index
      %get3A_106 = arith.constant 48 : index
      %get3A_107 = tpu.vector_load %arg7[%get3A_105, %get3A_106] {strides = array<i32>} : memref<40x128xi32, #tpu.memory_space<vmem>>, vector<16xi32>,
      %add3A_108 = vector.broadcast %mul3A_1 : i32 to vector<16xi32>
      %add3A_109 = arith.addi %get3A_107, %add3A_108 : vector<16xi32>
      %swap3A_110 = arith.index_cast %add3A_82 : i32 to index
      %swap3A_111 = arith.constant 48 : index
      %swap3A_112 = tpu.vector_load %arg7[%swap3A_110, %swap3A_111] {strides = array<i32>} : memref<40x128xi32, #tpu.memory_space<vmem>>, vector<16xi32>,
      tpu.vector_store %arg7[%swap3A_110, %swap3A_111], %add3A_109 {strides = array<i32>} : memref<40x128xi32, #tpu.memory_space<vmem>>, vector<16xi32>,
      %get3A_113 = arith.index_cast %add3A_82 : i32 to index
      %get3A_114 = arith.constant 64 : index
      %get3A_115 = tpu.vector_load %arg7[%get3A_113, %get3A_114] {strides = array<i32>} : memref<40x128xi32, #tpu.memory_space<vmem>>, vector<16xi32>,
      %add3A_116 = vector.broadcast %mul3A_1 : i32 to vector<16xi32>
      %add3A_117 = arith.addi %get3A_115, %add3A_116 : vector<16xi32>
      %swap3A_118 = arith.index_cast %add3A_82 : i32 to index
      %swap3A_119 = arith.constant 64 : index
      %swap3A_120 = tpu.vector_load %arg7[%swap3A_118, %swap3A_119] {strides = array<i32>} : memref<40x128xi32, #tpu.memory_space<vmem>>, vector<16xi32>,
      tpu.vector_store %arg7[%swap3A_118, %swap3A_119], %add3A_117 {strides = array<i32>} : memref<40x128xi32, #tpu.memory_space<vmem>>, vector<16xi32>,
      %get3A_121 = arith.index_cast %add3A_82 : i32 to index
      %get3A_122 = arith.constant 80 : index
      %get3A_123 = tpu.vector_load %arg7[%get3A_121, %get3A_122] {strides = array<i32>} : memref<40x128xi32, #tpu.memory_space<vmem>>, vector<16xi32>,
      %add3A_124 = vector.broadcast %mul3A_1 : i32 to vector<16xi32>
      %add3A_125 = arith.addi %get3A_123, %add3A_124 : vector<16xi32>
      %swap3A_126 = arith.index_cast %add3A_82 : i32 to index
      %swap3A_127 = arith.constant 80 : index
      %swap3A_128 = tpu.vector_load %arg7[%swap3A_126, %swap3A_127] {strides = array<i32>} : memref<40x128xi32, #tpu.memory_space<vmem>>, vector<16xi32>,
      tpu.vector_store %arg7[%swap3A_126, %swap3A_127], %add3A_125 {strides = array<i32>} : memref<40x128xi32, #tpu.memory_space<vmem>>, vector<16xi32>,
      %get3A_129 = arith.index_cast %add3A_82 : i32 to index
      %get3A_130 = arith.constant 96 : index
      %get3A_131 = tpu.vector_load %arg7[%get3A_129, %get3A_130] {strides = array<i32>} : memref<40x128xi32, #tpu.memory_space<vmem>>, vector<16xi32>,
      %add3A_132 = vector.broadcast %mul3A_1 : i32 to vector<16xi32>
      %add3A_133 = arith.addi %get3A_131, %add3A_132 : vector<16xi32>
      %swap3A_134 = arith.index_cast %add3A_82 : i32 to index
      %swap3A_135 = arith.constant 96 : index
      %swap3A_136 = tpu.vector_load %arg7[%swap3A_134, %swap3A_135] {strides = array<i32>} : memref<40x128xi32, #tpu.memory_space<vmem>>, vector<16xi32>,
      tpu.vector_store %arg7[%swap3A_134, %swap3A_135], %add3A_133 {strides = array<i32>} : memref<40x128xi32, #tpu.memory_space<vmem>>, vector<16xi32>,
      %get3A_137 = arith.index_cast %add3A_82 : i32 to index
      %get3A_138 = arith.constant 112 : index
      %get3A_139 = tpu.vector_load %arg7[%get3A_137, %get3A_138] {strides = array<i32>} : memref<40x128xi32, #tpu.memory_space<vmem>>, vector<16xi32>,
      %add3A_140 = vector.broadcast %mul3A_1 : i32 to vector<16xi32>
      %add3A_141 = arith.addi %get3A_139, %add3A_140 : vector<16xi32>
      %swap3A_142 = arith.index_cast %add3A_82 : i32 to index
      %swap3A_143 = arith.constant 112 : index
      %swap3A_144 = tpu.vector_load %arg7[%swap3A_142, %swap3A_143] {strides = array<i32>} : memref<40x128xi32, #tpu.memory_space<vmem>>, vector<16xi32>,
      tpu.vector_store %arg7[%swap3A_142, %swap3A_143], %add3A_141 {strides = array<i32>} : memref<40x128xi32, #tpu.memory_space<vmem>>, vector<16xi32>,
    }
    %scan3A_24 = arith.constant 40 : i32
    %scan3A_25 = arith.constant 0 : i32
    %scan3A_26 = arith.constant 20 : i32
    %scan3A_27 = arith.addi %scan3A_25, %scan3A_26 : i32
    %scan3A_28 = arith.constant 1 : i32
    scf.for %scan3A_78 = %scan3A_25 to %scan3A_27 step %scan3A_28  : i32 {
      %mul3A_79 = arith.constant 2 : i32
      %mul3A_80 = arith.muli %scan3A_78, %mul3A_79 : i32
      %add3A_81 = arith.constant 0 : i32
      %add3A_82 = arith.addi %add3A_81, %mul3A_80 : i32
      %dma_start3A = arith.constant 0 : i32
      %dma_start3A_83 = tpu.memref_slice %arg7[%add3A_82, %dma_start3A] : memref<40x128xi32, #tpu.memory_space<vmem>> -> memref<1x128xi32, #tpu.memory_space<vmem>>
      %dma_start3A_84 = tpu.memref_squeeze %dma_start3A_83 : memref<1x128xi32, #tpu.memory_space<vmem>> -> memref<128xi32, #tpu.memory_space<vmem>>
      %dma_start3A_85 = arith.constant 0 : i32
      %dma_start3A_86 = arith.constant 0 : i32
      %dma_start3A_87 = tpu.memref_slice %arg2[%dma_start3A_85, %dma_start3A_86] : memref<40960x128xf32, #tpu.memory_space<hbm>> -> memref<40960x128xf32, #tpu.memory_space<hbm>>
      tpu.enqueue_indirect_dma source(%dma_start3A_87 : memref<40960x128xf32, #tpu.memory_space<hbm>>) target(%arg9 : memref<128x128xf32, #tpu.memory_space<vmem>>) offsets(%dma_start3A_84 : memref<128xi32, #tpu.memory_space<vmem>>) semaphore(%arg11 : memref<!tpu.dma_semaphore, #tpu.memory_space<semaphore_mem>>)
      %add3A_88 = arith.constant 1 : i32
      %add3A_89 = arith.addi %add3A_82, %add3A_88 : i32
      %dma_start3A_90 = arith.constant 0 : i32
      %dma_start3A_91 = tpu.memref_slice %arg7[%add3A_89, %dma_start3A_90] : memref<40x128xi32, #tpu.memory_space<vmem>> -> memref<1x128xi32, #tpu.memory_space<vmem>>
      %dma_start3A_92 = tpu.memref_squeeze %dma_start3A_91 : memref<1x128xi32, #tpu.memory_space<vmem>> -> memref<128xi32, #tpu.memory_space<vmem>>
      %dma_start3A_93 = arith.constant 0 : i32
      %dma_start3A_94 = arith.constant 0 : i32
      %dma_start3A_95 = tpu.memref_slice %arg2[%dma_start3A_93, %dma_start3A_94] : memref<40960x128xf32, #tpu.memory_space<hbm>> -> memref<40960x128xf32, #tpu.memory_space<hbm>>
      tpu.enqueue_indirect_dma source(%dma_start3A_95 : memref<40960x128xf32, #tpu.memory_space<hbm>>) target(%arg10 : memref<128x128xf32, #tpu.memory_space<vmem>>) offsets(%dma_start3A_92 : memref<128xi32, #tpu.memory_space<vmem>>) semaphore(%arg12 : memref<!tpu.dma_semaphore, #tpu.memory_space<semaphore_mem>>)
      %dma_wait3A = arith.constant 0 : i32
      %dma_wait3A_96 = tpu.memref_slice %arg7[%add3A_82, %dma_wait3A] : memref<40x128xi32, #tpu.memory_space<vmem>> -> memref<1x128xi32, #tpu.memory_space<vmem>>
      %dma_wait3A_97 = tpu.memref_squeeze %dma_wait3A_96 : memref<1x128xi32, #tpu.memory_space<vmem>> -> memref<128xi32, #tpu.memory_space<vmem>>
      %dma_wait3A_98 = arith.constant 0 : i32
      %dma_wait3A_99 = arith.constant 0 : i32
      %dma_wait3A_100 = tpu.memref_slice %arg2[%dma_wait3A_98, %dma_wait3A_99] : memref<40960x128xf32, #tpu.memory_space<hbm>> -> memref<40960x128xf32, #tpu.memory_space<hbm>>
      tpu.wait_indirect_dma semaphore(%arg11 : memref<!tpu.dma_semaphore, #tpu.memory_space<semaphore_mem>>) src(%dma_wait3A_100 : memref<40960x128xf32, #tpu.memory_space<hbm>>) dst(%arg9 : memref<128x128xf32, #tpu.memory_space<vmem>>)
      %dma_start3A_101 = arith.constant 0 : i32
      %dma_start3A_102 = tpu.memref_slice %arg8[%add3A_82, %dma_start3A_101] : memref<40x128xi32, #tpu.memory_space<vmem>> -> memref<1x128xi32, #tpu.memory_space<vmem>>
      %dma_start3A_103 = tpu.memref_squeeze %dma_start3A_102 : memref<1x128xi32, #tpu.memory_space<vmem>> -> memref<128xi32, #tpu.memory_space<vmem>>
      %dma_start3A_104 = arith.constant 0 : i32
      %dma_start3A_105 = arith.constant 0 : i32
      %dma_start3A_106 = tpu.memref_slice %arg6[%dma_start3A_104, %dma_start3A_105] : memref<10240x128xf32, #tpu.memory_space<vmem_shared>> -> memref<10240x128xf32, #tpu.memory_space<vmem_shared>>
      tpu.enqueue_indirect_dma source(%arg9 : memref<128x128xf32, #tpu.memory_space<vmem>>) target(%dma_start3A_106 : memref<10240x128xf32, #tpu.memory_space<vmem_shared>>) offsets(%dma_start3A_103 : memref<128xi32, #tpu.memory_space<vmem>>) semaphore(%arg13 : memref<!tpu.dma_semaphore, #tpu.memory_space<semaphore_mem>>) {add = true}
      %dma_wait3A_107 = arith.constant 0 : i32
      %dma_wait3A_108 = tpu.memref_slice %arg7[%add3A_89, %dma_wait3A_107] : memref<40x128xi32, #tpu.memory_space<vmem>> -> memref<1x128xi32, #tpu.memory_space<vmem>>
      %dma_wait3A_109 = tpu.memref_squeeze %dma_wait3A_108 : memref<1x128xi32, #tpu.memory_space<vmem>> -> memref<128xi32, #tpu.memory_space<vmem>>
      %dma_wait3A_110 = arith.constant 0 : i32
      %dma_wait3A_111 = arith.constant 0 : i32
      %dma_wait3A_112 = tpu.memref_slice %arg2[%dma_wait3A_110, %dma_wait3A_111] : memref<40960x128xf32, #tpu.memory_space<hbm>> -> memref<40960x128xf32, #tpu.memory_space<hbm>>
      tpu.wait_indirect_dma semaphore(%arg12 : memref<!tpu.dma_semaphore, #tpu.memory_space<semaphore_mem>>) src(%dma_wait3A_112 : memref<40960x128xf32, #tpu.memory_space<hbm>>) dst(%arg10 : memref<128x128xf32, #tpu.memory_space<vmem>>)
      %add3A_113 = arith.constant 1 : i32
      %add3A_114 = arith.addi %add3A_82, %add3A_113 : i32
      %dma_start3A_115 = arith.constant 0 : i32
      %dma_start3A_116 = tpu.memref_slice %arg8[%add3A_114, %dma_start3A_115] : memref<40x128xi32, #tpu.memory_space<vmem>> -> memref<1x128xi32, #tpu.memory_space<vmem>>
      %dma_start3A_117 = tpu.memref_squeeze %dma_start3A_116 : memref<1x128xi32, #tpu.memory_space<vmem>> -> memref<128xi32, #tpu.memory_space<vmem>>
      %dma_start3A_118 = arith.constant 0 : i32
      %dma_start3A_119 = arith.constant 0 : i32
      %dma_start3A_120 = tpu.memref_slice %arg6[%dma_start3A_118, %dma_start3A_119] : memref<10240x128xf32, #tpu.memory_space<vmem_shared>> -> memref<10240x128xf32, #tpu.memory_space<vmem_shared>>
      tpu.enqueue_indirect_dma source(%arg10 : memref<128x128xf32, #tpu.memory_space<vmem>>) target(%dma_start3A_120 : memref<10240x128xf32, #tpu.memory_space<vmem_shared>>) offsets(%dma_start3A_117 : memref<128xi32, #tpu.memory_space<vmem>>) semaphore(%arg14 : memref<!tpu.dma_semaphore, #tpu.memory_space<semaphore_mem>>) {add = true}
      %dma_wait3A_121 = arith.constant 0 : i32
      %dma_wait3A_122 = tpu.memref_slice %arg8[%add3A_82, %dma_wait3A_121] : memref<40x128xi32, #tpu.memory_space<vmem>> -> memref<1x128xi32, #tpu.memory_space<vmem>>
      %dma_wait3A_123 = tpu.memref_squeeze %dma_wait3A_122 : memref<1x128xi32, #tpu.memory_space<vmem>> -> memref<128xi32, #tpu.memory_space<vmem>>
      %dma_wait3A_124 = arith.constant 0 : i32
      %dma_wait3A_125 = arith.constant 0 : i32
      %dma_wait3A_126 = tpu.memref_slice %arg6[%dma_wait3A_124, %dma_wait3A_125] : memref<10240x128xf32, #tpu.memory_space<vmem_shared>> -> memref<10240x128xf32, #tpu.memory_space<vmem_shared>>
      tpu.wait_indirect_dma semaphore(%arg13 : memref<!tpu.dma_semaphore, #tpu.memory_space<semaphore_mem>>) src(%arg9 : memref<128x128xf32, #tpu.memory_space<vmem>>) dst(%dma_wait3A_126 : memref<10240x128xf32, #tpu.memory_space<vmem_shared>>)
      %dma_wait3A_127 = arith.constant 0 : i32
      %dma_wait3A_128 = tpu.memref_slice %arg8[%add3A_114, %dma_wait3A_127] : memref<40x128xi32, #tpu.memory_space<vmem>> -> memref<1x128xi32, #tpu.memory_space<vmem>>
      %dma_wait3A_129 = tpu.memref_squeeze %dma_wait3A_128 : memref<1x128xi32, #tpu.memory_space<vmem>> -> memref<128xi32, #tpu.memory_space<vmem>>
      %dma_wait3A_130 = arith.constant 0 : i32
      %dma_wait3A_131 = arith.constant 0 : i32
      %dma_wait3A_132 = tpu.memref_slice %arg6[%dma_wait3A_130, %dma_wait3A_131] : memref<10240x128xf32, #tpu.memory_space<vmem_shared>> -> memref<10240x128xf32, #tpu.memory_space<vmem_shared>>
      tpu.wait_indirect_dma semaphore(%arg14 : memref<!tpu.dma_semaphore, #tpu.memory_space<semaphore_mem>>) src(%arg10 : memref<128x128xf32, #tpu.memory_space<vmem>>) dst(%dma_wait3A_132 : memref<10240x128xf32, #tpu.memory_space<vmem_shared>>)
    }
    %scan3A_29 = arith.constant 20 : i32
    %barrier3A_30 = arith.constant 0 : index
    tpu.barrier barrier_id(%barrier3A_30)
    %mul3A_31 = arith.constant 640 : i32
    %mul3A_32 = arith.muli %arg1, %mul3A_31 : i32
    %mul3A_33 = arith.constant 640 : i32
    %mul3A_34 = arith.muli %arg1, %mul3A_33 : i32
    %add3A_35 = arith.addi %mul3A_1, %mul3A_34 : i32
    "tpu.region"() ({
      %run_scoped3A = tpu.sem_alloc : memref<!tpu.dma_semaphore, #tpu.memory_space<semaphore_mem>>
      %dma_start3A = arith.constant 0 : i32
      %dma_start3A_78 = tpu.memref_slice %arg5[%add3A_35, %dma_start3A] : memref<40960x128xf32, #tpu.memory_space<hbm>> -> memref<640x128xf32, #tpu.memory_space<hbm>>
      %dma_start3A_79 = arith.constant 0 : i32
      %dma_start3A_80 = tpu.memref_slice %arg6[%mul3A_32, %dma_start3A_79] : memref<10240x128xf32, #tpu.memory_space<vmem_shared>> -> memref<640x128xf32, #tpu.memory_space<vmem_shared>>
      tpu.enqueue_dma source(%dma_start3A_80 : memref<640x128xf32, #tpu.memory_space<vmem_shared>>) target(%dma_start3A_78 : memref<640x128xf32, #tpu.memory_space<hbm>>) target_semaphore(%run_scoped3A : memref<!tpu.dma_semaphore, #tpu.memory_space<semaphore_mem>>)
      %dma_wait3A = arith.constant 0 : i32
      %dma_wait3A_81 = tpu.memref_slice %arg5[%add3A_35, %dma_wait3A] : memref<40960x128xf32, #tpu.memory_space<hbm>> -> memref<640x128xf32, #tpu.memory_space<hbm>>
      %dma_wait3A_82 = arith.constant 0 : i32
      %dma_wait3A_83 = tpu.memref_slice %arg6[%mul3A_32, %dma_wait3A_82] : memref<10240x128xf32, #tpu.memory_space<vmem_shared>> -> memref<640x128xf32, #tpu.memory_space<vmem_shared>>
      tpu.wait_dma2 semaphore(%run_scoped3A : memref<!tpu.dma_semaphore, #tpu.memory_space<semaphore_mem>>) src(%dma_wait3A_83 : memref<640x128xf32, #tpu.memory_space<vmem_shared>>) dst(%dma_wait3A_81 : memref<640x128xf32, #tpu.memory_space<hbm>>)
      tpu.yield
    }) : () -> ()
    %barrier3A_36 = arith.constant 0 : index
    tpu.barrier barrier_id(%barrier3A_36)
    %add3A_37 = arith.constant 2 : i32
    %add3A_38 = arith.addi %add3A_37, %arg0 : i32
    %mul3A_39 = arith.constant 10240 : i32
    %mul3A_40 = arith.muli %add3A_38, %mul3A_39 : i32
    %mul3A_41 = arith.constant 640 : i32
    %mul3A_42 = arith.muli %arg1, %mul3A_41 : i32
    %add3A_43 = arith.addi %mul3A_40, %mul3A_42 : i32
    %mul3A_44 = arith.constant 640 : i32
    %mul3A_45 = arith.muli %arg1, %mul3A_44 : i32
    "tpu.region"() ({
      %run_scoped3A = tpu.sem_alloc : memref<!tpu.dma_semaphore, #tpu.memory_space<semaphore_mem>>
      %dma_start3A = arith.constant 0 : i32
      %dma_start3A_78 = tpu.memref_slice %arg6[%mul3A_45, %dma_start3A] : memref<10240x128xf32, #tpu.memory_space<vmem_shared>> -> memref<640x128xf32, #tpu.memory_space<vmem_shared>>
      %dma_start3A_79 = arith.constant 0 : i32
      %dma_start3A_80 = tpu.memref_slice %arg2[%add3A_43, %dma_start3A_79] : memref<40960x128xf32, #tpu.memory_space<hbm>> -> memref<640x128xf32, #tpu.memory_space<hbm>>
      tpu.enqueue_dma source(%dma_start3A_80 : memref<640x128xf32, #tpu.memory_space<hbm>>) target(%dma_start3A_78 : memref<640x128xf32, #tpu.memory_space<vmem_shared>>) target_semaphore(%run_scoped3A : memref<!tpu.dma_semaphore, #tpu.memory_space<semaphore_mem>>)
      %dma_wait3A = arith.constant 0 : i32
      %dma_wait3A_81 = tpu.memref_slice %arg6[%mul3A_45, %dma_wait3A] : memref<10240x128xf32, #tpu.memory_space<vmem_shared>> -> memref<640x128xf32, #tpu.memory_space<vmem_shared>>
      %dma_wait3A_82 = arith.constant 0 : i32
      %dma_wait3A_83 = tpu.memref_slice %arg2[%add3A_43, %dma_wait3A_82] : memref<40960x128xf32, #tpu.memory_space<hbm>> -> memref<640x128xf32, #tpu.memory_space<hbm>>
      tpu.wait_dma2 semaphore(%run_scoped3A : memref<!tpu.dma_semaphore, #tpu.memory_space<semaphore_mem>>) src(%dma_wait3A_83 : memref<640x128xf32, #tpu.memory_space<hbm>>) dst(%dma_wait3A_81 : memref<640x128xf32, #tpu.memory_space<vmem_shared>>)
      tpu.yield
    }) : () -> ()
    %barrier3A_46 = arith.constant 0 : index
    tpu.barrier barrier_id(%barrier3A_46)
    %add3A_47 = arith.constant 0 : i32
    %add3A_48 = arith.addi %arg1, %add3A_47 : i32
    "tpu.region"() ({
      %run_scoped3A = tpu.sem_alloc : memref<!tpu.dma_semaphore, #tpu.memory_space<semaphore_mem>>
      %dma_start3A = arith.constant 0 : i32
      %dma_start3A_78 = arith.constant 0 : i32
      %dma_start3A_79 = tpu.memref_slice %arg3[%add3A_48, %dma_start3A, %dma_start3A_78] : memref<32x40x128xi32, #tpu.memory_space<hbm>> -> memref<1x40x128xi32, #tpu.memory_space<hbm>>
      %dma_start3A_80 = tpu.memref_squeeze %dma_start3A_79 : memref<1x40x128xi32, #tpu.memory_space<hbm>> -> memref<40x128xi32, #tpu.memory_space<hbm>>
      %dma_start3A_81 = arith.constant 0 : i32
      %dma_start3A_82 = arith.constant 0 : i32
      %dma_start3A_83 = tpu.memref_slice %arg3[%add3A_48, %dma_start3A_81, %dma_start3A_82] : memref<32x40x128xi32, #tpu.memory_space<hbm>> -> memref<1x40x128xi32, #tpu.memory_space<hbm>>
      %dma_start3A_84 = tpu.memref_squeeze %dma_start3A_83 : memref<1x40x128xi32, #tpu.memory_space<hbm>> -> memref<40x128xi32, #tpu.memory_space<hbm>>
      tpu.enqueue_dma source(%dma_start3A_84 : memref<40x128xi32, #tpu.memory_space<hbm>>) target(%arg7 : memref<40x128xi32, #tpu.memory_space<vmem>>) target_semaphore(%run_scoped3A : memref<!tpu.dma_semaphore, #tpu.memory_space<semaphore_mem>>)
      %dma_wait3A = arith.constant 0 : i32
      %dma_wait3A_85 = arith.constant 0 : i32
      %dma_wait3A_86 = tpu.memref_slice %arg3[%add3A_48, %dma_wait3A, %dma_wait3A_85] : memref<32x40x128xi32, #tpu.memory_space<hbm>> -> memref<1x40x128xi32, #tpu.memory_space<hbm>>
      %dma_wait3A_87 = tpu.memref_squeeze %dma_wait3A_86 : memref<1x40x128xi32, #tpu.memory_space<hbm>> -> memref<40x128xi32, #tpu.memory_space<hbm>>
      %dma_wait3A_88 = arith.constant 0 : i32
      %dma_wait3A_89 = arith.constant 0 : i32
      %dma_wait3A_90 = tpu.memref_slice %arg3[%add3A_48, %dma_wait3A_88, %dma_wait3A_89] : memref<32x40x128xi32, #tpu.memory_space<hbm>> -> memref<1x40x128xi32, #tpu.memory_space<hbm>>
      %dma_wait3A_91 = tpu.memref_squeeze %dma_wait3A_90 : memref<1x40x128xi32, #tpu.memory_space<hbm>> -> memref<40x128xi32, #tpu.memory_space<hbm>>
      tpu.wait_dma2 semaphore(%run_scoped3A : memref<!tpu.dma_semaphore, #tpu.memory_space<semaphore_mem>>) src(%dma_wait3A_91 : memref<40x128xi32, #tpu.memory_space<hbm>>) dst(%arg7 : memref<40x128xi32, #tpu.memory_space<vmem>>)
      tpu.yield
    }) : () -> ()
    "tpu.region"() ({
      %run_scoped3A = tpu.sem_alloc : memref<!tpu.dma_semaphore, #tpu.memory_space<semaphore_mem>>
      %dma_start3A = arith.constant 0 : i32
      %dma_start3A_78 = arith.constant 0 : i32
      %dma_start3A_79 = tpu.memref_slice %arg4[%add3A_48, %dma_start3A, %dma_start3A_78] : memref<32x40x128xi32, #tpu.memory_space<hbm>> -> memref<1x40x128xi32, #tpu.memory_space<hbm>>
      %dma_start3A_80 = tpu.memref_squeeze %dma_start3A_79 : memref<1x40x128xi32, #tpu.memory_space<hbm>> -> memref<40x128xi32, #tpu.memory_space<hbm>>
      %dma_start3A_81 = arith.constant 0 : i32
      %dma_start3A_82 = arith.constant 0 : i32
      %dma_start3A_83 = tpu.memref_slice %arg4[%add3A_48, %dma_start3A_81, %dma_start3A_82] : memref<32x40x128xi32, #tpu.memory_space<hbm>> -> memref<1x40x128xi32, #tpu.memory_space<hbm>>
      %dma_start3A_84 = tpu.memref_squeeze %dma_start3A_83 : memref<1x40x128xi32, #tpu.memory_space<hbm>> -> memref<40x128xi32, #tpu.memory_space<hbm>>
      tpu.enqueue_dma source(%dma_start3A_84 : memref<40x128xi32, #tpu.memory_space<hbm>>) target(%arg8 : memref<40x128xi32, #tpu.memory_space<vmem>>) target_semaphore(%run_scoped3A : memref<!tpu.dma_semaphore, #tpu.memory_space<semaphore_mem>>)
      %dma_wait3A = arith.constant 0 : i32
      %dma_wait3A_85 = arith.constant 0 : i32
      %dma_wait3A_86 = tpu.memref_slice %arg4[%add3A_48, %dma_wait3A, %dma_wait3A_85] : memref<32x40x128xi32, #tpu.memory_space<hbm>> -> memref<1x40x128xi32, #tpu.memory_space<hbm>>
      %dma_wait3A_87 = tpu.memref_squeeze %dma_wait3A_86 : memref<1x40x128xi32, #tpu.memory_space<hbm>> -> memref<40x128xi32, #tpu.memory_space<hbm>>
      %dma_wait3A_88 = arith.constant 0 : i32
      %dma_wait3A_89 = arith.constant 0 : i32
      %dma_wait3A_90 = tpu.memref_slice %arg4[%add3A_48, %dma_wait3A_88, %dma_wait3A_89] : memref<32x40x128xi32, #tpu.memory_space<hbm>> -> memref<1x40x128xi32, #tpu.memory_space<hbm>>
      %dma_wait3A_91 = tpu.memref_squeeze %dma_wait3A_90 : memref<1x40x128xi32, #tpu.memory_space<hbm>> -> memref<40x128xi32, #tpu.memory_space<hbm>>
      tpu.wait_dma2 semaphore(%run_scoped3A : memref<!tpu.dma_semaphore, #tpu.memory_space<semaphore_mem>>) src(%dma_wait3A_91 : memref<40x128xi32, #tpu.memory_space<hbm>>) dst(%arg8 : memref<40x128xi32, #tpu.memory_space<vmem>>)
      tpu.yield
    }) : () -> ()
    %scan3A_49 = arith.constant 0 : i32
    %scan3A_50 = arith.constant 40 : i32
    %scan3A_51 = arith.addi %scan3A_49, %scan3A_50 : i32
    %scan3A_52 = arith.constant 1 : i32
    scf.for %scan3A_78 = %scan3A_49 to %scan3A_51 step %scan3A_52  : i32 {
      %mul3A_79 = arith.constant 1 : i32
      %mul3A_80 = arith.muli %scan3A_78, %mul3A_79 : i32
      %add3A_81 = arith.constant 0 : i32
      %add3A_82 = arith.addi %add3A_81, %mul3A_80 : i32
      %get3A = arith.index_cast %add3A_82 : i32 to index
      %get3A_83 = arith.constant 0 : index
      %get3A_84 = tpu.vector_load %arg7[%get3A, %get3A_83] {strides = array<i32>} : memref<40x128xi32, #tpu.memory_space<vmem>>, vector<16xi32>,
      %add3A_85 = vector.broadcast %mul3A_40 : i32 to vector<16xi32>
      %add3A_86 = arith.addi %get3A_84, %add3A_85 : vector<16xi32>
      %swap3A = arith.index_cast %add3A_82 : i32 to index
      %swap3A_87 = arith.constant 0 : index
      %swap3A_88 = tpu.vector_load %arg7[%swap3A, %swap3A_87] {strides = array<i32>} : memref<40x128xi32, #tpu.memory_space<vmem>>, vector<16xi32>,
      tpu.vector_store %arg7[%swap3A, %swap3A_87], %add3A_86 {strides = array<i32>} : memref<40x128xi32, #tpu.memory_space<vmem>>, vector<16xi32>,
      %get3A_89 = arith.index_cast %add3A_82 : i32 to index
      %get3A_90 = arith.constant 16 : index
      %get3A_91 = tpu.vector_load %arg7[%get3A_89, %get3A_90] {strides = array<i32>} : memref<40x128xi32, #tpu.memory_space<vmem>>, vector<16xi32>,
      %add3A_92 = vector.broadcast %mul3A_40 : i32 to vector<16xi32>
      %add3A_93 = arith.addi %get3A_91, %add3A_92 : vector<16xi32>
      %swap3A_94 = arith.index_cast %add3A_82 : i32 to index
      %swap3A_95 = arith.constant 16 : index
      %swap3A_96 = tpu.vector_load %arg7[%swap3A_94, %swap3A_95] {strides = array<i32>} : memref<40x128xi32, #tpu.memory_space<vmem>>, vector<16xi32>,
      tpu.vector_store %arg7[%swap3A_94, %swap3A_95], %add3A_93 {strides = array<i32>} : memref<40x128xi32, #tpu.memory_space<vmem>>, vector<16xi32>,
      %get3A_97 = arith.index_cast %add3A_82 : i32 to index
      %get3A_98 = arith.constant 32 : index
      %get3A_99 = tpu.vector_load %arg7[%get3A_97, %get3A_98] {strides = array<i32>} : memref<40x128xi32, #tpu.memory_space<vmem>>, vector<16xi32>,
      %add3A_100 = vector.broadcast %mul3A_40 : i32 to vector<16xi32>
      %add3A_101 = arith.addi %get3A_99, %add3A_100 : vector<16xi32>
      %swap3A_102 = arith.index_cast %add3A_82 : i32 to index
      %swap3A_103 = arith.constant 32 : index
      %swap3A_104 = tpu.vector_load %arg7[%swap3A_102, %swap3A_103] {strides = array<i32>} : memref<40x128xi32, #tpu.memory_space<vmem>>, vector<16xi32>,
      tpu.vector_store %arg7[%swap3A_102, %swap3A_103], %add3A_101 {strides = array<i32>} : memref<40x128xi32, #tpu.memory_space<vmem>>, vector<16xi32>,
      %get3A_105 = arith.index_cast %add3A_82 : i32 to index
      %get3A_106 = arith.constant 48 : index
      %get3A_107 = tpu.vector_load %arg7[%get3A_105, %get3A_106] {strides = array<i32>} : memref<40x128xi32, #tpu.memory_space<vmem>>, vector<16xi32>,
      %add3A_108 = vector.broadcast %mul3A_40 : i32 to vector<16xi32>
      %add3A_109 = arith.addi %get3A_107, %add3A_108 : vector<16xi32>
      %swap3A_110 = arith.index_cast %add3A_82 : i32 to index
      %swap3A_111 = arith.constant 48 : index
      %swap3A_112 = tpu.vector_load %arg7[%swap3A_110, %swap3A_111] {strides = array<i32>} : memref<40x128xi32, #tpu.memory_space<vmem>>, vector<16xi32>,
      tpu.vector_store %arg7[%swap3A_110, %swap3A_111], %add3A_109 {strides = array<i32>} : memref<40x128xi32, #tpu.memory_space<vmem>>, vector<16xi32>,
      %get3A_113 = arith.index_cast %add3A_82 : i32 to index
      %get3A_114 = arith.constant 64 : index
      %get3A_115 = tpu.vector_load %arg7[%get3A_113, %get3A_114] {strides = array<i32>} : memref<40x128xi32, #tpu.memory_space<vmem>>, vector<16xi32>,
      %add3A_116 = vector.broadcast %mul3A_40 : i32 to vector<16xi32>
      %add3A_117 = arith.addi %get3A_115, %add3A_116 : vector<16xi32>
      %swap3A_118 = arith.index_cast %add3A_82 : i32 to index
      %swap3A_119 = arith.constant 64 : index
      %swap3A_120 = tpu.vector_load %arg7[%swap3A_118, %swap3A_119] {strides = array<i32>} : memref<40x128xi32, #tpu.memory_space<vmem>>, vector<16xi32>,
      tpu.vector_store %arg7[%swap3A_118, %swap3A_119], %add3A_117 {strides = array<i32>} : memref<40x128xi32, #tpu.memory_space<vmem>>, vector<16xi32>,
      %get3A_121 = arith.index_cast %add3A_82 : i32 to index
      %get3A_122 = arith.constant 80 : index
      %get3A_123 = tpu.vector_load %arg7[%get3A_121, %get3A_122] {strides = array<i32>} : memref<40x128xi32, #tpu.memory_space<vmem>>, vector<16xi32>,
      %add3A_124 = vector.broadcast %mul3A_40 : i32 to vector<16xi32>
      %add3A_125 = arith.addi %get3A_123, %add3A_124 : vector<16xi32>
      %swap3A_126 = arith.index_cast %add3A_82 : i32 to index
      %swap3A_127 = arith.constant 80 : index
      %swap3A_128 = tpu.vector_load %arg7[%swap3A_126, %swap3A_127] {strides = array<i32>} : memref<40x128xi32, #tpu.memory_space<vmem>>, vector<16xi32>,
      tpu.vector_store %arg7[%swap3A_126, %swap3A_127], %add3A_125 {strides = array<i32>} : memref<40x128xi32, #tpu.memory_space<vmem>>, vector<16xi32>,
      %get3A_129 = arith.index_cast %add3A_82 : i32 to index
      %get3A_130 = arith.constant 96 : index
      %get3A_131 = tpu.vector_load %arg7[%get3A_129, %get3A_130] {strides = array<i32>} : memref<40x128xi32, #tpu.memory_space<vmem>>, vector<16xi32>,
      %add3A_132 = vector.broadcast %mul3A_40 : i32 to vector<16xi32>
      %add3A_133 = arith.addi %get3A_131, %add3A_132 : vector<16xi32>
      %swap3A_134 = arith.index_cast %add3A_82 : i32 to index
      %swap3A_135 = arith.constant 96 : index
      %swap3A_136 = tpu.vector_load %arg7[%swap3A_134, %swap3A_135] {strides = array<i32>} : memref<40x128xi32, #tpu.memory_space<vmem>>, vector<16xi32>,
      tpu.vector_store %arg7[%swap3A_134, %swap3A_135], %add3A_133 {strides = array<i32>} : memref<40x128xi32, #tpu.memory_space<vmem>>, vector<16xi32>,
      %get3A_137 = arith.index_cast %add3A_82 : i32 to index
      %get3A_138 = arith.constant 112 : index
      %get3A_139 = tpu.vector_load %arg7[%get3A_137, %get3A_138] {strides = array<i32>} : memref<40x128xi32, #tpu.memory_space<vmem>>, vector<16xi32>,
      %add3A_140 = vector.broadcast %mul3A_40 : i32 to vector<16xi32>
      %add3A_141 = arith.addi %get3A_139, %add3A_140 : vector<16xi32>
      %swap3A_142 = arith.index_cast %add3A_82 : i32 to index
      %swap3A_143 = arith.constant 112 : index
      %swap3A_144 = tpu.vector_load %arg7[%swap3A_142, %swap3A_143] {strides = array<i32>} : memref<40x128xi32, #tpu.memory_space<vmem>>, vector<16xi32>,
      tpu.vector_store %arg7[%swap3A_142, %swap3A_143], %add3A_141 {strides = array<i32>} : memref<40x128xi32, #tpu.memory_space<vmem>>, vector<16xi32>,
    }
    %scan3A_53 = arith.constant 40 : i32
    %scan3A_54 = arith.constant 0 : i32
    %scan3A_55 = arith.constant 20 : i32
    %scan3A_56 = arith.addi %scan3A_54, %scan3A_55 : i32
    %scan3A_57 = arith.constant 1 : i32
    scf.for %scan3A_78 = %scan3A_54 to %scan3A_56 step %scan3A_57  : i32 {
      %mul3A_79 = arith.constant 2 : i32
      %mul3A_80 = arith.muli %scan3A_78, %mul3A_79 : i32
      %add3A_81 = arith.constant 0 : i32
      %add3A_82 = arith.addi %add3A_81, %mul3A_80 : i32
      %dma_start3A = arith.constant 0 : i32
      %dma_start3A_83 = tpu.memref_slice %arg7[%add3A_82, %dma_start3A] : memref<40x128xi32, #tpu.memory_space<vmem>> -> memref<1x128xi32, #tpu.memory_space<vmem>>
      %dma_start3A_84 = tpu.memref_squeeze %dma_start3A_83 : memref<1x128xi32, #tpu.memory_space<vmem>> -> memref<128xi32, #tpu.memory_space<vmem>>
      %dma_start3A_85 = arith.constant 0 : i32
      %dma_start3A_86 = arith.constant 0 : i32
      %dma_start3A_87 = tpu.memref_slice %arg2[%dma_start3A_85, %dma_start3A_86] : memref<40960x128xf32, #tpu.memory_space<hbm>> -> memref<40960x128xf32, #tpu.memory_space<hbm>>
      tpu.enqueue_indirect_dma source(%dma_start3A_87 : memref<40960x128xf32, #tpu.memory_space<hbm>>) target(%arg9 : memref<128x128xf32, #tpu.memory_space<vmem>>) offsets(%dma_start3A_84 : memref<128xi32, #tpu.memory_space<vmem>>) semaphore(%arg11 : memref<!tpu.dma_semaphore, #tpu.memory_space<semaphore_mem>>)
      %add3A_88 = arith.constant 1 : i32
      %add3A_89 = arith.addi %add3A_82, %add3A_88 : i32
      %dma_start3A_90 = arith.constant 0 : i32
      %dma_start3A_91 = tpu.memref_slice %arg7[%add3A_89, %dma_start3A_90] : memref<40x128xi32, #tpu.memory_space<vmem>> -> memref<1x128xi32, #tpu.memory_space<vmem>>
      %dma_start3A_92 = tpu.memref_squeeze %dma_start3A_91 : memref<1x128xi32, #tpu.memory_space<vmem>> -> memref<128xi32, #tpu.memory_space<vmem>>
      %dma_start3A_93 = arith.constant 0 : i32
      %dma_start3A_94 = arith.constant 0 : i32
      %dma_start3A_95 = tpu.memref_slice %arg2[%dma_start3A_93, %dma_start3A_94] : memref<40960x128xf32, #tpu.memory_space<hbm>> -> memref<40960x128xf32, #tpu.memory_space<hbm>>
      tpu.enqueue_indirect_dma source(%dma_start3A_95 : memref<40960x128xf32, #tpu.memory_space<hbm>>) target(%arg10 : memref<128x128xf32, #tpu.memory_space<vmem>>) offsets(%dma_start3A_92 : memref<128xi32, #tpu.memory_space<vmem>>) semaphore(%arg12 : memref<!tpu.dma_semaphore, #tpu.memory_space<semaphore_mem>>)
      %dma_wait3A = arith.constant 0 : i32
      %dma_wait3A_96 = tpu.memref_slice %arg7[%add3A_82, %dma_wait3A] : memref<40x128xi32, #tpu.memory_space<vmem>> -> memref<1x128xi32, #tpu.memory_space<vmem>>
      %dma_wait3A_97 = tpu.memref_squeeze %dma_wait3A_96 : memref<1x128xi32, #tpu.memory_space<vmem>> -> memref<128xi32, #tpu.memory_space<vmem>>
      %dma_wait3A_98 = arith.constant 0 : i32
      %dma_wait3A_99 = arith.constant 0 : i32
      %dma_wait3A_100 = tpu.memref_slice %arg2[%dma_wait3A_98, %dma_wait3A_99] : memref<40960x128xf32, #tpu.memory_space<hbm>> -> memref<40960x128xf32, #tpu.memory_space<hbm>>
      tpu.wait_indirect_dma semaphore(%arg11 : memref<!tpu.dma_semaphore, #tpu.memory_space<semaphore_mem>>) src(%dma_wait3A_100 : memref<40960x128xf32, #tpu.memory_space<hbm>>) dst(%arg9 : memref<128x128xf32, #tpu.memory_space<vmem>>)
      %dma_start3A_101 = arith.constant 0 : i32
      %dma_start3A_102 = tpu.memref_slice %arg8[%add3A_82, %dma_start3A_101] : memref<40x128xi32, #tpu.memory_space<vmem>> -> memref<1x128xi32, #tpu.memory_space<vmem>>
      %dma_start3A_103 = tpu.memref_squeeze %dma_start3A_102 : memref<1x128xi32, #tpu.memory_space<vmem>> -> memref<128xi32, #tpu.memory_space<vmem>>
      %dma_start3A_104 = arith.constant 0 : i32
      %dma_start3A_105 = arith.constant 0 : i32
      %dma_start3A_106 = tpu.memref_slice %arg6[%dma_start3A_104, %dma_start3A_105] : memref<10240x128xf32, #tpu.memory_space<vmem_shared>> -> memref<10240x128xf32, #tpu.memory_space<vmem_shared>>
      tpu.enqueue_indirect_dma source(%arg9 : memref<128x128xf32, #tpu.memory_space<vmem>>) target(%dma_start3A_106 : memref<10240x128xf32, #tpu.memory_space<vmem_shared>>) offsets(%dma_start3A_103 : memref<128xi32, #tpu.memory_space<vmem>>) semaphore(%arg13 : memref<!tpu.dma_semaphore, #tpu.memory_space<semaphore_mem>>) {add = true}
      %dma_wait3A_107 = arith.constant 0 : i32
      %dma_wait3A_108 = tpu.memref_slice %arg7[%add3A_89, %dma_wait3A_107] : memref<40x128xi32, #tpu.memory_space<vmem>> -> memref<1x128xi32, #tpu.memory_space<vmem>>
      %dma_wait3A_109 = tpu.memref_squeeze %dma_wait3A_108 : memref<1x128xi32, #tpu.memory_space<vmem>> -> memref<128xi32, #tpu.memory_space<vmem>>
      %dma_wait3A_110 = arith.constant 0 : i32
      %dma_wait3A_111 = arith.constant 0 : i32
      %dma_wait3A_112 = tpu.memref_slice %arg2[%dma_wait3A_110, %dma_wait3A_111] : memref<40960x128xf32, #tpu.memory_space<hbm>> -> memref<40960x128xf32, #tpu.memory_space<hbm>>
      tpu.wait_indirect_dma semaphore(%arg12 : memref<!tpu.dma_semaphore, #tpu.memory_space<semaphore_mem>>) src(%dma_wait3A_112 : memref<40960x128xf32, #tpu.memory_space<hbm>>) dst(%arg10 : memref<128x128xf32, #tpu.memory_space<vmem>>)
      %add3A_113 = arith.constant 1 : i32
      %add3A_114 = arith.addi %add3A_82, %add3A_113 : i32
      %dma_start3A_115 = arith.constant 0 : i32
      %dma_start3A_116 = tpu.memref_slice %arg8[%add3A_114, %dma_start3A_115] : memref<40x128xi32, #tpu.memory_space<vmem>> -> memref<1x128xi32, #tpu.memory_space<vmem>>
      %dma_start3A_117 = tpu.memref_squeeze %dma_start3A_116 : memref<1x128xi32, #tpu.memory_space<vmem>> -> memref<128xi32, #tpu.memory_space<vmem>>
      %dma_start3A_118 = arith.constant 0 : i32
      %dma_start3A_119 = arith.constant 0 : i32
      %dma_start3A_120 = tpu.memref_slice %arg6[%dma_start3A_118, %dma_start3A_119] : memref<10240x128xf32, #tpu.memory_space<vmem_shared>> -> memref<10240x128xf32, #tpu.memory_space<vmem_shared>>
      tpu.enqueue_indirect_dma source(%arg10 : memref<128x128xf32, #tpu.memory_space<vmem>>) target(%dma_start3A_120 : memref<10240x128xf32, #tpu.memory_space<vmem_shared>>) offsets(%dma_start3A_117 : memref<128xi32, #tpu.memory_space<vmem>>) semaphore(%arg14 : memref<!tpu.dma_semaphore, #tpu.memory_space<semaphore_mem>>) {add = true}
      %dma_wait3A_121 = arith.constant 0 : i32
      %dma_wait3A_122 = tpu.memref_slice %arg8[%add3A_82, %dma_wait3A_121] : memref<40x128xi32, #tpu.memory_space<vmem>> -> memref<1x128xi32, #tpu.memory_space<vmem>>
      %dma_wait3A_123 = tpu.memref_squeeze %dma_wait3A_122 : memref<1x128xi32, #tpu.memory_space<vmem>> -> memref<128xi32, #tpu.memory_space<vmem>>
      %dma_wait3A_124 = arith.constant 0 : i32
      %dma_wait3A_125 = arith.constant 0 : i32
      %dma_wait3A_126 = tpu.memref_slice %arg6[%dma_wait3A_124, %dma_wait3A_125] : memref<10240x128xf32, #tpu.memory_space<vmem_shared>> -> memref<10240x128xf32, #tpu.memory_space<vmem_shared>>
      tpu.wait_indirect_dma semaphore(%arg13 : memref<!tpu.dma_semaphore, #tpu.memory_space<semaphore_mem>>) src(%arg9 : memref<128x128xf32, #tpu.memory_space<vmem>>) dst(%dma_wait3A_126 : memref<10240x128xf32, #tpu.memory_space<vmem_shared>>)
      %dma_wait3A_127 = arith.constant 0 : i32
      %dma_wait3A_128 = tpu.memref_slice %arg8[%add3A_114, %dma_wait3A_127] : memref<40x128xi32, #tpu.memory_space<vmem>> -> memref<1x128xi32, #tpu.memory_space<vmem>>
      %dma_wait3A_129 = tpu.memref_squeeze %dma_wait3A_128 : memref<1x128xi32, #tpu.memory_space<vmem>> -> memref<128xi32, #tpu.memory_space<vmem>>
      %dma_wait3A_130 = arith.constant 0 : i32
      %dma_wait3A_131 = arith.constant 0 : i32
      %dma_wait3A_132 = tpu.memref_slice %arg6[%dma_wait3A_130, %dma_wait3A_131] : memref<10240x128xf32, #tpu.memory_space<vmem_shared>> -> memref<10240x128xf32, #tpu.memory_space<vmem_shared>>
      tpu.wait_indirect_dma semaphore(%arg14 : memref<!tpu.dma_semaphore, #tpu.memory_space<semaphore_mem>>) src(%arg10 : memref<128x128xf32, #tpu.memory_space<vmem>>) dst(%dma_wait3A_132 : memref<10240x128xf32, #tpu.memory_space<vmem_shared>>)
    }
    %scan3A_58 = arith.constant 20 : i32
    %add3A_59 = arith.constant 16 : i32
    %add3A_60 = arith.addi %arg1, %add3A_59 : i32
    "tpu.region"() ({
      %run_scoped3A = tpu.sem_alloc : memref<!tpu.dma_semaphore, #tpu.memory_space<semaphore_mem>>
      %dma_start3A = arith.constant 0 : i32
      %dma_start3A_78 = arith.constant 0 : i32
      %dma_start3A_79 = tpu.memref_slice %arg3[%add3A_60, %dma_start3A, %dma_start3A_78] : memref<32x40x128xi32, #tpu.memory_space<hbm>> -> memref<1x40x128xi32, #tpu.memory_space<hbm>>
      %dma_start3A_80 = tpu.memref_squeeze %dma_start3A_79 : memref<1x40x128xi32, #tpu.memory_space<hbm>> -> memref<40x128xi32, #tpu.memory_space<hbm>>
      %dma_start3A_81 = arith.constant 0 : i32
      %dma_start3A_82 = arith.constant 0 : i32
      %dma_start3A_83 = tpu.memref_slice %arg3[%add3A_60, %dma_start3A_81, %dma_start3A_82] : memref<32x40x128xi32, #tpu.memory_space<hbm>> -> memref<1x40x128xi32, #tpu.memory_space<hbm>>
      %dma_start3A_84 = tpu.memref_squeeze %dma_start3A_83 : memref<1x40x128xi32, #tpu.memory_space<hbm>> -> memref<40x128xi32, #tpu.memory_space<hbm>>
      tpu.enqueue_dma source(%dma_start3A_84 : memref<40x128xi32, #tpu.memory_space<hbm>>) target(%arg7 : memref<40x128xi32, #tpu.memory_space<vmem>>) target_semaphore(%run_scoped3A : memref<!tpu.dma_semaphore, #tpu.memory_space<semaphore_mem>>)
      %dma_wait3A = arith.constant 0 : i32
      %dma_wait3A_85 = arith.constant 0 : i32
      %dma_wait3A_86 = tpu.memref_slice %arg3[%add3A_60, %dma_wait3A, %dma_wait3A_85] : memref<32x40x128xi32, #tpu.memory_space<hbm>> -> memref<1x40x128xi32, #tpu.memory_space<hbm>>
      %dma_wait3A_87 = tpu.memref_squeeze %dma_wait3A_86 : memref<1x40x128xi32, #tpu.memory_space<hbm>> -> memref<40x128xi32, #tpu.memory_space<hbm>>
      %dma_wait3A_88 = arith.constant 0 : i32
      %dma_wait3A_89 = arith.constant 0 : i32
      %dma_wait3A_90 = tpu.memref_slice %arg3[%add3A_60, %dma_wait3A_88, %dma_wait3A_89] : memref<32x40x128xi32, #tpu.memory_space<hbm>> -> memref<1x40x128xi32, #tpu.memory_space<hbm>>
      %dma_wait3A_91 = tpu.memref_squeeze %dma_wait3A_90 : memref<1x40x128xi32, #tpu.memory_space<hbm>> -> memref<40x128xi32, #tpu.memory_space<hbm>>
      tpu.wait_dma2 semaphore(%run_scoped3A : memref<!tpu.dma_semaphore, #tpu.memory_space<semaphore_mem>>) src(%dma_wait3A_91 : memref<40x128xi32, #tpu.memory_space<hbm>>) dst(%arg7 : memref<40x128xi32, #tpu.memory_space<vmem>>)
      tpu.yield
    }) : () -> ()
    "tpu.region"() ({
      %run_scoped3A = tpu.sem_alloc : memref<!tpu.dma_semaphore, #tpu.memory_space<semaphore_mem>>
      %dma_start3A = arith.constant 0 : i32
      %dma_start3A_78 = arith.constant 0 : i32
      %dma_start3A_79 = tpu.memref_slice %arg4[%add3A_60, %dma_start3A, %dma_start3A_78] : memref<32x40x128xi32, #tpu.memory_space<hbm>> -> memref<1x40x128xi32, #tpu.memory_space<hbm>>
      %dma_start3A_80 = tpu.memref_squeeze %dma_start3A_79 : memref<1x40x128xi32, #tpu.memory_space<hbm>> -> memref<40x128xi32, #tpu.memory_space<hbm>>
      %dma_start3A_81 = arith.constant 0 : i32
      %dma_start3A_82 = arith.constant 0 : i32
      %dma_start3A_83 = tpu.memref_slice %arg4[%add3A_60, %dma_start3A_81, %dma_start3A_82] : memref<32x40x128xi32, #tpu.memory_space<hbm>> -> memref<1x40x128xi32, #tpu.memory_space<hbm>>
      %dma_start3A_84 = tpu.memref_squeeze %dma_start3A_83 : memref<1x40x128xi32, #tpu.memory_space<hbm>> -> memref<40x128xi32, #tpu.memory_space<hbm>>
      tpu.enqueue_dma source(%dma_start3A_84 : memref<40x128xi32, #tpu.memory_space<hbm>>) target(%arg8 : memref<40x128xi32, #tpu.memory_space<vmem>>) target_semaphore(%run_scoped3A : memref<!tpu.dma_semaphore, #tpu.memory_space<semaphore_mem>>)
      %dma_wait3A = arith.constant 0 : i32
      %dma_wait3A_85 = arith.constant 0 : i32
      %dma_wait3A_86 = tpu.memref_slice %arg4[%add3A_60, %dma_wait3A, %dma_wait3A_85] : memref<32x40x128xi32, #tpu.memory_space<hbm>> -> memref<1x40x128xi32, #tpu.memory_space<hbm>>
      %dma_wait3A_87 = tpu.memref_squeeze %dma_wait3A_86 : memref<1x40x128xi32, #tpu.memory_space<hbm>> -> memref<40x128xi32, #tpu.memory_space<hbm>>
      %dma_wait3A_88 = arith.constant 0 : i32
      %dma_wait3A_89 = arith.constant 0 : i32
      %dma_wait3A_90 = tpu.memref_slice %arg4[%add3A_60, %dma_wait3A_88, %dma_wait3A_89] : memref<32x40x128xi32, #tpu.memory_space<hbm>> -> memref<1x40x128xi32, #tpu.memory_space<hbm>>
      %dma_wait3A_91 = tpu.memref_squeeze %dma_wait3A_90 : memref<1x40x128xi32, #tpu.memory_space<hbm>> -> memref<40x128xi32, #tpu.memory_space<hbm>>
      tpu.wait_dma2 semaphore(%run_scoped3A : memref<!tpu.dma_semaphore, #tpu.memory_space<semaphore_mem>>) src(%dma_wait3A_91 : memref<40x128xi32, #tpu.memory_space<hbm>>) dst(%arg8 : memref<40x128xi32, #tpu.memory_space<vmem>>)
      tpu.yield
    }) : () -> ()
    %scan3A_61 = arith.constant 0 : i32
    %scan3A_62 = arith.constant 40 : i32
    %scan3A_63 = arith.addi %scan3A_61, %scan3A_62 : i32
    %scan3A_64 = arith.constant 1 : i32
    scf.for %scan3A_78 = %scan3A_61 to %scan3A_63 step %scan3A_64  : i32 {
      %mul3A_79 = arith.constant 1 : i32
      %mul3A_80 = arith.muli %scan3A_78, %mul3A_79 : i32
      %add3A_81 = arith.constant 0 : i32
      %add3A_82 = arith.addi %add3A_81, %mul3A_80 : i32
      %get3A = arith.index_cast %add3A_82 : i32 to index
      %get3A_83 = arith.constant 0 : index
      %get3A_84 = tpu.vector_load %arg7[%get3A, %get3A_83] {strides = array<i32>} : memref<40x128xi32, #tpu.memory_space<vmem>>, vector<16xi32>,
      %add3A_85 = vector.broadcast %mul3A_40 : i32 to vector<16xi32>
      %add3A_86 = arith.addi %get3A_84, %add3A_85 : vector<16xi32>
      %swap3A = arith.index_cast %add3A_82 : i32 to index
      %swap3A_87 = arith.constant 0 : index
      %swap3A_88 = tpu.vector_load %arg7[%swap3A, %swap3A_87] {strides = array<i32>} : memref<40x128xi32, #tpu.memory_space<vmem>>, vector<16xi32>,
      tpu.vector_store %arg7[%swap3A, %swap3A_87], %add3A_86 {strides = array<i32>} : memref<40x128xi32, #tpu.memory_space<vmem>>, vector<16xi32>,
      %get3A_89 = arith.index_cast %add3A_82 : i32 to index
      %get3A_90 = arith.constant 16 : index
      %get3A_91 = tpu.vector_load %arg7[%get3A_89, %get3A_90] {strides = array<i32>} : memref<40x128xi32, #tpu.memory_space<vmem>>, vector<16xi32>,
      %add3A_92 = vector.broadcast %mul3A_40 : i32 to vector<16xi32>
      %add3A_93 = arith.addi %get3A_91, %add3A_92 : vector<16xi32>
      %swap3A_94 = arith.index_cast %add3A_82 : i32 to index
      %swap3A_95 = arith.constant 16 : index
      %swap3A_96 = tpu.vector_load %arg7[%swap3A_94, %swap3A_95] {strides = array<i32>} : memref<40x128xi32, #tpu.memory_space<vmem>>, vector<16xi32>,
      tpu.vector_store %arg7[%swap3A_94, %swap3A_95], %add3A_93 {strides = array<i32>} : memref<40x128xi32, #tpu.memory_space<vmem>>, vector<16xi32>,
      %get3A_97 = arith.index_cast %add3A_82 : i32 to index
      %get3A_98 = arith.constant 32 : index
      %get3A_99 = tpu.vector_load %arg7[%get3A_97, %get3A_98] {strides = array<i32>} : memref<40x128xi32, #tpu.memory_space<vmem>>, vector<16xi32>,
      %add3A_100 = vector.broadcast %mul3A_40 : i32 to vector<16xi32>
      %add3A_101 = arith.addi %get3A_99, %add3A_100 : vector<16xi32>
      %swap3A_102 = arith.index_cast %add3A_82 : i32 to index
      %swap3A_103 = arith.constant 32 : index
      %swap3A_104 = tpu.vector_load %arg7[%swap3A_102, %swap3A_103] {strides = array<i32>} : memref<40x128xi32, #tpu.memory_space<vmem>>, vector<16xi32>,
      tpu.vector_store %arg7[%swap3A_102, %swap3A_103], %add3A_101 {strides = array<i32>} : memref<40x128xi32, #tpu.memory_space<vmem>>, vector<16xi32>,
      %get3A_105 = arith.index_cast %add3A_82 : i32 to index
      %get3A_106 = arith.constant 48 : index
      %get3A_107 = tpu.vector_load %arg7[%get3A_105, %get3A_106] {strides = array<i32>} : memref<40x128xi32, #tpu.memory_space<vmem>>, vector<16xi32>,
      %add3A_108 = vector.broadcast %mul3A_40 : i32 to vector<16xi32>
      %add3A_109 = arith.addi %get3A_107, %add3A_108 : vector<16xi32>
      %swap3A_110 = arith.index_cast %add3A_82 : i32 to index
      %swap3A_111 = arith.constant 48 : index
      %swap3A_112 = tpu.vector_load %arg7[%swap3A_110, %swap3A_111] {strides = array<i32>} : memref<40x128xi32, #tpu.memory_space<vmem>>, vector<16xi32>,
      tpu.vector_store %arg7[%swap3A_110, %swap3A_111], %add3A_109 {strides = array<i32>} : memref<40x128xi32, #tpu.memory_space<vmem>>, vector<16xi32>,
      %get3A_113 = arith.index_cast %add3A_82 : i32 to index
      %get3A_114 = arith.constant 64 : index
      %get3A_115 = tpu.vector_load %arg7[%get3A_113, %get3A_114] {strides = array<i32>} : memref<40x128xi32, #tpu.memory_space<vmem>>, vector<16xi32>,
      %add3A_116 = vector.broadcast %mul3A_40 : i32 to vector<16xi32>
      %add3A_117 = arith.addi %get3A_115, %add3A_116 : vector<16xi32>
      %swap3A_118 = arith.index_cast %add3A_82 : i32 to index
      %swap3A_119 = arith.constant 64 : index
      %swap3A_120 = tpu.vector_load %arg7[%swap3A_118, %swap3A_119] {strides = array<i32>} : memref<40x128xi32, #tpu.memory_space<vmem>>, vector<16xi32>,
      tpu.vector_store %arg7[%swap3A_118, %swap3A_119], %add3A_117 {strides = array<i32>} : memref<40x128xi32, #tpu.memory_space<vmem>>, vector<16xi32>,
      %get3A_121 = arith.index_cast %add3A_82 : i32 to index
      %get3A_122 = arith.constant 80 : index
      %get3A_123 = tpu.vector_load %arg7[%get3A_121, %get3A_122] {strides = array<i32>} : memref<40x128xi32, #tpu.memory_space<vmem>>, vector<16xi32>,
      %add3A_124 = vector.broadcast %mul3A_40 : i32 to vector<16xi32>
      %add3A_125 = arith.addi %get3A_123, %add3A_124 : vector<16xi32>
      %swap3A_126 = arith.index_cast %add3A_82 : i32 to index
      %swap3A_127 = arith.constant 80 : index
      %swap3A_128 = tpu.vector_load %arg7[%swap3A_126, %swap3A_127] {strides = array<i32>} : memref<40x128xi32, #tpu.memory_space<vmem>>, vector<16xi32>,
      tpu.vector_store %arg7[%swap3A_126, %swap3A_127], %add3A_125 {strides = array<i32>} : memref<40x128xi32, #tpu.memory_space<vmem>>, vector<16xi32>,
      %get3A_129 = arith.index_cast %add3A_82 : i32 to index
      %get3A_130 = arith.constant 96 : index
      %get3A_131 = tpu.vector_load %arg7[%get3A_129, %get3A_130] {strides = array<i32>} : memref<40x128xi32, #tpu.memory_space<vmem>>, vector<16xi32>,
      %add3A_132 = vector.broadcast %mul3A_40 : i32 to vector<16xi32>
      %add3A_133 = arith.addi %get3A_131, %add3A_132 : vector<16xi32>
      %swap3A_134 = arith.index_cast %add3A_82 : i32 to index
      %swap3A_135 = arith.constant 96 : index
      %swap3A_136 = tpu.vector_load %arg7[%swap3A_134, %swap3A_135] {strides = array<i32>} : memref<40x128xi32, #tpu.memory_space<vmem>>, vector<16xi32>,
      tpu.vector_store %arg7[%swap3A_134, %swap3A_135], %add3A_133 {strides = array<i32>} : memref<40x128xi32, #tpu.memory_space<vmem>>, vector<16xi32>,
      %get3A_137 = arith.index_cast %add3A_82 : i32 to index
      %get3A_138 = arith.constant 112 : index
      %get3A_139 = tpu.vector_load %arg7[%get3A_137, %get3A_138] {strides = array<i32>} : memref<40x128xi32, #tpu.memory_space<vmem>>, vector<16xi32>,
      %add3A_140 = vector.broadcast %mul3A_40 : i32 to vector<16xi32>
      %add3A_141 = arith.addi %get3A_139, %add3A_140 : vector<16xi32>
      %swap3A_142 = arith.index_cast %add3A_82 : i32 to index
      %swap3A_143 = arith.constant 112 : index
      %swap3A_144 = tpu.vector_load %arg7[%swap3A_142, %swap3A_143] {strides = array<i32>} : memref<40x128xi32, #tpu.memory_space<vmem>>, vector<16xi32>,
      tpu.vector_store %arg7[%swap3A_142, %swap3A_143], %add3A_141 {strides = array<i32>} : memref<40x128xi32, #tpu.memory_space<vmem>>, vector<16xi32>,
    }
    %scan3A_65 = arith.constant 40 : i32
    %scan3A_66 = arith.constant 0 : i32
    %scan3A_67 = arith.constant 20 : i32
    %scan3A_68 = arith.addi %scan3A_66, %scan3A_67 : i32
    %scan3A_69 = arith.constant 1 : i32
    scf.for %scan3A_78 = %scan3A_66 to %scan3A_68 step %scan3A_69  : i32 {
      %mul3A_79 = arith.constant 2 : i32
      %mul3A_80 = arith.muli %scan3A_78, %mul3A_79 : i32
      %add3A_81 = arith.constant 0 : i32
      %add3A_82 = arith.addi %add3A_81, %mul3A_80 : i32
      %dma_start3A = arith.constant 0 : i32
      %dma_start3A_83 = tpu.memref_slice %arg7[%add3A_82, %dma_start3A] : memref<40x128xi32, #tpu.memory_space<vmem>> -> memref<1x128xi32, #tpu.memory_space<vmem>>
      %dma_start3A_84 = tpu.memref_squeeze %dma_start3A_83 : memref<1x128xi32, #tpu.memory_space<vmem>> -> memref<128xi32, #tpu.memory_space<vmem>>
      %dma_start3A_85 = arith.constant 0 : i32
      %dma_start3A_86 = arith.constant 0 : i32
      %dma_start3A_87 = tpu.memref_slice %arg2[%dma_start3A_85, %dma_start3A_86] : memref<40960x128xf32, #tpu.memory_space<hbm>> -> memref<40960x128xf32, #tpu.memory_space<hbm>>
      tpu.enqueue_indirect_dma source(%dma_start3A_87 : memref<40960x128xf32, #tpu.memory_space<hbm>>) target(%arg9 : memref<128x128xf32, #tpu.memory_space<vmem>>) offsets(%dma_start3A_84 : memref<128xi32, #tpu.memory_space<vmem>>) semaphore(%arg11 : memref<!tpu.dma_semaphore, #tpu.memory_space<semaphore_mem>>)
      %add3A_88 = arith.constant 1 : i32
      %add3A_89 = arith.addi %add3A_82, %add3A_88 : i32
      %dma_start3A_90 = arith.constant 0 : i32
      %dma_start3A_91 = tpu.memref_slice %arg7[%add3A_89, %dma_start3A_90] : memref<40x128xi32, #tpu.memory_space<vmem>> -> memref<1x128xi32, #tpu.memory_space<vmem>>
      %dma_start3A_92 = tpu.memref_squeeze %dma_start3A_91 : memref<1x128xi32, #tpu.memory_space<vmem>> -> memref<128xi32, #tpu.memory_space<vmem>>
      %dma_start3A_93 = arith.constant 0 : i32
      %dma_start3A_94 = arith.constant 0 : i32
      %dma_start3A_95 = tpu.memref_slice %arg2[%dma_start3A_93, %dma_start3A_94] : memref<40960x128xf32, #tpu.memory_space<hbm>> -> memref<40960x128xf32, #tpu.memory_space<hbm>>
      tpu.enqueue_indirect_dma source(%dma_start3A_95 : memref<40960x128xf32, #tpu.memory_space<hbm>>) target(%arg10 : memref<128x128xf32, #tpu.memory_space<vmem>>) offsets(%dma_start3A_92 : memref<128xi32, #tpu.memory_space<vmem>>) semaphore(%arg12 : memref<!tpu.dma_semaphore, #tpu.memory_space<semaphore_mem>>)
      %dma_wait3A = arith.constant 0 : i32
      %dma_wait3A_96 = tpu.memref_slice %arg7[%add3A_82, %dma_wait3A] : memref<40x128xi32, #tpu.memory_space<vmem>> -> memref<1x128xi32, #tpu.memory_space<vmem>>
      %dma_wait3A_97 = tpu.memref_squeeze %dma_wait3A_96 : memref<1x128xi32, #tpu.memory_space<vmem>> -> memref<128xi32, #tpu.memory_space<vmem>>
      %dma_wait3A_98 = arith.constant 0 : i32
      %dma_wait3A_99 = arith.constant 0 : i32
      %dma_wait3A_100 = tpu.memref_slice %arg2[%dma_wait3A_98, %dma_wait3A_99] : memref<40960x128xf32, #tpu.memory_space<hbm>> -> memref<40960x128xf32, #tpu.memory_space<hbm>>
      tpu.wait_indirect_dma semaphore(%arg11 : memref<!tpu.dma_semaphore, #tpu.memory_space<semaphore_mem>>) src(%dma_wait3A_100 : memref<40960x128xf32, #tpu.memory_space<hbm>>) dst(%arg9 : memref<128x128xf32, #tpu.memory_space<vmem>>)
      %dma_start3A_101 = arith.constant 0 : i32
      %dma_start3A_102 = tpu.memref_slice %arg8[%add3A_82, %dma_start3A_101] : memref<40x128xi32, #tpu.memory_space<vmem>> -> memref<1x128xi32, #tpu.memory_space<vmem>>
      %dma_start3A_103 = tpu.memref_squeeze %dma_start3A_102 : memref<1x128xi32, #tpu.memory_space<vmem>> -> memref<128xi32, #tpu.memory_space<vmem>>
      %dma_start3A_104 = arith.constant 0 : i32
      %dma_start3A_105 = arith.constant 0 : i32
      %dma_start3A_106 = tpu.memref_slice %arg6[%dma_start3A_104, %dma_start3A_105] : memref<10240x128xf32, #tpu.memory_space<vmem_shared>> -> memref<10240x128xf32, #tpu.memory_space<vmem_shared>>
      tpu.enqueue_indirect_dma source(%arg9 : memref<128x128xf32, #tpu.memory_space<vmem>>) target(%dma_start3A_106 : memref<10240x128xf32, #tpu.memory_space<vmem_shared>>) offsets(%dma_start3A_103 : memref<128xi32, #tpu.memory_space<vmem>>) semaphore(%arg13 : memref<!tpu.dma_semaphore, #tpu.memory_space<semaphore_mem>>) {add = true}
      %dma_wait3A_107 = arith.constant 0 : i32
      %dma_wait3A_108 = tpu.memref_slice %arg7[%add3A_89, %dma_wait3A_107] : memref<40x128xi32, #tpu.memory_space<vmem>> -> memref<1x128xi32, #tpu.memory_space<vmem>>
      %dma_wait3A_109 = tpu.memref_squeeze %dma_wait3A_108 : memref<1x128xi32, #tpu.memory_space<vmem>> -> memref<128xi32, #tpu.memory_space<vmem>>
      %dma_wait3A_110 = arith.constant 0 : i32
      %dma_wait3A_111 = arith.constant 0 : i32
      %dma_wait3A_112 = tpu.memref_slice %arg2[%dma_wait3A_110, %dma_wait3A_111] : memref<40960x128xf32, #tpu.memory_space<hbm>> -> memref<40960x128xf32, #tpu.memory_space<hbm>>
      tpu.wait_indirect_dma semaphore(%arg12 : memref<!tpu.dma_semaphore, #tpu.memory_space<semaphore_mem>>) src(%dma_wait3A_112 : memref<40960x128xf32, #tpu.memory_space<hbm>>) dst(%arg10 : memref<128x128xf32, #tpu.memory_space<vmem>>)
      %add3A_113 = arith.constant 1 : i32
      %add3A_114 = arith.addi %add3A_82, %add3A_113 : i32
      %dma_start3A_115 = arith.constant 0 : i32
      %dma_start3A_116 = tpu.memref_slice %arg8[%add3A_114, %dma_start3A_115] : memref<40x128xi32, #tpu.memory_space<vmem>> -> memref<1x128xi32, #tpu.memory_space<vmem>>
      %dma_start3A_117 = tpu.memref_squeeze %dma_start3A_116 : memref<1x128xi32, #tpu.memory_space<vmem>> -> memref<128xi32, #tpu.memory_space<vmem>>
      %dma_start3A_118 = arith.constant 0 : i32
      %dma_start3A_119 = arith.constant 0 : i32
      %dma_start3A_120 = tpu.memref_slice %arg6[%dma_start3A_118, %dma_start3A_119] : memref<10240x128xf32, #tpu.memory_space<vmem_shared>> -> memref<10240x128xf32, #tpu.memory_space<vmem_shared>>
      tpu.enqueue_indirect_dma source(%arg10 : memref<128x128xf32, #tpu.memory_space<vmem>>) target(%dma_start3A_120 : memref<10240x128xf32, #tpu.memory_space<vmem_shared>>) offsets(%dma_start3A_117 : memref<128xi32, #tpu.memory_space<vmem>>) semaphore(%arg14 : memref<!tpu.dma_semaphore, #tpu.memory_space<semaphore_mem>>) {add = true}
      %dma_wait3A_121 = arith.constant 0 : i32
      %dma_wait3A_122 = tpu.memref_slice %arg8[%add3A_82, %dma_wait3A_121] : memref<40x128xi32, #tpu.memory_space<vmem>> -> memref<1x128xi32, #tpu.memory_space<vmem>>
      %dma_wait3A_123 = tpu.memref_squeeze %dma_wait3A_122 : memref<1x128xi32, #tpu.memory_space<vmem>> -> memref<128xi32, #tpu.memory_space<vmem>>
      %dma_wait3A_124 = arith.constant 0 : i32
      %dma_wait3A_125 = arith.constant 0 : i32
      %dma_wait3A_126 = tpu.memref_slice %arg6[%dma_wait3A_124, %dma_wait3A_125] : memref<10240x128xf32, #tpu.memory_space<vmem_shared>> -> memref<10240x128xf32, #tpu.memory_space<vmem_shared>>
      tpu.wait_indirect_dma semaphore(%arg13 : memref<!tpu.dma_semaphore, #tpu.memory_space<semaphore_mem>>) src(%arg9 : memref<128x128xf32, #tpu.memory_space<vmem>>) dst(%dma_wait3A_126 : memref<10240x128xf32, #tpu.memory_space<vmem_shared>>)
      %dma_wait3A_127 = arith.constant 0 : i32
      %dma_wait3A_128 = tpu.memref_slice %arg8[%add3A_114, %dma_wait3A_127] : memref<40x128xi32, #tpu.memory_space<vmem>> -> memref<1x128xi32, #tpu.memory_space<vmem>>
      %dma_wait3A_129 = tpu.memref_squeeze %dma_wait3A_128 : memref<1x128xi32, #tpu.memory_space<vmem>> -> memref<128xi32, #tpu.memory_space<vmem>>
      %dma_wait3A_130 = arith.constant 0 : i32
      %dma_wait3A_131 = arith.constant 0 : i32
      %dma_wait3A_132 = tpu.memref_slice %arg6[%dma_wait3A_130, %dma_wait3A_131] : memref<10240x128xf32, #tpu.memory_space<vmem_shared>> -> memref<10240x128xf32, #tpu.memory_space<vmem_shared>>
      tpu.wait_indirect_dma semaphore(%arg14 : memref<!tpu.dma_semaphore, #tpu.memory_space<semaphore_mem>>) src(%arg10 : memref<128x128xf32, #tpu.memory_space<vmem>>) dst(%dma_wait3A_132 : memref<10240x128xf32, #tpu.memory_space<vmem_shared>>)
    }
    %scan3A_70 = arith.constant 20 : i32
    %barrier3A_71 = arith.constant 0 : index
    tpu.barrier barrier_id(%barrier3A_71)
    %mul3A_72 = arith.constant 640 : i32
    %mul3A_73 = arith.muli %arg1, %mul3A_72 : i32
    %mul3A_74 = arith.constant 640 : i32
    %mul3A_75 = arith.muli %arg1, %mul3A_74 : i32
    %add3A_76 = arith.addi %mul3A_40, %mul3A_75 : i32
    "tpu.region"() ({
      %run_scoped3A = tpu.sem_alloc : memref<!tpu.dma_semaphore, #tpu.memory_space<semaphore_mem>>
      %dma_start3A = arith.constant 0 : i32
      %dma_start3A_78 = tpu.memref_slice %arg5[%add3A_76, %dma_start3A] : memref<40960x128xf32, #tpu.memory_space<hbm>> -> memref<640x128xf32, #tpu.memory_space<hbm>>
      %dma_start3A_79 = arith.constant 0 : i32
      %dma_start3A_80 = tpu.memref_slice %arg6[%mul3A_73, %dma_start3A_79] : memref<10240x128xf32, #tpu.memory_space<vmem_shared>> -> memref<640x128xf32, #tpu.memory_space<vmem_shared>>
      tpu.enqueue_dma source(%dma_start3A_80 : memref<640x128xf32, #tpu.memory_space<vmem_shared>>) target(%dma_start3A_78 : memref<640x128xf32, #tpu.memory_space<hbm>>) target_semaphore(%run_scoped3A : memref<!tpu.dma_semaphore, #tpu.memory_space<semaphore_mem>>)
      %dma_wait3A = arith.constant 0 : i32
      %dma_wait3A_81 = tpu.memref_slice %arg5[%add3A_76, %dma_wait3A] : memref<40960x128xf32, #tpu.memory_space<hbm>> -> memref<640x128xf32, #tpu.memory_space<hbm>>
      %dma_wait3A_82 = arith.constant 0 : i32
      %dma_wait3A_83 = tpu.memref_slice %arg6[%mul3A_73, %dma_wait3A_82] : memref<10240x128xf32, #tpu.memory_space<vmem_shared>> -> memref<640x128xf32, #tpu.memory_space<vmem_shared>>
      tpu.wait_dma2 semaphore(%run_scoped3A : memref<!tpu.dma_semaphore, #tpu.memory_space<semaphore_mem>>) src(%dma_wait3A_83 : memref<640x128xf32, #tpu.memory_space<vmem_shared>>) dst(%dma_wait3A_81 : memref<640x128xf32, #tpu.memory_space<hbm>>)
      tpu.yield
    }) : () -> ()
    %barrier3A_77 = arith.constant 0 : index
    tpu.barrier barrier_id(%barrier3A_77)
    return
  }
}

#map = affine_map<(d0, d1) -> (0, 0)>
#map1 = affine_map<(d0, d1) -> (0, 0, 0)>
module attributes {stable_mosaic.version = 14 : i64} {
  func.func @_sc_prop_body(%arg0: i32, %arg1: i32, %arg2: memref<40960x128xf32, #tpu.memory_space<hbm>>, %arg3: memref<32x40x128xi32, #tpu.memory_space<hbm>>, %arg4: memref<32x40x128xi32, #tpu.memory_space<hbm>>, %arg5: memref<40960x128xf32, #tpu.memory_space<hbm>>, %arg6: memref<10240x128xf32, #tpu.memory_space<vmem_shared>>, %arg7: memref<40x128xi32, #tpu.memory_space<vmem>>, %arg8: memref<40x128xi32, #tpu.memory_space<vmem>>, %arg9: memref<128x128xf32, #tpu.memory_space<vmem>>, %arg10: memref<128x128xf32, #tpu.memory_space<vmem>>, %arg11: memref<!tpu.dma_semaphore, #tpu.memory_space<semaphore_mem>>, %arg12: memref<!tpu.dma_semaphore, #tpu.memory_space<semaphore_mem>>, %arg13: memref<!tpu.dma_semaphore, #tpu.memory_space<semaphore_mem>>, %arg14: memref<!tpu.dma_semaphore, #tpu.memory_space<semaphore_mem>>) attributes {dimension_semantics = [#tpu.dimension_semantics<core_parallel>, #tpu.dimension_semantics<subcore_parallel>], iteration_bounds = array<i64: 2, 16>, scalar_prefetch = 0 : i64, scratch_operands = 9 : i64, tpu.core_type = #tpu.core_type<sc_vector_subcore>, window_params = [{transform_indices = #map}, {transform_indices = #map1}, {transform_indices = #map1}, {transform_indices = #map}]} {
    %add3A = arith.constant 0 : i32
    %add3A_0 = arith.addi %add3A, %arg0 : i32
    %mul3A = arith.constant 10240 : i32
    %mul3A_1 = arith.muli %add3A_0, %mul3A : i32
    %mul3A_2 = arith.constant 640 : i32
    %mul3A_3 = arith.muli %arg1, %mul3A_2 : i32
    %add3A_4 = arith.addi %mul3A_1, %mul3A_3 : i32
    %mul3A_5 = arith.constant 640 : i32
    %mul3A_6 = arith.muli %arg1, %mul3A_5 : i32
    "tpu.region"() ({
      %run_scoped3A = tpu.sem_alloc : memref<!tpu.dma_semaphore, #tpu.memory_space<semaphore_mem>>
      %dma_start3A = arith.constant 0 : i32
      %dma_start3A_78 = tpu.memref_slice %arg6[%mul3A_6, %dma_start3A] : memref<10240x128xf32, #tpu.memory_space<vmem_shared>> -> memref<640x128xf32, #tpu.memory_space<vmem_shared>>
      %dma_start3A_79 = arith.constant 0 : i32
      %dma_start3A_80 = tpu.memref_slice %arg2[%add3A_4, %dma_start3A_79] : memref<40960x128xf32, #tpu.memory_space<hbm>> -> memref<640x128xf32, #tpu.memory_space<hbm>>
      tpu.enqueue_dma source(%dma_start3A_80 : memref<640x128xf32, #tpu.memory_space<hbm>>) target(%dma_start3A_78 : memref<640x128xf32, #tpu.memory_space<vmem_shared>>) target_semaphore(%run_scoped3A : memref<!tpu.dma_semaphore, #tpu.memory_space<semaphore_mem>>)
      %dma_wait3A = arith.constant 0 : i32
      %dma_wait3A_81 = tpu.memref_slice %arg6[%mul3A_6, %dma_wait3A] : memref<10240x128xf32, #tpu.memory_space<vmem_shared>> -> memref<640x128xf32, #tpu.memory_space<vmem_shared>>
      %dma_wait3A_82 = arith.constant 0 : i32
      %dma_wait3A_83 = tpu.memref_slice %arg2[%add3A_4, %dma_wait3A_82] : memref<40960x128xf32, #tpu.memory_space<hbm>> -> memref<640x128xf32, #tpu.memory_space<hbm>>
      tpu.wait_dma2 semaphore(%run_scoped3A : memref<!tpu.dma_semaphore, #tpu.memory_space<semaphore_mem>>) src(%dma_wait3A_83 : memref<640x128xf32, #tpu.memory_space<hbm>>) dst(%dma_wait3A_81 : memref<640x128xf32, #tpu.memory_space<vmem_shared>>)
      tpu.yield
    }) : () -> ()
    %barrier3A = arith.constant 0 : index
    tpu.barrier barrier_id(%barrier3A)
    %add3A_7 = arith.constant 0 : i32
    %add3A_8 = arith.addi %arg1, %add3A_7 : i32
    "tpu.region"() ({
      %run_scoped3A = tpu.sem_alloc : memref<!tpu.dma_semaphore, #tpu.memory_space<semaphore_mem>>
      %dma_start3A = arith.constant 0 : i32
      %dma_start3A_78 = arith.constant 0 : i32
      %dma_start3A_79 = tpu.memref_slice %arg3[%add3A_8, %dma_start3A, %dma_start3A_78] : memref<32x40x128xi32, #tpu.memory_space<hbm>> -> memref<1x40x128xi32, #tpu.memory_space<hbm>>
      %dma_start3A_80 = tpu.memref_squeeze %dma_start3A_79 : memref<1x40x128xi32, #tpu.memory_space<hbm>> -> memref<40x128xi32, #tpu.memory_space<hbm>>
      %dma_start3A_81 = arith.constant 0 : i32
      %dma_start3A_82 = arith.constant 0 : i32
      %dma_start3A_83 = tpu.memref_slice %arg3[%add3A_8, %dma_start3A_81, %dma_start3A_82] : memref<32x40x128xi32, #tpu.memory_space<hbm>> -> memref<1x40x128xi32, #tpu.memory_space<hbm>>
      %dma_start3A_84 = tpu.memref_squeeze %dma_start3A_83 : memref<1x40x128xi32, #tpu.memory_space<hbm>> -> memref<40x128xi32, #tpu.memory_space<hbm>>
      tpu.enqueue_dma source(%dma_start3A_84 : memref<40x128xi32, #tpu.memory_space<hbm>>) target(%arg7 : memref<40x128xi32, #tpu.memory_space<vmem>>) target_semaphore(%run_scoped3A : memref<!tpu.dma_semaphore, #tpu.memory_space<semaphore_mem>>)
      %dma_wait3A = arith.constant 0 : i32
      %dma_wait3A_85 = arith.constant 0 : i32
      %dma_wait3A_86 = tpu.memref_slice %arg3[%add3A_8, %dma_wait3A, %dma_wait3A_85] : memref<32x40x128xi32, #tpu.memory_space<hbm>> -> memref<1x40x128xi32, #tpu.memory_space<hbm>>
      %dma_wait3A_87 = tpu.memref_squeeze %dma_wait3A_86 : memref<1x40x128xi32, #tpu.memory_space<hbm>> -> memref<40x128xi32, #tpu.memory_space<hbm>>
      %dma_wait3A_88 = arith.constant 0 : i32
      %dma_wait3A_89 = arith.constant 0 : i32
      %dma_wait3A_90 = tpu.memref_slice %arg3[%add3A_8, %dma_wait3A_88, %dma_wait3A_89] : memref<32x40x128xi32, #tpu.memory_space<hbm>> -> memref<1x40x128xi32, #tpu.memory_space<hbm>>
      %dma_wait3A_91 = tpu.memref_squeeze %dma_wait3A_90 : memref<1x40x128xi32, #tpu.memory_space<hbm>> -> memref<40x128xi32, #tpu.memory_space<hbm>>
      tpu.wait_dma2 semaphore(%run_scoped3A : memref<!tpu.dma_semaphore, #tpu.memory_space<semaphore_mem>>) src(%dma_wait3A_91 : memref<40x128xi32, #tpu.memory_space<hbm>>) dst(%arg7 : memref<40x128xi32, #tpu.memory_space<vmem>>)
      tpu.yield
    }) : () -> ()
    "tpu.region"() ({
      %run_scoped3A = tpu.sem_alloc : memref<!tpu.dma_semaphore, #tpu.memory_space<semaphore_mem>>
      %dma_start3A = arith.constant 0 : i32
      %dma_start3A_78 = arith.constant 0 : i32
      %dma_start3A_79 = tpu.memref_slice %arg4[%add3A_8, %dma_start3A, %dma_start3A_78] : memref<32x40x128xi32, #tpu.memory_space<hbm>> -> memref<1x40x128xi32, #tpu.memory_space<hbm>>
      %dma_start3A_80 = tpu.memref_squeeze %dma_start3A_79 : memref<1x40x128xi32, #tpu.memory_space<hbm>> -> memref<40x128xi32, #tpu.memory_space<hbm>>
      %dma_start3A_81 = arith.constant 0 : i32
      %dma_start3A_82 = arith.constant 0 : i32
      %dma_start3A_83 = tpu.memref_slice %arg4[%add3A_8, %dma_start3A_81, %dma_start3A_82] : memref<32x40x128xi32, #tpu.memory_space<hbm>> -> memref<1x40x128xi32, #tpu.memory_space<hbm>>
      %dma_start3A_84 = tpu.memref_squeeze %dma_start3A_83 : memref<1x40x128xi32, #tpu.memory_space<hbm>> -> memref<40x128xi32, #tpu.memory_space<hbm>>
      tpu.enqueue_dma source(%dma_start3A_84 : memref<40x128xi32, #tpu.memory_space<hbm>>) target(%arg8 : memref<40x128xi32, #tpu.memory_space<vmem>>) target_semaphore(%run_scoped3A : memref<!tpu.dma_semaphore, #tpu.memory_space<semaphore_mem>>)
      %dma_wait3A = arith.constant 0 : i32
      %dma_wait3A_85 = arith.constant 0 : i32
      %dma_wait3A_86 = tpu.memref_slice %arg4[%add3A_8, %dma_wait3A, %dma_wait3A_85] : memref<32x40x128xi32, #tpu.memory_space<hbm>> -> memref<1x40x128xi32, #tpu.memory_space<hbm>>
      %dma_wait3A_87 = tpu.memref_squeeze %dma_wait3A_86 : memref<1x40x128xi32, #tpu.memory_space<hbm>> -> memref<40x128xi32, #tpu.memory_space<hbm>>
      %dma_wait3A_88 = arith.constant 0 : i32
      %dma_wait3A_89 = arith.constant 0 : i32
      %dma_wait3A_90 = tpu.memref_slice %arg4[%add3A_8, %dma_wait3A_88, %dma_wait3A_89] : memref<32x40x128xi32, #tpu.memory_space<hbm>> -> memref<1x40x128xi32, #tpu.memory_space<hbm>>
      %dma_wait3A_91 = tpu.memref_squeeze %dma_wait3A_90 : memref<1x40x128xi32, #tpu.memory_space<hbm>> -> memref<40x128xi32, #tpu.memory_space<hbm>>
      tpu.wait_dma2 semaphore(%run_scoped3A : memref<!tpu.dma_semaphore, #tpu.memory_space<semaphore_mem>>) src(%dma_wait3A_91 : memref<40x128xi32, #tpu.memory_space<hbm>>) dst(%arg8 : memref<40x128xi32, #tpu.memory_space<vmem>>)
      tpu.yield
    }) : () -> ()
    %scan3A = arith.constant 0 : i32
    %scan3A_9 = arith.constant 40 : i32
    %scan3A_10 = arith.addi %scan3A, %scan3A_9 : i32
    %scan3A_11 = arith.constant 1 : i32
    scf.for %scan3A_78 = %scan3A to %scan3A_10 step %scan3A_11  : i32 {
      %mul3A_79 = arith.constant 1 : i32
      %mul3A_80 = arith.muli %scan3A_78, %mul3A_79 : i32
      %add3A_81 = arith.constant 0 : i32
      %add3A_82 = arith.addi %add3A_81, %mul3A_80 : i32
      %get3A = arith.index_cast %add3A_82 : i32 to index
      %get3A_83 = arith.constant 0 : index
      %get3A_84 = tpu.vector_load %arg7[%get3A, %get3A_83] {strides = array<i32>} : memref<40x128xi32, #tpu.memory_space<vmem>>, vector<16xi32>,
      %add3A_85 = vector.broadcast %mul3A_1 : i32 to vector<16xi32>
      %add3A_86 = arith.addi %get3A_84, %add3A_85 : vector<16xi32>
      %swap3A = arith.index_cast %add3A_82 : i32 to index
      %swap3A_87 = arith.constant 0 : index
      %swap3A_88 = tpu.vector_load %arg7[%swap3A, %swap3A_87] {strides = array<i32>} : memref<40x128xi32, #tpu.memory_space<vmem>>, vector<16xi32>,
      tpu.vector_store %arg7[%swap3A, %swap3A_87], %add3A_86 {strides = array<i32>} : memref<40x128xi32, #tpu.memory_space<vmem>>, vector<16xi32>,
      %get3A_89 = arith.index_cast %add3A_82 : i32 to index
      %get3A_90 = arith.constant 16 : index
      %get3A_91 = tpu.vector_load %arg7[%get3A_89, %get3A_90] {strides = array<i32>} : memref<40x128xi32, #tpu.memory_space<vmem>>, vector<16xi32>,
      %add3A_92 = vector.broadcast %mul3A_1 : i32 to vector<16xi32>
      %add3A_93 = arith.addi %get3A_91, %add3A_92 : vector<16xi32>
      %swap3A_94 = arith.index_cast %add3A_82 : i32 to index
      %swap3A_95 = arith.constant 16 : index
      %swap3A_96 = tpu.vector_load %arg7[%swap3A_94, %swap3A_95] {strides = array<i32>} : memref<40x128xi32, #tpu.memory_space<vmem>>, vector<16xi32>,
      tpu.vector_store %arg7[%swap3A_94, %swap3A_95], %add3A_93 {strides = array<i32>} : memref<40x128xi32, #tpu.memory_space<vmem>>, vector<16xi32>,
      %get3A_97 = arith.index_cast %add3A_82 : i32 to index
      %get3A_98 = arith.constant 32 : index
      %get3A_99 = tpu.vector_load %arg7[%get3A_97, %get3A_98] {strides = array<i32>} : memref<40x128xi32, #tpu.memory_space<vmem>>, vector<16xi32>,
      %add3A_100 = vector.broadcast %mul3A_1 : i32 to vector<16xi32>
      %add3A_101 = arith.addi %get3A_99, %add3A_100 : vector<16xi32>
      %swap3A_102 = arith.index_cast %add3A_82 : i32 to index
      %swap3A_103 = arith.constant 32 : index
      %swap3A_104 = tpu.vector_load %arg7[%swap3A_102, %swap3A_103] {strides = array<i32>} : memref<40x128xi32, #tpu.memory_space<vmem>>, vector<16xi32>,
      tpu.vector_store %arg7[%swap3A_102, %swap3A_103], %add3A_101 {strides = array<i32>} : memref<40x128xi32, #tpu.memory_space<vmem>>, vector<16xi32>,
      %get3A_105 = arith.index_cast %add3A_82 : i32 to index
      %get3A_106 = arith.constant 48 : index
      %get3A_107 = tpu.vector_load %arg7[%get3A_105, %get3A_106] {strides = array<i32>} : memref<40x128xi32, #tpu.memory_space<vmem>>, vector<16xi32>,
      %add3A_108 = vector.broadcast %mul3A_1 : i32 to vector<16xi32>
      %add3A_109 = arith.addi %get3A_107, %add3A_108 : vector<16xi32>
      %swap3A_110 = arith.index_cast %add3A_82 : i32 to index
      %swap3A_111 = arith.constant 48 : index
      %swap3A_112 = tpu.vector_load %arg7[%swap3A_110, %swap3A_111] {strides = array<i32>} : memref<40x128xi32, #tpu.memory_space<vmem>>, vector<16xi32>,
      tpu.vector_store %arg7[%swap3A_110, %swap3A_111], %add3A_109 {strides = array<i32>} : memref<40x128xi32, #tpu.memory_space<vmem>>, vector<16xi32>,
      %get3A_113 = arith.index_cast %add3A_82 : i32 to index
      %get3A_114 = arith.constant 64 : index
      %get3A_115 = tpu.vector_load %arg7[%get3A_113, %get3A_114] {strides = array<i32>} : memref<40x128xi32, #tpu.memory_space<vmem>>, vector<16xi32>,
      %add3A_116 = vector.broadcast %mul3A_1 : i32 to vector<16xi32>
      %add3A_117 = arith.addi %get3A_115, %add3A_116 : vector<16xi32>
      %swap3A_118 = arith.index_cast %add3A_82 : i32 to index
      %swap3A_119 = arith.constant 64 : index
      %swap3A_120 = tpu.vector_load %arg7[%swap3A_118, %swap3A_119] {strides = array<i32>} : memref<40x128xi32, #tpu.memory_space<vmem>>, vector<16xi32>,
      tpu.vector_store %arg7[%swap3A_118, %swap3A_119], %add3A_117 {strides = array<i32>} : memref<40x128xi32, #tpu.memory_space<vmem>>, vector<16xi32>,
      %get3A_121 = arith.index_cast %add3A_82 : i32 to index
      %get3A_122 = arith.constant 80 : index
      %get3A_123 = tpu.vector_load %arg7[%get3A_121, %get3A_122] {strides = array<i32>} : memref<40x128xi32, #tpu.memory_space<vmem>>, vector<16xi32>,
      %add3A_124 = vector.broadcast %mul3A_1 : i32 to vector<16xi32>
      %add3A_125 = arith.addi %get3A_123, %add3A_124 : vector<16xi32>
      %swap3A_126 = arith.index_cast %add3A_82 : i32 to index
      %swap3A_127 = arith.constant 80 : index
      %swap3A_128 = tpu.vector_load %arg7[%swap3A_126, %swap3A_127] {strides = array<i32>} : memref<40x128xi32, #tpu.memory_space<vmem>>, vector<16xi32>,
      tpu.vector_store %arg7[%swap3A_126, %swap3A_127], %add3A_125 {strides = array<i32>} : memref<40x128xi32, #tpu.memory_space<vmem>>, vector<16xi32>,
      %get3A_129 = arith.index_cast %add3A_82 : i32 to index
      %get3A_130 = arith.constant 96 : index
      %get3A_131 = tpu.vector_load %arg7[%get3A_129, %get3A_130] {strides = array<i32>} : memref<40x128xi32, #tpu.memory_space<vmem>>, vector<16xi32>,
      %add3A_132 = vector.broadcast %mul3A_1 : i32 to vector<16xi32>
      %add3A_133 = arith.addi %get3A_131, %add3A_132 : vector<16xi32>
      %swap3A_134 = arith.index_cast %add3A_82 : i32 to index
      %swap3A_135 = arith.constant 96 : index
      %swap3A_136 = tpu.vector_load %arg7[%swap3A_134, %swap3A_135] {strides = array<i32>} : memref<40x128xi32, #tpu.memory_space<vmem>>, vector<16xi32>,
      tpu.vector_store %arg7[%swap3A_134, %swap3A_135], %add3A_133 {strides = array<i32>} : memref<40x128xi32, #tpu.memory_space<vmem>>, vector<16xi32>,
      %get3A_137 = arith.index_cast %add3A_82 : i32 to index
      %get3A_138 = arith.constant 112 : index
      %get3A_139 = tpu.vector_load %arg7[%get3A_137, %get3A_138] {strides = array<i32>} : memref<40x128xi32, #tpu.memory_space<vmem>>, vector<16xi32>,
      %add3A_140 = vector.broadcast %mul3A_1 : i32 to vector<16xi32>
      %add3A_141 = arith.addi %get3A_139, %add3A_140 : vector<16xi32>
      %swap3A_142 = arith.index_cast %add3A_82 : i32 to index
      %swap3A_143 = arith.constant 112 : index
      %swap3A_144 = tpu.vector_load %arg7[%swap3A_142, %swap3A_143] {strides = array<i32>} : memref<40x128xi32, #tpu.memory_space<vmem>>, vector<16xi32>,
      tpu.vector_store %arg7[%swap3A_142, %swap3A_143], %add3A_141 {strides = array<i32>} : memref<40x128xi32, #tpu.memory_space<vmem>>, vector<16xi32>,
    }
    %scan3A_12 = arith.constant 40 : i32
    %scan3A_13 = arith.constant 0 : i32
    %scan3A_14 = arith.constant 20 : i32
    %scan3A_15 = arith.addi %scan3A_13, %scan3A_14 : i32
    %scan3A_16 = arith.constant 1 : i32
    scf.for %scan3A_78 = %scan3A_13 to %scan3A_15 step %scan3A_16  : i32 {
      %mul3A_79 = arith.constant 2 : i32
      %mul3A_80 = arith.muli %scan3A_78, %mul3A_79 : i32
      %add3A_81 = arith.constant 0 : i32
      %add3A_82 = arith.addi %add3A_81, %mul3A_80 : i32
      %dma_start3A = arith.constant 0 : i32
      %dma_start3A_83 = tpu.memref_slice %arg7[%add3A_82, %dma_start3A] : memref<40x128xi32, #tpu.memory_space<vmem>> -> memref<1x128xi32, #tpu.memory_space<vmem>>
      %dma_start3A_84 = tpu.memref_squeeze %dma_start3A_83 : memref<1x128xi32, #tpu.memory_space<vmem>> -> memref<128xi32, #tpu.memory_space<vmem>>
      %dma_start3A_85 = arith.constant 0 : i32
      %dma_start3A_86 = arith.constant 0 : i32
      %dma_start3A_87 = tpu.memref_slice %arg2[%dma_start3A_85, %dma_start3A_86] : memref<40960x128xf32, #tpu.memory_space<hbm>> -> memref<40960x128xf32, #tpu.memory_space<hbm>>
      tpu.enqueue_indirect_dma source(%dma_start3A_87 : memref<40960x128xf32, #tpu.memory_space<hbm>>) target(%arg9 : memref<128x128xf32, #tpu.memory_space<vmem>>) offsets(%dma_start3A_84 : memref<128xi32, #tpu.memory_space<vmem>>) semaphore(%arg11 : memref<!tpu.dma_semaphore, #tpu.memory_space<semaphore_mem>>)
      %add3A_88 = arith.constant 1 : i32
      %add3A_89 = arith.addi %add3A_82, %add3A_88 : i32
      %dma_start3A_90 = arith.constant 0 : i32
      %dma_start3A_91 = tpu.memref_slice %arg7[%add3A_89, %dma_start3A_90] : memref<40x128xi32, #tpu.memory_space<vmem>> -> memref<1x128xi32, #tpu.memory_space<vmem>>
      %dma_start3A_92 = tpu.memref_squeeze %dma_start3A_91 : memref<1x128xi32, #tpu.memory_space<vmem>> -> memref<128xi32, #tpu.memory_space<vmem>>
      %dma_start3A_93 = arith.constant 0 : i32
      %dma_start3A_94 = arith.constant 0 : i32
      %dma_start3A_95 = tpu.memref_slice %arg2[%dma_start3A_93, %dma_start3A_94] : memref<40960x128xf32, #tpu.memory_space<hbm>> -> memref<40960x128xf32, #tpu.memory_space<hbm>>
      tpu.enqueue_indirect_dma source(%dma_start3A_95 : memref<40960x128xf32, #tpu.memory_space<hbm>>) target(%arg10 : memref<128x128xf32, #tpu.memory_space<vmem>>) offsets(%dma_start3A_92 : memref<128xi32, #tpu.memory_space<vmem>>) semaphore(%arg12 : memref<!tpu.dma_semaphore, #tpu.memory_space<semaphore_mem>>)
      %dma_wait3A = arith.constant 0 : i32
      %dma_wait3A_96 = tpu.memref_slice %arg7[%add3A_82, %dma_wait3A] : memref<40x128xi32, #tpu.memory_space<vmem>> -> memref<1x128xi32, #tpu.memory_space<vmem>>
      %dma_wait3A_97 = tpu.memref_squeeze %dma_wait3A_96 : memref<1x128xi32, #tpu.memory_space<vmem>> -> memref<128xi32, #tpu.memory_space<vmem>>
      %dma_wait3A_98 = arith.constant 0 : i32
      %dma_wait3A_99 = arith.constant 0 : i32
      %dma_wait3A_100 = tpu.memref_slice %arg2[%dma_wait3A_98, %dma_wait3A_99] : memref<40960x128xf32, #tpu.memory_space<hbm>> -> memref<40960x128xf32, #tpu.memory_space<hbm>>
      tpu.wait_indirect_dma semaphore(%arg11 : memref<!tpu.dma_semaphore, #tpu.memory_space<semaphore_mem>>) src(%dma_wait3A_100 : memref<40960x128xf32, #tpu.memory_space<hbm>>) dst(%arg9 : memref<128x128xf32, #tpu.memory_space<vmem>>)
      %dma_start3A_101 = arith.constant 0 : i32
      %dma_start3A_102 = tpu.memref_slice %arg8[%add3A_82, %dma_start3A_101] : memref<40x128xi32, #tpu.memory_space<vmem>> -> memref<1x128xi32, #tpu.memory_space<vmem>>
      %dma_start3A_103 = tpu.memref_squeeze %dma_start3A_102 : memref<1x128xi32, #tpu.memory_space<vmem>> -> memref<128xi32, #tpu.memory_space<vmem>>
      %dma_start3A_104 = arith.constant 0 : i32
      %dma_start3A_105 = arith.constant 0 : i32
      %dma_start3A_106 = tpu.memref_slice %arg6[%dma_start3A_104, %dma_start3A_105] : memref<10240x128xf32, #tpu.memory_space<vmem_shared>> -> memref<10240x128xf32, #tpu.memory_space<vmem_shared>>
      tpu.enqueue_indirect_dma source(%arg9 : memref<128x128xf32, #tpu.memory_space<vmem>>) target(%dma_start3A_106 : memref<10240x128xf32, #tpu.memory_space<vmem_shared>>) offsets(%dma_start3A_103 : memref<128xi32, #tpu.memory_space<vmem>>) semaphore(%arg13 : memref<!tpu.dma_semaphore, #tpu.memory_space<semaphore_mem>>) {add = true}
      %dma_wait3A_107 = arith.constant 0 : i32
      %dma_wait3A_108 = tpu.memref_slice %arg7[%add3A_89, %dma_wait3A_107] : memref<40x128xi32, #tpu.memory_space<vmem>> -> memref<1x128xi32, #tpu.memory_space<vmem>>
      %dma_wait3A_109 = tpu.memref_squeeze %dma_wait3A_108 : memref<1x128xi32, #tpu.memory_space<vmem>> -> memref<128xi32, #tpu.memory_space<vmem>>
      %dma_wait3A_110 = arith.constant 0 : i32
      %dma_wait3A_111 = arith.constant 0 : i32
      %dma_wait3A_112 = tpu.memref_slice %arg2[%dma_wait3A_110, %dma_wait3A_111] : memref<40960x128xf32, #tpu.memory_space<hbm>> -> memref<40960x128xf32, #tpu.memory_space<hbm>>
      tpu.wait_indirect_dma semaphore(%arg12 : memref<!tpu.dma_semaphore, #tpu.memory_space<semaphore_mem>>) src(%dma_wait3A_112 : memref<40960x128xf32, #tpu.memory_space<hbm>>) dst(%arg10 : memref<128x128xf32, #tpu.memory_space<vmem>>)
      %add3A_113 = arith.constant 1 : i32
      %add3A_114 = arith.addi %add3A_82, %add3A_113 : i32
      %dma_start3A_115 = arith.constant 0 : i32
      %dma_start3A_116 = tpu.memref_slice %arg8[%add3A_114, %dma_start3A_115] : memref<40x128xi32, #tpu.memory_space<vmem>> -> memref<1x128xi32, #tpu.memory_space<vmem>>
      %dma_start3A_117 = tpu.memref_squeeze %dma_start3A_116 : memref<1x128xi32, #tpu.memory_space<vmem>> -> memref<128xi32, #tpu.memory_space<vmem>>
      %dma_start3A_118 = arith.constant 0 : i32
      %dma_start3A_119 = arith.constant 0 : i32
      %dma_start3A_120 = tpu.memref_slice %arg6[%dma_start3A_118, %dma_start3A_119] : memref<10240x128xf32, #tpu.memory_space<vmem_shared>> -> memref<10240x128xf32, #tpu.memory_space<vmem_shared>>
      tpu.enqueue_indirect_dma source(%arg10 : memref<128x128xf32, #tpu.memory_space<vmem>>) target(%dma_start3A_120 : memref<10240x128xf32, #tpu.memory_space<vmem_shared>>) offsets(%dma_start3A_117 : memref<128xi32, #tpu.memory_space<vmem>>) semaphore(%arg14 : memref<!tpu.dma_semaphore, #tpu.memory_space<semaphore_mem>>) {add = true}
      %dma_wait3A_121 = arith.constant 0 : i32
      %dma_wait3A_122 = tpu.memref_slice %arg8[%add3A_82, %dma_wait3A_121] : memref<40x128xi32, #tpu.memory_space<vmem>> -> memref<1x128xi32, #tpu.memory_space<vmem>>
      %dma_wait3A_123 = tpu.memref_squeeze %dma_wait3A_122 : memref<1x128xi32, #tpu.memory_space<vmem>> -> memref<128xi32, #tpu.memory_space<vmem>>
      %dma_wait3A_124 = arith.constant 0 : i32
      %dma_wait3A_125 = arith.constant 0 : i32
      %dma_wait3A_126 = tpu.memref_slice %arg6[%dma_wait3A_124, %dma_wait3A_125] : memref<10240x128xf32, #tpu.memory_space<vmem_shared>> -> memref<10240x128xf32, #tpu.memory_space<vmem_shared>>
      tpu.wait_indirect_dma semaphore(%arg13 : memref<!tpu.dma_semaphore, #tpu.memory_space<semaphore_mem>>) src(%arg9 : memref<128x128xf32, #tpu.memory_space<vmem>>) dst(%dma_wait3A_126 : memref<10240x128xf32, #tpu.memory_space<vmem_shared>>)
      %dma_wait3A_127 = arith.constant 0 : i32
      %dma_wait3A_128 = tpu.memref_slice %arg8[%add3A_114, %dma_wait3A_127] : memref<40x128xi32, #tpu.memory_space<vmem>> -> memref<1x128xi32, #tpu.memory_space<vmem>>
      %dma_wait3A_129 = tpu.memref_squeeze %dma_wait3A_128 : memref<1x128xi32, #tpu.memory_space<vmem>> -> memref<128xi32, #tpu.memory_space<vmem>>
      %dma_wait3A_130 = arith.constant 0 : i32
      %dma_wait3A_131 = arith.constant 0 : i32
      %dma_wait3A_132 = tpu.memref_slice %arg6[%dma_wait3A_130, %dma_wait3A_131] : memref<10240x128xf32, #tpu.memory_space<vmem_shared>> -> memref<10240x128xf32, #tpu.memory_space<vmem_shared>>
      tpu.wait_indirect_dma semaphore(%arg14 : memref<!tpu.dma_semaphore, #tpu.memory_space<semaphore_mem>>) src(%arg10 : memref<128x128xf32, #tpu.memory_space<vmem>>) dst(%dma_wait3A_132 : memref<10240x128xf32, #tpu.memory_space<vmem_shared>>)
    }
    %scan3A_17 = arith.constant 20 : i32
    %add3A_18 = arith.constant 16 : i32
    %add3A_19 = arith.addi %arg1, %add3A_18 : i32
    "tpu.region"() ({
      %run_scoped3A = tpu.sem_alloc : memref<!tpu.dma_semaphore, #tpu.memory_space<semaphore_mem>>
      %dma_start3A = arith.constant 0 : i32
      %dma_start3A_78 = arith.constant 0 : i32
      %dma_start3A_79 = tpu.memref_slice %arg3[%add3A_19, %dma_start3A, %dma_start3A_78] : memref<32x40x128xi32, #tpu.memory_space<hbm>> -> memref<1x40x128xi32, #tpu.memory_space<hbm>>
      %dma_start3A_80 = tpu.memref_squeeze %dma_start3A_79 : memref<1x40x128xi32, #tpu.memory_space<hbm>> -> memref<40x128xi32, #tpu.memory_space<hbm>>
      %dma_start3A_81 = arith.constant 0 : i32
      %dma_start3A_82 = arith.constant 0 : i32
      %dma_start3A_83 = tpu.memref_slice %arg3[%add3A_19, %dma_start3A_81, %dma_start3A_82] : memref<32x40x128xi32, #tpu.memory_space<hbm>> -> memref<1x40x128xi32, #tpu.memory_space<hbm>>
      %dma_start3A_84 = tpu.memref_squeeze %dma_start3A_83 : memref<1x40x128xi32, #tpu.memory_space<hbm>> -> memref<40x128xi32, #tpu.memory_space<hbm>>
      tpu.enqueue_dma source(%dma_start3A_84 : memref<40x128xi32, #tpu.memory_space<hbm>>) target(%arg7 : memref<40x128xi32, #tpu.memory_space<vmem>>) target_semaphore(%run_scoped3A : memref<!tpu.dma_semaphore, #tpu.memory_space<semaphore_mem>>)
      %dma_wait3A = arith.constant 0 : i32
      %dma_wait3A_85 = arith.constant 0 : i32
      %dma_wait3A_86 = tpu.memref_slice %arg3[%add3A_19, %dma_wait3A, %dma_wait3A_85] : memref<32x40x128xi32, #tpu.memory_space<hbm>> -> memref<1x40x128xi32, #tpu.memory_space<hbm>>
      %dma_wait3A_87 = tpu.memref_squeeze %dma_wait3A_86 : memref<1x40x128xi32, #tpu.memory_space<hbm>> -> memref<40x128xi32, #tpu.memory_space<hbm>>
      %dma_wait3A_88 = arith.constant 0 : i32
      %dma_wait3A_89 = arith.constant 0 : i32
      %dma_wait3A_90 = tpu.memref_slice %arg3[%add3A_19, %dma_wait3A_88, %dma_wait3A_89] : memref<32x40x128xi32, #tpu.memory_space<hbm>> -> memref<1x40x128xi32, #tpu.memory_space<hbm>>
      %dma_wait3A_91 = tpu.memref_squeeze %dma_wait3A_90 : memref<1x40x128xi32, #tpu.memory_space<hbm>> -> memref<40x128xi32, #tpu.memory_space<hbm>>
      tpu.wait_dma2 semaphore(%run_scoped3A : memref<!tpu.dma_semaphore, #tpu.memory_space<semaphore_mem>>) src(%dma_wait3A_91 : memref<40x128xi32, #tpu.memory_space<hbm>>) dst(%arg7 : memref<40x128xi32, #tpu.memory_space<vmem>>)
      tpu.yield
    }) : () -> ()
    "tpu.region"() ({
      %run_scoped3A = tpu.sem_alloc : memref<!tpu.dma_semaphore, #tpu.memory_space<semaphore_mem>>
      %dma_start3A = arith.constant 0 : i32
      %dma_start3A_78 = arith.constant 0 : i32
      %dma_start3A_79 = tpu.memref_slice %arg4[%add3A_19, %dma_start3A, %dma_start3A_78] : memref<32x40x128xi32, #tpu.memory_space<hbm>> -> memref<1x40x128xi32, #tpu.memory_space<hbm>>
      %dma_start3A_80 = tpu.memref_squeeze %dma_start3A_79 : memref<1x40x128xi32, #tpu.memory_space<hbm>> -> memref<40x128xi32, #tpu.memory_space<hbm>>
      %dma_start3A_81 = arith.constant 0 : i32
      %dma_start3A_82 = arith.constant 0 : i32
      %dma_start3A_83 = tpu.memref_slice %arg4[%add3A_19, %dma_start3A_81, %dma_start3A_82] : memref<32x40x128xi32, #tpu.memory_space<hbm>> -> memref<1x40x128xi32, #tpu.memory_space<hbm>>
      %dma_start3A_84 = tpu.memref_squeeze %dma_start3A_83 : memref<1x40x128xi32, #tpu.memory_space<hbm>> -> memref<40x128xi32, #tpu.memory_space<hbm>>
      tpu.enqueue_dma source(%dma_start3A_84 : memref<40x128xi32, #tpu.memory_space<hbm>>) target(%arg8 : memref<40x128xi32, #tpu.memory_space<vmem>>) target_semaphore(%run_scoped3A : memref<!tpu.dma_semaphore, #tpu.memory_space<semaphore_mem>>)
      %dma_wait3A = arith.constant 0 : i32
      %dma_wait3A_85 = arith.constant 0 : i32
      %dma_wait3A_86 = tpu.memref_slice %arg4[%add3A_19, %dma_wait3A, %dma_wait3A_85] : memref<32x40x128xi32, #tpu.memory_space<hbm>> -> memref<1x40x128xi32, #tpu.memory_space<hbm>>
      %dma_wait3A_87 = tpu.memref_squeeze %dma_wait3A_86 : memref<1x40x128xi32, #tpu.memory_space<hbm>> -> memref<40x128xi32, #tpu.memory_space<hbm>>
      %dma_wait3A_88 = arith.constant 0 : i32
      %dma_wait3A_89 = arith.constant 0 : i32
      %dma_wait3A_90 = tpu.memref_slice %arg4[%add3A_19, %dma_wait3A_88, %dma_wait3A_89] : memref<32x40x128xi32, #tpu.memory_space<hbm>> -> memref<1x40x128xi32, #tpu.memory_space<hbm>>
      %dma_wait3A_91 = tpu.memref_squeeze %dma_wait3A_90 : memref<1x40x128xi32, #tpu.memory_space<hbm>> -> memref<40x128xi32, #tpu.memory_space<hbm>>
      tpu.wait_dma2 semaphore(%run_scoped3A : memref<!tpu.dma_semaphore, #tpu.memory_space<semaphore_mem>>) src(%dma_wait3A_91 : memref<40x128xi32, #tpu.memory_space<hbm>>) dst(%arg8 : memref<40x128xi32, #tpu.memory_space<vmem>>)
      tpu.yield
    }) : () -> ()
    %scan3A_20 = arith.constant 0 : i32
    %scan3A_21 = arith.constant 40 : i32
    %scan3A_22 = arith.addi %scan3A_20, %scan3A_21 : i32
    %scan3A_23 = arith.constant 1 : i32
    scf.for %scan3A_78 = %scan3A_20 to %scan3A_22 step %scan3A_23  : i32 {
      %mul3A_79 = arith.constant 1 : i32
      %mul3A_80 = arith.muli %scan3A_78, %mul3A_79 : i32
      %add3A_81 = arith.constant 0 : i32
      %add3A_82 = arith.addi %add3A_81, %mul3A_80 : i32
      %get3A = arith.index_cast %add3A_82 : i32 to index
      %get3A_83 = arith.constant 0 : index
      %get3A_84 = tpu.vector_load %arg7[%get3A, %get3A_83] {strides = array<i32>} : memref<40x128xi32, #tpu.memory_space<vmem>>, vector<16xi32>,
      %add3A_85 = vector.broadcast %mul3A_1 : i32 to vector<16xi32>
      %add3A_86 = arith.addi %get3A_84, %add3A_85 : vector<16xi32>
      %swap3A = arith.index_cast %add3A_82 : i32 to index
      %swap3A_87 = arith.constant 0 : index
      %swap3A_88 = tpu.vector_load %arg7[%swap3A, %swap3A_87] {strides = array<i32>} : memref<40x128xi32, #tpu.memory_space<vmem>>, vector<16xi32>,
      tpu.vector_store %arg7[%swap3A, %swap3A_87], %add3A_86 {strides = array<i32>} : memref<40x128xi32, #tpu.memory_space<vmem>>, vector<16xi32>,
      %get3A_89 = arith.index_cast %add3A_82 : i32 to index
      %get3A_90 = arith.constant 16 : index
      %get3A_91 = tpu.vector_load %arg7[%get3A_89, %get3A_90] {strides = array<i32>} : memref<40x128xi32, #tpu.memory_space<vmem>>, vector<16xi32>,
      %add3A_92 = vector.broadcast %mul3A_1 : i32 to vector<16xi32>
      %add3A_93 = arith.addi %get3A_91, %add3A_92 : vector<16xi32>
      %swap3A_94 = arith.index_cast %add3A_82 : i32 to index
      %swap3A_95 = arith.constant 16 : index
      %swap3A_96 = tpu.vector_load %arg7[%swap3A_94, %swap3A_95] {strides = array<i32>} : memref<40x128xi32, #tpu.memory_space<vmem>>, vector<16xi32>,
      tpu.vector_store %arg7[%swap3A_94, %swap3A_95], %add3A_93 {strides = array<i32>} : memref<40x128xi32, #tpu.memory_space<vmem>>, vector<16xi32>,
      %get3A_97 = arith.index_cast %add3A_82 : i32 to index
      %get3A_98 = arith.constant 32 : index
      %get3A_99 = tpu.vector_load %arg7[%get3A_97, %get3A_98] {strides = array<i32>} : memref<40x128xi32, #tpu.memory_space<vmem>>, vector<16xi32>,
      %add3A_100 = vector.broadcast %mul3A_1 : i32 to vector<16xi32>
      %add3A_101 = arith.addi %get3A_99, %add3A_100 : vector<16xi32>
      %swap3A_102 = arith.index_cast %add3A_82 : i32 to index
      %swap3A_103 = arith.constant 32 : index
      %swap3A_104 = tpu.vector_load %arg7[%swap3A_102, %swap3A_103] {strides = array<i32>} : memref<40x128xi32, #tpu.memory_space<vmem>>, vector<16xi32>,
      tpu.vector_store %arg7[%swap3A_102, %swap3A_103], %add3A_101 {strides = array<i32>} : memref<40x128xi32, #tpu.memory_space<vmem>>, vector<16xi32>,
      %get3A_105 = arith.index_cast %add3A_82 : i32 to index
      %get3A_106 = arith.constant 48 : index
      %get3A_107 = tpu.vector_load %arg7[%get3A_105, %get3A_106] {strides = array<i32>} : memref<40x128xi32, #tpu.memory_space<vmem>>, vector<16xi32>,
      %add3A_108 = vector.broadcast %mul3A_1 : i32 to vector<16xi32>
      %add3A_109 = arith.addi %get3A_107, %add3A_108 : vector<16xi32>
      %swap3A_110 = arith.index_cast %add3A_82 : i32 to index
      %swap3A_111 = arith.constant 48 : index
      %swap3A_112 = tpu.vector_load %arg7[%swap3A_110, %swap3A_111] {strides = array<i32>} : memref<40x128xi32, #tpu.memory_space<vmem>>, vector<16xi32>,
      tpu.vector_store %arg7[%swap3A_110, %swap3A_111], %add3A_109 {strides = array<i32>} : memref<40x128xi32, #tpu.memory_space<vmem>>, vector<16xi32>,
      %get3A_113 = arith.index_cast %add3A_82 : i32 to index
      %get3A_114 = arith.constant 64 : index
      %get3A_115 = tpu.vector_load %arg7[%get3A_113, %get3A_114] {strides = array<i32>} : memref<40x128xi32, #tpu.memory_space<vmem>>, vector<16xi32>,
      %add3A_116 = vector.broadcast %mul3A_1 : i32 to vector<16xi32>
      %add3A_117 = arith.addi %get3A_115, %add3A_116 : vector<16xi32>
      %swap3A_118 = arith.index_cast %add3A_82 : i32 to index
      %swap3A_119 = arith.constant 64 : index
      %swap3A_120 = tpu.vector_load %arg7[%swap3A_118, %swap3A_119] {strides = array<i32>} : memref<40x128xi32, #tpu.memory_space<vmem>>, vector<16xi32>,
      tpu.vector_store %arg7[%swap3A_118, %swap3A_119], %add3A_117 {strides = array<i32>} : memref<40x128xi32, #tpu.memory_space<vmem>>, vector<16xi32>,
      %get3A_121 = arith.index_cast %add3A_82 : i32 to index
      %get3A_122 = arith.constant 80 : index
      %get3A_123 = tpu.vector_load %arg7[%get3A_121, %get3A_122] {strides = array<i32>} : memref<40x128xi32, #tpu.memory_space<vmem>>, vector<16xi32>,
      %add3A_124 = vector.broadcast %mul3A_1 : i32 to vector<16xi32>
      %add3A_125 = arith.addi %get3A_123, %add3A_124 : vector<16xi32>
      %swap3A_126 = arith.index_cast %add3A_82 : i32 to index
      %swap3A_127 = arith.constant 80 : index
      %swap3A_128 = tpu.vector_load %arg7[%swap3A_126, %swap3A_127] {strides = array<i32>} : memref<40x128xi32, #tpu.memory_space<vmem>>, vector<16xi32>,
      tpu.vector_store %arg7[%swap3A_126, %swap3A_127], %add3A_125 {strides = array<i32>} : memref<40x128xi32, #tpu.memory_space<vmem>>, vector<16xi32>,
      %get3A_129 = arith.index_cast %add3A_82 : i32 to index
      %get3A_130 = arith.constant 96 : index
      %get3A_131 = tpu.vector_load %arg7[%get3A_129, %get3A_130] {strides = array<i32>} : memref<40x128xi32, #tpu.memory_space<vmem>>, vector<16xi32>,
      %add3A_132 = vector.broadcast %mul3A_1 : i32 to vector<16xi32>
      %add3A_133 = arith.addi %get3A_131, %add3A_132 : vector<16xi32>
      %swap3A_134 = arith.index_cast %add3A_82 : i32 to index
      %swap3A_135 = arith.constant 96 : index
      %swap3A_136 = tpu.vector_load %arg7[%swap3A_134, %swap3A_135] {strides = array<i32>} : memref<40x128xi32, #tpu.memory_space<vmem>>, vector<16xi32>,
      tpu.vector_store %arg7[%swap3A_134, %swap3A_135], %add3A_133 {strides = array<i32>} : memref<40x128xi32, #tpu.memory_space<vmem>>, vector<16xi32>,
      %get3A_137 = arith.index_cast %add3A_82 : i32 to index
      %get3A_138 = arith.constant 112 : index
      %get3A_139 = tpu.vector_load %arg7[%get3A_137, %get3A_138] {strides = array<i32>} : memref<40x128xi32, #tpu.memory_space<vmem>>, vector<16xi32>,
      %add3A_140 = vector.broadcast %mul3A_1 : i32 to vector<16xi32>
      %add3A_141 = arith.addi %get3A_139, %add3A_140 : vector<16xi32>
      %swap3A_142 = arith.index_cast %add3A_82 : i32 to index
      %swap3A_143 = arith.constant 112 : index
      %swap3A_144 = tpu.vector_load %arg7[%swap3A_142, %swap3A_143] {strides = array<i32>} : memref<40x128xi32, #tpu.memory_space<vmem>>, vector<16xi32>,
      tpu.vector_store %arg7[%swap3A_142, %swap3A_143], %add3A_141 {strides = array<i32>} : memref<40x128xi32, #tpu.memory_space<vmem>>, vector<16xi32>,
    }
    %scan3A_24 = arith.constant 40 : i32
    %scan3A_25 = arith.constant 0 : i32
    %scan3A_26 = arith.constant 20 : i32
    %scan3A_27 = arith.addi %scan3A_25, %scan3A_26 : i32
    %scan3A_28 = arith.constant 1 : i32
    scf.for %scan3A_78 = %scan3A_25 to %scan3A_27 step %scan3A_28  : i32 {
      %mul3A_79 = arith.constant 2 : i32
      %mul3A_80 = arith.muli %scan3A_78, %mul3A_79 : i32
      %add3A_81 = arith.constant 0 : i32
      %add3A_82 = arith.addi %add3A_81, %mul3A_80 : i32
      %dma_start3A = arith.constant 0 : i32
      %dma_start3A_83 = tpu.memref_slice %arg7[%add3A_82, %dma_start3A] : memref<40x128xi32, #tpu.memory_space<vmem>> -> memref<1x128xi32, #tpu.memory_space<vmem>>
      %dma_start3A_84 = tpu.memref_squeeze %dma_start3A_83 : memref<1x128xi32, #tpu.memory_space<vmem>> -> memref<128xi32, #tpu.memory_space<vmem>>
      %dma_start3A_85 = arith.constant 0 : i32
      %dma_start3A_86 = arith.constant 0 : i32
      %dma_start3A_87 = tpu.memref_slice %arg2[%dma_start3A_85, %dma_start3A_86] : memref<40960x128xf32, #tpu.memory_space<hbm>> -> memref<40960x128xf32, #tpu.memory_space<hbm>>
      tpu.enqueue_indirect_dma source(%dma_start3A_87 : memref<40960x128xf32, #tpu.memory_space<hbm>>) target(%arg9 : memref<128x128xf32, #tpu.memory_space<vmem>>) offsets(%dma_start3A_84 : memref<128xi32, #tpu.memory_space<vmem>>) semaphore(%arg11 : memref<!tpu.dma_semaphore, #tpu.memory_space<semaphore_mem>>)
      %add3A_88 = arith.constant 1 : i32
      %add3A_89 = arith.addi %add3A_82, %add3A_88 : i32
      %dma_start3A_90 = arith.constant 0 : i32
      %dma_start3A_91 = tpu.memref_slice %arg7[%add3A_89, %dma_start3A_90] : memref<40x128xi32, #tpu.memory_space<vmem>> -> memref<1x128xi32, #tpu.memory_space<vmem>>
      %dma_start3A_92 = tpu.memref_squeeze %dma_start3A_91 : memref<1x128xi32, #tpu.memory_space<vmem>> -> memref<128xi32, #tpu.memory_space<vmem>>
      %dma_start3A_93 = arith.constant 0 : i32
      %dma_start3A_94 = arith.constant 0 : i32
      %dma_start3A_95 = tpu.memref_slice %arg2[%dma_start3A_93, %dma_start3A_94] : memref<40960x128xf32, #tpu.memory_space<hbm>> -> memref<40960x128xf32, #tpu.memory_space<hbm>>
      tpu.enqueue_indirect_dma source(%dma_start3A_95 : memref<40960x128xf32, #tpu.memory_space<hbm>>) target(%arg10 : memref<128x128xf32, #tpu.memory_space<vmem>>) offsets(%dma_start3A_92 : memref<128xi32, #tpu.memory_space<vmem>>) semaphore(%arg12 : memref<!tpu.dma_semaphore, #tpu.memory_space<semaphore_mem>>)
      %dma_wait3A = arith.constant 0 : i32
      %dma_wait3A_96 = tpu.memref_slice %arg7[%add3A_82, %dma_wait3A] : memref<40x128xi32, #tpu.memory_space<vmem>> -> memref<1x128xi32, #tpu.memory_space<vmem>>
      %dma_wait3A_97 = tpu.memref_squeeze %dma_wait3A_96 : memref<1x128xi32, #tpu.memory_space<vmem>> -> memref<128xi32, #tpu.memory_space<vmem>>
      %dma_wait3A_98 = arith.constant 0 : i32
      %dma_wait3A_99 = arith.constant 0 : i32
      %dma_wait3A_100 = tpu.memref_slice %arg2[%dma_wait3A_98, %dma_wait3A_99] : memref<40960x128xf32, #tpu.memory_space<hbm>> -> memref<40960x128xf32, #tpu.memory_space<hbm>>
      tpu.wait_indirect_dma semaphore(%arg11 : memref<!tpu.dma_semaphore, #tpu.memory_space<semaphore_mem>>) src(%dma_wait3A_100 : memref<40960x128xf32, #tpu.memory_space<hbm>>) dst(%arg9 : memref<128x128xf32, #tpu.memory_space<vmem>>)
      %dma_start3A_101 = arith.constant 0 : i32
      %dma_start3A_102 = tpu.memref_slice %arg8[%add3A_82, %dma_start3A_101] : memref<40x128xi32, #tpu.memory_space<vmem>> -> memref<1x128xi32, #tpu.memory_space<vmem>>
      %dma_start3A_103 = tpu.memref_squeeze %dma_start3A_102 : memref<1x128xi32, #tpu.memory_space<vmem>> -> memref<128xi32, #tpu.memory_space<vmem>>
      %dma_start3A_104 = arith.constant 0 : i32
      %dma_start3A_105 = arith.constant 0 : i32
      %dma_start3A_106 = tpu.memref_slice %arg6[%dma_start3A_104, %dma_start3A_105] : memref<10240x128xf32, #tpu.memory_space<vmem_shared>> -> memref<10240x128xf32, #tpu.memory_space<vmem_shared>>
      tpu.enqueue_indirect_dma source(%arg9 : memref<128x128xf32, #tpu.memory_space<vmem>>) target(%dma_start3A_106 : memref<10240x128xf32, #tpu.memory_space<vmem_shared>>) offsets(%dma_start3A_103 : memref<128xi32, #tpu.memory_space<vmem>>) semaphore(%arg13 : memref<!tpu.dma_semaphore, #tpu.memory_space<semaphore_mem>>) {add = true}
      %dma_wait3A_107 = arith.constant 0 : i32
      %dma_wait3A_108 = tpu.memref_slice %arg7[%add3A_89, %dma_wait3A_107] : memref<40x128xi32, #tpu.memory_space<vmem>> -> memref<1x128xi32, #tpu.memory_space<vmem>>
      %dma_wait3A_109 = tpu.memref_squeeze %dma_wait3A_108 : memref<1x128xi32, #tpu.memory_space<vmem>> -> memref<128xi32, #tpu.memory_space<vmem>>
      %dma_wait3A_110 = arith.constant 0 : i32
      %dma_wait3A_111 = arith.constant 0 : i32
      %dma_wait3A_112 = tpu.memref_slice %arg2[%dma_wait3A_110, %dma_wait3A_111] : memref<40960x128xf32, #tpu.memory_space<hbm>> -> memref<40960x128xf32, #tpu.memory_space<hbm>>
      tpu.wait_indirect_dma semaphore(%arg12 : memref<!tpu.dma_semaphore, #tpu.memory_space<semaphore_mem>>) src(%dma_wait3A_112 : memref<40960x128xf32, #tpu.memory_space<hbm>>) dst(%arg10 : memref<128x128xf32, #tpu.memory_space<vmem>>)
      %add3A_113 = arith.constant 1 : i32
      %add3A_114 = arith.addi %add3A_82, %add3A_113 : i32
      %dma_start3A_115 = arith.constant 0 : i32
      %dma_start3A_116 = tpu.memref_slice %arg8[%add3A_114, %dma_start3A_115] : memref<40x128xi32, #tpu.memory_space<vmem>> -> memref<1x128xi32, #tpu.memory_space<vmem>>
      %dma_start3A_117 = tpu.memref_squeeze %dma_start3A_116 : memref<1x128xi32, #tpu.memory_space<vmem>> -> memref<128xi32, #tpu.memory_space<vmem>>
      %dma_start3A_118 = arith.constant 0 : i32
      %dma_start3A_119 = arith.constant 0 : i32
      %dma_start3A_120 = tpu.memref_slice %arg6[%dma_start3A_118, %dma_start3A_119] : memref<10240x128xf32, #tpu.memory_space<vmem_shared>> -> memref<10240x128xf32, #tpu.memory_space<vmem_shared>>
      tpu.enqueue_indirect_dma source(%arg10 : memref<128x128xf32, #tpu.memory_space<vmem>>) target(%dma_start3A_120 : memref<10240x128xf32, #tpu.memory_space<vmem_shared>>) offsets(%dma_start3A_117 : memref<128xi32, #tpu.memory_space<vmem>>) semaphore(%arg14 : memref<!tpu.dma_semaphore, #tpu.memory_space<semaphore_mem>>) {add = true}
      %dma_wait3A_121 = arith.constant 0 : i32
      %dma_wait3A_122 = tpu.memref_slice %arg8[%add3A_82, %dma_wait3A_121] : memref<40x128xi32, #tpu.memory_space<vmem>> -> memref<1x128xi32, #tpu.memory_space<vmem>>
      %dma_wait3A_123 = tpu.memref_squeeze %dma_wait3A_122 : memref<1x128xi32, #tpu.memory_space<vmem>> -> memref<128xi32, #tpu.memory_space<vmem>>
      %dma_wait3A_124 = arith.constant 0 : i32
      %dma_wait3A_125 = arith.constant 0 : i32
      %dma_wait3A_126 = tpu.memref_slice %arg6[%dma_wait3A_124, %dma_wait3A_125] : memref<10240x128xf32, #tpu.memory_space<vmem_shared>> -> memref<10240x128xf32, #tpu.memory_space<vmem_shared>>
      tpu.wait_indirect_dma semaphore(%arg13 : memref<!tpu.dma_semaphore, #tpu.memory_space<semaphore_mem>>) src(%arg9 : memref<128x128xf32, #tpu.memory_space<vmem>>) dst(%dma_wait3A_126 : memref<10240x128xf32, #tpu.memory_space<vmem_shared>>)
      %dma_wait3A_127 = arith.constant 0 : i32
      %dma_wait3A_128 = tpu.memref_slice %arg8[%add3A_114, %dma_wait3A_127] : memref<40x128xi32, #tpu.memory_space<vmem>> -> memref<1x128xi32, #tpu.memory_space<vmem>>
      %dma_wait3A_129 = tpu.memref_squeeze %dma_wait3A_128 : memref<1x128xi32, #tpu.memory_space<vmem>> -> memref<128xi32, #tpu.memory_space<vmem>>
      %dma_wait3A_130 = arith.constant 0 : i32
      %dma_wait3A_131 = arith.constant 0 : i32
      %dma_wait3A_132 = tpu.memref_slice %arg6[%dma_wait3A_130, %dma_wait3A_131] : memref<10240x128xf32, #tpu.memory_space<vmem_shared>> -> memref<10240x128xf32, #tpu.memory_space<vmem_shared>>
      tpu.wait_indirect_dma semaphore(%arg14 : memref<!tpu.dma_semaphore, #tpu.memory_space<semaphore_mem>>) src(%arg10 : memref<128x128xf32, #tpu.memory_space<vmem>>) dst(%dma_wait3A_132 : memref<10240x128xf32, #tpu.memory_space<vmem_shared>>)
    }
    %scan3A_29 = arith.constant 20 : i32
    %barrier3A_30 = arith.constant 0 : index
    tpu.barrier barrier_id(%barrier3A_30)
    %mul3A_31 = arith.constant 640 : i32
    %mul3A_32 = arith.muli %arg1, %mul3A_31 : i32
    %mul3A_33 = arith.constant 640 : i32
    %mul3A_34 = arith.muli %arg1, %mul3A_33 : i32
    %add3A_35 = arith.addi %mul3A_1, %mul3A_34 : i32
    "tpu.region"() ({
      %run_scoped3A = tpu.sem_alloc : memref<!tpu.dma_semaphore, #tpu.memory_space<semaphore_mem>>
      %dma_start3A = arith.constant 0 : i32
      %dma_start3A_78 = tpu.memref_slice %arg5[%add3A_35, %dma_start3A] : memref<40960x128xf32, #tpu.memory_space<hbm>> -> memref<640x128xf32, #tpu.memory_space<hbm>>
      %dma_start3A_79 = arith.constant 0 : i32
      %dma_start3A_80 = tpu.memref_slice %arg6[%mul3A_32, %dma_start3A_79] : memref<10240x128xf32, #tpu.memory_space<vmem_shared>> -> memref<640x128xf32, #tpu.memory_space<vmem_shared>>
      tpu.enqueue_dma source(%dma_start3A_80 : memref<640x128xf32, #tpu.memory_space<vmem_shared>>) target(%dma_start3A_78 : memref<640x128xf32, #tpu.memory_space<hbm>>) target_semaphore(%run_scoped3A : memref<!tpu.dma_semaphore, #tpu.memory_space<semaphore_mem>>)
      %dma_wait3A = arith.constant 0 : i32
      %dma_wait3A_81 = tpu.memref_slice %arg5[%add3A_35, %dma_wait3A] : memref<40960x128xf32, #tpu.memory_space<hbm>> -> memref<640x128xf32, #tpu.memory_space<hbm>>
      %dma_wait3A_82 = arith.constant 0 : i32
      %dma_wait3A_83 = tpu.memref_slice %arg6[%mul3A_32, %dma_wait3A_82] : memref<10240x128xf32, #tpu.memory_space<vmem_shared>> -> memref<640x128xf32, #tpu.memory_space<vmem_shared>>
      tpu.wait_dma2 semaphore(%run_scoped3A : memref<!tpu.dma_semaphore, #tpu.memory_space<semaphore_mem>>) src(%dma_wait3A_83 : memref<640x128xf32, #tpu.memory_space<vmem_shared>>) dst(%dma_wait3A_81 : memref<640x128xf32, #tpu.memory_space<hbm>>)
      tpu.yield
    }) : () -> ()
    %barrier3A_36 = arith.constant 0 : index
    tpu.barrier barrier_id(%barrier3A_36)
    %add3A_37 = arith.constant 2 : i32
    %add3A_38 = arith.addi %add3A_37, %arg0 : i32
    %mul3A_39 = arith.constant 10240 : i32
    %mul3A_40 = arith.muli %add3A_38, %mul3A_39 : i32
    %mul3A_41 = arith.constant 640 : i32
    %mul3A_42 = arith.muli %arg1, %mul3A_41 : i32
    %add3A_43 = arith.addi %mul3A_40, %mul3A_42 : i32
    %mul3A_44 = arith.constant 640 : i32
    %mul3A_45 = arith.muli %arg1, %mul3A_44 : i32
    "tpu.region"() ({
      %run_scoped3A = tpu.sem_alloc : memref<!tpu.dma_semaphore, #tpu.memory_space<semaphore_mem>>
      %dma_start3A = arith.constant 0 : i32
      %dma_start3A_78 = tpu.memref_slice %arg6[%mul3A_45, %dma_start3A] : memref<10240x128xf32, #tpu.memory_space<vmem_shared>> -> memref<640x128xf32, #tpu.memory_space<vmem_shared>>
      %dma_start3A_79 = arith.constant 0 : i32
      %dma_start3A_80 = tpu.memref_slice %arg2[%add3A_43, %dma_start3A_79] : memref<40960x128xf32, #tpu.memory_space<hbm>> -> memref<640x128xf32, #tpu.memory_space<hbm>>
      tpu.enqueue_dma source(%dma_start3A_80 : memref<640x128xf32, #tpu.memory_space<hbm>>) target(%dma_start3A_78 : memref<640x128xf32, #tpu.memory_space<vmem_shared>>) target_semaphore(%run_scoped3A : memref<!tpu.dma_semaphore, #tpu.memory_space<semaphore_mem>>)
      %dma_wait3A = arith.constant 0 : i32
      %dma_wait3A_81 = tpu.memref_slice %arg6[%mul3A_45, %dma_wait3A] : memref<10240x128xf32, #tpu.memory_space<vmem_shared>> -> memref<640x128xf32, #tpu.memory_space<vmem_shared>>
      %dma_wait3A_82 = arith.constant 0 : i32
      %dma_wait3A_83 = tpu.memref_slice %arg2[%add3A_43, %dma_wait3A_82] : memref<40960x128xf32, #tpu.memory_space<hbm>> -> memref<640x128xf32, #tpu.memory_space<hbm>>
      tpu.wait_dma2 semaphore(%run_scoped3A : memref<!tpu.dma_semaphore, #tpu.memory_space<semaphore_mem>>) src(%dma_wait3A_83 : memref<640x128xf32, #tpu.memory_space<hbm>>) dst(%dma_wait3A_81 : memref<640x128xf32, #tpu.memory_space<vmem_shared>>)
      tpu.yield
    }) : () -> ()
    %barrier3A_46 = arith.constant 0 : index
    tpu.barrier barrier_id(%barrier3A_46)
    %add3A_47 = arith.constant 0 : i32
    %add3A_48 = arith.addi %arg1, %add3A_47 : i32
    "tpu.region"() ({
      %run_scoped3A = tpu.sem_alloc : memref<!tpu.dma_semaphore, #tpu.memory_space<semaphore_mem>>
      %dma_start3A = arith.constant 0 : i32
      %dma_start3A_78 = arith.constant 0 : i32
      %dma_start3A_79 = tpu.memref_slice %arg3[%add3A_48, %dma_start3A, %dma_start3A_78] : memref<32x40x128xi32, #tpu.memory_space<hbm>> -> memref<1x40x128xi32, #tpu.memory_space<hbm>>
      %dma_start3A_80 = tpu.memref_squeeze %dma_start3A_79 : memref<1x40x128xi32, #tpu.memory_space<hbm>> -> memref<40x128xi32, #tpu.memory_space<hbm>>
      %dma_start3A_81 = arith.constant 0 : i32
      %dma_start3A_82 = arith.constant 0 : i32
      %dma_start3A_83 = tpu.memref_slice %arg3[%add3A_48, %dma_start3A_81, %dma_start3A_82] : memref<32x40x128xi32, #tpu.memory_space<hbm>> -> memref<1x40x128xi32, #tpu.memory_space<hbm>>
      %dma_start3A_84 = tpu.memref_squeeze %dma_start3A_83 : memref<1x40x128xi32, #tpu.memory_space<hbm>> -> memref<40x128xi32, #tpu.memory_space<hbm>>
      tpu.enqueue_dma source(%dma_start3A_84 : memref<40x128xi32, #tpu.memory_space<hbm>>) target(%arg7 : memref<40x128xi32, #tpu.memory_space<vmem>>) target_semaphore(%run_scoped3A : memref<!tpu.dma_semaphore, #tpu.memory_space<semaphore_mem>>)
      %dma_wait3A = arith.constant 0 : i32
      %dma_wait3A_85 = arith.constant 0 : i32
      %dma_wait3A_86 = tpu.memref_slice %arg3[%add3A_48, %dma_wait3A, %dma_wait3A_85] : memref<32x40x128xi32, #tpu.memory_space<hbm>> -> memref<1x40x128xi32, #tpu.memory_space<hbm>>
      %dma_wait3A_87 = tpu.memref_squeeze %dma_wait3A_86 : memref<1x40x128xi32, #tpu.memory_space<hbm>> -> memref<40x128xi32, #tpu.memory_space<hbm>>
      %dma_wait3A_88 = arith.constant 0 : i32
      %dma_wait3A_89 = arith.constant 0 : i32
      %dma_wait3A_90 = tpu.memref_slice %arg3[%add3A_48, %dma_wait3A_88, %dma_wait3A_89] : memref<32x40x128xi32, #tpu.memory_space<hbm>> -> memref<1x40x128xi32, #tpu.memory_space<hbm>>
      %dma_wait3A_91 = tpu.memref_squeeze %dma_wait3A_90 : memref<1x40x128xi32, #tpu.memory_space<hbm>> -> memref<40x128xi32, #tpu.memory_space<hbm>>
      tpu.wait_dma2 semaphore(%run_scoped3A : memref<!tpu.dma_semaphore, #tpu.memory_space<semaphore_mem>>) src(%dma_wait3A_91 : memref<40x128xi32, #tpu.memory_space<hbm>>) dst(%arg7 : memref<40x128xi32, #tpu.memory_space<vmem>>)
      tpu.yield
    }) : () -> ()
    "tpu.region"() ({
      %run_scoped3A = tpu.sem_alloc : memref<!tpu.dma_semaphore, #tpu.memory_space<semaphore_mem>>
      %dma_start3A = arith.constant 0 : i32
      %dma_start3A_78 = arith.constant 0 : i32
      %dma_start3A_79 = tpu.memref_slice %arg4[%add3A_48, %dma_start3A, %dma_start3A_78] : memref<32x40x128xi32, #tpu.memory_space<hbm>> -> memref<1x40x128xi32, #tpu.memory_space<hbm>>
      %dma_start3A_80 = tpu.memref_squeeze %dma_start3A_79 : memref<1x40x128xi32, #tpu.memory_space<hbm>> -> memref<40x128xi32, #tpu.memory_space<hbm>>
      %dma_start3A_81 = arith.constant 0 : i32
      %dma_start3A_82 = arith.constant 0 : i32
      %dma_start3A_83 = tpu.memref_slice %arg4[%add3A_48, %dma_start3A_81, %dma_start3A_82] : memref<32x40x128xi32, #tpu.memory_space<hbm>> -> memref<1x40x128xi32, #tpu.memory_space<hbm>>
      %dma_start3A_84 = tpu.memref_squeeze %dma_start3A_83 : memref<1x40x128xi32, #tpu.memory_space<hbm>> -> memref<40x128xi32, #tpu.memory_space<hbm>>
      tpu.enqueue_dma source(%dma_start3A_84 : memref<40x128xi32, #tpu.memory_space<hbm>>) target(%arg8 : memref<40x128xi32, #tpu.memory_space<vmem>>) target_semaphore(%run_scoped3A : memref<!tpu.dma_semaphore, #tpu.memory_space<semaphore_mem>>)
      %dma_wait3A = arith.constant 0 : i32
      %dma_wait3A_85 = arith.constant 0 : i32
      %dma_wait3A_86 = tpu.memref_slice %arg4[%add3A_48, %dma_wait3A, %dma_wait3A_85] : memref<32x40x128xi32, #tpu.memory_space<hbm>> -> memref<1x40x128xi32, #tpu.memory_space<hbm>>
      %dma_wait3A_87 = tpu.memref_squeeze %dma_wait3A_86 : memref<1x40x128xi32, #tpu.memory_space<hbm>> -> memref<40x128xi32, #tpu.memory_space<hbm>>
      %dma_wait3A_88 = arith.constant 0 : i32
      %dma_wait3A_89 = arith.constant 0 : i32
      %dma_wait3A_90 = tpu.memref_slice %arg4[%add3A_48, %dma_wait3A_88, %dma_wait3A_89] : memref<32x40x128xi32, #tpu.memory_space<hbm>> -> memref<1x40x128xi32, #tpu.memory_space<hbm>>
      %dma_wait3A_91 = tpu.memref_squeeze %dma_wait3A_90 : memref<1x40x128xi32, #tpu.memory_space<hbm>> -> memref<40x128xi32, #tpu.memory_space<hbm>>
      tpu.wait_dma2 semaphore(%run_scoped3A : memref<!tpu.dma_semaphore, #tpu.memory_space<semaphore_mem>>) src(%dma_wait3A_91 : memref<40x128xi32, #tpu.memory_space<hbm>>) dst(%arg8 : memref<40x128xi32, #tpu.memory_space<vmem>>)
      tpu.yield
    }) : () -> ()
    %scan3A_49 = arith.constant 0 : i32
    %scan3A_50 = arith.constant 40 : i32
    %scan3A_51 = arith.addi %scan3A_49, %scan3A_50 : i32
    %scan3A_52 = arith.constant 1 : i32
    scf.for %scan3A_78 = %scan3A_49 to %scan3A_51 step %scan3A_52  : i32 {
      %mul3A_79 = arith.constant 1 : i32
      %mul3A_80 = arith.muli %scan3A_78, %mul3A_79 : i32
      %add3A_81 = arith.constant 0 : i32
      %add3A_82 = arith.addi %add3A_81, %mul3A_80 : i32
      %get3A = arith.index_cast %add3A_82 : i32 to index
      %get3A_83 = arith.constant 0 : index
      %get3A_84 = tpu.vector_load %arg7[%get3A, %get3A_83] {strides = array<i32>} : memref<40x128xi32, #tpu.memory_space<vmem>>, vector<16xi32>,
      %add3A_85 = vector.broadcast %mul3A_40 : i32 to vector<16xi32>
      %add3A_86 = arith.addi %get3A_84, %add3A_85 : vector<16xi32>
      %swap3A = arith.index_cast %add3A_82 : i32 to index
      %swap3A_87 = arith.constant 0 : index
      %swap3A_88 = tpu.vector_load %arg7[%swap3A, %swap3A_87] {strides = array<i32>} : memref<40x128xi32, #tpu.memory_space<vmem>>, vector<16xi32>,
      tpu.vector_store %arg7[%swap3A, %swap3A_87], %add3A_86 {strides = array<i32>} : memref<40x128xi32, #tpu.memory_space<vmem>>, vector<16xi32>,
      %get3A_89 = arith.index_cast %add3A_82 : i32 to index
      %get3A_90 = arith.constant 16 : index
      %get3A_91 = tpu.vector_load %arg7[%get3A_89, %get3A_90] {strides = array<i32>} : memref<40x128xi32, #tpu.memory_space<vmem>>, vector<16xi32>,
      %add3A_92 = vector.broadcast %mul3A_40 : i32 to vector<16xi32>
      %add3A_93 = arith.addi %get3A_91, %add3A_92 : vector<16xi32>
      %swap3A_94 = arith.index_cast %add3A_82 : i32 to index
      %swap3A_95 = arith.constant 16 : index
      %swap3A_96 = tpu.vector_load %arg7[%swap3A_94, %swap3A_95] {strides = array<i32>} : memref<40x128xi32, #tpu.memory_space<vmem>>, vector<16xi32>,
      tpu.vector_store %arg7[%swap3A_94, %swap3A_95], %add3A_93 {strides = array<i32>} : memref<40x128xi32, #tpu.memory_space<vmem>>, vector<16xi32>,
      %get3A_97 = arith.index_cast %add3A_82 : i32 to index
      %get3A_98 = arith.constant 32 : index
      %get3A_99 = tpu.vector_load %arg7[%get3A_97, %get3A_98] {strides = array<i32>} : memref<40x128xi32, #tpu.memory_space<vmem>>, vector<16xi32>,
      %add3A_100 = vector.broadcast %mul3A_40 : i32 to vector<16xi32>
      %add3A_101 = arith.addi %get3A_99, %add3A_100 : vector<16xi32>
      %swap3A_102 = arith.index_cast %add3A_82 : i32 to index
      %swap3A_103 = arith.constant 32 : index
      %swap3A_104 = tpu.vector_load %arg7[%swap3A_102, %swap3A_103] {strides = array<i32>} : memref<40x128xi32, #tpu.memory_space<vmem>>, vector<16xi32>,
      tpu.vector_store %arg7[%swap3A_102, %swap3A_103], %add3A_101 {strides = array<i32>} : memref<40x128xi32, #tpu.memory_space<vmem>>, vector<16xi32>,
      %get3A_105 = arith.index_cast %add3A_82 : i32 to index
      %get3A_106 = arith.constant 48 : index
      %get3A_107 = tpu.vector_load %arg7[%get3A_105, %get3A_106] {strides = array<i32>} : memref<40x128xi32, #tpu.memory_space<vmem>>, vector<16xi32>,
      %add3A_108 = vector.broadcast %mul3A_40 : i32 to vector<16xi32>
      %add3A_109 = arith.addi %get3A_107, %add3A_108 : vector<16xi32>
      %swap3A_110 = arith.index_cast %add3A_82 : i32 to index
      %swap3A_111 = arith.constant 48 : index
      %swap3A_112 = tpu.vector_load %arg7[%swap3A_110, %swap3A_111] {strides = array<i32>} : memref<40x128xi32, #tpu.memory_space<vmem>>, vector<16xi32>,
      tpu.vector_store %arg7[%swap3A_110, %swap3A_111], %add3A_109 {strides = array<i32>} : memref<40x128xi32, #tpu.memory_space<vmem>>, vector<16xi32>,
      %get3A_113 = arith.index_cast %add3A_82 : i32 to index
      %get3A_114 = arith.constant 64 : index
      %get3A_115 = tpu.vector_load %arg7[%get3A_113, %get3A_114] {strides = array<i32>} : memref<40x128xi32, #tpu.memory_space<vmem>>, vector<16xi32>,
      %add3A_116 = vector.broadcast %mul3A_40 : i32 to vector<16xi32>
      %add3A_117 = arith.addi %get3A_115, %add3A_116 : vector<16xi32>
      %swap3A_118 = arith.index_cast %add3A_82 : i32 to index
      %swap3A_119 = arith.constant 64 : index
      %swap3A_120 = tpu.vector_load %arg7[%swap3A_118, %swap3A_119] {strides = array<i32>} : memref<40x128xi32, #tpu.memory_space<vmem>>, vector<16xi32>,
      tpu.vector_store %arg7[%swap3A_118, %swap3A_119], %add3A_117 {strides = array<i32>} : memref<40x128xi32, #tpu.memory_space<vmem>>, vector<16xi32>,
      %get3A_121 = arith.index_cast %add3A_82 : i32 to index
      %get3A_122 = arith.constant 80 : index
      %get3A_123 = tpu.vector_load %arg7[%get3A_121, %get3A_122] {strides = array<i32>} : memref<40x128xi32, #tpu.memory_space<vmem>>, vector<16xi32>,
      %add3A_124 = vector.broadcast %mul3A_40 : i32 to vector<16xi32>
      %add3A_125 = arith.addi %get3A_123, %add3A_124 : vector<16xi32>
      %swap3A_126 = arith.index_cast %add3A_82 : i32 to index
      %swap3A_127 = arith.constant 80 : index
      %swap3A_128 = tpu.vector_load %arg7[%swap3A_126, %swap3A_127] {strides = array<i32>} : memref<40x128xi32, #tpu.memory_space<vmem>>, vector<16xi32>,
      tpu.vector_store %arg7[%swap3A_126, %swap3A_127], %add3A_125 {strides = array<i32>} : memref<40x128xi32, #tpu.memory_space<vmem>>, vector<16xi32>,
      %get3A_129 = arith.index_cast %add3A_82 : i32 to index
      %get3A_130 = arith.constant 96 : index
      %get3A_131 = tpu.vector_load %arg7[%get3A_129, %get3A_130] {strides = array<i32>} : memref<40x128xi32, #tpu.memory_space<vmem>>, vector<16xi32>,
      %add3A_132 = vector.broadcast %mul3A_40 : i32 to vector<16xi32>
      %add3A_133 = arith.addi %get3A_131, %add3A_132 : vector<16xi32>
      %swap3A_134 = arith.index_cast %add3A_82 : i32 to index
      %swap3A_135 = arith.constant 96 : index
      %swap3A_136 = tpu.vector_load %arg7[%swap3A_134, %swap3A_135] {strides = array<i32>} : memref<40x128xi32, #tpu.memory_space<vmem>>, vector<16xi32>,
      tpu.vector_store %arg7[%swap3A_134, %swap3A_135], %add3A_133 {strides = array<i32>} : memref<40x128xi32, #tpu.memory_space<vmem>>, vector<16xi32>,
      %get3A_137 = arith.index_cast %add3A_82 : i32 to index
      %get3A_138 = arith.constant 112 : index
      %get3A_139 = tpu.vector_load %arg7[%get3A_137, %get3A_138] {strides = array<i32>} : memref<40x128xi32, #tpu.memory_space<vmem>>, vector<16xi32>,
      %add3A_140 = vector.broadcast %mul3A_40 : i32 to vector<16xi32>
      %add3A_141 = arith.addi %get3A_139, %add3A_140 : vector<16xi32>
      %swap3A_142 = arith.index_cast %add3A_82 : i32 to index
      %swap3A_143 = arith.constant 112 : index
      %swap3A_144 = tpu.vector_load %arg7[%swap3A_142, %swap3A_143] {strides = array<i32>} : memref<40x128xi32, #tpu.memory_space<vmem>>, vector<16xi32>,
      tpu.vector_store %arg7[%swap3A_142, %swap3A_143], %add3A_141 {strides = array<i32>} : memref<40x128xi32, #tpu.memory_space<vmem>>, vector<16xi32>,
    }
    %scan3A_53 = arith.constant 40 : i32
    %scan3A_54 = arith.constant 0 : i32
    %scan3A_55 = arith.constant 20 : i32
    %scan3A_56 = arith.addi %scan3A_54, %scan3A_55 : i32
    %scan3A_57 = arith.constant 1 : i32
    scf.for %scan3A_78 = %scan3A_54 to %scan3A_56 step %scan3A_57  : i32 {
      %mul3A_79 = arith.constant 2 : i32
      %mul3A_80 = arith.muli %scan3A_78, %mul3A_79 : i32
      %add3A_81 = arith.constant 0 : i32
      %add3A_82 = arith.addi %add3A_81, %mul3A_80 : i32
      %dma_start3A = arith.constant 0 : i32
      %dma_start3A_83 = tpu.memref_slice %arg7[%add3A_82, %dma_start3A] : memref<40x128xi32, #tpu.memory_space<vmem>> -> memref<1x128xi32, #tpu.memory_space<vmem>>
      %dma_start3A_84 = tpu.memref_squeeze %dma_start3A_83 : memref<1x128xi32, #tpu.memory_space<vmem>> -> memref<128xi32, #tpu.memory_space<vmem>>
      %dma_start3A_85 = arith.constant 0 : i32
      %dma_start3A_86 = arith.constant 0 : i32
      %dma_start3A_87 = tpu.memref_slice %arg2[%dma_start3A_85, %dma_start3A_86] : memref<40960x128xf32, #tpu.memory_space<hbm>> -> memref<40960x128xf32, #tpu.memory_space<hbm>>
      tpu.enqueue_indirect_dma source(%dma_start3A_87 : memref<40960x128xf32, #tpu.memory_space<hbm>>) target(%arg9 : memref<128x128xf32, #tpu.memory_space<vmem>>) offsets(%dma_start3A_84 : memref<128xi32, #tpu.memory_space<vmem>>) semaphore(%arg11 : memref<!tpu.dma_semaphore, #tpu.memory_space<semaphore_mem>>)
      %add3A_88 = arith.constant 1 : i32
      %add3A_89 = arith.addi %add3A_82, %add3A_88 : i32
      %dma_start3A_90 = arith.constant 0 : i32
      %dma_start3A_91 = tpu.memref_slice %arg7[%add3A_89, %dma_start3A_90] : memref<40x128xi32, #tpu.memory_space<vmem>> -> memref<1x128xi32, #tpu.memory_space<vmem>>
      %dma_start3A_92 = tpu.memref_squeeze %dma_start3A_91 : memref<1x128xi32, #tpu.memory_space<vmem>> -> memref<128xi32, #tpu.memory_space<vmem>>
      %dma_start3A_93 = arith.constant 0 : i32
      %dma_start3A_94 = arith.constant 0 : i32
      %dma_start3A_95 = tpu.memref_slice %arg2[%dma_start3A_93, %dma_start3A_94] : memref<40960x128xf32, #tpu.memory_space<hbm>> -> memref<40960x128xf32, #tpu.memory_space<hbm>>
      tpu.enqueue_indirect_dma source(%dma_start3A_95 : memref<40960x128xf32, #tpu.memory_space<hbm>>) target(%arg10 : memref<128x128xf32, #tpu.memory_space<vmem>>) offsets(%dma_start3A_92 : memref<128xi32, #tpu.memory_space<vmem>>) semaphore(%arg12 : memref<!tpu.dma_semaphore, #tpu.memory_space<semaphore_mem>>)
      %dma_wait3A = arith.constant 0 : i32
      %dma_wait3A_96 = tpu.memref_slice %arg7[%add3A_82, %dma_wait3A] : memref<40x128xi32, #tpu.memory_space<vmem>> -> memref<1x128xi32, #tpu.memory_space<vmem>>
      %dma_wait3A_97 = tpu.memref_squeeze %dma_wait3A_96 : memref<1x128xi32, #tpu.memory_space<vmem>> -> memref<128xi32, #tpu.memory_space<vmem>>
      %dma_wait3A_98 = arith.constant 0 : i32
      %dma_wait3A_99 = arith.constant 0 : i32
      %dma_wait3A_100 = tpu.memref_slice %arg2[%dma_wait3A_98, %dma_wait3A_99] : memref<40960x128xf32, #tpu.memory_space<hbm>> -> memref<40960x128xf32, #tpu.memory_space<hbm>>
      tpu.wait_indirect_dma semaphore(%arg11 : memref<!tpu.dma_semaphore, #tpu.memory_space<semaphore_mem>>) src(%dma_wait3A_100 : memref<40960x128xf32, #tpu.memory_space<hbm>>) dst(%arg9 : memref<128x128xf32, #tpu.memory_space<vmem>>)
      %dma_start3A_101 = arith.constant 0 : i32
      %dma_start3A_102 = tpu.memref_slice %arg8[%add3A_82, %dma_start3A_101] : memref<40x128xi32, #tpu.memory_space<vmem>> -> memref<1x128xi32, #tpu.memory_space<vmem>>
      %dma_start3A_103 = tpu.memref_squeeze %dma_start3A_102 : memref<1x128xi32, #tpu.memory_space<vmem>> -> memref<128xi32, #tpu.memory_space<vmem>>
      %dma_start3A_104 = arith.constant 0 : i32
      %dma_start3A_105 = arith.constant 0 : i32
      %dma_start3A_106 = tpu.memref_slice %arg6[%dma_start3A_104, %dma_start3A_105] : memref<10240x128xf32, #tpu.memory_space<vmem_shared>> -> memref<10240x128xf32, #tpu.memory_space<vmem_shared>>
      tpu.enqueue_indirect_dma source(%arg9 : memref<128x128xf32, #tpu.memory_space<vmem>>) target(%dma_start3A_106 : memref<10240x128xf32, #tpu.memory_space<vmem_shared>>) offsets(%dma_start3A_103 : memref<128xi32, #tpu.memory_space<vmem>>) semaphore(%arg13 : memref<!tpu.dma_semaphore, #tpu.memory_space<semaphore_mem>>) {add = true}
      %dma_wait3A_107 = arith.constant 0 : i32
      %dma_wait3A_108 = tpu.memref_slice %arg7[%add3A_89, %dma_wait3A_107] : memref<40x128xi32, #tpu.memory_space<vmem>> -> memref<1x128xi32, #tpu.memory_space<vmem>>
      %dma_wait3A_109 = tpu.memref_squeeze %dma_wait3A_108 : memref<1x128xi32, #tpu.memory_space<vmem>> -> memref<128xi32, #tpu.memory_space<vmem>>
      %dma_wait3A_110 = arith.constant 0 : i32
      %dma_wait3A_111 = arith.constant 0 : i32
      %dma_wait3A_112 = tpu.memref_slice %arg2[%dma_wait3A_110, %dma_wait3A_111] : memref<40960x128xf32, #tpu.memory_space<hbm>> -> memref<40960x128xf32, #tpu.memory_space<hbm>>
      tpu.wait_indirect_dma semaphore(%arg12 : memref<!tpu.dma_semaphore, #tpu.memory_space<semaphore_mem>>) src(%dma_wait3A_112 : memref<40960x128xf32, #tpu.memory_space<hbm>>) dst(%arg10 : memref<128x128xf32, #tpu.memory_space<vmem>>)
      %add3A_113 = arith.constant 1 : i32
      %add3A_114 = arith.addi %add3A_82, %add3A_113 : i32
      %dma_start3A_115 = arith.constant 0 : i32
      %dma_start3A_116 = tpu.memref_slice %arg8[%add3A_114, %dma_start3A_115] : memref<40x128xi32, #tpu.memory_space<vmem>> -> memref<1x128xi32, #tpu.memory_space<vmem>>
      %dma_start3A_117 = tpu.memref_squeeze %dma_start3A_116 : memref<1x128xi32, #tpu.memory_space<vmem>> -> memref<128xi32, #tpu.memory_space<vmem>>
      %dma_start3A_118 = arith.constant 0 : i32
      %dma_start3A_119 = arith.constant 0 : i32
      %dma_start3A_120 = tpu.memref_slice %arg6[%dma_start3A_118, %dma_start3A_119] : memref<10240x128xf32, #tpu.memory_space<vmem_shared>> -> memref<10240x128xf32, #tpu.memory_space<vmem_shared>>
      tpu.enqueue_indirect_dma source(%arg10 : memref<128x128xf32, #tpu.memory_space<vmem>>) target(%dma_start3A_120 : memref<10240x128xf32, #tpu.memory_space<vmem_shared>>) offsets(%dma_start3A_117 : memref<128xi32, #tpu.memory_space<vmem>>) semaphore(%arg14 : memref<!tpu.dma_semaphore, #tpu.memory_space<semaphore_mem>>) {add = true}
      %dma_wait3A_121 = arith.constant 0 : i32
      %dma_wait3A_122 = tpu.memref_slice %arg8[%add3A_82, %dma_wait3A_121] : memref<40x128xi32, #tpu.memory_space<vmem>> -> memref<1x128xi32, #tpu.memory_space<vmem>>
      %dma_wait3A_123 = tpu.memref_squeeze %dma_wait3A_122 : memref<1x128xi32, #tpu.memory_space<vmem>> -> memref<128xi32, #tpu.memory_space<vmem>>
      %dma_wait3A_124 = arith.constant 0 : i32
      %dma_wait3A_125 = arith.constant 0 : i32
      %dma_wait3A_126 = tpu.memref_slice %arg6[%dma_wait3A_124, %dma_wait3A_125] : memref<10240x128xf32, #tpu.memory_space<vmem_shared>> -> memref<10240x128xf32, #tpu.memory_space<vmem_shared>>
      tpu.wait_indirect_dma semaphore(%arg13 : memref<!tpu.dma_semaphore, #tpu.memory_space<semaphore_mem>>) src(%arg9 : memref<128x128xf32, #tpu.memory_space<vmem>>) dst(%dma_wait3A_126 : memref<10240x128xf32, #tpu.memory_space<vmem_shared>>)
      %dma_wait3A_127 = arith.constant 0 : i32
      %dma_wait3A_128 = tpu.memref_slice %arg8[%add3A_114, %dma_wait3A_127] : memref<40x128xi32, #tpu.memory_space<vmem>> -> memref<1x128xi32, #tpu.memory_space<vmem>>
      %dma_wait3A_129 = tpu.memref_squeeze %dma_wait3A_128 : memref<1x128xi32, #tpu.memory_space<vmem>> -> memref<128xi32, #tpu.memory_space<vmem>>
      %dma_wait3A_130 = arith.constant 0 : i32
      %dma_wait3A_131 = arith.constant 0 : i32
      %dma_wait3A_132 = tpu.memref_slice %arg6[%dma_wait3A_130, %dma_wait3A_131] : memref<10240x128xf32, #tpu.memory_space<vmem_shared>> -> memref<10240x128xf32, #tpu.memory_space<vmem_shared>>
      tpu.wait_indirect_dma semaphore(%arg14 : memref<!tpu.dma_semaphore, #tpu.memory_space<semaphore_mem>>) src(%arg10 : memref<128x128xf32, #tpu.memory_space<vmem>>) dst(%dma_wait3A_132 : memref<10240x128xf32, #tpu.memory_space<vmem_shared>>)
    }
    %scan3A_58 = arith.constant 20 : i32
    %add3A_59 = arith.constant 16 : i32
    %add3A_60 = arith.addi %arg1, %add3A_59 : i32
    "tpu.region"() ({
      %run_scoped3A = tpu.sem_alloc : memref<!tpu.dma_semaphore, #tpu.memory_space<semaphore_mem>>
      %dma_start3A = arith.constant 0 : i32
      %dma_start3A_78 = arith.constant 0 : i32
      %dma_start3A_79 = tpu.memref_slice %arg3[%add3A_60, %dma_start3A, %dma_start3A_78] : memref<32x40x128xi32, #tpu.memory_space<hbm>> -> memref<1x40x128xi32, #tpu.memory_space<hbm>>
      %dma_start3A_80 = tpu.memref_squeeze %dma_start3A_79 : memref<1x40x128xi32, #tpu.memory_space<hbm>> -> memref<40x128xi32, #tpu.memory_space<hbm>>
      %dma_start3A_81 = arith.constant 0 : i32
      %dma_start3A_82 = arith.constant 0 : i32
      %dma_start3A_83 = tpu.memref_slice %arg3[%add3A_60, %dma_start3A_81, %dma_start3A_82] : memref<32x40x128xi32, #tpu.memory_space<hbm>> -> memref<1x40x128xi32, #tpu.memory_space<hbm>>
      %dma_start3A_84 = tpu.memref_squeeze %dma_start3A_83 : memref<1x40x128xi32, #tpu.memory_space<hbm>> -> memref<40x128xi32, #tpu.memory_space<hbm>>
      tpu.enqueue_dma source(%dma_start3A_84 : memref<40x128xi32, #tpu.memory_space<hbm>>) target(%arg7 : memref<40x128xi32, #tpu.memory_space<vmem>>) target_semaphore(%run_scoped3A : memref<!tpu.dma_semaphore, #tpu.memory_space<semaphore_mem>>)
      %dma_wait3A = arith.constant 0 : i32
      %dma_wait3A_85 = arith.constant 0 : i32
      %dma_wait3A_86 = tpu.memref_slice %arg3[%add3A_60, %dma_wait3A, %dma_wait3A_85] : memref<32x40x128xi32, #tpu.memory_space<hbm>> -> memref<1x40x128xi32, #tpu.memory_space<hbm>>
      %dma_wait3A_87 = tpu.memref_squeeze %dma_wait3A_86 : memref<1x40x128xi32, #tpu.memory_space<hbm>> -> memref<40x128xi32, #tpu.memory_space<hbm>>
      %dma_wait3A_88 = arith.constant 0 : i32
      %dma_wait3A_89 = arith.constant 0 : i32
      %dma_wait3A_90 = tpu.memref_slice %arg3[%add3A_60, %dma_wait3A_88, %dma_wait3A_89] : memref<32x40x128xi32, #tpu.memory_space<hbm>> -> memref<1x40x128xi32, #tpu.memory_space<hbm>>
      %dma_wait3A_91 = tpu.memref_squeeze %dma_wait3A_90 : memref<1x40x128xi32, #tpu.memory_space<hbm>> -> memref<40x128xi32, #tpu.memory_space<hbm>>
      tpu.wait_dma2 semaphore(%run_scoped3A : memref<!tpu.dma_semaphore, #tpu.memory_space<semaphore_mem>>) src(%dma_wait3A_91 : memref<40x128xi32, #tpu.memory_space<hbm>>) dst(%arg7 : memref<40x128xi32, #tpu.memory_space<vmem>>)
      tpu.yield
    }) : () -> ()
    "tpu.region"() ({
      %run_scoped3A = tpu.sem_alloc : memref<!tpu.dma_semaphore, #tpu.memory_space<semaphore_mem>>
      %dma_start3A = arith.constant 0 : i32
      %dma_start3A_78 = arith.constant 0 : i32
      %dma_start3A_79 = tpu.memref_slice %arg4[%add3A_60, %dma_start3A, %dma_start3A_78] : memref<32x40x128xi32, #tpu.memory_space<hbm>> -> memref<1x40x128xi32, #tpu.memory_space<hbm>>
      %dma_start3A_80 = tpu.memref_squeeze %dma_start3A_79 : memref<1x40x128xi32, #tpu.memory_space<hbm>> -> memref<40x128xi32, #tpu.memory_space<hbm>>
      %dma_start3A_81 = arith.constant 0 : i32
      %dma_start3A_82 = arith.constant 0 : i32
      %dma_start3A_83 = tpu.memref_slice %arg4[%add3A_60, %dma_start3A_81, %dma_start3A_82] : memref<32x40x128xi32, #tpu.memory_space<hbm>> -> memref<1x40x128xi32, #tpu.memory_space<hbm>>
      %dma_start3A_84 = tpu.memref_squeeze %dma_start3A_83 : memref<1x40x128xi32, #tpu.memory_space<hbm>> -> memref<40x128xi32, #tpu.memory_space<hbm>>
      tpu.enqueue_dma source(%dma_start3A_84 : memref<40x128xi32, #tpu.memory_space<hbm>>) target(%arg8 : memref<40x128xi32, #tpu.memory_space<vmem>>) target_semaphore(%run_scoped3A : memref<!tpu.dma_semaphore, #tpu.memory_space<semaphore_mem>>)
      %dma_wait3A = arith.constant 0 : i32
      %dma_wait3A_85 = arith.constant 0 : i32
      %dma_wait3A_86 = tpu.memref_slice %arg4[%add3A_60, %dma_wait3A, %dma_wait3A_85] : memref<32x40x128xi32, #tpu.memory_space<hbm>> -> memref<1x40x128xi32, #tpu.memory_space<hbm>>
      %dma_wait3A_87 = tpu.memref_squeeze %dma_wait3A_86 : memref<1x40x128xi32, #tpu.memory_space<hbm>> -> memref<40x128xi32, #tpu.memory_space<hbm>>
      %dma_wait3A_88 = arith.constant 0 : i32
      %dma_wait3A_89 = arith.constant 0 : i32
      %dma_wait3A_90 = tpu.memref_slice %arg4[%add3A_60, %dma_wait3A_88, %dma_wait3A_89] : memref<32x40x128xi32, #tpu.memory_space<hbm>> -> memref<1x40x128xi32, #tpu.memory_space<hbm>>
      %dma_wait3A_91 = tpu.memref_squeeze %dma_wait3A_90 : memref<1x40x128xi32, #tpu.memory_space<hbm>> -> memref<40x128xi32, #tpu.memory_space<hbm>>
      tpu.wait_dma2 semaphore(%run_scoped3A : memref<!tpu.dma_semaphore, #tpu.memory_space<semaphore_mem>>) src(%dma_wait3A_91 : memref<40x128xi32, #tpu.memory_space<hbm>>) dst(%arg8 : memref<40x128xi32, #tpu.memory_space<vmem>>)
      tpu.yield
    }) : () -> ()
    %scan3A_61 = arith.constant 0 : i32
    %scan3A_62 = arith.constant 40 : i32
    %scan3A_63 = arith.addi %scan3A_61, %scan3A_62 : i32
    %scan3A_64 = arith.constant 1 : i32
    scf.for %scan3A_78 = %scan3A_61 to %scan3A_63 step %scan3A_64  : i32 {
      %mul3A_79 = arith.constant 1 : i32
      %mul3A_80 = arith.muli %scan3A_78, %mul3A_79 : i32
      %add3A_81 = arith.constant 0 : i32
      %add3A_82 = arith.addi %add3A_81, %mul3A_80 : i32
      %get3A = arith.index_cast %add3A_82 : i32 to index
      %get3A_83 = arith.constant 0 : index
      %get3A_84 = tpu.vector_load %arg7[%get3A, %get3A_83] {strides = array<i32>} : memref<40x128xi32, #tpu.memory_space<vmem>>, vector<16xi32>,
      %add3A_85 = vector.broadcast %mul3A_40 : i32 to vector<16xi32>
      %add3A_86 = arith.addi %get3A_84, %add3A_85 : vector<16xi32>
      %swap3A = arith.index_cast %add3A_82 : i32 to index
      %swap3A_87 = arith.constant 0 : index
      %swap3A_88 = tpu.vector_load %arg7[%swap3A, %swap3A_87] {strides = array<i32>} : memref<40x128xi32, #tpu.memory_space<vmem>>, vector<16xi32>,
      tpu.vector_store %arg7[%swap3A, %swap3A_87], %add3A_86 {strides = array<i32>} : memref<40x128xi32, #tpu.memory_space<vmem>>, vector<16xi32>,
      %get3A_89 = arith.index_cast %add3A_82 : i32 to index
      %get3A_90 = arith.constant 16 : index
      %get3A_91 = tpu.vector_load %arg7[%get3A_89, %get3A_90] {strides = array<i32>} : memref<40x128xi32, #tpu.memory_space<vmem>>, vector<16xi32>,
      %add3A_92 = vector.broadcast %mul3A_40 : i32 to vector<16xi32>
      %add3A_93 = arith.addi %get3A_91, %add3A_92 : vector<16xi32>
      %swap3A_94 = arith.index_cast %add3A_82 : i32 to index
      %swap3A_95 = arith.constant 16 : index
      %swap3A_96 = tpu.vector_load %arg7[%swap3A_94, %swap3A_95] {strides = array<i32>} : memref<40x128xi32, #tpu.memory_space<vmem>>, vector<16xi32>,
      tpu.vector_store %arg7[%swap3A_94, %swap3A_95], %add3A_93 {strides = array<i32>} : memref<40x128xi32, #tpu.memory_space<vmem>>, vector<16xi32>,
      %get3A_97 = arith.index_cast %add3A_82 : i32 to index
      %get3A_98 = arith.constant 32 : index
      %get3A_99 = tpu.vector_load %arg7[%get3A_97, %get3A_98] {strides = array<i32>} : memref<40x128xi32, #tpu.memory_space<vmem>>, vector<16xi32>,
      %add3A_100 = vector.broadcast %mul3A_40 : i32 to vector<16xi32>
      %add3A_101 = arith.addi %get3A_99, %add3A_100 : vector<16xi32>
      %swap3A_102 = arith.index_cast %add3A_82 : i32 to index
      %swap3A_103 = arith.constant 32 : index
      %swap3A_104 = tpu.vector_load %arg7[%swap3A_102, %swap3A_103] {strides = array<i32>} : memref<40x128xi32, #tpu.memory_space<vmem>>, vector<16xi32>,
      tpu.vector_store %arg7[%swap3A_102, %swap3A_103], %add3A_101 {strides = array<i32>} : memref<40x128xi32, #tpu.memory_space<vmem>>, vector<16xi32>,
      %get3A_105 = arith.index_cast %add3A_82 : i32 to index
      %get3A_106 = arith.constant 48 : index
      %get3A_107 = tpu.vector_load %arg7[%get3A_105, %get3A_106] {strides = array<i32>} : memref<40x128xi32, #tpu.memory_space<vmem>>, vector<16xi32>,
      %add3A_108 = vector.broadcast %mul3A_40 : i32 to vector<16xi32>
      %add3A_109 = arith.addi %get3A_107, %add3A_108 : vector<16xi32>
      %swap3A_110 = arith.index_cast %add3A_82 : i32 to index
      %swap3A_111 = arith.constant 48 : index
      %swap3A_112 = tpu.vector_load %arg7[%swap3A_110, %swap3A_111] {strides = array<i32>} : memref<40x128xi32, #tpu.memory_space<vmem>>, vector<16xi32>,
      tpu.vector_store %arg7[%swap3A_110, %swap3A_111], %add3A_109 {strides = array<i32>} : memref<40x128xi32, #tpu.memory_space<vmem>>, vector<16xi32>,
      %get3A_113 = arith.index_cast %add3A_82 : i32 to index
      %get3A_114 = arith.constant 64 : index
      %get3A_115 = tpu.vector_load %arg7[%get3A_113, %get3A_114] {strides = array<i32>} : memref<40x128xi32, #tpu.memory_space<vmem>>, vector<16xi32>,
      %add3A_116 = vector.broadcast %mul3A_40 : i32 to vector<16xi32>
      %add3A_117 = arith.addi %get3A_115, %add3A_116 : vector<16xi32>
      %swap3A_118 = arith.index_cast %add3A_82 : i32 to index
      %swap3A_119 = arith.constant 64 : index
      %swap3A_120 = tpu.vector_load %arg7[%swap3A_118, %swap3A_119] {strides = array<i32>} : memref<40x128xi32, #tpu.memory_space<vmem>>, vector<16xi32>,
      tpu.vector_store %arg7[%swap3A_118, %swap3A_119], %add3A_117 {strides = array<i32>} : memref<40x128xi32, #tpu.memory_space<vmem>>, vector<16xi32>,
      %get3A_121 = arith.index_cast %add3A_82 : i32 to index
      %get3A_122 = arith.constant 80 : index
      %get3A_123 = tpu.vector_load %arg7[%get3A_121, %get3A_122] {strides = array<i32>} : memref<40x128xi32, #tpu.memory_space<vmem>>, vector<16xi32>,
      %add3A_124 = vector.broadcast %mul3A_40 : i32 to vector<16xi32>
      %add3A_125 = arith.addi %get3A_123, %add3A_124 : vector<16xi32>
      %swap3A_126 = arith.index_cast %add3A_82 : i32 to index
      %swap3A_127 = arith.constant 80 : index
      %swap3A_128 = tpu.vector_load %arg7[%swap3A_126, %swap3A_127] {strides = array<i32>} : memref<40x128xi32, #tpu.memory_space<vmem>>, vector<16xi32>,
      tpu.vector_store %arg7[%swap3A_126, %swap3A_127], %add3A_125 {strides = array<i32>} : memref<40x128xi32, #tpu.memory_space<vmem>>, vector<16xi32>,
      %get3A_129 = arith.index_cast %add3A_82 : i32 to index
      %get3A_130 = arith.constant 96 : index
      %get3A_131 = tpu.vector_load %arg7[%get3A_129, %get3A_130] {strides = array<i32>} : memref<40x128xi32, #tpu.memory_space<vmem>>, vector<16xi32>,
      %add3A_132 = vector.broadcast %mul3A_40 : i32 to vector<16xi32>
      %add3A_133 = arith.addi %get3A_131, %add3A_132 : vector<16xi32>
      %swap3A_134 = arith.index_cast %add3A_82 : i32 to index
      %swap3A_135 = arith.constant 96 : index
      %swap3A_136 = tpu.vector_load %arg7[%swap3A_134, %swap3A_135] {strides = array<i32>} : memref<40x128xi32, #tpu.memory_space<vmem>>, vector<16xi32>,
      tpu.vector_store %arg7[%swap3A_134, %swap3A_135], %add3A_133 {strides = array<i32>} : memref<40x128xi32, #tpu.memory_space<vmem>>, vector<16xi32>,
      %get3A_137 = arith.index_cast %add3A_82 : i32 to index
      %get3A_138 = arith.constant 112 : index
      %get3A_139 = tpu.vector_load %arg7[%get3A_137, %get3A_138] {strides = array<i32>} : memref<40x128xi32, #tpu.memory_space<vmem>>, vector<16xi32>,
      %add3A_140 = vector.broadcast %mul3A_40 : i32 to vector<16xi32>
      %add3A_141 = arith.addi %get3A_139, %add3A_140 : vector<16xi32>
      %swap3A_142 = arith.index_cast %add3A_82 : i32 to index
      %swap3A_143 = arith.constant 112 : index
      %swap3A_144 = tpu.vector_load %arg7[%swap3A_142, %swap3A_143] {strides = array<i32>} : memref<40x128xi32, #tpu.memory_space<vmem>>, vector<16xi32>,
      tpu.vector_store %arg7[%swap3A_142, %swap3A_143], %add3A_141 {strides = array<i32>} : memref<40x128xi32, #tpu.memory_space<vmem>>, vector<16xi32>,
    }
    %scan3A_65 = arith.constant 40 : i32
    %scan3A_66 = arith.constant 0 : i32
    %scan3A_67 = arith.constant 20 : i32
    %scan3A_68 = arith.addi %scan3A_66, %scan3A_67 : i32
    %scan3A_69 = arith.constant 1 : i32
    scf.for %scan3A_78 = %scan3A_66 to %scan3A_68 step %scan3A_69  : i32 {
      %mul3A_79 = arith.constant 2 : i32
      %mul3A_80 = arith.muli %scan3A_78, %mul3A_79 : i32
      %add3A_81 = arith.constant 0 : i32
      %add3A_82 = arith.addi %add3A_81, %mul3A_80 : i32
      %dma_start3A = arith.constant 0 : i32
      %dma_start3A_83 = tpu.memref_slice %arg7[%add3A_82, %dma_start3A] : memref<40x128xi32, #tpu.memory_space<vmem>> -> memref<1x128xi32, #tpu.memory_space<vmem>>
      %dma_start3A_84 = tpu.memref_squeeze %dma_start3A_83 : memref<1x128xi32, #tpu.memory_space<vmem>> -> memref<128xi32, #tpu.memory_space<vmem>>
      %dma_start3A_85 = arith.constant 0 : i32
      %dma_start3A_86 = arith.constant 0 : i32
      %dma_start3A_87 = tpu.memref_slice %arg2[%dma_start3A_85, %dma_start3A_86] : memref<40960x128xf32, #tpu.memory_space<hbm>> -> memref<40960x128xf32, #tpu.memory_space<hbm>>
      tpu.enqueue_indirect_dma source(%dma_start3A_87 : memref<40960x128xf32, #tpu.memory_space<hbm>>) target(%arg9 : memref<128x128xf32, #tpu.memory_space<vmem>>) offsets(%dma_start3A_84 : memref<128xi32, #tpu.memory_space<vmem>>) semaphore(%arg11 : memref<!tpu.dma_semaphore, #tpu.memory_space<semaphore_mem>>)
      %add3A_88 = arith.constant 1 : i32
      %add3A_89 = arith.addi %add3A_82, %add3A_88 : i32
      %dma_start3A_90 = arith.constant 0 : i32
      %dma_start3A_91 = tpu.memref_slice %arg7[%add3A_89, %dma_start3A_90] : memref<40x128xi32, #tpu.memory_space<vmem>> -> memref<1x128xi32, #tpu.memory_space<vmem>>
      %dma_start3A_92 = tpu.memref_squeeze %dma_start3A_91 : memref<1x128xi32, #tpu.memory_space<vmem>> -> memref<128xi32, #tpu.memory_space<vmem>>
      %dma_start3A_93 = arith.constant 0 : i32
      %dma_start3A_94 = arith.constant 0 : i32
      %dma_start3A_95 = tpu.memref_slice %arg2[%dma_start3A_93, %dma_start3A_94] : memref<40960x128xf32, #tpu.memory_space<hbm>> -> memref<40960x128xf32, #tpu.memory_space<hbm>>
      tpu.enqueue_indirect_dma source(%dma_start3A_95 : memref<40960x128xf32, #tpu.memory_space<hbm>>) target(%arg10 : memref<128x128xf32, #tpu.memory_space<vmem>>) offsets(%dma_start3A_92 : memref<128xi32, #tpu.memory_space<vmem>>) semaphore(%arg12 : memref<!tpu.dma_semaphore, #tpu.memory_space<semaphore_mem>>)
      %dma_wait3A = arith.constant 0 : i32
      %dma_wait3A_96 = tpu.memref_slice %arg7[%add3A_82, %dma_wait3A] : memref<40x128xi32, #tpu.memory_space<vmem>> -> memref<1x128xi32, #tpu.memory_space<vmem>>
      %dma_wait3A_97 = tpu.memref_squeeze %dma_wait3A_96 : memref<1x128xi32, #tpu.memory_space<vmem>> -> memref<128xi32, #tpu.memory_space<vmem>>
      %dma_wait3A_98 = arith.constant 0 : i32
      %dma_wait3A_99 = arith.constant 0 : i32
      %dma_wait3A_100 = tpu.memref_slice %arg2[%dma_wait3A_98, %dma_wait3A_99] : memref<40960x128xf32, #tpu.memory_space<hbm>> -> memref<40960x128xf32, #tpu.memory_space<hbm>>
      tpu.wait_indirect_dma semaphore(%arg11 : memref<!tpu.dma_semaphore, #tpu.memory_space<semaphore_mem>>) src(%dma_wait3A_100 : memref<40960x128xf32, #tpu.memory_space<hbm>>) dst(%arg9 : memref<128x128xf32, #tpu.memory_space<vmem>>)
      %dma_start3A_101 = arith.constant 0 : i32
      %dma_start3A_102 = tpu.memref_slice %arg8[%add3A_82, %dma_start3A_101] : memref<40x128xi32, #tpu.memory_space<vmem>> -> memref<1x128xi32, #tpu.memory_space<vmem>>
      %dma_start3A_103 = tpu.memref_squeeze %dma_start3A_102 : memref<1x128xi32, #tpu.memory_space<vmem>> -> memref<128xi32, #tpu.memory_space<vmem>>
      %dma_start3A_104 = arith.constant 0 : i32
      %dma_start3A_105 = arith.constant 0 : i32
      %dma_start3A_106 = tpu.memref_slice %arg6[%dma_start3A_104, %dma_start3A_105] : memref<10240x128xf32, #tpu.memory_space<vmem_shared>> -> memref<10240x128xf32, #tpu.memory_space<vmem_shared>>
      tpu.enqueue_indirect_dma source(%arg9 : memref<128x128xf32, #tpu.memory_space<vmem>>) target(%dma_start3A_106 : memref<10240x128xf32, #tpu.memory_space<vmem_shared>>) offsets(%dma_start3A_103 : memref<128xi32, #tpu.memory_space<vmem>>) semaphore(%arg13 : memref<!tpu.dma_semaphore, #tpu.memory_space<semaphore_mem>>) {add = true}
      %dma_wait3A_107 = arith.constant 0 : i32
      %dma_wait3A_108 = tpu.memref_slice %arg7[%add3A_89, %dma_wait3A_107] : memref<40x128xi32, #tpu.memory_space<vmem>> -> memref<1x128xi32, #tpu.memory_space<vmem>>
      %dma_wait3A_109 = tpu.memref_squeeze %dma_wait3A_108 : memref<1x128xi32, #tpu.memory_space<vmem>> -> memref<128xi32, #tpu.memory_space<vmem>>
      %dma_wait3A_110 = arith.constant 0 : i32
      %dma_wait3A_111 = arith.constant 0 : i32
      %dma_wait3A_112 = tpu.memref_slice %arg2[%dma_wait3A_110, %dma_wait3A_111] : memref<40960x128xf32, #tpu.memory_space<hbm>> -> memref<40960x128xf32, #tpu.memory_space<hbm>>
      tpu.wait_indirect_dma semaphore(%arg12 : memref<!tpu.dma_semaphore, #tpu.memory_space<semaphore_mem>>) src(%dma_wait3A_112 : memref<40960x128xf32, #tpu.memory_space<hbm>>) dst(%arg10 : memref<128x128xf32, #tpu.memory_space<vmem>>)
      %add3A_113 = arith.constant 1 : i32
      %add3A_114 = arith.addi %add3A_82, %add3A_113 : i32
      %dma_start3A_115 = arith.constant 0 : i32
      %dma_start3A_116 = tpu.memref_slice %arg8[%add3A_114, %dma_start3A_115] : memref<40x128xi32, #tpu.memory_space<vmem>> -> memref<1x128xi32, #tpu.memory_space<vmem>>
      %dma_start3A_117 = tpu.memref_squeeze %dma_start3A_116 : memref<1x128xi32, #tpu.memory_space<vmem>> -> memref<128xi32, #tpu.memory_space<vmem>>
      %dma_start3A_118 = arith.constant 0 : i32
      %dma_start3A_119 = arith.constant 0 : i32
      %dma_start3A_120 = tpu.memref_slice %arg6[%dma_start3A_118, %dma_start3A_119] : memref<10240x128xf32, #tpu.memory_space<vmem_shared>> -> memref<10240x128xf32, #tpu.memory_space<vmem_shared>>
      tpu.enqueue_indirect_dma source(%arg10 : memref<128x128xf32, #tpu.memory_space<vmem>>) target(%dma_start3A_120 : memref<10240x128xf32, #tpu.memory_space<vmem_shared>>) offsets(%dma_start3A_117 : memref<128xi32, #tpu.memory_space<vmem>>) semaphore(%arg14 : memref<!tpu.dma_semaphore, #tpu.memory_space<semaphore_mem>>) {add = true}
      %dma_wait3A_121 = arith.constant 0 : i32
      %dma_wait3A_122 = tpu.memref_slice %arg8[%add3A_82, %dma_wait3A_121] : memref<40x128xi32, #tpu.memory_space<vmem>> -> memref<1x128xi32, #tpu.memory_space<vmem>>
      %dma_wait3A_123 = tpu.memref_squeeze %dma_wait3A_122 : memref<1x128xi32, #tpu.memory_space<vmem>> -> memref<128xi32, #tpu.memory_space<vmem>>
      %dma_wait3A_124 = arith.constant 0 : i32
      %dma_wait3A_125 = arith.constant 0 : i32
      %dma_wait3A_126 = tpu.memref_slice %arg6[%dma_wait3A_124, %dma_wait3A_125] : memref<10240x128xf32, #tpu.memory_space<vmem_shared>> -> memref<10240x128xf32, #tpu.memory_space<vmem_shared>>
      tpu.wait_indirect_dma semaphore(%arg13 : memref<!tpu.dma_semaphore, #tpu.memory_space<semaphore_mem>>) src(%arg9 : memref<128x128xf32, #tpu.memory_space<vmem>>) dst(%dma_wait3A_126 : memref<10240x128xf32, #tpu.memory_space<vmem_shared>>)
      %dma_wait3A_127 = arith.constant 0 : i32
      %dma_wait3A_128 = tpu.memref_slice %arg8[%add3A_114, %dma_wait3A_127] : memref<40x128xi32, #tpu.memory_space<vmem>> -> memref<1x128xi32, #tpu.memory_space<vmem>>
      %dma_wait3A_129 = tpu.memref_squeeze %dma_wait3A_128 : memref<1x128xi32, #tpu.memory_space<vmem>> -> memref<128xi32, #tpu.memory_space<vmem>>
      %dma_wait3A_130 = arith.constant 0 : i32
      %dma_wait3A_131 = arith.constant 0 : i32
      %dma_wait3A_132 = tpu.memref_slice %arg6[%dma_wait3A_130, %dma_wait3A_131] : memref<10240x128xf32, #tpu.memory_space<vmem_shared>> -> memref<10240x128xf32, #tpu.memory_space<vmem_shared>>
      tpu.wait_indirect_dma semaphore(%arg14 : memref<!tpu.dma_semaphore, #tpu.memory_space<semaphore_mem>>) src(%arg10 : memref<128x128xf32, #tpu.memory_space<vmem>>) dst(%dma_wait3A_132 : memref<10240x128xf32, #tpu.memory_space<vmem_shared>>)
    }
    %scan3A_70 = arith.constant 20 : i32
    %barrier3A_71 = arith.constant 0 : index
    tpu.barrier barrier_id(%barrier3A_71)
    %mul3A_72 = arith.constant 640 : i32
    %mul3A_73 = arith.muli %arg1, %mul3A_72 : i32
    %mul3A_74 = arith.constant 640 : i32
    %mul3A_75 = arith.muli %arg1, %mul3A_74 : i32
    %add3A_76 = arith.addi %mul3A_40, %mul3A_75 : i32
    "tpu.region"() ({
      %run_scoped3A = tpu.sem_alloc : memref<!tpu.dma_semaphore, #tpu.memory_space<semaphore_mem>>
      %dma_start3A = arith.constant 0 : i32
      %dma_start3A_78 = tpu.memref_slice %arg5[%add3A_76, %dma_start3A] : memref<40960x128xf32, #tpu.memory_space<hbm>> -> memref<640x128xf32, #tpu.memory_space<hbm>>
      %dma_start3A_79 = arith.constant 0 : i32
      %dma_start3A_80 = tpu.memref_slice %arg6[%mul3A_73, %dma_start3A_79] : memref<10240x128xf32, #tpu.memory_space<vmem_shared>> -> memref<640x128xf32, #tpu.memory_space<vmem_shared>>
      tpu.enqueue_dma source(%dma_start3A_80 : memref<640x128xf32, #tpu.memory_space<vmem_shared>>) target(%dma_start3A_78 : memref<640x128xf32, #tpu.memory_space<hbm>>) target_semaphore(%run_scoped3A : memref<!tpu.dma_semaphore, #tpu.memory_space<semaphore_mem>>)
      %dma_wait3A = arith.constant 0 : i32
      %dma_wait3A_81 = tpu.memref_slice %arg5[%add3A_76, %dma_wait3A] : memref<40960x128xf32, #tpu.memory_space<hbm>> -> memref<640x128xf32, #tpu.memory_space<hbm>>
      %dma_wait3A_82 = arith.constant 0 : i32
      %dma_wait3A_83 = tpu.memref_slice %arg6[%mul3A_73, %dma_wait3A_82] : memref<10240x128xf32, #tpu.memory_space<vmem_shared>> -> memref<640x128xf32, #tpu.memory_space<vmem_shared>>
      tpu.wait_dma2 semaphore(%run_scoped3A : memref<!tpu.dma_semaphore, #tpu.memory_space<semaphore_mem>>) src(%dma_wait3A_83 : memref<640x128xf32, #tpu.memory_space<vmem_shared>>) dst(%dma_wait3A_81 : memref<640x128xf32, #tpu.memory_space<hbm>>)
      tpu.yield
    }) : () -> ()
    %barrier3A_77 = arith.constant 0 : index
    tpu.barrier barrier_id(%barrier3A_77)
    return
  }
}

#map = affine_map<(d0, d1) -> (0, 0, 0)>
#map1 = affine_map<(d0, d1) -> (0)>
#map2 = affine_map<(d0, d1) -> (0, 0)>
module attributes {stable_mosaic.version = 14 : i64} {
  func.func @_sc_uprop_body(%arg0: i32, %arg1: i32, %arg2: memref<32x40x128xi32, #tpu.memory_space<hbm>>, %arg3: memref<32x40x128xi32, #tpu.memory_space<hbm>>, %arg4: memref<10240xf32, #tpu.memory_space<hbm>>, %arg5: memref<2x10240xf32, #tpu.memory_space<hbm>>, %arg6: memref<10240xf32, #tpu.memory_space<vmem_shared>>, %arg7: memref<40x128xi32, #tpu.memory_space<vmem>>, %arg8: memref<40x128xi32, #tpu.memory_space<vmem>>, %arg9: memref<10240xf32, #tpu.memory_space<vmem>>, %arg10: memref<1x128xf32, #tpu.memory_space<vmem>>, %arg11: memref<640xf32, #tpu.memory_space<vmem>>) attributes {dimension_semantics = [#tpu.dimension_semantics<core_parallel>, #tpu.dimension_semantics<subcore_parallel>], iteration_bounds = array<i64: 2, 16>, scalar_prefetch = 0 : i64, scratch_operands = 6 : i64, tpu.core_type = #tpu.core_type<sc_vector_subcore>, window_params = [{transform_indices = #map}, {transform_indices = #map}, {transform_indices = #map1}, {transform_indices = #map2}]} {
    %mul3A = arith.constant 16 : i32
    %mul3A_0 = arith.muli %arg0, %mul3A : i32
    %add3A = arith.addi %mul3A_0, %arg1 : i32
    %broadcast_in_dim3A = arith.constant 0.000000e+00 : f32
    %broadcast_in_dim3A_1 = vector.broadcast %broadcast_in_dim3A : f32 to vector<16xf32>
    %scan3A = arith.constant 0 : i32
    %scan3A_2 = arith.constant 40 : i32
    %scan3A_3 = arith.addi %scan3A, %scan3A_2 : i32
    %scan3A_4 = arith.constant 1 : i32
    scf.for %scan3A_16 = %scan3A to %scan3A_3 step %scan3A_4  : i32 {
      %mul3A_17 = arith.constant 1 : i32
      %mul3A_18 = arith.muli %scan3A_16, %mul3A_17 : i32
      %add3A_19 = arith.constant 0 : i32
      %add3A_20 = arith.addi %add3A_19, %mul3A_18 : i32
      %mul3A_21 = arith.constant 16 : i32
      %mul3A_22 = arith.muli %add3A_20, %mul3A_21 : i32
      %swap3A = arith.index_cast %mul3A_22 : i32 to index
      %swap3A_23 = tpu.vector_load %arg11[%swap3A] {strides = array<i32>} : memref<640xf32, #tpu.memory_space<vmem>>, vector<16xf32>,
      tpu.vector_store %arg11[%swap3A], %broadcast_in_dim3A_1 {strides = array<i32>} : memref<640xf32, #tpu.memory_space<vmem>>, vector<16xf32>,
    }
    %scan3A_5 = arith.constant 40 : i32
    %mul3A_6 = arith.constant 640 : i32
    %mul3A_7 = arith.muli %arg1, %mul3A_6 : i32
    "tpu.region"() ({
      %run_scoped3A = tpu.sem_alloc : memref<!tpu.dma_semaphore, #tpu.memory_space<semaphore_mem>>
      %dma_start3A = tpu.memref_slice %arg6[%mul3A_7] : memref<10240xf32, #tpu.memory_space<vmem_shared>> -> memref<640xf32, #tpu.memory_space<vmem_shared>>
      %dma_start3A_16 = tpu.memref_slice %arg6[%mul3A_7] : memref<10240xf32, #tpu.memory_space<vmem_shared>> -> memref<640xf32, #tpu.memory_space<vmem_shared>>
      tpu.enqueue_dma source(%arg11 : memref<640xf32, #tpu.memory_space<vmem>>) target(%dma_start3A_16 : memref<640xf32, #tpu.memory_space<vmem_shared>>) target_semaphore(%run_scoped3A : memref<!tpu.dma_semaphore, #tpu.memory_space<semaphore_mem>>)
      %dma_wait3A = tpu.memref_slice %arg6[%mul3A_7] : memref<10240xf32, #tpu.memory_space<vmem_shared>> -> memref<640xf32, #tpu.memory_space<vmem_shared>>
      %dma_wait3A_17 = tpu.memref_slice %arg6[%mul3A_7] : memref<10240xf32, #tpu.memory_space<vmem_shared>> -> memref<640xf32, #tpu.memory_space<vmem_shared>>
      tpu.wait_dma2 semaphore(%run_scoped3A : memref<!tpu.dma_semaphore, #tpu.memory_space<semaphore_mem>>) src(%arg11 : memref<640xf32, #tpu.memory_space<vmem>>) dst(%dma_wait3A_17 : memref<640xf32, #tpu.memory_space<vmem_shared>>)
      tpu.yield
    }) : () -> ()
    "tpu.region"() ({
      %run_scoped3A = tpu.sem_alloc : memref<!tpu.dma_semaphore, #tpu.memory_space<semaphore_mem>>
      %dma_start3A = arith.constant 0 : i32
      %dma_start3A_16 = arith.constant 0 : i32
      %dma_start3A_17 = tpu.memref_slice %arg2[%add3A, %dma_start3A, %dma_start3A_16] : memref<32x40x128xi32, #tpu.memory_space<hbm>> -> memref<1x40x128xi32, #tpu.memory_space<hbm>>
      %dma_start3A_18 = tpu.memref_squeeze %dma_start3A_17 : memref<1x40x128xi32, #tpu.memory_space<hbm>> -> memref<40x128xi32, #tpu.memory_space<hbm>>
      %dma_start3A_19 = arith.constant 0 : i32
      %dma_start3A_20 = arith.constant 0 : i32
      %dma_start3A_21 = tpu.memref_slice %arg2[%add3A, %dma_start3A_19, %dma_start3A_20] : memref<32x40x128xi32, #tpu.memory_space<hbm>> -> memref<1x40x128xi32, #tpu.memory_space<hbm>>
      %dma_start3A_22 = tpu.memref_squeeze %dma_start3A_21 : memref<1x40x128xi32, #tpu.memory_space<hbm>> -> memref<40x128xi32, #tpu.memory_space<hbm>>
      tpu.enqueue_dma source(%dma_start3A_22 : memref<40x128xi32, #tpu.memory_space<hbm>>) target(%arg7 : memref<40x128xi32, #tpu.memory_space<vmem>>) target_semaphore(%run_scoped3A : memref<!tpu.dma_semaphore, #tpu.memory_space<semaphore_mem>>)
      %dma_wait3A = arith.constant 0 : i32
      %dma_wait3A_23 = arith.constant 0 : i32
      %dma_wait3A_24 = tpu.memref_slice %arg2[%add3A, %dma_wait3A, %dma_wait3A_23] : memref<32x40x128xi32, #tpu.memory_space<hbm>> -> memref<1x40x128xi32, #tpu.memory_space<hbm>>
      %dma_wait3A_25 = tpu.memref_squeeze %dma_wait3A_24 : memref<1x40x128xi32, #tpu.memory_space<hbm>> -> memref<40x128xi32, #tpu.memory_space<hbm>>
      %dma_wait3A_26 = arith.constant 0 : i32
      %dma_wait3A_27 = arith.constant 0 : i32
      %dma_wait3A_28 = tpu.memref_slice %arg2[%add3A, %dma_wait3A_26, %dma_wait3A_27] : memref<32x40x128xi32, #tpu.memory_space<hbm>> -> memref<1x40x128xi32, #tpu.memory_space<hbm>>
      %dma_wait3A_29 = tpu.memref_squeeze %dma_wait3A_28 : memref<1x40x128xi32, #tpu.memory_space<hbm>> -> memref<40x128xi32, #tpu.memory_space<hbm>>
      tpu.wait_dma2 semaphore(%run_scoped3A : memref<!tpu.dma_semaphore, #tpu.memory_space<semaphore_mem>>) src(%dma_wait3A_29 : memref<40x128xi32, #tpu.memory_space<hbm>>) dst(%arg7 : memref<40x128xi32, #tpu.memory_space<vmem>>)
      tpu.yield
    }) : () -> ()
    "tpu.region"() ({
      %run_scoped3A = tpu.sem_alloc : memref<!tpu.dma_semaphore, #tpu.memory_space<semaphore_mem>>
      %dma_start3A = arith.constant 0 : i32
      %dma_start3A_16 = arith.constant 0 : i32
      %dma_start3A_17 = tpu.memref_slice %arg3[%add3A, %dma_start3A, %dma_start3A_16] : memref<32x40x128xi32, #tpu.memory_space<hbm>> -> memref<1x40x128xi32, #tpu.memory_space<hbm>>
      %dma_start3A_18 = tpu.memref_squeeze %dma_start3A_17 : memref<1x40x128xi32, #tpu.memory_space<hbm>> -> memref<40x128xi32, #tpu.memory_space<hbm>>
      %dma_start3A_19 = arith.constant 0 : i32
      %dma_start3A_20 = arith.constant 0 : i32
      %dma_start3A_21 = tpu.memref_slice %arg3[%add3A, %dma_start3A_19, %dma_start3A_20] : memref<32x40x128xi32, #tpu.memory_space<hbm>> -> memref<1x40x128xi32, #tpu.memory_space<hbm>>
      %dma_start3A_22 = tpu.memref_squeeze %dma_start3A_21 : memref<1x40x128xi32, #tpu.memory_space<hbm>> -> memref<40x128xi32, #tpu.memory_space<hbm>>
      tpu.enqueue_dma source(%dma_start3A_22 : memref<40x128xi32, #tpu.memory_space<hbm>>) target(%arg8 : memref<40x128xi32, #tpu.memory_space<vmem>>) target_semaphore(%run_scoped3A : memref<!tpu.dma_semaphore, #tpu.memory_space<semaphore_mem>>)
      %dma_wait3A = arith.constant 0 : i32
      %dma_wait3A_23 = arith.constant 0 : i32
      %dma_wait3A_24 = tpu.memref_slice %arg3[%add3A, %dma_wait3A, %dma_wait3A_23] : memref<32x40x128xi32, #tpu.memory_space<hbm>> -> memref<1x40x128xi32, #tpu.memory_space<hbm>>
      %dma_wait3A_25 = tpu.memref_squeeze %dma_wait3A_24 : memref<1x40x128xi32, #tpu.memory_space<hbm>> -> memref<40x128xi32, #tpu.memory_space<hbm>>
      %dma_wait3A_26 = arith.constant 0 : i32
      %dma_wait3A_27 = arith.constant 0 : i32
      %dma_wait3A_28 = tpu.memref_slice %arg3[%add3A, %dma_wait3A_26, %dma_wait3A_27] : memref<32x40x128xi32, #tpu.memory_space<hbm>> -> memref<1x40x128xi32, #tpu.memory_space<hbm>>
      %dma_wait3A_29 = tpu.memref_squeeze %dma_wait3A_28 : memref<1x40x128xi32, #tpu.memory_space<hbm>> -> memref<40x128xi32, #tpu.memory_space<hbm>>
      tpu.wait_dma2 semaphore(%run_scoped3A : memref<!tpu.dma_semaphore, #tpu.memory_space<semaphore_mem>>) src(%dma_wait3A_29 : memref<40x128xi32, #tpu.memory_space<hbm>>) dst(%arg8 : memref<40x128xi32, #tpu.memory_space<vmem>>)
      tpu.yield
    }) : () -> ()
    "tpu.region"() ({
      %run_scoped3A = tpu.sem_alloc : memref<!tpu.dma_semaphore, #tpu.memory_space<semaphore_mem>>
      tpu.enqueue_dma source(%arg4 : memref<10240xf32, #tpu.memory_space<hbm>>) target(%arg9 : memref<10240xf32, #tpu.memory_space<vmem>>) target_semaphore(%run_scoped3A : memref<!tpu.dma_semaphore, #tpu.memory_space<semaphore_mem>>)
      tpu.wait_dma2 semaphore(%run_scoped3A : memref<!tpu.dma_semaphore, #tpu.memory_space<semaphore_mem>>) src(%arg4 : memref<10240xf32, #tpu.memory_space<hbm>>) dst(%arg9 : memref<10240xf32, #tpu.memory_space<vmem>>)
      tpu.yield
    }) : () -> ()
    %barrier3A = arith.constant 0 : index
    tpu.barrier barrier_id(%barrier3A)
    %scan3A_8 = arith.constant 0 : i32
    %scan3A_9 = arith.constant 40 : i32
    %scan3A_10 = arith.addi %scan3A_8, %scan3A_9 : i32
    %scan3A_11 = arith.constant 1 : i32
    scf.for %scan3A_16 = %scan3A_8 to %scan3A_10 step %scan3A_11  : i32 {
      %mul3A_17 = arith.constant 1 : i32
      %mul3A_18 = arith.muli %scan3A_16, %mul3A_17 : i32
      %add3A_19 = arith.constant 0 : i32
      %add3A_20 = arith.addi %add3A_19, %mul3A_18 : i32
      %get3A = arith.index_cast %add3A_20 : i32 to index
      %get3A_21 = arith.constant 0 : index
      %get3A_22 = tpu.vector_load %arg7[%get3A, %get3A_21] {strides = array<i32>} : memref<40x128xi32, #tpu.memory_space<vmem>>, vector<16xi32>,
      %gather3A = tpu.vector_load_idx %arg9[%get3A_22] : memref<10240xf32, #tpu.memory_space<vmem>>[vector<16xi32>], vector<16xf32>,
      %swap3A = arith.constant 0 : i32
      %swap3A_23 = arith.index_cast %swap3A : i32 to index
      %swap3A_24 = arith.constant 0 : index
      %swap3A_25 = tpu.vector_load %arg10[%swap3A_23, %swap3A_24] {strides = array<i32>} : memref<1x128xf32, #tpu.memory_space<vmem>>, vector<16xf32>,
      tpu.vector_store %arg10[%swap3A_23, %swap3A_24], %gather3A {strides = array<i32>} : memref<1x128xf32, #tpu.memory_space<vmem>>, vector<16xf32>,
      %get3A_26 = arith.index_cast %add3A_20 : i32 to index
      %get3A_27 = arith.constant 16 : index
      %get3A_28 = tpu.vector_load %arg7[%get3A_26, %get3A_27] {strides = array<i32>} : memref<40x128xi32, #tpu.memory_space<vmem>>, vector<16xi32>,
      %gather3A_29 = tpu.vector_load_idx %arg9[%get3A_28] : memref<10240xf32, #tpu.memory_space<vmem>>[vector<16xi32>], vector<16xf32>,
      %swap3A_30 = arith.constant 0 : i32
      %swap3A_31 = arith.index_cast %swap3A_30 : i32 to index
      %swap3A_32 = arith.constant 16 : index
      %swap3A_33 = tpu.vector_load %arg10[%swap3A_31, %swap3A_32] {strides = array<i32>} : memref<1x128xf32, #tpu.memory_space<vmem>>, vector<16xf32>,
      tpu.vector_store %arg10[%swap3A_31, %swap3A_32], %gather3A_29 {strides = array<i32>} : memref<1x128xf32, #tpu.memory_space<vmem>>, vector<16xf32>,
      %get3A_34 = arith.index_cast %add3A_20 : i32 to index
      %get3A_35 = arith.constant 32 : index
      %get3A_36 = tpu.vector_load %arg7[%get3A_34, %get3A_35] {strides = array<i32>} : memref<40x128xi32, #tpu.memory_space<vmem>>, vector<16xi32>,
      %gather3A_37 = tpu.vector_load_idx %arg9[%get3A_36] : memref<10240xf32, #tpu.memory_space<vmem>>[vector<16xi32>], vector<16xf32>,
      %swap3A_38 = arith.constant 0 : i32
      %swap3A_39 = arith.index_cast %swap3A_38 : i32 to index
      %swap3A_40 = arith.constant 32 : index
      %swap3A_41 = tpu.vector_load %arg10[%swap3A_39, %swap3A_40] {strides = array<i32>} : memref<1x128xf32, #tpu.memory_space<vmem>>, vector<16xf32>,
      tpu.vector_store %arg10[%swap3A_39, %swap3A_40], %gather3A_37 {strides = array<i32>} : memref<1x128xf32, #tpu.memory_space<vmem>>, vector<16xf32>,
      %get3A_42 = arith.index_cast %add3A_20 : i32 to index
      %get3A_43 = arith.constant 48 : index
      %get3A_44 = tpu.vector_load %arg7[%get3A_42, %get3A_43] {strides = array<i32>} : memref<40x128xi32, #tpu.memory_space<vmem>>, vector<16xi32>,
      %gather3A_45 = tpu.vector_load_idx %arg9[%get3A_44] : memref<10240xf32, #tpu.memory_space<vmem>>[vector<16xi32>], vector<16xf32>,
      %swap3A_46 = arith.constant 0 : i32
      %swap3A_47 = arith.index_cast %swap3A_46 : i32 to index
      %swap3A_48 = arith.constant 48 : index
      %swap3A_49 = tpu.vector_load %arg10[%swap3A_47, %swap3A_48] {strides = array<i32>} : memref<1x128xf32, #tpu.memory_space<vmem>>, vector<16xf32>,
      tpu.vector_store %arg10[%swap3A_47, %swap3A_48], %gather3A_45 {strides = array<i32>} : memref<1x128xf32, #tpu.memory_space<vmem>>, vector<16xf32>,
      %get3A_50 = arith.index_cast %add3A_20 : i32 to index
      %get3A_51 = arith.constant 64 : index
      %get3A_52 = tpu.vector_load %arg7[%get3A_50, %get3A_51] {strides = array<i32>} : memref<40x128xi32, #tpu.memory_space<vmem>>, vector<16xi32>,
      %gather3A_53 = tpu.vector_load_idx %arg9[%get3A_52] : memref<10240xf32, #tpu.memory_space<vmem>>[vector<16xi32>], vector<16xf32>,
      %swap3A_54 = arith.constant 0 : i32
      %swap3A_55 = arith.index_cast %swap3A_54 : i32 to index
      %swap3A_56 = arith.constant 64 : index
      %swap3A_57 = tpu.vector_load %arg10[%swap3A_55, %swap3A_56] {strides = array<i32>} : memref<1x128xf32, #tpu.memory_space<vmem>>, vector<16xf32>,
      tpu.vector_store %arg10[%swap3A_55, %swap3A_56], %gather3A_53 {strides = array<i32>} : memref<1x128xf32, #tpu.memory_space<vmem>>, vector<16xf32>,
      %get3A_58 = arith.index_cast %add3A_20 : i32 to index
      %get3A_59 = arith.constant 80 : index
      %get3A_60 = tpu.vector_load %arg7[%get3A_58, %get3A_59] {strides = array<i32>} : memref<40x128xi32, #tpu.memory_space<vmem>>, vector<16xi32>,
      %gather3A_61 = tpu.vector_load_idx %arg9[%get3A_60] : memref<10240xf32, #tpu.memory_space<vmem>>[vector<16xi32>], vector<16xf32>,
      %swap3A_62 = arith.constant 0 : i32
      %swap3A_63 = arith.index_cast %swap3A_62 : i32 to index
      %swap3A_64 = arith.constant 80 : index
      %swap3A_65 = tpu.vector_load %arg10[%swap3A_63, %swap3A_64] {strides = array<i32>} : memref<1x128xf32, #tpu.memory_space<vmem>>, vector<16xf32>,
      tpu.vector_store %arg10[%swap3A_63, %swap3A_64], %gather3A_61 {strides = array<i32>} : memref<1x128xf32, #tpu.memory_space<vmem>>, vector<16xf32>,
      %get3A_66 = arith.index_cast %add3A_20 : i32 to index
      %get3A_67 = arith.constant 96 : index
      %get3A_68 = tpu.vector_load %arg7[%get3A_66, %get3A_67] {strides = array<i32>} : memref<40x128xi32, #tpu.memory_space<vmem>>, vector<16xi32>,
      %gather3A_69 = tpu.vector_load_idx %arg9[%get3A_68] : memref<10240xf32, #tpu.memory_space<vmem>>[vector<16xi32>], vector<16xf32>,
      %swap3A_70 = arith.constant 0 : i32
      %swap3A_71 = arith.index_cast %swap3A_70 : i32 to index
      %swap3A_72 = arith.constant 96 : index
      %swap3A_73 = tpu.vector_load %arg10[%swap3A_71, %swap3A_72] {strides = array<i32>} : memref<1x128xf32, #tpu.memory_space<vmem>>, vector<16xf32>,
      tpu.vector_store %arg10[%swap3A_71, %swap3A_72], %gather3A_69 {strides = array<i32>} : memref<1x128xf32, #tpu.memory_space<vmem>>, vector<16xf32>,
      %get3A_74 = arith.index_cast %add3A_20 : i32 to index
      %get3A_75 = arith.constant 112 : index
      %get3A_76 = tpu.vector_load %arg7[%get3A_74, %get3A_75] {strides = array<i32>} : memref<40x128xi32, #tpu.memory_space<vmem>>, vector<16xi32>,
      %gather3A_77 = tpu.vector_load_idx %arg9[%get3A_76] : memref<10240xf32, #tpu.memory_space<vmem>>[vector<16xi32>], vector<16xf32>,
      %swap3A_78 = arith.constant 0 : i32
      %swap3A_79 = arith.index_cast %swap3A_78 : i32 to index
      %swap3A_80 = arith.constant 112 : index
      %swap3A_81 = tpu.vector_load %arg10[%swap3A_79, %swap3A_80] {strides = array<i32>} : memref<1x128xf32, #tpu.memory_space<vmem>>, vector<16xf32>,
      tpu.vector_store %arg10[%swap3A_79, %swap3A_80], %gather3A_77 {strides = array<i32>} : memref<1x128xf32, #tpu.memory_space<vmem>>, vector<16xf32>,
      %run_scoped3A = arith.constant 0 : i32
      "tpu.region"() ({
        %run_scoped3A_82 = tpu.sem_alloc : memref<!tpu.dma_semaphore, #tpu.memory_space<semaphore_mem>>
        %dma_start3A = arith.constant 0 : i32
        %dma_start3A_83 = tpu.memref_slice %arg10[%run_scoped3A, %dma_start3A] : memref<1x128xf32, #tpu.memory_space<vmem>> -> memref<1x128xf32, #tpu.memory_space<vmem>>
        %dma_start3A_84 = tpu.memref_squeeze %dma_start3A_83 : memref<1x128xf32, #tpu.memory_space<vmem>> -> memref<128xf32, #tpu.memory_space<vmem>>
        %dma_start3A_85 = arith.constant 0 : i32
        %dma_start3A_86 = tpu.memref_slice %arg8[%add3A_20, %dma_start3A_85] : memref<40x128xi32, #tpu.memory_space<vmem>> -> memref<1x128xi32, #tpu.memory_space<vmem>>
        %dma_start3A_87 = tpu.memref_squeeze %dma_start3A_86 : memref<1x128xi32, #tpu.memory_space<vmem>> -> memref<128xi32, #tpu.memory_space<vmem>>
        %dma_start3A_88 = arith.constant 0 : i32
        %dma_start3A_89 = tpu.memref_slice %arg6[%dma_start3A_88] : memref<10240xf32, #tpu.memory_space<vmem_shared>> -> memref<10240xf32, #tpu.memory_space<vmem_shared>>
        tpu.enqueue_indirect_dma source(%dma_start3A_84 : memref<128xf32, #tpu.memory_space<vmem>>) target(%dma_start3A_89 : memref<10240xf32, #tpu.memory_space<vmem_shared>>) offsets(%dma_start3A_87 : memref<128xi32, #tpu.memory_space<vmem>>) semaphore(%run_scoped3A_82 : memref<!tpu.dma_semaphore, #tpu.memory_space<semaphore_mem>>) {add = true}
        %dma_wait3A = arith.constant 0 : i32
        %dma_wait3A_90 = tpu.memref_slice %arg10[%run_scoped3A, %dma_wait3A] : memref<1x128xf32, #tpu.memory_space<vmem>> -> memref<1x128xf32, #tpu.memory_space<vmem>>
        %dma_wait3A_91 = tpu.memref_squeeze %dma_wait3A_90 : memref<1x128xf32, #tpu.memory_space<vmem>> -> memref<128xf32, #tpu.memory_space<vmem>>
        %dma_wait3A_92 = arith.constant 0 : i32
        %dma_wait3A_93 = tpu.memref_slice %arg8[%add3A_20, %dma_wait3A_92] : memref<40x128xi32, #tpu.memory_space<vmem>> -> memref<1x128xi32, #tpu.memory_space<vmem>>
        %dma_wait3A_94 = tpu.memref_squeeze %dma_wait3A_93 : memref<1x128xi32, #tpu.memory_space<vmem>> -> memref<128xi32, #tpu.memory_space<vmem>>
        %dma_wait3A_95 = arith.constant 0 : i32
        %dma_wait3A_96 = tpu.memref_slice %arg6[%dma_wait3A_95] : memref<10240xf32, #tpu.memory_space<vmem_shared>> -> memref<10240xf32, #tpu.memory_space<vmem_shared>>
        tpu.wait_indirect_dma semaphore(%run_scoped3A_82 : memref<!tpu.dma_semaphore, #tpu.memory_space<semaphore_mem>>) src(%dma_wait3A_91 : memref<128xf32, #tpu.memory_space<vmem>>) dst(%dma_wait3A_96 : memref<10240xf32, #tpu.memory_space<vmem_shared>>)
        tpu.yield
      }) : () -> ()
    }
    %scan3A_12 = arith.constant 40 : i32
    %barrier3A_13 = arith.constant 0 : index
    tpu.barrier barrier_id(%barrier3A_13)
    %mul3A_14 = arith.constant 640 : i32
    %mul3A_15 = arith.muli %arg1, %mul3A_14 : i32
    "tpu.region"() ({
      %run_scoped3A = tpu.sem_alloc : memref<!tpu.dma_semaphore, #tpu.memory_space<semaphore_mem>>
      %dma_start3A = tpu.memref_slice %arg5[%arg0, %mul3A_15] : memref<2x10240xf32, #tpu.memory_space<hbm>> -> memref<1x640xf32, #tpu.memory_space<hbm>>
      %dma_start3A_16 = tpu.memref_squeeze %dma_start3A : memref<1x640xf32, #tpu.memory_space<hbm>> -> memref<640xf32, #tpu.memory_space<hbm>>
      %dma_start3A_17 = tpu.memref_slice %arg6[%mul3A_15] : memref<10240xf32, #tpu.memory_space<vmem_shared>> -> memref<640xf32, #tpu.memory_space<vmem_shared>>
      tpu.enqueue_dma source(%dma_start3A_17 : memref<640xf32, #tpu.memory_space<vmem_shared>>) target(%dma_start3A_16 : memref<640xf32, #tpu.memory_space<hbm>>) target_semaphore(%run_scoped3A : memref<!tpu.dma_semaphore, #tpu.memory_space<semaphore_mem>>)
      %dma_wait3A = tpu.memref_slice %arg5[%arg0, %mul3A_15] : memref<2x10240xf32, #tpu.memory_space<hbm>> -> memref<1x640xf32, #tpu.memory_space<hbm>>
      %dma_wait3A_18 = tpu.memref_squeeze %dma_wait3A : memref<1x640xf32, #tpu.memory_space<hbm>> -> memref<640xf32, #tpu.memory_space<hbm>>
      %dma_wait3A_19 = tpu.memref_slice %arg6[%mul3A_15] : memref<10240xf32, #tpu.memory_space<vmem_shared>> -> memref<640xf32, #tpu.memory_space<vmem_shared>>
      tpu.wait_dma2 semaphore(%run_scoped3A : memref<!tpu.dma_semaphore, #tpu.memory_space<semaphore_mem>>) src(%dma_wait3A_19 : memref<640xf32, #tpu.memory_space<vmem_shared>>) dst(%dma_wait3A_18 : memref<640xf32, #tpu.memory_space<hbm>>)
      tpu.yield
    }) : () -> ()
    return
  }
}

module attributes {stable_mosaic.version = 14 : i64} {
  func.func @_tc_prep_body(%arg0: i32, %arg1: memref<2x512x1xf32, #tpu.memory_space<vmem>>, %arg2: memref<512x1xf32, #tpu.memory_space<vmem>>) attributes {dimension_semantics = [#tpu.dimension_semantics<arbitrary>], iteration_bounds = array<i64: 20>, scalar_prefetch = 0 : i64, scratch_operands = 0 : i64, tpu.core_type = #tpu.core_type<tc>, window_params = [{transform_indices = @transform_0, window_bounds = array<i64: 2, 512, 1>}, {transform_indices = @transform_1, window_bounds = array<i64: 512, 1>}]} {
    %get3A = arith.constant 0 : index
    %get3A_0 = arith.constant 0 : index
    %get3A_1 = arith.constant 0 : index
    %get3A_2 = vector.load %arg1[%get3A, %get3A_0, %get3A_1] : memref<2x512x1xf32, #tpu.memory_space<vmem>>, vector<1x512x1xf32>
    %get3A_3 = vector.shape_cast %get3A_2 : vector<1x512x1xf32> to vector<512x1xf32>
    %get3A_4 = arith.constant 1 : index
    %get3A_5 = arith.constant 0 : index
    %get3A_6 = arith.constant 0 : index
    %get3A_7 = vector.load %arg1[%get3A_4, %get3A_5, %get3A_6] : memref<2x512x1xf32, #tpu.memory_space<vmem>>, vector<1x512x1xf32>
    %get3A_8 = vector.shape_cast %get3A_7 : vector<1x512x1xf32> to vector<512x1xf32>
    %add3A = arith.addf %get3A_3, %get3A_8 : vector<512x1xf32>
    %add3A_9 = arith.constant 1.000000e+00 : f32
    %add3A_10 = vector.broadcast %add3A_9 : f32 to vector<512x1xf32>
    %add3A_11 = arith.addf %add3A_10, %add3A : vector<512x1xf32>
    %rsqrt3A = math.rsqrt %add3A_11 : vector<512x1xf32>
    %swap3A = arith.constant 0 : index
    %swap3A_12 = arith.constant 0 : index
    %swap3A_13 = vector.load %arg2[%swap3A, %swap3A_12] : memref<512x1xf32, #tpu.memory_space<vmem>>, vector<512x1xf32>
    tpu.vector_store %arg2[%swap3A, %swap3A_12], %rsqrt3A {strides = array<i32>} : memref<512x1xf32, #tpu.memory_space<vmem>>, vector<512x1xf32>,
    return
  }
  func.func @transform_0(%arg0: i32) -> (i32, i32, i32) {
    %c0_i32 = arith.constant 0 : i32
    %c0_i32_0 = arith.constant 0 : i32
    %c0_i32_1 = arith.constant 0 : i32
    return %c0_i32, %arg0, %c0_i32_0 : i32, i32, i32
  }
  func.func @transform_1(%arg0: i32) -> (i32, i32) {
    %c0_i32 = arith.constant 0 : i32
    %c0_i32_0 = arith.constant 0 : i32
    return %arg0, %c0_i32 : i32, i32
  }
}

module attributes {stable_mosaic.version = 14 : i64} {
  func.func @_tc_l1_body(%arg0: i32, %arg1: memref<2x512x8xf32, #tpu.memory_space<vmem>>, %arg2: memref<512x1xi32, #tpu.memory_space<vmem>>, %arg3: memref<512x1xf32, #tpu.memory_space<vmem>>, %arg4: memref<8x512xf32, #tpu.memory_space<vmem>>, %arg5: memref<512x512xf32, #tpu.memory_space<vmem>>, %arg6: memref<1x512xf32, #tpu.memory_space<vmem>>, %arg7: memref<512x512xf32, #tpu.memory_space<vmem>>, %arg8: memref<4x512x128xf32, #tpu.memory_space<vmem>>) attributes {dimension_semantics = [#tpu.dimension_semantics<arbitrary>], iteration_bounds = array<i64: 20>, scalar_prefetch = 0 : i64, scratch_operands = 0 : i64, tpu.core_type = #tpu.core_type<tc>, window_params = [{transform_indices = @transform_0, window_bounds = array<i64: 2, 512, 8>}, {transform_indices = @transform_1, window_bounds = array<i64: 512, 1>}, {transform_indices = @transform_2, window_bounds = array<i64: 512, 1>}, {pipeline_mode = #tpu.pipeline_mode<synchronous>, transform_indices = @transform_3, window_bounds = array<i64: 8, 512>}, {pipeline_mode = #tpu.pipeline_mode<synchronous>, transform_indices = @transform_4, window_bounds = array<i64: 512, 512>}, {pipeline_mode = #tpu.pipeline_mode<synchronous>, transform_indices = @transform_5, window_bounds = array<i64: 1, 512>}, {pipeline_mode = #tpu.pipeline_mode<synchronous>, transform_indices = @transform_6, window_bounds = array<i64: 512, 512>}, {transform_indices = @transform_7, window_bounds = array<i64: 4, 512, 128>}]} {
    %get3A = arith.constant 0 : index
    %get3A_0 = arith.constant 0 : index
    %get3A_1 = arith.constant 0 : index
    %get3A_2 = vector.load %arg1[%get3A, %get3A_0, %get3A_1] : memref<2x512x8xf32, #tpu.memory_space<vmem>>, vector<1x512x8xf32>
    %get3A_3 = vector.shape_cast %get3A_2 : vector<1x512x8xf32> to vector<512x8xf32>
    %get3A_4 = arith.constant 1 : index
    %get3A_5 = arith.constant 0 : index
    %get3A_6 = arith.constant 0 : index
    %get3A_7 = vector.load %arg1[%get3A_4, %get3A_5, %get3A_6] : memref<2x512x8xf32, #tpu.memory_space<vmem>>, vector<1x512x8xf32>
    %get3A_8 = vector.shape_cast %get3A_7 : vector<1x512x8xf32> to vector<512x8xf32>
    %add3A = arith.addf %get3A_3, %get3A_8 : vector<512x8xf32>
    %get3A_9 = arith.constant 0 : index
    %get3A_10 = arith.constant 0 : index
    %get3A_11 = vector.load %arg2[%get3A_9, %get3A_10] : memref<512x1xi32, #tpu.memory_space<vmem>>, vector<512x1xi32>
    %squeeze3A = vector.shape_cast %get3A_11 : vector<512x1xi32> to vector<512xi32>
    %get3A_12 = arith.constant 0 : index
    %get3A_13 = arith.constant 0 : index
    %get3A_14 = vector.load %arg3[%get3A_12, %get3A_13] : memref<512x1xf32, #tpu.memory_space<vmem>>, vector<512x1xf32>
    %iota3A = tpu.iota {dimensions = array<i32: 1>} : vector<512x8xi32>
    %broadcast_in_dim3A = vector.shape_cast %squeeze3A : vector<512xi32> to vector<512x1xi32>
    %eq3A = vector.broadcast %broadcast_in_dim3A : vector<512x1xi32> to vector<512x8xi32>
    %eq3A_15 = arith.cmpi eq, %iota3A, %eq3A : vector<512x8xi32>
    %jit3A = arith.constant 0.000000e+00 : f32
    %broadcast_in_dim3A_16 = vector.shape_cast %get3A_14 : vector<512x1xf32> to vector<512x1xf32>
    %broadcast_in_dim3A_17 = vector.broadcast %broadcast_in_dim3A_16 : vector<512x1xf32> to vector<512x8xf32>
    %broadcast_in_dim3A_18 = vector.broadcast %jit3A : f32 to vector<512x8xf32>
    %select_n3A = arith.select %eq3A_15, %broadcast_in_dim3A_17, %broadcast_in_dim3A_18 : vector<512x8xi1>, vector<512x8xf32>
    %add3A_19 = arith.addf %add3A, %select_n3A : vector<512x8xf32>
    %get3A_20 = arith.constant 0 : index
    %get3A_21 = arith.constant 0 : index
    %get3A_22 = vector.load %arg4[%get3A_20, %get3A_21] : memref<8x512xf32, #tpu.memory_space<vmem>>, vector<8x512xf32>
    %get3A_23 = arith.constant 0 : index
    %get3A_24 = arith.constant 0 : index
    %get3A_25 = vector.load %arg5[%get3A_23, %get3A_24] : memref<512x512xf32, #tpu.memory_space<vmem>>, vector<512x512xf32>
    %dot_general3A = arith.constant dense<0.000000e+00> : vector<8x512xf32>
    %dot_general3A_26 = tpu.matmul %get3A_22, %get3A_25, %dot_general3A {dimension_numbers = #tpu.dot_dimension_numbers<[1], [1], [0], [0], [0, 0, 1, 0], [], []>, transpose_lhs_hint = false} : vector<8x512xf32>, vector<512x512xf32>, vector<8x512xf32> -> vector<8x512xf32>
    %dot_general3A_27 = arith.constant dense<0.000000e+00> : vector<512x512xf32>
    %dot_general3A_28 = tpu.matmul %add3A_19, %dot_general3A_26, %dot_general3A_27 {dimension_numbers = #tpu.dot_dimension_numbers<[1], [0], [0], [1], [0, 0, 1, 1], [], []>, transpose_lhs_hint = false} : vector<512x8xf32>, vector<8x512xf32>, vector<512x512xf32> -> vector<512x512xf32>
    %mul3A = vector.broadcast %get3A_14 : vector<512x1xf32> to vector<512x512xf32>
    %mul3A_29 = arith.mulf %mul3A, %dot_general3A_28 : vector<512x512xf32>
    %get3A_30 = arith.constant 0 : index
    %get3A_31 = arith.constant 0 : index
    %get3A_32 = vector.load %arg6[%get3A_30, %get3A_31] : memref<1x512xf32, #tpu.memory_space<vmem>>, vector<1x512xf32>
    %add3A_33 = vector.broadcast %get3A_32 : vector<1x512xf32> to vector<512x512xf32>
    %add3A_34 = arith.addf %mul3A_29, %add3A_33 : vector<512x512xf32>
    %max3A = arith.constant 0.000000e+00 : f32
    %max3A_35 = vector.broadcast %max3A : f32 to vector<512x512xf32>
    %max3A_36 = arith.maximumf %add3A_34, %max3A_35 : vector<512x512xf32>
    %get3A_37 = arith.constant 0 : index
    %get3A_38 = arith.constant 0 : index
    %get3A_39 = vector.load %arg7[%get3A_37, %get3A_38] : memref<512x512xf32, #tpu.memory_space<vmem>>, vector<512x512xf32>
    %dot_general3A_40 = arith.constant dense<0.000000e+00> : vector<512x512xf32>
    %dot_general3A_41 = tpu.matmul %max3A_36, %get3A_39, %dot_general3A_40 {dimension_numbers = #tpu.dot_dimension_numbers<[1], [1], [0], [0], [0, 0, 1, 0], [], []>, transpose_lhs_hint = false} : vector<512x512xf32>, vector<512x512xf32>, vector<512x512xf32> -> vector<512x512xf32>
    %mul3A_42 = vector.broadcast %get3A_14 : vector<512x1xf32> to vector<512x512xf32>
    %mul3A_43 = arith.mulf %mul3A_42, %dot_general3A_41 : vector<512x512xf32>
    %slice3A = vector.extract_strided_slice %mul3A_43 {offsets = [0, 0], sizes = [512, 128], strides = [1, 1]} : vector<512x512xf32> to vector<512x128xf32>
    %swap3A = arith.constant 0 : index
    %swap3A_44 = arith.constant 0 : index
    %swap3A_45 = arith.constant 0 : index
    %swap3A_46 = vector.load %arg8[%swap3A, %swap3A_44, %swap3A_45] : memref<4x512x128xf32, #tpu.memory_space<vmem>>, vector<1x512x128xf32>
    %swap3A_47 = vector.shape_cast %swap3A_46 : vector<1x512x128xf32> to vector<512x128xf32>
    %swap3A_48 = vector.shape_cast %slice3A : vector<512x128xf32> to vector<1x512x128xf32>
    tpu.vector_store %arg8[%swap3A, %swap3A_44, %swap3A_45], %swap3A_48 {strides = array<i32>} : memref<4x512x128xf32, #tpu.memory_space<vmem>>, vector<1x512x128xf32>,
    %slice3A_49 = vector.extract_strided_slice %mul3A_43 {offsets = [0, 128], sizes = [512, 128], strides = [1, 1]} : vector<512x512xf32> to vector<512x128xf32>
    %swap3A_50 = arith.constant 1 : index
    %swap3A_51 = arith.constant 0 : index
    %swap3A_52 = arith.constant 0 : index
    %swap3A_53 = vector.load %arg8[%swap3A_50, %swap3A_51, %swap3A_52] : memref<4x512x128xf32, #tpu.memory_space<vmem>>, vector<1x512x128xf32>
    %swap3A_54 = vector.shape_cast %swap3A_53 : vector<1x512x128xf32> to vector<512x128xf32>
    %swap3A_55 = vector.shape_cast %slice3A_49 : vector<512x128xf32> to vector<1x512x128xf32>
    tpu.vector_store %arg8[%swap3A_50, %swap3A_51, %swap3A_52], %swap3A_55 {strides = array<i32>} : memref<4x512x128xf32, #tpu.memory_space<vmem>>, vector<1x512x128xf32>,
    %slice3A_56 = vector.extract_strided_slice %mul3A_43 {offsets = [0, 256], sizes = [512, 128], strides = [1, 1]} : vector<512x512xf32> to vector<512x128xf32>
    %swap3A_57 = arith.constant 2 : index
    %swap3A_58 = arith.constant 0 : index
    %swap3A_59 = arith.constant 0 : index
    %swap3A_60 = vector.load %arg8[%swap3A_57, %swap3A_58, %swap3A_59] : memref<4x512x128xf32, #tpu.memory_space<vmem>>, vector<1x512x128xf32>
    %swap3A_61 = vector.shape_cast %swap3A_60 : vector<1x512x128xf32> to vector<512x128xf32>
    %swap3A_62 = vector.shape_cast %slice3A_56 : vector<512x128xf32> to vector<1x512x128xf32>
    tpu.vector_store %arg8[%swap3A_57, %swap3A_58, %swap3A_59], %swap3A_62 {strides = array<i32>} : memref<4x512x128xf32, #tpu.memory_space<vmem>>, vector<1x512x128xf32>,
    %slice3A_63 = vector.extract_strided_slice %mul3A_43 {offsets = [0, 384], sizes = [512, 128], strides = [1, 1]} : vector<512x512xf32> to vector<512x128xf32>
    %swap3A_64 = arith.constant 3 : index
    %swap3A_65 = arith.constant 0 : index
    %swap3A_66 = arith.constant 0 : index
    %swap3A_67 = vector.load %arg8[%swap3A_64, %swap3A_65, %swap3A_66] : memref<4x512x128xf32, #tpu.memory_space<vmem>>, vector<1x512x128xf32>
    %swap3A_68 = vector.shape_cast %swap3A_67 : vector<1x512x128xf32> to vector<512x128xf32>
    %swap3A_69 = vector.shape_cast %slice3A_63 : vector<512x128xf32> to vector<1x512x128xf32>
    tpu.vector_store %arg8[%swap3A_64, %swap3A_65, %swap3A_66], %swap3A_69 {strides = array<i32>} : memref<4x512x128xf32, #tpu.memory_space<vmem>>, vector<1x512x128xf32>,
    return
  }
  func.func @transform_0(%arg0: i32) -> (i32, i32, i32) {
    %c0_i32 = arith.constant 0 : i32
    %c0_i32_0 = arith.constant 0 : i32
    %c0_i32_1 = arith.constant 0 : i32
    return %c0_i32, %arg0, %c0_i32_0 : i32, i32, i32
  }
  func.func @transform_1(%arg0: i32) -> (i32, i32) {
    %c0_i32 = arith.constant 0 : i32
    %c0_i32_0 = arith.constant 0 : i32
    return %arg0, %c0_i32 : i32, i32
  }
  func.func @transform_2(%arg0: i32) -> (i32, i32) {
    %c0_i32 = arith.constant 0 : i32
    %c0_i32_0 = arith.constant 0 : i32
    return %arg0, %c0_i32 : i32, i32
  }
  func.func @transform_3(%arg0: i32) -> (i32, i32) {
    %c0_i32 = arith.constant 0 : i32
    %c0_i32_0 = arith.constant 0 : i32
    %c0_i32_1 = arith.constant 0 : i32
    return %c0_i32, %c0_i32_0 : i32, i32
  }
  func.func @transform_4(%arg0: i32) -> (i32, i32) {
    %c0_i32 = arith.constant 0 : i32
    %c0_i32_0 = arith.constant 0 : i32
    %c0_i32_1 = arith.constant 0 : i32
    return %c0_i32, %c0_i32_0 : i32, i32
  }
  func.func @transform_5(%arg0: i32) -> (i32, i32) {
    %c0_i32 = arith.constant 0 : i32
    %c0_i32_0 = arith.constant 0 : i32
    %c0_i32_1 = arith.constant 0 : i32
    return %c0_i32, %c0_i32_0 : i32, i32
  }
  func.func @transform_6(%arg0: i32) -> (i32, i32) {
    %c0_i32 = arith.constant 0 : i32
    %c0_i32_0 = arith.constant 0 : i32
    %c0_i32_1 = arith.constant 0 : i32
    return %c0_i32, %c0_i32_0 : i32, i32
  }
  func.func @transform_7(%arg0: i32) -> (i32, i32, i32) {
    %c0_i32 = arith.constant 0 : i32
    %c0_i32_0 = arith.constant 0 : i32
    %c0_i32_1 = arith.constant 0 : i32
    return %c0_i32, %arg0, %c0_i32_0 : i32, i32, i32
  }
}

module attributes {stable_mosaic.version = 14 : i64} {
  func.func @_tc_mid_body(%arg0: i32, %arg1: memref<4x512x128xf32, #tpu.memory_space<vmem>>, %arg2: memref<512x1xf32, #tpu.memory_space<vmem>>, %arg3: memref<1x512xf32, #tpu.memory_space<vmem>>, %arg4: memref<512x512xf32, #tpu.memory_space<vmem>>, %arg5: memref<4x512x128xf32, #tpu.memory_space<vmem>>) attributes {dimension_semantics = [#tpu.dimension_semantics<arbitrary>], iteration_bounds = array<i64: 20>, scalar_prefetch = 0 : i64, scratch_operands = 0 : i64, tpu.core_type = #tpu.core_type<tc>, window_params = [{transform_indices = @transform_0, window_bounds = array<i64: 4, 512, 128>}, {transform_indices = @transform_1, window_bounds = array<i64: 512, 1>}, {pipeline_mode = #tpu.pipeline_mode<synchronous>, transform_indices = @transform_2, window_bounds = array<i64: 1, 512>}, {pipeline_mode = #tpu.pipeline_mode<synchronous>, transform_indices = @transform_3, window_bounds = array<i64: 512, 512>}, {transform_indices = @transform_4, window_bounds = array<i64: 4, 512, 128>}]} {
    %get3A = arith.constant 0 : index
    %get3A_0 = arith.constant 0 : index
    %get3A_1 = arith.constant 0 : index
    %get3A_2 = vector.load %arg1[%get3A, %get3A_0, %get3A_1] : memref<4x512x128xf32, #tpu.memory_space<vmem>>, vector<1x512x128xf32>
    %get3A_3 = vector.shape_cast %get3A_2 : vector<1x512x128xf32> to vector<512x128xf32>
    %get3A_4 = arith.constant 1 : index
    %get3A_5 = arith.constant 0 : index
    %get3A_6 = arith.constant 0 : index
    %get3A_7 = vector.load %arg1[%get3A_4, %get3A_5, %get3A_6] : memref<4x512x128xf32, #tpu.memory_space<vmem>>, vector<1x512x128xf32>
    %get3A_8 = vector.shape_cast %get3A_7 : vector<1x512x128xf32> to vector<512x128xf32>
    %get3A_9 = arith.constant 2 : index
    %get3A_10 = arith.constant 0 : index
    %get3A_11 = arith.constant 0 : index
    %get3A_12 = vector.load %arg1[%get3A_9, %get3A_10, %get3A_11] : memref<4x512x128xf32, #tpu.memory_space<vmem>>, vector<1x512x128xf32>
    %get3A_13 = vector.shape_cast %get3A_12 : vector<1x512x128xf32> to vector<512x128xf32>
    %get3A_14 = arith.constant 3 : index
    %get3A_15 = arith.constant 0 : index
    %get3A_16 = arith.constant 0 : index
    %get3A_17 = vector.load %arg1[%get3A_14, %get3A_15, %get3A_16] : memref<4x512x128xf32, #tpu.memory_space<vmem>>, vector<1x512x128xf32>
    %get3A_18 = vector.shape_cast %get3A_17 : vector<1x512x128xf32> to vector<512x128xf32>
    %concatenate3A = tpu.concatenate %get3A_3, %get3A_8, %get3A_13, %get3A_18 in 1 : vector<512x128xf32>, vector<512x128xf32>, vector<512x128xf32>, vector<512x128xf32> -> vector<512x512xf32>
    %get3A_19 = arith.constant 0 : index
    %get3A_20 = arith.constant 0 : index
    %get3A_21 = vector.load %arg2[%get3A_19, %get3A_20] : memref<512x1xf32, #tpu.memory_space<vmem>>, vector<512x1xf32>
    %mul3A = vector.broadcast %get3A_21 : vector<512x1xf32> to vector<512x512xf32>
    %mul3A_22 = arith.mulf %mul3A, %concatenate3A : vector<512x512xf32>
    %get3A_23 = arith.constant 0 : index
    %get3A_24 = arith.constant 0 : index
    %get3A_25 = vector.load %arg3[%get3A_23, %get3A_24] : memref<1x512xf32, #tpu.memory_space<vmem>>, vector<1x512xf32>
    %add3A = vector.broadcast %get3A_25 : vector<1x512xf32> to vector<512x512xf32>
    %add3A_26 = arith.addf %mul3A_22, %add3A : vector<512x512xf32>
    %max3A = arith.constant 0.000000e+00 : f32
    %max3A_27 = vector.broadcast %max3A : f32 to vector<512x512xf32>
    %max3A_28 = arith.maximumf %add3A_26, %max3A_27 : vector<512x512xf32>
    %get3A_29 = arith.constant 0 : index
    %get3A_30 = arith.constant 0 : index
    %get3A_31 = vector.load %arg4[%get3A_29, %get3A_30] : memref<512x512xf32, #tpu.memory_space<vmem>>, vector<512x512xf32>
    %dot_general3A = arith.constant dense<0.000000e+00> : vector<512x512xf32>
    %dot_general3A_32 = tpu.matmul %max3A_28, %get3A_31, %dot_general3A {dimension_numbers = #tpu.dot_dimension_numbers<[1], [1], [0], [0], [0, 0, 1, 0], [], []>, transpose_lhs_hint = false} : vector<512x512xf32>, vector<512x512xf32>, vector<512x512xf32> -> vector<512x512xf32>
    %mul3A_33 = vector.broadcast %get3A_21 : vector<512x1xf32> to vector<512x512xf32>
    %mul3A_34 = arith.mulf %mul3A_33, %dot_general3A_32 : vector<512x512xf32>
    %slice3A = vector.extract_strided_slice %mul3A_34 {offsets = [0, 0], sizes = [512, 128], strides = [1, 1]} : vector<512x512xf32> to vector<512x128xf32>
    %swap3A = arith.constant 0 : index
    %swap3A_35 = arith.constant 0 : index
    %swap3A_36 = arith.constant 0 : index
    %swap3A_37 = vector.load %arg5[%swap3A, %swap3A_35, %swap3A_36] : memref<4x512x128xf32, #tpu.memory_space<vmem>>, vector<1x512x128xf32>
    %swap3A_38 = vector.shape_cast %swap3A_37 : vector<1x512x128xf32> to vector<512x128xf32>
    %swap3A_39 = vector.shape_cast %slice3A : vector<512x128xf32> to vector<1x512x128xf32>
    tpu.vector_store %arg5[%swap3A, %swap3A_35, %swap3A_36], %swap3A_39 {strides = array<i32>} : memref<4x512x128xf32, #tpu.memory_space<vmem>>, vector<1x512x128xf32>,
    %slice3A_40 = vector.extract_strided_slice %mul3A_34 {offsets = [0, 128], sizes = [512, 128], strides = [1, 1]} : vector<512x512xf32> to vector<512x128xf32>
    %swap3A_41 = arith.constant 1 : index
    %swap3A_42 = arith.constant 0 : index
    %swap3A_43 = arith.constant 0 : index
    %swap3A_44 = vector.load %arg5[%swap3A_41, %swap3A_42, %swap3A_43] : memref<4x512x128xf32, #tpu.memory_space<vmem>>, vector<1x512x128xf32>
    %swap3A_45 = vector.shape_cast %swap3A_44 : vector<1x512x128xf32> to vector<512x128xf32>
    %swap3A_46 = vector.shape_cast %slice3A_40 : vector<512x128xf32> to vector<1x512x128xf32>
    tpu.vector_store %arg5[%swap3A_41, %swap3A_42, %swap3A_43], %swap3A_46 {strides = array<i32>} : memref<4x512x128xf32, #tpu.memory_space<vmem>>, vector<1x512x128xf32>,
    %slice3A_47 = vector.extract_strided_slice %mul3A_34 {offsets = [0, 256], sizes = [512, 128], strides = [1, 1]} : vector<512x512xf32> to vector<512x128xf32>
    %swap3A_48 = arith.constant 2 : index
    %swap3A_49 = arith.constant 0 : index
    %swap3A_50 = arith.constant 0 : index
    %swap3A_51 = vector.load %arg5[%swap3A_48, %swap3A_49, %swap3A_50] : memref<4x512x128xf32, #tpu.memory_space<vmem>>, vector<1x512x128xf32>
    %swap3A_52 = vector.shape_cast %swap3A_51 : vector<1x512x128xf32> to vector<512x128xf32>
    %swap3A_53 = vector.shape_cast %slice3A_47 : vector<512x128xf32> to vector<1x512x128xf32>
    tpu.vector_store %arg5[%swap3A_48, %swap3A_49, %swap3A_50], %swap3A_53 {strides = array<i32>} : memref<4x512x128xf32, #tpu.memory_space<vmem>>, vector<1x512x128xf32>,
    %slice3A_54 = vector.extract_strided_slice %mul3A_34 {offsets = [0, 384], sizes = [512, 128], strides = [1, 1]} : vector<512x512xf32> to vector<512x128xf32>
    %swap3A_55 = arith.constant 3 : index
    %swap3A_56 = arith.constant 0 : index
    %swap3A_57 = arith.constant 0 : index
    %swap3A_58 = vector.load %arg5[%swap3A_55, %swap3A_56, %swap3A_57] : memref<4x512x128xf32, #tpu.memory_space<vmem>>, vector<1x512x128xf32>
    %swap3A_59 = vector.shape_cast %swap3A_58 : vector<1x512x128xf32> to vector<512x128xf32>
    %swap3A_60 = vector.shape_cast %slice3A_54 : vector<512x128xf32> to vector<1x512x128xf32>
    tpu.vector_store %arg5[%swap3A_55, %swap3A_56, %swap3A_57], %swap3A_60 {strides = array<i32>} : memref<4x512x128xf32, #tpu.memory_space<vmem>>, vector<1x512x128xf32>,
    return
  }
  func.func @transform_0(%arg0: i32) -> (i32, i32, i32) {
    %c0_i32 = arith.constant 0 : i32
    %c0_i32_0 = arith.constant 0 : i32
    %c0_i32_1 = arith.constant 0 : i32
    return %c0_i32, %arg0, %c0_i32_0 : i32, i32, i32
  }
  func.func @transform_1(%arg0: i32) -> (i32, i32) {
    %c0_i32 = arith.constant 0 : i32
    %c0_i32_0 = arith.constant 0 : i32
    return %arg0, %c0_i32 : i32, i32
  }
  func.func @transform_2(%arg0: i32) -> (i32, i32) {
    %c0_i32 = arith.constant 0 : i32
    %c0_i32_0 = arith.constant 0 : i32
    %c0_i32_1 = arith.constant 0 : i32
    return %c0_i32, %c0_i32_0 : i32, i32
  }
  func.func @transform_3(%arg0: i32) -> (i32, i32) {
    %c0_i32 = arith.constant 0 : i32
    %c0_i32_0 = arith.constant 0 : i32
    %c0_i32_1 = arith.constant 0 : i32
    return %c0_i32, %c0_i32_0 : i32, i32
  }
  func.func @transform_4(%arg0: i32) -> (i32, i32, i32) {
    %c0_i32 = arith.constant 0 : i32
    %c0_i32_0 = arith.constant 0 : i32
    %c0_i32_1 = arith.constant 0 : i32
    return %c0_i32, %arg0, %c0_i32_0 : i32, i32, i32
  }
}

module attributes {stable_mosaic.version = 14 : i64} {
  func.func @_tc_head_body(%arg0: i32, %arg1: memref<4x512x128xf32, #tpu.memory_space<vmem>>, %arg2: memref<512x1xf32, #tpu.memory_space<vmem>>, %arg3: memref<1x512xf32, #tpu.memory_space<vmem>>, %arg4: memref<1x512xf32, #tpu.memory_space<vmem>>, %arg5: memref<512x1xf32, #tpu.memory_space<vmem>>) attributes {dimension_semantics = [#tpu.dimension_semantics<arbitrary>], iteration_bounds = array<i64: 20>, scalar_prefetch = 0 : i64, scratch_operands = 0 : i64, tpu.core_type = #tpu.core_type<tc>, window_params = [{transform_indices = @transform_0, window_bounds = array<i64: 4, 512, 128>}, {transform_indices = @transform_1, window_bounds = array<i64: 512, 1>}, {pipeline_mode = #tpu.pipeline_mode<synchronous>, transform_indices = @transform_2, window_bounds = array<i64: 1, 512>}, {pipeline_mode = #tpu.pipeline_mode<synchronous>, transform_indices = @transform_3, window_bounds = array<i64: 1, 512>}, {transform_indices = @transform_4, window_bounds = array<i64: 512, 1>}]} {
    %get3A = arith.constant 0 : index
    %get3A_0 = arith.constant 0 : index
    %get3A_1 = arith.constant 0 : index
    %get3A_2 = vector.load %arg1[%get3A, %get3A_0, %get3A_1] : memref<4x512x128xf32, #tpu.memory_space<vmem>>, vector<1x512x128xf32>
    %get3A_3 = vector.shape_cast %get3A_2 : vector<1x512x128xf32> to vector<512x128xf32>
    %get3A_4 = arith.constant 1 : index
    %get3A_5 = arith.constant 0 : index
    %get3A_6 = arith.constant 0 : index
    %get3A_7 = vector.load %arg1[%get3A_4, %get3A_5, %get3A_6] : memref<4x512x128xf32, #tpu.memory_space<vmem>>, vector<1x512x128xf32>
    %get3A_8 = vector.shape_cast %get3A_7 : vector<1x512x128xf32> to vector<512x128xf32>
    %get3A_9 = arith.constant 2 : index
    %get3A_10 = arith.constant 0 : index
    %get3A_11 = arith.constant 0 : index
    %get3A_12 = vector.load %arg1[%get3A_9, %get3A_10, %get3A_11] : memref<4x512x128xf32, #tpu.memory_space<vmem>>, vector<1x512x128xf32>
    %get3A_13 = vector.shape_cast %get3A_12 : vector<1x512x128xf32> to vector<512x128xf32>
    %get3A_14 = arith.constant 3 : index
    %get3A_15 = arith.constant 0 : index
    %get3A_16 = arith.constant 0 : index
    %get3A_17 = vector.load %arg1[%get3A_14, %get3A_15, %get3A_16] : memref<4x512x128xf32, #tpu.memory_space<vmem>>, vector<1x512x128xf32>
    %get3A_18 = vector.shape_cast %get3A_17 : vector<1x512x128xf32> to vector<512x128xf32>
    %concatenate3A = tpu.concatenate %get3A_3, %get3A_8, %get3A_13, %get3A_18 in 1 : vector<512x128xf32>, vector<512x128xf32>, vector<512x128xf32>, vector<512x128xf32> -> vector<512x512xf32>
    %get3A_19 = arith.constant 0 : index
    %get3A_20 = arith.constant 0 : index
    %get3A_21 = vector.load %arg2[%get3A_19, %get3A_20] : memref<512x1xf32, #tpu.memory_space<vmem>>, vector<512x1xf32>
    %mul3A = vector.broadcast %get3A_21 : vector<512x1xf32> to vector<512x512xf32>
    %mul3A_22 = arith.mulf %mul3A, %concatenate3A : vector<512x512xf32>
    %get3A_23 = arith.constant 0 : index
    %get3A_24 = arith.constant 0 : index
    %get3A_25 = vector.load %arg3[%get3A_23, %get3A_24] : memref<1x512xf32, #tpu.memory_space<vmem>>, vector<1x512xf32>
    %add3A = vector.broadcast %get3A_25 : vector<1x512xf32> to vector<512x512xf32>
    %add3A_26 = arith.addf %mul3A_22, %add3A : vector<512x512xf32>
    %max3A = arith.constant 0.000000e+00 : f32
    %max3A_27 = vector.broadcast %max3A : f32 to vector<512x512xf32>
    %max3A_28 = arith.maximumf %add3A_26, %max3A_27 : vector<512x512xf32>
    %get3A_29 = arith.constant 0 : index
    %get3A_30 = arith.constant 0 : index
    %get3A_31 = vector.load %arg4[%get3A_29, %get3A_30] : memref<1x512xf32, #tpu.memory_space<vmem>>, vector<1x512xf32>
    %dot_general3A = arith.constant dense<0.000000e+00> : vector<512x1xf32>
    %dot_general3A_32 = tpu.matmul %max3A_28, %get3A_31, %dot_general3A {dimension_numbers = #tpu.dot_dimension_numbers<[1], [1], [0], [0], [0, 0, 1, 0], [], []>, transpose_lhs_hint = false} : vector<512x512xf32>, vector<1x512xf32>, vector<512x1xf32> -> vector<512x1xf32>
    %mul3A_33 = arith.mulf %get3A_21, %dot_general3A_32 : vector<512x1xf32>
    %swap3A = arith.constant 0 : index
    %swap3A_34 = arith.constant 0 : index
    %swap3A_35 = vector.load %arg5[%swap3A, %swap3A_34] : memref<512x1xf32, #tpu.memory_space<vmem>>, vector<512x1xf32>
    tpu.vector_store %arg5[%swap3A, %swap3A_34], %mul3A_33 {strides = array<i32>} : memref<512x1xf32, #tpu.memory_space<vmem>>, vector<512x1xf32>,
    return
  }
  func.func @transform_0(%arg0: i32) -> (i32, i32, i32) {
    %c0_i32 = arith.constant 0 : i32
    %c0_i32_0 = arith.constant 0 : i32
    %c0_i32_1 = arith.constant 0 : i32
    return %c0_i32, %arg0, %c0_i32_0 : i32, i32, i32
  }
  func.func @transform_1(%arg0: i32) -> (i32, i32) {
    %c0_i32 = arith.constant 0 : i32
    %c0_i32_0 = arith.constant 0 : i32
    return %arg0, %c0_i32 : i32, i32
  }
  func.func @transform_2(%arg0: i32) -> (i32, i32) {
    %c0_i32 = arith.constant 0 : i32
    %c0_i32_0 = arith.constant 0 : i32
    %c0_i32_1 = arith.constant 0 : i32
    return %c0_i32, %c0_i32_0 : i32, i32
  }
  func.func @transform_3(%arg0: i32) -> (i32, i32) {
    %c0_i32 = arith.constant 0 : i32
    %c0_i32_0 = arith.constant 0 : i32
    %c0_i32_1 = arith.constant 0 : i32
    return %c0_i32, %c0_i32_0 : i32, i32
  }
  func.func @transform_4(%arg0: i32) -> (i32, i32) {
    %c0_i32 = arith.constant 0 : i32
    %c0_i32_0 = arith.constant 0 : i32
    return %arg0, %c0_i32 : i32, i32
  }
}

module attributes {stable_mosaic.version = 14 : i64} {
  func.func @_tc_fin_body(%arg0: i32, %arg1: memref<512x1xf32, #tpu.memory_space<vmem>>, %arg2: memref<2x512x1xf32, #tpu.memory_space<vmem>>, %arg3: memref<512x1xf32, #tpu.memory_space<vmem>>, %arg4: memref<1x1xf32, #tpu.memory_space<vmem>>, %arg5: memref<512x1xf32, #tpu.memory_space<vmem>>) attributes {dimension_semantics = [#tpu.dimension_semantics<arbitrary>], iteration_bounds = array<i64: 20>, scalar_prefetch = 0 : i64, scratch_operands = 0 : i64, tpu.core_type = #tpu.core_type<tc>, window_params = [{transform_indices = @transform_0, window_bounds = array<i64: 512, 1>}, {transform_indices = @transform_1, window_bounds = array<i64: 2, 512, 1>}, {transform_indices = @transform_2, window_bounds = array<i64: 512, 1>}, {pipeline_mode = #tpu.pipeline_mode<synchronous>, transform_indices = @transform_3, window_bounds = array<i64: 1, 1>}, {transform_indices = @transform_4, window_bounds = array<i64: 512, 1>}]} {
    %get3A = arith.constant 0 : index
    %get3A_0 = arith.constant 0 : index
    %get3A_1 = vector.load %arg1[%get3A, %get3A_0] : memref<512x1xf32, #tpu.memory_space<vmem>>, vector<512x1xf32>
    %get3A_2 = arith.constant 0 : index
    %get3A_3 = arith.constant 0 : index
    %get3A_4 = arith.constant 0 : index
    %get3A_5 = vector.load %arg2[%get3A_2, %get3A_3, %get3A_4] : memref<2x512x1xf32, #tpu.memory_space<vmem>>, vector<1x512x1xf32>
    %get3A_6 = vector.shape_cast %get3A_5 : vector<1x512x1xf32> to vector<512x1xf32>
    %add3A = arith.addf %get3A_1, %get3A_6 : vector<512x1xf32>
    %get3A_7 = arith.constant 1 : index
    %get3A_8 = arith.constant 0 : index
    %get3A_9 = arith.constant 0 : index
    %get3A_10 = vector.load %arg2[%get3A_7, %get3A_8, %get3A_9] : memref<2x512x1xf32, #tpu.memory_space<vmem>>, vector<1x512x1xf32>
    %get3A_11 = vector.shape_cast %get3A_10 : vector<1x512x1xf32> to vector<512x1xf32>
    %add3A_12 = arith.addf %add3A, %get3A_11 : vector<512x1xf32>
    %get3A_13 = arith.constant 0 : index
    %get3A_14 = arith.constant 0 : index
    %get3A_15 = vector.load %arg3[%get3A_13, %get3A_14] : memref<512x1xf32, #tpu.memory_space<vmem>>, vector<512x1xf32>
    %mul3A = arith.mulf %get3A_15, %add3A_12 : vector<512x1xf32>
    %get3A_16 = arith.constant 0 : index
    %get3A_17 = arith.constant 0 : index
    %get3A_18 = vector.load %arg4[%get3A_16, %get3A_17] : memref<1x1xf32, #tpu.memory_space<vmem>>, vector<1x1xf32>
    %get3A_19 = vector.extract %get3A_18[0, 0] : f32 from vector<1x1xf32>
    %add3A_20 = vector.broadcast %get3A_19 : f32 to vector<512x1xf32>
    %add3A_21 = arith.addf %mul3A, %add3A_20 : vector<512x1xf32>
    %logistic3A = arith.negf %add3A_21 : vector<512x1xf32>
    %logistic3A_22 = math.exp %logistic3A : vector<512x1xf32>
    %logistic3A_23 = arith.constant 1.000000e+00 : f32
    %logistic3A_24 = vector.broadcast %logistic3A_23 : f32 to vector<512x1xf32>
    %logistic3A_25 = arith.addf %logistic3A_24, %logistic3A_22 : vector<512x1xf32>
    %logistic3A_26 = arith.divf %logistic3A_24, %logistic3A_25 : vector<512x1xf32>
    %swap3A = arith.constant 0 : index
    %swap3A_27 = arith.constant 0 : index
    %swap3A_28 = vector.load %arg5[%swap3A, %swap3A_27] : memref<512x1xf32, #tpu.memory_space<vmem>>, vector<512x1xf32>
    tpu.vector_store %arg5[%swap3A, %swap3A_27], %logistic3A_26 {strides = array<i32>} : memref<512x1xf32, #tpu.memory_space<vmem>>, vector<512x1xf32>,
    return
  }
  func.func @transform_0(%arg0: i32) -> (i32, i32) {
    %c0_i32 = arith.constant 0 : i32
    %c0_i32_0 = arith.constant 0 : i32
    return %arg0, %c0_i32 : i32, i32
  }
  func.func @transform_1(%arg0: i32) -> (i32, i32, i32) {
    %c0_i32 = arith.constant 0 : i32
    %c0_i32_0 = arith.constant 0 : i32
    %c0_i32_1 = arith.constant 0 : i32
    return %c0_i32, %arg0, %c0_i32_0 : i32, i32, i32
  }
  func.func @transform_2(%arg0: i32) -> (i32, i32) {
    %c0_i32 = arith.constant 0 : i32
    %c0_i32_0 = arith.constant 0 : i32
    return %arg0, %c0_i32 : i32, i32
  }
  func.func @transform_3(%arg0: i32) -> (i32, i32) {
    %c0_i32 = arith.constant 0 : i32
    %c0_i32_0 = arith.constant 0 : i32
    %c0_i32_1 = arith.constant 0 : i32
    return %c0_i32, %c0_i32_0 : i32, i32
  }
  func.func @transform_4(%arg0: i32) -> (i32, i32) {
    %c0_i32 = arith.constant 0 : i32
    %c0_i32_0 = arith.constant 0 : i32
    return %arg0, %c0_i32 : i32, i32
  }
}

</mosaic_0001>

<sc_bundles>
// kernel: kernel.12.cloned.1.call-start
scs
__scs_entry_jumppad:
0x0: {  	(pc) =	sbr.rel $0x88, $3  }
0x1: {  	(tag) =	ssettag $0x0;
	lr =	simm.s32 $0x1  }
0x2: {  	[smem:$0x3F96] =	sst lr;
	_ =	strace $0xD0000000  }
0x3: {  	_ = 	snop  }
0x4: {  	_ = 	snop  }
0x5: {  	_ = 	snop  }
0x6: {  	_ = 	snop  }
0x7: {  	_ = 	snop  }
__scs_overlays_trampoline_lowered:
0x8: {  	[smem:$0x3FA5] =	sst s0  }
0x9: {  	[smem:$0x3FA6] =	sst s1  }
0xa: {  	[smem:$0x3FA7] =	sst s2  }
0xb: {  	[smem:$0x3FA8] =	sst s3  }
0xc: {  	[smem:$0x3FA9] =	sst s4  }
0xd: {  	[smem:$0x3FAA] =	sst s5  }
0xe: {  	[smem:$0x3FAB] =	sst s6  }
0xf: {  	[smem:$0x3FAC] =	sst s7  }
0x10: {  	[smem:$0x3FAD] =	sst s8  }
0x11: {  	[smem:$0x3FAE] =	sst s9;
	s0 =	simm.s32 @!p0 $0x0  }
0x12: {  	s1 =	sld [smem:$0x3F94];
	s0 =	simm.s32 @p0 $0x1  }
0x13: {  	[smem:$0x3FAF] =	sst s0;
	s0 =	simm.s32 @!p1 $0x0  }
0x14: {  	s2 =	sld [smem:$0x3F93];
	s0 =	simm.s32 @p1 $0x1  }
0x15: {  	[smem:$0x3FB0] =	sst s0;
	s0 =	simm.s32 @!p2 $0x0  }
0x16: {  	s3 =	sld [smem:$0x3FDB];
	s0 =	simm.s32 @p2 $0x1  }
0x17: {  	s4 =	simm.s32 $0x1BF5;
	[smem:$0x3FB2] =	sst s0  }
0x18: {  	s0 =	sld [smem:$0x3F95];
	_ =	swait.ge [sflag:s4], $0x0  }
0x19: {  	s7 =	sld [smem:$0x3F96]  }
0x1a: {  	s8 =	sadd.s32 $0xFFFFE003, lr  }
0x1b: {  	s9 =	sadd.s32 $0xFFFFFEF7, lr;
	s5 =	simm.s32 $0xFFFFFFFF;
	p2 =	slt.u32 s8, $0xFFFFF086  }
0x1c: {  	p1 =	slt.u32 s9, $0xF7A;
	s5 =	simm.s32 @!p2 $0x0  }
0x1d: {  	s5 =	simm.s32 @p1 $0x1;
	p0 =	seq.s32 s7, s2  }
0x1e: {  	s7 =	smul.u32 @!p0 $0xF7A, s2;
	p2 =	seq.s32 @!p0 s5, $0x0  }
0x1f: {  	s9 =	smul.u32 $0xF7A, s1;
	s8 =	simm.s32 @!p0 $0x1BF5;
	p2 =	por !p2, p0  }
0x20: {  	[sflag:s8] =	ssyncset.s32 @!p0 $0xFFFFF086;
	s6 =	sadd.s32 @!p0 s3, s7;
	s7 =	simm.s32 @!p0 $0x108  }
0x21: {  	s3 =	sadd.s32 s3, s9;
	s6 =	sadd.s32 @!p0 $0x88, s6;
	s7 =	simm.s32 @p2 $0x1082  }
0x22: {  	[simem:s7], [sflag:s8] =	dma.local @!p0 [hbm:s6], $0xF7A  }
0x23: {  	s9 =	sor.u32 $0xD0000000, s2;
	s6 =	simm.s32 $0x108;
	_ =	swait.ge @!p0 [sflag:s8], $0x0  }
0x24: {  	s3 =	sadd.s32 $0x88, s3;
	s6 =	simm.s32 @!p1 $0x1082;
	[sflag:s4] =	ssyncset.s32 $0xFFFFF086  }
0x25: {  	[simem:s6], [sflag:s4] =	dma.local [hbm:s3], $0xF7A  }
0x26: {  	[smem:$0x3F96] =	sst s1;
	(tag) =	ssettag s2;
	_ =	strace s9  }
0x27: {  	s1 =	sld [smem:$0x3FA6]  }
0x28: {  	s2 =	sld [smem:$0x3FA7]  }
0x29: {  	s4 =	sld [smem:$0x3FA9]  }
0x2a: {  	p0 =	seq.s32 s5, $0x0;
	s5 =	sld [smem:$0x3FAA]  }
0x2b: {  	s6 =	sld [smem:$0x3FAB]  }
0x2c: {  	s7 =	sld [smem:$0x3FAC]  }
0x2d: {  	s3 =	simm.s32 $0x108;
	s8 =	sld [smem:$0x3FAD]  }
0x2e: {  	s3 =	simm.s32 @!p0 $0x1082;
	s9 =	sld [smem:$0x3FAE]  }
0x2f: {  	lr =	sadd.s32 s0, s3;
	s0 =	sld [smem:$0x3FA5]  }
0x30: {  	s3 =	sld [smem:$0x3FA8]  }
0x31: {  	[smem:$0x3FB1] =	sst s10  }
0x32: {  	s10 =	sld [smem:$0x3FAF];
	_ =	sdelay $0x3  }
0x33: {  	p0 =	seq.s32 s10, $0x1;
	s10 =	sld [smem:$0x3FB1];
	_ =	sdelay $0x3  }
0x34: {  	[smem:$0x3FB1] =	sst s10  }
0x35: {  	s10 =	sld [smem:$0x3FB0];
	_ =	sdelay $0x3  }
0x36: {  	p1 =	seq.s32 s10, $0x1;
	s10 =	sld [smem:$0x3FB1];
	_ =	sdelay $0x3  }
0x37: {  	[smem:$0x3FB1] =	sst s10  }
0x38: {  	s10 =	sld [smem:$0x3FB2]  }
0x39: {  	_ = 	snop;
	(pc) =	sbr.ind lr, $3  }
0x3a: {  	_ = 	snop  }
0x3b: {  	_ = 	snop  }
0x3c: {  	p2 =	seq.s32 s10, $0x1;
	s10 =	sld [smem:$0x3FB1]  }
0x3d: {  	_ =	shalt  }
0x3e: {  	_ =	shalt  }
0x3f: {  	_ =	shalt  }
0x40: {  	_ =	shalt  }
0x41: {  	_ =	shalt  }
0x42: {  	_ =	shalt  }
0x43: {  	_ =	shalt  }
0x44: {  	_ =	shalt  }
0x45: {  	_ =	shalt  }
0x46: {  	_ =	shalt  }
0x47: {  	_ =	shalt  }
0x48: {  	_ =	shalt  }
0x49: {  	_ =	shalt  }
0x4a: {  	_ =	shalt  }
0x4b: {  	_ =	shalt  }
0x4c: {  	_ =	shalt  }
0x4d: {  	_ =	shalt  }
0x4e: {  	_ =	shalt  }
0x4f: {  	_ =	shalt  }
0x50: {  	_ =	shalt  }
0x51: {  	_ =	shalt  }
0x52: {  	_ =	shalt  }
0x53: {  	_ =	shalt  }
0x54: {  	_ =	shalt  }
0x55: {  	_ =	shalt  }
0x56: {  	_ =	shalt  }
0x57: {  	_ =	shalt  }
0x58: {  	_ =	shalt  }
0x59: {  	_ =	shalt  }
0x5a: {  	_ =	shalt  }
0x5b: {  	_ =	shalt  }
0x5c: {  	_ =	shalt  }
0x5d: {  	_ =	shalt  }
0x5e: {  	_ =	shalt  }
0x5f: {  	_ =	shalt  }
0x60: {  	_ =	shalt  }
0x61: {  	_ =	shalt  }
0x62: {  	_ =	shalt  }
0x63: {  	_ =	shalt  }
0x64: {  	_ =	shalt  }
0x65: {  	_ =	shalt  }
0x66: {  	_ =	shalt  }
0x67: {  	_ =	shalt  }
0x68: {  	_ =	shalt  }
0x69: {  	_ =	shalt  }
0x6a: {  	_ =	shalt  }
0x6b: {  	_ =	shalt  }
0x6c: {  	_ =	shalt  }
0x6d: {  	_ =	shalt  }
0x6e: {  	_ =	shalt  }
0x6f: {  	_ =	shalt  }
0x70: {  	_ =	shalt  }
0x71: {  	_ =	shalt  }
0x72: {  	_ =	shalt  }
0x73: {  	_ =	shalt  }
0x74: {  	_ =	shalt  }
0x75: {  	_ =	shalt  }
0x76: {  	_ =	shalt  }
0x77: {  	_ =	shalt  }
0x78: {  	_ =	shalt  }
0x79: {  	_ =	shalt  }
0x7a: {  	_ =	shalt  }
0x7b: {  	_ =	shalt  }
0x7c: {  	_ =	shalt  }
0x7d: {  	_ =	shalt  }
0x7e: {  	_ =	shalt  }
0x7f: {  	_ =	shalt  }
0x80: {  	_ =	shalt  }
0x81: {  	_ =	shalt  }
0x82: {  	_ =	shalt  }
0x83: {  	_ =	shalt  }
0x84: {  	_ =	shalt  }
0x85: {  	_ =	shalt  }
0x86: {  	_ =	shalt  }
0x87: {  	_ =	shalt  }
.Lfunc_end0:
.L_simem_size_0:
called_computation_lowered:
.L_overlay_start_0:
0x88: {  	s2 =	sld [smem:$0x3FD9]  }
0x89: {  	s3 =	sld [smem:$0x3FFE];
	_ =	sdelay $0x1  }
0x8a: {  	s1 =	srdreg.scid  }
0x8b: {  	s0 =	sand.u32 $0x1, s1  }
0x8c: {  	s16 =	sshll.u32 s0, $0xA;
	s2 =	sadd.s32 s3, s2  }
0x8d: {  	s2 =	sadd.s32 s2, s16  }
0x8e: {  	[smem:$0x3FBD] =	sst s2  }
0x8f: {  	_ = 	snop  }
0x90: {  	(tm) =	ssettm $0x1  }
0x91: {  	s17 =	sld [smem:$0x3FFB];
	_ =	sdelay $0x3  }
0x92: {  	_ =	strace s17  }
0x93: {  	s2 =	sld [smem:$0x3FFC];
	_ =	sdelay $0x3  }
0x94: {  	_ =	strace s2  }
0x95: {  	s2 =	sld [smem:$0x3FFD];
	_ =	sdelay $0x3  }
0x96: {  	_ =	strace s2  }
0x97: {  	_ =	strace $0x8FFFFFFF  }
0x98: {  	s18 =	sld [smem:$0x3FDB];
	_ =	sdelay $0x1  }
0x99: {  	s19 =	simm.s32 $_scs_section_size  }
0x9a: {  	s4 =	simm.s32 $_size__tile_overlayer_lowered;
	s5 =	simm.s32 $_tile_overlayer_lowered  }
0x9b: {  	s22 =	simm.s32 $0x1BFF;
	s21 =	sshll.u32 s5, $0x1;
	s2 =	sadd.s32 s19, s18  }
0x9c: {  	s6 =	simm.s32 $0x0;
	s20 =	sshll.u32 s4, $0x1;
	s4 =	sadd.s32 s21, s2  }
0x9d: {  	[timem:s6], [sflag:s22] =	dma.local [hbm:s4], s20  }
0x9e: {  	_ =	swait.ge [sflag:s22], s20  }
0x9f: {  	s3 =	ssub.s32 $0x0, s20;
	[sflag:s22] =	ssyncset.done $0x0  }
0xa0: {  	[sflag:s22] =	ssyncadd.s32 s3;
	_ =	sdelay $0x1  }
0xa1: {  	s23 =	simm.s32 $0x1B8B  }
0xa2: {  	_ =	swait.ge [sflag:s23], $0x1  }
0xa3: {  	[sflag:s23] =	ssyncset.done $0x0  }
0xa4: {  	s25 =	simm.s32 $0x1B8E;
	s24 =	sld [smem:$0x3FFE];
	[sflag:s23] =	ssyncadd.s32 $0xFFFFFFFF  }
0xa5: {  	s26 =	simm.s32 $execute0_lowered;
	[smem:$0x3FD2] =	sst s25  }
0xa6: {  	s4 =	sshll.u32 s26, $0x1;
	_ =	strace $0x80000046;
	[dreg:$0x1] =	wrdreg $0xFFFFFFFF  }
0xa7: {  	s28 =	simm.s32 $_size_execute0_lowered;
	s2 =	sadd.s32 s2, s4;
	[dreg:$0x0] =	wrdreg $0x0  }
0xa8: {  	s4 =	sshll.u32 s28, $0x1;
	[dreg:$0x2] =	wrdreg s2  }
0xa9: {  	[dreg:$0x3] =	wrdreg s4  }
0xaa: {  	[dreg:$0x4] =	wrdreg $0xC0  }
0xab: {  	_ =	task [dreg:s6], $0x5FFFF  }
0xac: {  	[dreg:$0x1] =	wrdreg $0xFFFFFFFF  }
0xad: {  	[dreg:$0x0] =	wrdreg $0x60  }
0xae: {  	[dreg:$0x2] =	wrdreg s24  }
0xaf: {  	[dreg:$0x3] =	wrdreg $0x0  }
0xb0: {  	[dreg:$0x4] =	wrdreg $0x9  }
0xb1: {  	_ =	task.clear_ibuf [dreg:s6], $0x5FFFF;
	_ =	strace $0x90000046  }
0xb2: {  	s29 =	simm.s32 $0x9;
	_ =	strace $0x80000048  }
0xb3: {  	_ =	swait.ge [sflag:s29], $0x1  }
0xb4: {  	[sflag:s29] =	ssyncadd.s32 $0xFFFFFFFF  }
0xb5: {  	_ =	strace $0x90000048  }
0xb6: {  	_ =	sfence  }
0xb7: {  	s30 =	sld [smem:$0x0];
	_ =	sdelay $0x2  }
0xb8: {  	s31 =	sshll.u32 s1, $0xD;
	s1 =	sshrl.u32 s1, $0x2  }
0xb9: {  	s3 =	sand.u32 $0x4000, s31;
	s1 =	sadd.s32 s1, s30  }
0xba: {  	s0 =	sor.u32 s3, s0;
	s1 =	sshll.u32 s1, $0x11  }
0xbb: {  	s0 =	sor.u32 s1, s0  }
0xbc: {  	s0 =	sadd.s32 $0x8F2B, s0  }
0xbd: {  	[sflag:s0] =	ssyncadd.remote.s32 $0x1  }
0xbe: {  	_ =	sfence.sel $0xFFFF  }
0xbf: {  	[dreg:$0x0] =	wrdreg $0xFFFFFFFF;
	(pc) =	sbr.abs _section_cstart, $3  }
0xc0: {  	[dreg:$0x1] =	wrdreg $0xFFFFFFFF  }
0xc1: {  	_ =	task.clear_ibuf [dreg:s6], $0x2FFFF;
	_ =	strace $0x9FFFFFFF  }
0xc2: {  	(tm) =	ssettm $0x7FFFFFFF  }
0xc3: {  	_ =	shalt  }
tec
execute0_lowered:
.L_overlay_start_1:
0x0: {  	(tag) =	ssettag $0x1  }
0x1: {  	s4 =	rddreg [dreg:$0x0]  }
0x2: {  	s1 =	rddreg [dreg:$0x1]  }
0x3: {  	s2 =	srdreg.scid;
	s0 =	rddreg [dreg:$0x2];
	s3 =	simm.s32 $0x0  }
0x4: {  	s10 =	simm.s32 $0x280;
	s11 =	simm.s32 $0x80;
	s12 =	simm.s32 $0x1680  }
0x5: {  	s15 =	simm.s32 $0x20;
	s16 =	simm.s32 $0x10;
	s17 =	simm.s32 $0x0  }
0x6: {  	s5 =	sand.u32 $0x1, s2;
	s2 =	stileid.u32;
	[smem:$0x7FF] =	sst s3  }
0x7: {  	s6 =	sshll.u32 s5, $0x4;
	s7 =	smul.u32 $0x500, s2;
	_ =	strace $0x80000047  }
0x8: {  	s8 =	sshll.u32 s5, $0x7;
	s5 =	ssub.s32 $0x2, s5;
	s30 =	smul.u32 $0xA00, s2  }
0x9: {  	s13 =	sshll.u32 s2, $0x6;
	s6 =	sor.u32 s2, s6;
	s9 =	sshrl.u32 s5, $0x1  }
0xa: {  	s13 =	sor.u32 $0x1C01, s13;
	s6 =	smul.u32 $0x280, s6;
	s7 =	sor.u32 s8, s7  }
0xb: {  	s9 =	ssub.s32 s5, s9;
	s31 =	sshrl.u32 s30, $0x2;
	s7 =	sshrl.u32 s7, $0x3  }
0xc: {  	s8 =	simm.s32 $0x1700;
	s6 =	sadd.s32 s6, s4;
	s7 =	sadd.s32 s7, s4  }
0xd: {  	s4 =	sadd.s32 s31, s1;
	s5 =	sadd.s32 $0xE00, s6;
	s6 =	sadd.s32 $0x5E00, s7  }
0xe: {  	v0 =	vimm.f32 $0.0e+00;
	v1 =	vimm.f32 $1.000000000e+00;
	s7 =	smax.u32 s9, $0x1;
	s9 =	simm.s32 $0x1;
	s14 =	sshrl.u32 s4, $0x3  }
.LBB2_1:
0xf: {  	[tilespmem:$0x1700] =	vst v0  }
0x10: {  	[tilespmem:$0x1710] =	vst v0  }
0x11: {  	[tilespmem:$0x1720] =	vst v0  }
0x12: {  	[tilespmem:$0x1730] =	vst v0  }
0x13: {  	[tilespmem:$0x1740] =	vst v0  }
0x14: {  	[tilespmem:$0x1750] =	vst v0  }
0x15: {  	[tilespmem:$0x1760] =	vst v0  }
0x16: {  	[tilespmem:$0x1770] =	vst v0  }
0x17: {  	[tilespmem:$0x1780] =	vst v0  }
0x18: {  	[tilespmem:$0x1790] =	vst v0  }
0x19: {  	[tilespmem:$0x17A0] =	vst v0  }
0x1a: {  	[tilespmem:$0x17B0] =	vst v0  }
0x1b: {  	[tilespmem:$0x17C0] =	vst v0  }
0x1c: {  	[tilespmem:$0x17D0] =	vst v0  }
0x1d: {  	[tilespmem:$0x17E0] =	vst v0  }
0x1e: {  	[tilespmem:$0x17F0] =	vst v0  }
0x1f: {  	[tilespmem:$0x1800] =	vst v0  }
0x20: {  	[tilespmem:$0x1810] =	vst v0  }
0x21: {  	[tilespmem:$0x1820] =	vst v0  }
0x22: {  	[tilespmem:$0x1830] =	vst v0  }
0x23: {  	[tilespmem:$0x1840] =	vst v0  }
0x24: {  	[tilespmem:$0x1850] =	vst v0  }
0x25: {  	[tilespmem:$0x1860] =	vst v0  }
0x26: {  	[tilespmem:$0x1870] =	vst v0  }
0x27: {  	[tilespmem:$0x1880] =	vst v0  }
0x28: {  	[tilespmem:$0x1890] =	vst v0  }
0x29: {  	[tilespmem:$0x18A0] =	vst v0  }
0x2a: {  	[tilespmem:$0x18B0] =	vst v0  }
0x2b: {  	[tilespmem:$0x18C0] =	vst v0  }
0x2c: {  	[tilespmem:$0x18D0] =	vst v0  }
0x2d: {  	[tilespmem:$0x18E0] =	vst v0  }
0x2e: {  	[tilespmem:$0x18F0] =	vst v0  }
0x2f: {  	[tilespmem:$0x1900] =	vst v0  }
0x30: {  	[tilespmem:$0x1910] =	vst v0  }
0x31: {  	[tilespmem:$0x1920] =	vst v0  }
0x32: {  	[tilespmem:$0x1930] =	vst v0  }
0x33: {  	[tilespmem:$0x1940] =	vst v0  }
0x34: {  	[tilespmem:$0x1950] =	vst v0  }
0x35: {  	[tilespmem:$0x1960] =	vst v0  }
0x36: {  	[tilespmem:$0x1970] =	vst v0  }
0x37: {  	[tilespmem:$0x1680] =	vst v1  }
0x38: {  	[tilespmem:$0x1690] =	vst v1  }
0x39: {  	[tilespmem:$0x16A0] =	vst v1  }
0x3a: {  	[tilespmem:$0x16B0] =	vst v1  }
0x3b: {  	[tilespmem:$0x16C0] =	vst v1  }
0x3c: {  	[tilespmem:$0x16D0] =	vst v1  }
0x3d: {  	[tilespmem:$0x16E0] =	vst v1  }
0x3e: {  	[tilespmem:$0x16F0] =	vst v1  }
0x3f: {  	[spmem:s4] =	stream.linear.scatter [tilespmem:s8], [sflag:$0x1], $0x280, $0x38;
	[tilespmem:$0x1980] =	vst v63  }
0x40: {  	_ =	swait.ge [sflag:s9], $0x280  }
0x41: {  	[sflag:s9] =	ssyncset.done $0x0  }
0x42: {  	[sflag:s9] =	ssyncadd.s32 $0xFFFFFD80  }
0x43: {  	[tilespmem:s10], [sflag:$0x1] =	stream.linear.gather [hbm4b:s5+s3], $0x1400, $0x38;
	[tilespmem:$0x1980] =	vst v63  }
0x44: {  	_ =	swait.ge [sflag:s9], $0x1400  }
0x45: {  	[sflag:s9] =	ssyncset.done $0x0  }
0x46: {  	[sflag:s9] =	ssyncadd.s32 $0xFFFFEC00  }
0x47: {  	s18 =	simm.s32 $0x280;
	[bflag:$0x0] =	sbarrier.arrive $0xFFFF  }
0x48: {  	[spmem:s1] =	stream.indirect.scatter.add.f32 [tilespmem:s12], [sflag:$0x1], $0x1, s18, s11, $0xb8;
	[tilespmem:$0x1980] =	vst v63  }
0x49: {  	s18 =	simm.s32 $0x200;
	_ =	swait.ge [sflag:s9], $0x80  }
.LBB2_2:
0x4a: {  	s19 =	sshra.s32 s18, $0x2;
	[sflag:s9] =	ssyncset.done $0x0;
	p0 =	sne.s32 s18, $0x4E00  }
.Ltmp0:
0x4b: {  	s19 =	sadd.s32 $0x280, s19;
	[sflag:s9] =	ssyncadd.s32 $0xFFFFFF80;
	(pc) =	sbr.rel @p0 .LBB2_2-.Ltmp0, $3  }
0x4c: {  	[spmem:s1] =	stream.indirect.scatter.add.f32 [tilespmem:s12], [sflag:$0x1], $0x1, s19, s11, $0xb8;
	[tilespmem:$0x1980] =	vst v63  }
0x4d: {  	s18 =	sadd.s32 $0x200, s18;
	_ =	sdelay $0x1  }
0x4e: {  	_ =	swait.ge [sflag:s9], $0x80  }
0x4f: {  	[sflag:s9] =	ssyncset.done $0x0;
	s17 =	sadd.s32 $0x1, s17  }
0x50: {  	[sflag:s9] =	ssyncadd.s32 $0xFFFFFF80;
	p0 =	sne.s32 s17, s7  }
.Ltmp1:
0x51: {  	[bflag:$0x0] =	sbarrier.arrive $0xFFFF;
	(pc) =	sbr.rel @p0 .LBB2_1-.Ltmp1, $4  }
0x52: {  	[hbm:s6@s15], [sflag:s13] =	dma.strided [spmem:s14@s16], $0x50, s9, $0x10   }
0x53: {  	_ =	swait.ge [sflag:s9], $0x50  }
0x54: {  	[sflag:s9] =	ssyncset.done $0x0  }
0x55: {  	[sflag:s9] =	ssyncadd.s32 $0xFFFFFFB0  }
0x56: {  	_ =	sfence.sel $0x180000  }
0x57: {  	[bflag:$0x0] =	sbarrier.arrive $0xFFFF  }
0x58: {  	p0 =	sne.s32 s2, $0x0;
	_ =	strace $0x90000047  }
0x59: {  	s0 =	sadd.s32 @!p0 $0x100000, s0;
	[bflag:$0x2] =	sbarrier.arrive $0xFFFF  }
0x5a: {  	[sflag:s0] =	ssyncadd.tile.s32 @!p0 $0x1;
	_ =	shalt  }
.Lfunc_end2:
_tile_overlayer_lowered:
.L_overlay_start_2:
0x5b: {  	(tag) =	ssettag $0x2  }
0x5c: {  	s0 =	rddreg [dreg:$0x0];
	s2 =	stileid.u32  }
0x5d: {  	s1 =	rddreg [dreg:$0x1];
	p0 =	sne.s32 s2, $0x0  }
0x5e: {  	s3 =	rddreg [dreg:$0x2];
	[bflag:$0x3] =	sbarrier.arrive $0xFFFF;
	s2 =	simm.s32 @!p0 $0x1C01  }
0x5f: {  	[timem:s3], [sflag:s2] =	dma.local @!p0 [hbm:s0], s1  }
0x60: {  	s0 =	simm.s32 @!p0 $0x1  }
0x61: {  	_ =	swait.ge @!p0 [sflag:s0], s1  }
0x62: {  	s1 =	ssub.s32 @!p0 $0x0, s1;
	[sflag:s0] =	ssyncset.done @!p0 $0x0  }
0x63: {  	[sflag:s0] =	ssyncadd.s32 @!p0 s1  }
0x64: {  	[bflag:$0x3] =	sbarrier.arrive $0xFFFF  }
0x65: {  	_ =	shalt  }

// kernel: kernel.15.cloned.1.call-start
scs
__scs_entry_jumppad:
0x0: {  	(pc) =	sbr.rel $0x88, $3  }
0x1: {  	(tag) =	ssettag $0x0;
	lr =	simm.s32 $0x1  }
0x2: {  	[smem:$0x3F96] =	sst lr;
	_ =	strace $0xD0000000  }
0x3: {  	_ = 	snop  }
0x4: {  	_ = 	snop  }
0x5: {  	_ = 	snop  }
0x6: {  	_ = 	snop  }
0x7: {  	_ = 	snop  }
__scs_overlays_trampoline_lowered:
0x8: {  	[smem:$0x3FA5] =	sst s0  }
0x9: {  	[smem:$0x3FA6] =	sst s1  }
0xa: {  	[smem:$0x3FA7] =	sst s2  }
0xb: {  	[smem:$0x3FA8] =	sst s3  }
0xc: {  	[smem:$0x3FA9] =	sst s4  }
0xd: {  	[smem:$0x3FAA] =	sst s5  }
0xe: {  	[smem:$0x3FAB] =	sst s6  }
0xf: {  	[smem:$0x3FAC] =	sst s7  }
0x10: {  	[smem:$0x3FAD] =	sst s8  }
0x11: {  	[smem:$0x3FAE] =	sst s9;
	s0 =	simm.s32 @!p0 $0x0  }
0x12: {  	s1 =	sld [smem:$0x3F94];
	s0 =	simm.s32 @p0 $0x1  }
0x13: {  	[smem:$0x3FAF] =	sst s0;
	s0 =	simm.s32 @!p1 $0x0  }
0x14: {  	s2 =	sld [smem:$0x3F93];
	s0 =	simm.s32 @p1 $0x1  }
0x15: {  	[smem:$0x3FB0] =	sst s0;
	s0 =	simm.s32 @!p2 $0x0  }
0x16: {  	s3 =	sld [smem:$0x3FDB];
	s0 =	simm.s32 @p2 $0x1  }
0x17: {  	s4 =	simm.s32 $0x1BF5;
	[smem:$0x3FB2] =	sst s0  }
0x18: {  	s0 =	sld [smem:$0x3F95];
	_ =	swait.ge [sflag:s4], $0x0  }
0x19: {  	s7 =	sld [smem:$0x3F96]  }
0x1a: {  	s8 =	sadd.s32 $0xFFFFE003, lr  }
0x1b: {  	s9 =	sadd.s32 $0xFFFFFEF7, lr;
	s5 =	simm.s32 $0xFFFFFFFF;
	p2 =	slt.u32 s8, $0xFFFFF086  }
0x1c: {  	p1 =	slt.u32 s9, $0xF7A;
	s5 =	simm.s32 @!p2 $0x0  }
0x1d: {  	s5 =	simm.s32 @p1 $0x1;
	p0 =	seq.s32 s7, s2  }
0x1e: {  	s7 =	smul.u32 @!p0 $0xF7A, s2;
	p2 =	seq.s32 @!p0 s5, $0x0  }
0x1f: {  	s9 =	smul.u32 $0xF7A, s1;
	s8 =	simm.s32 @!p0 $0x1BF5;
	p2 =	por !p2, p0  }
0x20: {  	[sflag:s8] =	ssyncset.s32 @!p0 $0xFFFFF086;
	s6 =	sadd.s32 @!p0 s3, s7;
	s7 =	simm.s32 @!p0 $0x108  }
0x21: {  	s3 =	sadd.s32 s3, s9;
	s6 =	sadd.s32 @!p0 $0x88, s6;
	s7 =	simm.s32 @p2 $0x1082  }
0x22: {  	[simem:s7], [sflag:s8] =	dma.local @!p0 [hbm:s6], $0xF7A  }
0x23: {  	s9 =	sor.u32 $0xD0000000, s2;
	s6 =	simm.s32 $0x108;
	_ =	swait.ge @!p0 [sflag:s8], $0x0  }
0x24: {  	s3 =	sadd.s32 $0x88, s3;
	s6 =	simm.s32 @!p1 $0x1082;
	[sflag:s4] =	ssyncset.s32 $0xFFFFF086  }
0x25: {  	[simem:s6], [sflag:s4] =	dma.local [hbm:s3], $0xF7A  }
0x26: {  	[smem:$0x3F96] =	sst s1;
	(tag) =	ssettag s2;
	_ =	strace s9  }
0x27: {  	s1 =	sld [smem:$0x3FA6]  }
0x28: {  	s2 =	sld [smem:$0x3FA7]  }
0x29: {  	s4 =	sld [smem:$0x3FA9]  }
0x2a: {  	p0 =	seq.s32 s5, $0x0;
	s5 =	sld [smem:$0x3FAA]  }
0x2b: {  	s6 =	sld [smem:$0x3FAB]  }
0x2c: {  	s7 =	sld [smem:$0x3FAC]  }
0x2d: {  	s3 =	simm.s32 $0x108;
	s8 =	sld [smem:$0x3FAD]  }
0x2e: {  	s3 =	simm.s32 @!p0 $0x1082;
	s9 =	sld [smem:$0x3FAE]  }
0x2f: {  	lr =	sadd.s32 s0, s3;
	s0 =	sld [smem:$0x3FA5]  }
0x30: {  	s3 =	sld [smem:$0x3FA8]  }
0x31: {  	[smem:$0x3FB1] =	sst s10  }
0x32: {  	s10 =	sld [smem:$0x3FAF];
	_ =	sdelay $0x3  }
0x33: {  	p0 =	seq.s32 s10, $0x1;
	s10 =	sld [smem:$0x3FB1];
	_ =	sdelay $0x3  }
0x34: {  	[smem:$0x3FB1] =	sst s10  }
0x35: {  	s10 =	sld [smem:$0x3FB0];
	_ =	sdelay $0x3  }
0x36: {  	p1 =	seq.s32 s10, $0x1;
	s10 =	sld [smem:$0x3FB1];
	_ =	sdelay $0x3  }
0x37: {  	[smem:$0x3FB1] =	sst s10  }
0x38: {  	s10 =	sld [smem:$0x3FB2]  }
0x39: {  	_ = 	snop;
	(pc) =	sbr.ind lr, $3  }
0x3a: {  	_ = 	snop  }
0x3b: {  	_ = 	snop  }
0x3c: {  	p2 =	seq.s32 s10, $0x1;
	s10 =	sld [smem:$0x3FB1]  }
0x3d: {  	_ =	shalt  }
0x3e: {  	_ =	shalt  }
0x3f: {  	_ =	shalt  }
0x40: {  	_ =	shalt  }
0x41: {  	_ =	shalt  }
0x42: {  	_ =	shalt  }
0x43: {  	_ =	shalt  }
0x44: {  	_ =	shalt  }
0x45: {  	_ =	shalt  }
0x46: {  	_ =	shalt  }
0x47: {  	_ =	shalt  }
0x48: {  	_ =	shalt  }
0x49: {  	_ =	shalt  }
0x4a: {  	_ =	shalt  }
0x4b: {  	_ =	shalt  }
0x4c: {  	_ =	shalt  }
0x4d: {  	_ =	shalt  }
0x4e: {  	_ =	shalt  }
0x4f: {  	_ =	shalt  }
0x50: {  	_ =	shalt  }
0x51: {  	_ =	shalt  }
0x52: {  	_ =	shalt  }
0x53: {  	_ =	shalt  }
0x54: {  	_ =	shalt  }
0x55: {  	_ =	shalt  }
0x56: {  	_ =	shalt  }
0x57: {  	_ =	shalt  }
0x58: {  	_ =	shalt  }
0x59: {  	_ =	shalt  }
0x5a: {  	_ =	shalt  }
0x5b: {  	_ =	shalt  }
0x5c: {  	_ =	shalt  }
0x5d: {  	_ =	shalt  }
0x5e: {  	_ =	shalt  }
0x5f: {  	_ =	shalt  }
0x60: {  	_ =	shalt  }
0x61: {  	_ =	shalt  }
0x62: {  	_ =	shalt  }
0x63: {  	_ =	shalt  }
0x64: {  	_ =	shalt  }
0x65: {  	_ =	shalt  }
0x66: {  	_ =	shalt  }
0x67: {  	_ =	shalt  }
0x68: {  	_ =	shalt  }
0x69: {  	_ =	shalt  }
0x6a: {  	_ =	shalt  }
0x6b: {  	_ =	shalt  }
0x6c: {  	_ =	shalt  }
0x6d: {  	_ =	shalt  }
0x6e: {  	_ =	shalt  }
0x6f: {  	_ =	shalt  }
0x70: {  	_ =	shalt  }
0x71: {  	_ =	shalt  }
0x72: {  	_ =	shalt  }
0x73: {  	_ =	shalt  }
0x74: {  	_ =	shalt  }
0x75: {  	_ =	shalt  }
0x76: {  	_ =	shalt  }
0x77: {  	_ =	shalt  }
0x78: {  	_ =	shalt  }
0x79: {  	_ =	shalt  }
0x7a: {  	_ =	shalt  }
0x7b: {  	_ =	shalt  }
0x7c: {  	_ =	shalt  }
0x7d: {  	_ =	shalt  }
0x7e: {  	_ =	shalt  }
0x7f: {  	_ =	shalt  }
0x80: {  	_ =	shalt  }
0x81: {  	_ =	shalt  }
0x82: {  	_ =	shalt  }
0x83: {  	_ =	shalt  }
0x84: {  	_ =	shalt  }
0x85: {  	_ =	shalt  }
0x86: {  	_ =	shalt  }
0x87: {  	_ =	shalt  }
.Lfunc_end0:
.L_simem_size_0:
called_computation.1_lowered:
.L_overlay_start_0:
0x88: {  	s2 =	sld [smem:$0x3FD9]  }
0x89: {  	s3 =	sld [smem:$0x3FFE];
	_ =	sdelay $0x1  }
0x8a: {  	s1 =	srdreg.scid  }
0x8b: {  	s0 =	sand.u32 $0x1, s1  }
0x8c: {  	s17 =	sshll.u32 s0, $0xA;
	s2 =	sadd.s32 s3, s2  }
0x8d: {  	s2 =	sadd.s32 s2, s17  }
0x8e: {  	[smem:$0x3FBD] =	sst s2  }
0x8f: {  	_ = 	snop  }
0x90: {  	s2 =	sld [smem:$0x3FD0];
	(tm) =	ssettm $0x1  }
0x91: {  	s18 =	sld [smem:$0x3FFB];
	_ =	sdelay $0x3  }
0x92: {  	_ =	strace s18  }
0x93: {  	s3 =	sld [smem:$0x3FFC];
	_ =	sdelay $0x3  }
0x94: {  	_ =	strace s3  }
0x95: {  	s3 =	sld [smem:$0x3FFD];
	_ =	sdelay $0x3  }
0x96: {  	_ =	strace s3  }
0x97: {  	_ =	strace $0x8FFFFFFF  }
0x98: {  	s19 =	sld [smem:$0x3FDB];
	_ =	sdelay $0x1  }
0x99: {  	s4 =	simm.s32 $_scs_section_size  }
0x9a: {  	s5 =	simm.s32 $_size__tile_overlayer_lowered;
	s6 =	simm.s32 $_tile_overlayer_lowered  }
0x9b: {  	s22 =	simm.s32 $0x1BFF;
	s21 =	sshll.u32 s6, $0x1;
	s3 =	sadd.s32 s4, s19  }
0x9c: {  	s7 =	simm.s32 $0x0;
	s20 =	sshll.u32 s5, $0x1;
	s5 =	sadd.s32 s21, s3  }
0x9d: {  	[timem:s7], [sflag:s22] =	dma.local [hbm:s5], s20  }
0x9e: {  	_ =	swait.ge [sflag:s22], s20  }
0x9f: {  	s4 =	ssub.s32 $0x0, s20;
	[sflag:s22] =	ssyncset.done $0x0  }
0xa0: {  	[sflag:s22] =	ssyncadd.s32 s4;
	_ =	sdelay $0x1  }
0xa1: {  	s23 =	simm.s32 $0x1B8B  }
0xa2: {  	_ =	swait.ge [sflag:s23], $0x1  }
0xa3: {  	[sflag:s23] =	ssyncset.done $0x0  }
0xa4: {  	s25 =	simm.s32 $0x1B8E;
	s24 =	sld [smem:$0x3FFE];
	[sflag:s23] =	ssyncadd.s32 $0xFFFFFFFF  }
0xa5: {  	s26 =	simm.s32 $execute0_lowered;
	[smem:$0x3FD2] =	sst s25  }
0xa6: {  	s5 =	sshll.u32 s26, $0x1;
	_ =	strace $0x80000049;
	[dreg:$0x1] =	wrdreg $0xFFFFFFFF  }
0xa7: {  	s28 =	simm.s32 $_size_execute0_lowered;
	s3 =	sadd.s32 s3, s5;
	[dreg:$0x0] =	wrdreg $0x0  }
0xa8: {  	s5 =	sshll.u32 s28, $0x1;
	[dreg:$0x2] =	wrdreg s3  }
0xa9: {  	[dreg:$0x3] =	wrdreg s5  }
0xaa: {  	[dreg:$0x4] =	wrdreg $0xC0  }
0xab: {  	_ =	task [dreg:s7], $0x5FFFF  }
0xac: {  	[dreg:$0x1] =	wrdreg $0xFFFFFFFF  }
0xad: {  	[dreg:$0x0] =	wrdreg $0x60  }
0xae: {  	[dreg:$0x2] =	wrdreg s24  }
0xaf: {  	[dreg:$0x3] =	wrdreg s2  }
0xb0: {  	[dreg:$0x4] =	wrdreg $0x0  }
0xb1: {  	[dreg:$0x5] =	wrdreg $0x9  }
0xb2: {  	_ =	task.clear_ibuf [dreg:s7], $0x6FFFF;
	_ =	strace $0x90000049  }
0xb3: {  	s29 =	simm.s32 $0x9;
	_ =	strace $0x8000004B  }
0xb4: {  	_ =	swait.ge [sflag:s29], $0x1  }
0xb5: {  	[sflag:s29] =	ssyncadd.s32 $0xFFFFFFFF  }
0xb6: {  	_ =	strace $0x9000004B  }
0xb7: {  	_ =	sfence  }
0xb8: {  	s30 =	sld [smem:$0x0];
	_ =	sdelay $0x2  }
0xb9: {  	s31 =	sshll.u32 s1, $0xD;
	s1 =	sshrl.u32 s1, $0x2  }
0xba: {  	s3 =	sand.u32 $0x4000, s31;
	s1 =	sadd.s32 s1, s30  }
0xbb: {  	s0 =	sor.u32 s3, s0;
	s1 =	sshll.u32 s1, $0x11  }
0xbc: {  	s0 =	sor.u32 s1, s0  }
0xbd: {  	s0 =	sadd.s32 $0x8F2B, s0  }
0xbe: {  	[sflag:s0] =	ssyncadd.remote.s32 $0x1  }
0xbf: {  	_ =	sfence.sel $0xFFFF  }
0xc0: {  	[dreg:$0x0] =	wrdreg $0xFFFFFFFF;
	(pc) =	sbr.abs _section_cstart, $3  }
0xc1: {  	[dreg:$0x1] =	wrdreg $0xFFFFFFFF  }
0xc2: {  	_ =	task.clear_ibuf [dreg:s7], $0x2FFFF;
	_ =	strace $0x9FFFFFFF  }
0xc3: {  	(tm) =	ssettm $0x7FFFFFFF  }
tec
execute0_lowered:
.L_overlay_start_1:
0x0: {  	(tag) =	ssettag $0x1  }
0x1: {  	s0 =	rddreg [dreg:$0x0];
	s19 =	stileid.u32  }
0x2: {  	s1 =	srdreg.scid;
	s5 =	sshll.u32 s19, $0x3;
	s6 =	smul.u32 $0x2800, s19  }
0x3: {  	s3 =	rddreg [dreg:$0x2];
	s10 =	smul.u32 $0x5000, s19;
	s7 =	sor.u32 $0x1, s5  }
0x4: {  	s4 =	simm.s32 $0x0;
	s9 =	sor.u32 $0x2, s5;
	s25 =	smul.u32 $0x500, s7  }
0x5: {  	s30 =	simm.s32 $0x3C00;
	s11 =	sor.u32 $0x3, s5;
	s12 =	smul.u32 $0x500, s9  }
0x6: {  	s31 =	simm.s32 $0x6400;
	s14 =	sor.u32 $0x4, s5;
	s15 =	smul.u32 $0x500, s11  }
0x7: {  	s28 =	simm.s32 $0x20;
	s17 =	sor.u32 $0x5, s5;
	s18 =	smul.u32 $0x500, s14  }
0x8: {  	s1 =	sand.u32 $0x1, s1;
	s5 =	sor.u32 $0x6, s5;
	s26 =	smul.u32 $0x500, s17  }
0x9: {  	[smem:$0x7FF] =	sst s4;
	s8 =	sadd.s32 $0x5E00, s0;
	s20 =	smul.u32 $0x500, s5  }
0xa: {  	s2 =	sshll.u32 s1, $0x4;
	_ =	strace $0x8000004A;
	s14 =	smul.u32 $0xA00, s14  }
0xb: {  	[dreg:$0x4] =	wrdreg s8;
	s2 =	sor.u32 s19, s2;
	s5 =	smul.u32 $0xA00, s5  }
0xc: {  	s13 =	ssub.s32 $0x2, s1;
	s19 =	sshllo.u32 s19, $0x3;
	s2 =	smul.u32 $0x280, s2  }
0xd: {  	s1 =	sshll.u32 s1, $0x7;
	s16 =	sshrl.u32 s13, $0x1;
	s8 =	smul.u32 $0x500, s19  }
0xe: {  	s6 =	sor.u32 s1, s6;
	s13 =	ssub.s32 s13, s16;
	s16 =	smul.u32 $0xA00, s7  }
0xf: {  	s29 =	simm.s32 $0x10;
	s6 =	sshrl.u32 s6, $0x3;
	s7 =	smul.u32 $0xA00, s11  }
0x10: {  	s21 =	sor.u32 s1, s25;
	s22 =	sor.u32 s1, s12;
	s23 =	sor.u32 s1, s15  }
0x11: {  	s24 =	sor.u32 s1, s18;
	s25 =	sor.u32 s1, s26;
	s26 =	sor.u32 s1, s20  }
0x12: {  	s18 =	smul.u32 $0xA00, s9;
	s9 =	smax.u32 s13, $0x1;
	s20 =	sshrl.u32 s10, $0x2  }
0x13: {  	s14 =	sshrl.u32 s14, $0x2;
	s2 =	sadd.s32 s2, s0;
	s0 =	sadd.s32 $0xB800, s0  }
0x14: {  	s1 =	sor.u32 s1, s8;
	s10 =	sadd.s32 s20, s3;
	s14 =	sadd.s32 s14, s3  }
0x15: {  	s21 =	sshrl.u32 s21, $0x3;
	s22 =	sshrl.u32 s22, $0x3;
	s23 =	sshrl.u32 s23, $0x3  }
0x16: {  	s24 =	sshrl.u32 s24, $0x3;
	s25 =	sshrl.u32 s25, $0x3;
	s15 =	sadd.s32 $0x6800, s2  }
0x17: {  	s26 =	sshrl.u32 s26, $0x3;
	s2 =	sadd.s32 $0xE00, s2;
	[dreg:$0x5] =	wrdreg s15  }
0x18: {  	s8 =	sadd.s32 s0, s6;
	s1 =	sshrl.u32 s1, $0x3;
	[dreg:$0x6] =	wrdreg s2  }
0x19: {  	s15 =	sshrl.u32 s16, $0x2;
	s2 =	sshrl.u32 s18, $0x2;
	s16 =	smul.u32 $0xA00, s17  }
0x1a: {  	s17 =	sshrl.u32 s7, $0x2;
	s18 =	smul.u32 $0xA00, s19;
	s19 =	sshrl.u32 s5, $0x2  }
0x1b: {  	s5 =	simm.s32 $0x0;
	s11 =	sadd.s32 s15, s3;
	s12 =	sadd.s32 s2, s3  }
0x1c: {  	s13 =	sadd.s32 s17, s3;
	s2 =	simm.s32 $0x8C80;
	s6 =	sshrl.u32 s16, $0x2  }
0x1d: {  	s20 =	sshrl.u32 s18, $0x2;
	s16 =	sadd.s32 s19, s3;
	s18 =	sadd.s32 s0, s21  }
0x1e: {  	s19 =	sadd.s32 s0, s22;
	s21 =	sadd.s32 s0, s24;
	s22 =	sadd.s32 s0, s25  }
0x1f: {  	s24 =	sadd.s32 s0, s1;
	s25 =	simm.s32 $0x8D00;
	s1 =	simm.s32 $0x8C00  }
0x20: {  	s15 =	sadd.s32 s6, s3;
	s17 =	sadd.s32 s20, s3;
	s20 =	sadd.s32 s0, s23  }
0x21: {  	v0 =	vimm.f32 $0.0e+00;
	s23 =	sadd.s32 s0, s26;
	s26 =	simm.s32 $0x1;
	s0 =	simm.s32 $0x80  }
.LBB2_1:
0x22: {  	[tilespmem:$0x8D00] =	vst v0  }
0x23: {  	[tilespmem:$0x8D10] =	vst v0  }
0x24: {  	[tilespmem:$0x8D20] =	vst v0  }
0x25: {  	[tilespmem:$0x8D30] =	vst v0  }
0x26: {  	[tilespmem:$0x8D40] =	vst v0  }
0x27: {  	[tilespmem:$0x8D50] =	vst v0  }
0x28: {  	[tilespmem:$0x8D60] =	vst v0  }
0x29: {  	[tilespmem:$0x8D70] =	vst v0  }
0x2a: {  	[tilespmem:$0x8D80] =	vst v0  }
0x2b: {  	[tilespmem:$0x8D90] =	vst v0  }
0x2c: {  	[tilespmem:$0x8DA0] =	vst v0  }
0x2d: {  	[tilespmem:$0x8DB0] =	vst v0  }
0x2e: {  	[tilespmem:$0x8DC0] =	vst v0  }
0x2f: {  	[tilespmem:$0x8DD0] =	vst v0  }
0x30: {  	[tilespmem:$0x8DE0] =	vst v0  }
0x31: {  	[tilespmem:$0x8DF0] =	vst v0  }
0x32: {  	[tilespmem:$0x8E00] =	vst v0  }
0x33: {  	[tilespmem:$0x8E10] =	vst v0  }
0x34: {  	[tilespmem:$0x8E20] =	vst v0  }
0x35: {  	[tilespmem:$0x8E30] =	vst v0  }
0x36: {  	[tilespmem:$0x8E40] =	vst v0  }
0x37: {  	[tilespmem:$0x8E50] =	vst v0  }
0x38: {  	[tilespmem:$0x8E60] =	vst v0  }
0x39: {  	[tilespmem:$0x8E70] =	vst v0  }
0x3a: {  	[tilespmem:$0x8E80] =	vst v0  }
0x3b: {  	[tilespmem:$0x8E90] =	vst v0  }
0x3c: {  	[tilespmem:$0x8EA0] =	vst v0  }
0x3d: {  	[tilespmem:$0x8EB0] =	vst v0  }
0x3e: {  	[tilespmem:$0x8EC0] =	vst v0  }
0x3f: {  	[tilespmem:$0x8ED0] =	vst v0  }
0x40: {  	[tilespmem:$0x8EE0] =	vst v0  }
0x41: {  	[tilespmem:$0x8EF0] =	vst v0  }
0x42: {  	[tilespmem:$0x8F00] =	vst v0  }
0x43: {  	[tilespmem:$0x8F10] =	vst v0  }
0x44: {  	[tilespmem:$0x8F20] =	vst v0  }
0x45: {  	[tilespmem:$0x8F30] =	vst v0  }
0x46: {  	[tilespmem:$0x8F40] =	vst v0  }
0x47: {  	[tilespmem:$0x8F50] =	vst v0  }
0x48: {  	[tilespmem:$0x8F60] =	vst v0  }
0x49: {  	[tilespmem:$0x8F70] =	vst v0  }
0x4a: {  	[spmem:s10] =	stream.linear.scatter [tilespmem:s25], [sflag:$0x1], $0x280, $0x38;
	[tilespmem:$0x8F80] =	vst v63  }
0x4b: {  	_ =	swait.ge [sflag:s26], $0x280  }
0x4c: {  	[sflag:s26] =	ssyncset.done $0x0  }
0x4d: {  	[sflag:s26] =	ssyncadd.s32 $0xFFFFFD80  }
0x4e: {  	[spmem:s11] =	stream.linear.scatter [tilespmem:s25], [sflag:$0x1], $0x280, $0x38;
	[tilespmem:$0x8F80] =	vst v63  }
0x4f: {  	_ =	swait.ge [sflag:s26], $0x280  }
0x50: {  	[sflag:s26] =	ssyncset.done $0x0  }
0x51: {  	[sflag:s26] =	ssyncadd.s32 $0xFFFFFD80  }
0x52: {  	[spmem:s12] =	stream.linear.scatter [tilespmem:s25], [sflag:$0x1], $0x280, $0x38;
	[tilespmem:$0x8F80] =	vst v63  }
0x53: {  	_ =	swait.ge [sflag:s26], $0x280  }
0x54: {  	[sflag:s26] =	ssyncset.done $0x0  }
0x55: {  	[sflag:s26] =	ssyncadd.s32 $0xFFFFFD80  }
0x56: {  	[spmem:s13] =	stream.linear.scatter [tilespmem:s25], [sflag:$0x1], $0x280, $0x38;
	[tilespmem:$0x8F80] =	vst v63  }
0x57: {  	_ =	swait.ge [sflag:s26], $0x280  }
0x58: {  	[sflag:s26] =	ssyncset.done $0x0  }
0x59: {  	[sflag:s26] =	ssyncadd.s32 $0xFFFFFD80  }
0x5a: {  	[spmem:s14] =	stream.linear.scatter [tilespmem:s25], [sflag:$0x1], $0x280, $0x38;
	[tilespmem:$0x8F80] =	vst v63  }
0x5b: {  	_ =	swait.ge [sflag:s26], $0x280  }
0x5c: {  	[sflag:s26] =	ssyncset.done $0x0  }
0x5d: {  	[sflag:s26] =	ssyncadd.s32 $0xFFFFFD80  }
0x5e: {  	[spmem:s15] =	stream.linear.scatter [tilespmem:s25], [sflag:$0x1], $0x280, $0x38;
	[tilespmem:$0x8F80] =	vst v63  }
0x5f: {  	_ =	swait.ge [sflag:s26], $0x280  }
0x60: {  	[sflag:s26] =	ssyncset.done $0x0  }
0x61: {  	[sflag:s26] =	ssyncadd.s32 $0xFFFFFD80  }
0x62: {  	[spmem:s16] =	stream.linear.scatter [tilespmem:s25], [sflag:$0x1], $0x280, $0x38;
	[tilespmem:$0x8F80] =	vst v63  }
0x63: {  	_ =	swait.ge [sflag:s26], $0x280  }
0x64: {  	[sflag:s26] =	ssyncset.done $0x0  }
0x65: {  	[sflag:s26] =	ssyncadd.s32 $0xFFFFFD80  }
0x66: {  	[spmem:s17] =	stream.linear.scatter [tilespmem:s25], [sflag:$0x1], $0x280, $0x38;
	[tilespmem:$0x8F80] =	vst v63  }
0x67: {  	_ =	swait.ge [sflag:s26], $0x280  }
0x68: {  	[sflag:s26] =	ssyncset.done $0x0  }
0x69: {  	s7 =	simm.s32 $0x1400;
	s6 =	rddreg [dreg:$0x5];
	[sflag:s26] =	ssyncadd.s32 $0xFFFFFD80  }
0x6a: {  	[tilespmem:s7], [sflag:$0x1] =	stream.linear.gather [hbm4b:s6+s4], $0x1400, $0x38;
	[tilespmem:$0x8F80] =	vst v63  }
0x6b: {  	_ =	swait.ge [sflag:s26], $0x1400  }
0x6c: {  	[sflag:s26] =	ssyncset.done $0x0  }
0x6d: {  	s7 =	simm.s32 $0x2800;
	s6 =	rddreg [dreg:$0x6];
	[sflag:s26] =	ssyncadd.s32 $0xFFFFEC00  }
0x6e: {  	[tilespmem:s7], [sflag:$0x1] =	stream.linear.gather [hbm4b:s6+s4], $0x1400, $0x38;
	[tilespmem:$0x8F80] =	vst v63  }
0x6f: {  	_ =	swait.ge [sflag:s26], $0x1400  }
0x70: {  	[sflag:s26] =	ssyncset.done $0x0  }
0x71: {  	[sflag:s26] =	ssyncadd.s32 $0xFFFFEC00  }
0x72: {  	s7 =	rddreg [dreg:$0x1]  }
0x73: {  	[tilespmem:s30], [sflag:$0x1] =	stream.linear.gather [hbm4b:s7+s4], $0x2800, $0x38;
	[tilespmem:$0x8F80] =	vst v63  }
0x74: {  	_ =	swait.ge [sflag:s26], $0x2800  }
0x75: {  	[sflag:s26] =	ssyncset.done $0x0  }
0x76: {  	s7 =	rddreg [dreg:$0x4];
	[sflag:s26] =	ssyncadd.s32 $0xFFFFD800  }
0x77: {  	[tilespmem:s31], [sflag:$0x1] =	stream.linear.gather [hbm4b:s7+s4], $0x2800, $0x38;
	[tilespmem:$0x8F80] =	vst v63  }
0x78: {  	_ =	swait.ge [sflag:s26], $0x2800  }
0x79: {  	[sflag:s26] =	ssyncset.done $0x0  }
0x7a: {  	[sflag:s26] =	ssyncadd.s32 $0xFFFFD800  }
0x7b: {  	s6 =	simm.s32 $0x0;
	[bflag:$0x0] =	sbarrier.arrive $0xFFFF  }
.LBB2_2:
0x7c: {  	s7 =	sshra.s32 s6, $0x2  }
0x7d: {  	v1 =	vld [tilespmem:s7+$0x1400];
	_ =	sdelay $0x6  }
0x7e: {  	v2 =	vld [tilespmem:s7+$0x2800]  }
0x7f: {  	v3 =	vld.idx.msk [tilespmem:v1+s30+$0x0], $0xffff  }
0x80: {  	v1 =	vld.idx.msk [tilespmem:v1+s31+$0x0], $0xffff;
	_ =	sdelay $0x3  }
0x81: {  	v2 =	vshll.u32 v2, $0x3  }
0x82: {  	[tilespmem:$0x8C00] =	vst v1;
	v1 =	vadd.s32 v3, v2  }
0x83: {  	[tilespmem:$0x8C80] =	vst v1  }
0x84: {  	v1 =	vld [tilespmem:s7+$0x1410];
	_ =	sdelay $0x6  }
0x85: {  	v2 =	vld [tilespmem:s7+$0x2810]  }
0x86: {  	v3 =	vld.idx.msk [tilespmem:v1+s30+$0x0], $0xffff  }
0x87: {  	v1 =	vld.idx.msk [tilespmem:v1+s31+$0x0], $0xffff;
	_ =	sdelay $0x3  }
0x88: {  	v2 =	vshll.u32 v2, $0x3  }
0x89: {  	[tilespmem:$0x8C10] =	vst v1;
	v1 =	vadd.s32 v3, v2  }
0x8a: {  	[tilespmem:$0x8C90] =	vst v1  }
0x8b: {  	v1 =	vld [tilespmem:s7+$0x1420];
	_ =	sdelay $0x6  }
0x8c: {  	v2 =	vld [tilespmem:s7+$0x2820]  }
0x8d: {  	v3 =	vld.idx.msk [tilespmem:v1+s30+$0x0], $0xffff  }
0x8e: {  	v1 =	vld.idx.msk [tilespmem:v1+s31+$0x0], $0xffff;
	_ =	sdelay $0x3  }
0x8f: {  	v2 =	vshll.u32 v2, $0x3  }
0x90: {  	[tilespmem:$0x8C20] =	vst v1;
	v1 =	vadd.s32 v3, v2  }
0x91: {  	[tilespmem:$0x8CA0] =	vst v1  }
0x92: {  	v1 =	vld [tilespmem:s7+$0x1430];
	_ =	sdelay $0x6  }
0x93: {  	v2 =	vld [tilespmem:s7+$0x2830]  }
0x94: {  	v3 =	vld.idx.msk [tilespmem:v1+s30+$0x0], $0xffff  }
0x95: {  	v1 =	vld.idx.msk [tilespmem:v1+s31+$0x0], $0xffff;
	_ =	sdelay $0x3  }
0x96: {  	v2 =	vshll.u32 v2, $0x3  }
0x97: {  	[tilespmem:$0x8C30] =	vst v1;
	v1 =	vadd.s32 v3, v2  }
0x98: {  	[tilespmem:$0x8CB0] =	vst v1  }
0x99: {  	v1 =	vld [tilespmem:s7+$0x1440];
	_ =	sdelay $0x6  }
0x9a: {  	v2 =	vld [tilespmem:s7+$0x2840]  }
0x9b: {  	v3 =	vld.idx.msk [tilespmem:v1+s30+$0x0], $0xffff  }
0x9c: {  	v1 =	vld.idx.msk [tilespmem:v1+s31+$0x0], $0xffff;
	_ =	sdelay $0x3  }
0x9d: {  	v2 =	vshll.u32 v2, $0x3  }
0x9e: {  	[tilespmem:$0x8C40] =	vst v1;
	v1 =	vadd.s32 v3, v2  }
0x9f: {  	[tilespmem:$0x8CC0] =	vst v1  }
0xa0: {  	v1 =	vld [tilespmem:s7+$0x1450];
	_ =	sdelay $0x6  }
0xa1: {  	v2 =	vld [tilespmem:s7+$0x2850]  }
0xa2: {  	v3 =	vld.idx.msk [tilespmem:v1+s30+$0x0], $0xffff  }
0xa3: {  	v1 =	vld.idx.msk [tilespmem:v1+s31+$0x0], $0xffff;
	_ =	sdelay $0x3  }
0xa4: {  	v2 =	vshll.u32 v2, $0x3  }
0xa5: {  	[tilespmem:$0x8C50] =	vst v1;
	v1 =	vadd.s32 v3, v2  }
0xa6: {  	[tilespmem:$0x8CD0] =	vst v1  }
0xa7: {  	v1 =	vld [tilespmem:s7+$0x1460];
	_ =	sdelay $0x6  }
0xa8: {  	v2 =	vld [tilespmem:s7+$0x2860]  }
0xa9: {  	v3 =	vld.idx.msk [tilespmem:v1+s30+$0x0], $0xffff  }
0xaa: {  	v1 =	vld.idx.msk [tilespmem:v1+s31+$0x0], $0xffff;
	_ =	sdelay $0x3  }
0xab: {  	v2 =	vshll.u32 v2, $0x3  }
0xac: {  	[tilespmem:$0x8C60] =	vst v1;
	v1 =	vadd.s32 v3, v2  }
0xad: {  	[tilespmem:$0x8CE0] =	vst v1  }
0xae: {  	v1 =	vld [tilespmem:s7+$0x1470];
	_ =	sdelay $0x6  }
0xaf: {  	v2 =	vld [tilespmem:s7+$0x2870]  }
0xb0: {  	v3 =	vld.idx.msk [tilespmem:v1+s30+$0x0], $0xffff  }
0xb1: {  	v1 =	vld.idx.msk [tilespmem:v1+s31+$0x0], $0xffff;
	_ =	sdelay $0x3  }
0xb2: {  	v2 =	vshll.u32 v2, $0x3  }
0xb3: {  	p0 =	sne.s32 s6, $0x4E00;
	[tilespmem:$0x8C70] =	vst v1;
	v1 =	vadd.s32 v3, v2  }
.Ltmp0:
0xb4: {  	[tilespmem:$0x8CF0] =	vst v1;
	(pc) =	sbr.rel @p0 .LBB2_2-.Ltmp0, $4  }
0xb5: {  	[spmem:s3] =	stream.indirect.scatter.add.f32 [tilespmem:s1], [sflag:$0x1], $0x1, s2, s0, $0xb8;
	[tilespmem:$0x8F80] =	vst v63  }
0xb6: {  	_ =	swait.ge [sflag:s26], $0x80  }
0xb7: {  	[sflag:s26] =	ssyncset.done $0x0  }
0xb8: {  	s6 =	sadd.s32 $0x200, s6;
	[sflag:s26] =	ssyncadd.s32 $0xFFFFFF80  }
0xb9: {  	s6 =	stileid.u32  }
0xba: {  	s6 =	sshll.u32 s6, $0x6  }
0xbb: {  	[bflag:$0x0] =	sbarrier.arrive $0xFFFF;
	s7 =	sshrl.u32 s10, $0x3;
	s6 =	sor.u32 $0x1C01, s6  }
0xbc: {  	[hbm:s8@s28], [sflag:s6] =	dma.strided [spmem:s7@s29], $0x50, s26, $0x10   }
0xbd: {  	_ =	swait.ge [sflag:s26], $0x50  }
0xbe: {  	[sflag:s26] =	ssyncset.done $0x0  }
0xbf: {  	s7 =	sshrl.u32 s11, $0x3;
	[sflag:s26] =	ssyncadd.s32 $0xFFFFFFB0  }
0xc0: {  	[hbm:s18@s28], [sflag:s6] =	dma.strided [spmem:s7@s29], $0x50, s26, $0x10   }
0xc1: {  	_ =	swait.ge [sflag:s26], $0x50  }
0xc2: {  	[sflag:s26] =	ssyncset.done $0x0  }
0xc3: {  	s7 =	sshrl.u32 s12, $0x3;
	[sflag:s26] =	ssyncadd.s32 $0xFFFFFFB0  }
0xc4: {  	[hbm:s19@s28], [sflag:s6] =	dma.strided [spmem:s7@s29], $0x50, s26, $0x10   }
0xc5: {  	_ =	swait.ge [sflag:s26], $0x50  }
0xc6: {  	[sflag:s26] =	ssyncset.done $0x0  }
0xc7: {  	s7 =	sshrl.u32 s13, $0x3;
	[sflag:s26] =	ssyncadd.s32 $0xFFFFFFB0  }
0xc8: {  	[hbm:s20@s28], [sflag:s6] =	dma.strided [spmem:s7@s29], $0x50, s26, $0x10   }
0xc9: {  	_ =	swait.ge [sflag:s26], $0x50  }
0xca: {  	[sflag:s26] =	ssyncset.done $0x0  }
0xcb: {  	s7 =	sshrl.u32 s14, $0x3;
	[sflag:s26] =	ssyncadd.s32 $0xFFFFFFB0  }
0xcc: {  	[hbm:s21@s28], [sflag:s6] =	dma.strided [spmem:s7@s29], $0x50, s26, $0x10   }
0xcd: {  	_ =	swait.ge [sflag:s26], $0x50  }
0xce: {  	[sflag:s26] =	ssyncset.done $0x0  }
0xcf: {  	s7 =	sshrl.u32 s15, $0x3;
	[sflag:s26] =	ssyncadd.s32 $0xFFFFFFB0  }
0xd0: {  	[hbm:s22@s28], [sflag:s6] =	dma.strided [spmem:s7@s29], $0x50, s26, $0x10   }
0xd1: {  	_ =	swait.ge [sflag:s26], $0x50  }
0xd2: {  	[sflag:s26] =	ssyncset.done $0x0  }
0xd3: {  	s7 =	sshrl.u32 s16, $0x3;
	[sflag:s26] =	ssyncadd.s32 $0xFFFFFFB0  }
0xd4: {  	[hbm:s23@s28], [sflag:s6] =	dma.strided [spmem:s7@s29], $0x50, s26, $0x10   }
0xd5: {  	s5 =	sadd.s32 $0x1, s5;
	_ =	swait.ge [sflag:s26], $0x50  }
0xd6: {  	p0 =	sne.s32 s5, s9;
	[sflag:s26] =	ssyncset.done $0x0  }
.Ltmp1:
0xd7: {  	s7 =	sshrl.u32 s17, $0x3;
	[sflag:s26] =	ssyncadd.s32 $0xFFFFFFB0;
	(pc) =	sbr.rel @p0 .LBB2_1-.Ltmp1, $4  }
0xd8: {  	[hbm:s24@s28], [sflag:s6] =	dma.strided [spmem:s7@s29], $0x50, s26, $0x10   }
0xd9: {  	_ =	swait.ge [sflag:s26], $0x50  }
0xda: {  	[sflag:s26] =	ssyncset.done $0x0  }
0xdb: {  	[sflag:s26] =	ssyncadd.s32 $0xFFFFFFB0  }
0xdc: {  	_ =	sfence.sel $0x180000  }
0xdd: {  	[bflag:$0x0] =	sbarrier.arrive $0xFFFF  }
0xde: {  	_ =	strace $0x9000004A  }
0xdf: {  	s0 =	stileid.u32;
	[bflag:$0x2] =	sbarrier.arrive $0xFFFF  }
0xe0: {  	p0 =	sne.s32 s0, $0x0;
	s0 =	rddreg [dreg:$0x3]  }
0xe1: {  	s0 =	sadd.s32 @!p0 $0x100000, s0  }
0xe2: {  	[sflag:s0] =	ssyncadd.tile.s32 @!p0 $0x1;
	_ =	shalt  }
.Lfunc_end2:
_tile_overlayer_lowered:
.L_overlay_start_2:
0xe3: {  	(tag) =	ssettag $0x2  }
0xe4: {  	s0 =	rddreg [dreg:$0x0];
	s2 =	stileid.u32  }
0xe5: {  	s1 =	rddreg [dreg:$0x1];
	p0 =	sne.s32 s2, $0x0  }
0xe6: {  	s3 =	rddreg [dreg:$0x2];
	[bflag:$0x3] =	sbarrier.arrive $0xFFFF;
	s2 =	simm.s32 @!p0 $0x1C01  }
0xe7: {  	[timem:s3], [sflag:s2] =	dma.local @!p0 [hbm:s0], s1  }
0xe8: {  	s0 =	simm.s32 @!p0 $0x1  }
0xe9: {  	_ =	swait.ge @!p0 [sflag:s0], s1  }
0xea: {  	s1 =	ssub.s32 @!p0 $0x0, s1;
	[sflag:s0] =	ssyncset.done @!p0 $0x0  }
0xeb: {  	[sflag:s0] =	ssyncadd.s32 @!p0 s1  }
0xec: {  	[bflag:$0x3] =	sbarrier.arrive $0xFFFF  }
0xed: {  	_ =	shalt  }

// kernel: kernel.18.cloned.1.call-start
scs
__scs_entry_jumppad:
0x0: {  	(pc) =	sbr.rel $0x88, $3  }
0x1: {  	(tag) =	ssettag $0x0;
	lr =	simm.s32 $0x1  }
0x2: {  	[smem:$0x3F96] =	sst lr;
	_ =	strace $0xD0000000  }
0x3: {  	_ = 	snop  }
0x4: {  	_ = 	snop  }
0x5: {  	_ = 	snop  }
0x6: {  	_ = 	snop  }
0x7: {  	_ = 	snop  }
__scs_overlays_trampoline_lowered:
0x8: {  	[smem:$0x3FA5] =	sst s0  }
0x9: {  	[smem:$0x3FA6] =	sst s1  }
0xa: {  	[smem:$0x3FA7] =	sst s2  }
0xb: {  	[smem:$0x3FA8] =	sst s3  }
0xc: {  	[smem:$0x3FA9] =	sst s4  }
0xd: {  	[smem:$0x3FAA] =	sst s5  }
0xe: {  	[smem:$0x3FAB] =	sst s6  }
0xf: {  	[smem:$0x3FAC] =	sst s7  }
0x10: {  	[smem:$0x3FAD] =	sst s8  }
0x11: {  	[smem:$0x3FAE] =	sst s9;
	s0 =	simm.s32 @!p0 $0x0  }
0x12: {  	s1 =	sld [smem:$0x3F94];
	s0 =	simm.s32 @p0 $0x1  }
0x13: {  	[smem:$0x3FAF] =	sst s0;
	s0 =	simm.s32 @!p1 $0x0  }
0x14: {  	s2 =	sld [smem:$0x3F93];
	s0 =	simm.s32 @p1 $0x1  }
0x15: {  	[smem:$0x3FB0] =	sst s0;
	s0 =	simm.s32 @!p2 $0x0  }
0x16: {  	s3 =	sld [smem:$0x3FDB];
	s0 =	simm.s32 @p2 $0x1  }
0x17: {  	s4 =	simm.s32 $0x1BF5;
	[smem:$0x3FB2] =	sst s0  }
0x18: {  	s0 =	sld [smem:$0x3F95];
	_ =	swait.ge [sflag:s4], $0x0  }
0x19: {  	s7 =	sld [smem:$0x3F96]  }
0x1a: {  	s8 =	sadd.s32 $0xFFFFE003, lr  }
0x1b: {  	s9 =	sadd.s32 $0xFFFFFEF7, lr;
	s5 =	simm.s32 $0xFFFFFFFF;
	p2 =	slt.u32 s8, $0xFFFFF086  }
0x1c: {  	p1 =	slt.u32 s9, $0xF7A;
	s5 =	simm.s32 @!p2 $0x0  }
0x1d: {  	s5 =	simm.s32 @p1 $0x1;
	p0 =	seq.s32 s7, s2  }
0x1e: {  	s7 =	smul.u32 @!p0 $0xF7A, s2;
	p2 =	seq.s32 @!p0 s5, $0x0  }
0x1f: {  	s9 =	smul.u32 $0xF7A, s1;
	s8 =	simm.s32 @!p0 $0x1BF5;
	p2 =	por !p2, p0  }
0x20: {  	[sflag:s8] =	ssyncset.s32 @!p0 $0xFFFFF086;
	s6 =	sadd.s32 @!p0 s3, s7;
	s7 =	simm.s32 @!p0 $0x108  }
0x21: {  	s3 =	sadd.s32 s3, s9;
	s6 =	sadd.s32 @!p0 $0x88, s6;
	s7 =	simm.s32 @p2 $0x1082  }
0x22: {  	[simem:s7], [sflag:s8] =	dma.local @!p0 [hbm:s6], $0xF7A  }
0x23: {  	s9 =	sor.u32 $0xD0000000, s2;
	s6 =	simm.s32 $0x108;
	_ =	swait.ge @!p0 [sflag:s8], $0x0  }
0x24: {  	s3 =	sadd.s32 $0x88, s3;
	s6 =	simm.s32 @!p1 $0x1082;
	[sflag:s4] =	ssyncset.s32 $0xFFFFF086  }
0x25: {  	[simem:s6], [sflag:s4] =	dma.local [hbm:s3], $0xF7A  }
0x26: {  	[smem:$0x3F96] =	sst s1;
	(tag) =	ssettag s2;
	_ =	strace s9  }
0x27: {  	s1 =	sld [smem:$0x3FA6]  }
0x28: {  	s2 =	sld [smem:$0x3FA7]  }
0x29: {  	s4 =	sld [smem:$0x3FA9]  }
0x2a: {  	p0 =	seq.s32 s5, $0x0;
	s5 =	sld [smem:$0x3FAA]  }
0x2b: {  	s6 =	sld [smem:$0x3FAB]  }
0x2c: {  	s7 =	sld [smem:$0x3FAC]  }
0x2d: {  	s3 =	simm.s32 $0x108;
	s8 =	sld [smem:$0x3FAD]  }
0x2e: {  	s3 =	simm.s32 @!p0 $0x1082;
	s9 =	sld [smem:$0x3FAE]  }
0x2f: {  	lr =	sadd.s32 s0, s3;
	s0 =	sld [smem:$0x3FA5]  }
0x30: {  	s3 =	sld [smem:$0x3FA8]  }
0x31: {  	[smem:$0x3FB1] =	sst s10  }
0x32: {  	s10 =	sld [smem:$0x3FAF];
	_ =	sdelay $0x3  }
0x33: {  	p0 =	seq.s32 s10, $0x1;
	s10 =	sld [smem:$0x3FB1];
	_ =	sdelay $0x3  }
0x34: {  	[smem:$0x3FB1] =	sst s10  }
0x35: {  	s10 =	sld [smem:$0x3FB0];
	_ =	sdelay $0x3  }
0x36: {  	p1 =	seq.s32 s10, $0x1;
	s10 =	sld [smem:$0x3FB1];
	_ =	sdelay $0x3  }
0x37: {  	[smem:$0x3FB1] =	sst s10  }
0x38: {  	s10 =	sld [smem:$0x3FB2]  }
0x39: {  	_ = 	snop;
	(pc) =	sbr.ind lr, $3  }
0x3a: {  	_ = 	snop  }
0x3b: {  	_ = 	snop  }
0x3c: {  	p2 =	seq.s32 s10, $0x1;
	s10 =	sld [smem:$0x3FB1]  }
0x3d: {  	_ =	shalt  }
0x3e: {  	_ =	shalt  }
0x3f: {  	_ =	shalt  }
0x40: {  	_ =	shalt  }
0x41: {  	_ =	shalt  }
0x42: {  	_ =	shalt  }
0x43: {  	_ =	shalt  }
0x44: {  	_ =	shalt  }
0x45: {  	_ =	shalt  }
0x46: {  	_ =	shalt  }
0x47: {  	_ =	shalt  }
0x48: {  	_ =	shalt  }
0x49: {  	_ =	shalt  }
0x4a: {  	_ =	shalt  }
0x4b: {  	_ =	shalt  }
0x4c: {  	_ =	shalt  }
0x4d: {  	_ =	shalt  }
0x4e: {  	_ =	shalt  }
0x4f: {  	_ =	shalt  }
0x50: {  	_ =	shalt  }
0x51: {  	_ =	shalt  }
0x52: {  	_ =	shalt  }
0x53: {  	_ =	shalt  }
0x54: {  	_ =	shalt  }
0x55: {  	_ =	shalt  }
0x56: {  	_ =	shalt  }
0x57: {  	_ =	shalt  }
0x58: {  	_ =	shalt  }
0x59: {  	_ =	shalt  }
0x5a: {  	_ =	shalt  }
0x5b: {  	_ =	shalt  }
0x5c: {  	_ =	shalt  }
0x5d: {  	_ =	shalt  }
0x5e: {  	_ =	shalt  }
0x5f: {  	_ =	shalt  }
0x60: {  	_ =	shalt  }
0x61: {  	_ =	shalt  }
0x62: {  	_ =	shalt  }
0x63: {  	_ =	shalt  }
0x64: {  	_ =	shalt  }
0x65: {  	_ =	shalt  }
0x66: {  	_ =	shalt  }
0x67: {  	_ =	shalt  }
0x68: {  	_ =	shalt  }
0x69: {  	_ =	shalt  }
0x6a: {  	_ =	shalt  }
0x6b: {  	_ =	shalt  }
0x6c: {  	_ =	shalt  }
0x6d: {  	_ =	shalt  }
0x6e: {  	_ =	shalt  }
0x6f: {  	_ =	shalt  }
0x70: {  	_ =	shalt  }
0x71: {  	_ =	shalt  }
0x72: {  	_ =	shalt  }
0x73: {  	_ =	shalt  }
0x74: {  	_ =	shalt  }
0x75: {  	_ =	shalt  }
0x76: {  	_ =	shalt  }
0x77: {  	_ =	shalt  }
0x78: {  	_ =	shalt  }
0x79: {  	_ =	shalt  }
0x7a: {  	_ =	shalt  }
0x7b: {  	_ =	shalt  }
0x7c: {  	_ =	shalt  }
0x7d: {  	_ =	shalt  }
0x7e: {  	_ =	shalt  }
0x7f: {  	_ =	shalt  }
0x80: {  	_ =	shalt  }
0x81: {  	_ =	shalt  }
0x82: {  	_ =	shalt  }
0x83: {  	_ =	shalt  }
0x84: {  	_ =	shalt  }
0x85: {  	_ =	shalt  }
0x86: {  	_ =	shalt  }
0x87: {  	_ =	shalt  }
.Lfunc_end0:
.L_simem_size_0:
called_computation.2_lowered:
.L_overlay_start_0:
0x88: {  	s2 =	sld [smem:$0x3FD9]  }
0x89: {  	s3 =	sld [smem:$0x3FFE];
	_ =	sdelay $0x1  }
0x8a: {  	s1 =	srdreg.scid  }
0x8b: {  	s0 =	sand.u32 $0x1, s1  }
0x8c: {  	s16 =	sshll.u32 s0, $0xA;
	s2 =	sadd.s32 s3, s2  }
0x8d: {  	s2 =	sadd.s32 s2, s16  }
0x8e: {  	[smem:$0x3FBD] =	sst s2  }
0x8f: {  	_ = 	snop  }
0x90: {  	(tm) =	ssettm $0x1  }
0x91: {  	s17 =	sld [smem:$0x3FFB];
	_ =	sdelay $0x3  }
0x92: {  	_ =	strace s17  }
0x93: {  	s2 =	sld [smem:$0x3FFC];
	_ =	sdelay $0x3  }
0x94: {  	_ =	strace s2  }
0x95: {  	s2 =	sld [smem:$0x3FFD];
	_ =	sdelay $0x3  }
0x96: {  	_ =	strace s2  }
0x97: {  	_ =	strace $0x8FFFFFFF  }
0x98: {  	s18 =	sld [smem:$0x3FDB];
	_ =	sdelay $0x1  }
0x99: {  	s19 =	simm.s32 $_scs_section_size  }
0x9a: {  	s4 =	simm.s32 $_size__tile_overlayer_lowered;
	s5 =	simm.s32 $_tile_overlayer_lowered  }
0x9b: {  	s22 =	simm.s32 $0x1BFF;
	s21 =	sshll.u32 s5, $0x1;
	s2 =	sadd.s32 s19, s18  }
0x9c: {  	s6 =	simm.s32 $0x0;
	s20 =	sshll.u32 s4, $0x1;
	s4 =	sadd.s32 s21, s2  }
0x9d: {  	[timem:s6], [sflag:s22] =	dma.local [hbm:s4], s20  }
0x9e: {  	_ =	swait.ge [sflag:s22], s20  }
0x9f: {  	s3 =	ssub.s32 $0x0, s20;
	[sflag:s22] =	ssyncset.done $0x0  }
0xa0: {  	[sflag:s22] =	ssyncadd.s32 s3;
	_ =	sdelay $0x1  }
0xa1: {  	s23 =	simm.s32 $0x1B8B  }
0xa2: {  	_ =	swait.ge [sflag:s23], $0x1  }
0xa3: {  	[sflag:s23] =	ssyncset.done $0x0  }
0xa4: {  	s25 =	simm.s32 $0x1B8E;
	s24 =	sld [smem:$0x3FFE];
	[sflag:s23] =	ssyncadd.s32 $0xFFFFFFFF  }
0xa5: {  	s26 =	simm.s32 $execute0_lowered;
	[smem:$0x3FD2] =	sst s25  }
0xa6: {  	s4 =	sshll.u32 s26, $0x1;
	_ =	strace $0x8000004C;
	[dreg:$0x1] =	wrdreg $0xFFFFFFFF  }
0xa7: {  	s28 =	simm.s32 $_size_execute0_lowered;
	s2 =	sadd.s32 s2, s4;
	[dreg:$0x0] =	wrdreg $0x0  }
0xa8: {  	s4 =	sshll.u32 s28, $0x1;
	[dreg:$0x2] =	wrdreg s2  }
0xa9: {  	[dreg:$0x3] =	wrdreg s4  }
0xaa: {  	[dreg:$0x4] =	wrdreg $0xC0  }
0xab: {  	_ =	task [dreg:s6], $0x5FFFF  }
0xac: {  	[dreg:$0x1] =	wrdreg $0xFFFFFFFF  }
0xad: {  	[dreg:$0x0] =	wrdreg $0x60  }
0xae: {  	[dreg:$0x2] =	wrdreg s24  }
0xaf: {  	[dreg:$0x3] =	wrdreg $0x0  }
0xb0: {  	[dreg:$0x4] =	wrdreg $0x9  }
0xb1: {  	_ =	task.clear_ibuf [dreg:s6], $0x5FFFF;
	_ =	strace $0x9000004C  }
0xb2: {  	s29 =	simm.s32 $0x9;
	_ =	strace $0x8000004E  }
0xb3: {  	_ =	swait.ge [sflag:s29], $0x1  }
0xb4: {  	[sflag:s29] =	ssyncadd.s32 $0xFFFFFFFF  }
0xb5: {  	_ =	strace $0x9000004E  }
0xb6: {  	_ =	sfence  }
0xb7: {  	s30 =	sld [smem:$0x0];
	_ =	sdelay $0x2  }
0xb8: {  	s31 =	sshll.u32 s1, $0xD;
	s1 =	sshrl.u32 s1, $0x2  }
0xb9: {  	s3 =	sand.u32 $0x4000, s31;
	s1 =	sadd.s32 s1, s30  }
0xba: {  	s0 =	sor.u32 s3, s0;
	s1 =	sshll.u32 s1, $0x11  }
0xbb: {  	s0 =	sor.u32 s1, s0  }
0xbc: {  	s0 =	sadd.s32 $0x8F2B, s0  }
0xbd: {  	[sflag:s0] =	ssyncadd.remote.s32 $0x1  }
0xbe: {  	_ =	sfence.sel $0xFFFF  }
0xbf: {  	[dreg:$0x0] =	wrdreg $0xFFFFFFFF;
	(pc) =	sbr.abs _section_cstart, $3  }
0xc0: {  	[dreg:$0x1] =	wrdreg $0xFFFFFFFF  }
0xc1: {  	_ =	task.clear_ibuf [dreg:s6], $0x2FFFF;
	_ =	strace $0x9FFFFFFF  }
0xc2: {  	(tm) =	ssettm $0x7FFFFFFF  }
0xc3: {  	_ =	shalt  }
tec
execute0_lowered:
.L_overlay_start_1:
0x0: {  	(tag) =	ssettag $0x1  }
0x1: {  	s5 =	rddreg [dreg:$0x0]  }
0x2: {  	s1 =	rddreg [dreg:$0x1];
	s2 =	simm.s32 $0x0  }
0x3: {  	s3 =	srdreg.scid;
	s18 =	simm.s32 $0x15400;
	s19 =	simm.s32 $0x80  }
0x4: {  	s20 =	simm.s32 $0x16800;
	s21 =	simm.s32 $0x1A800;
	s22 =	simm.s32 $0x1  }
0x5: {  	s23 =	simm.s32 $0x2;
	[smem:$0x7FF] =	sst s2;
	s6 =	sand.u32 $0x1, s3  }
0x6: {  	s3 =	stileid.u32;
	s4 =	sadd.s32 $0x60800, s5;
	s24 =	smul.u32 $0x2800, s6  }
0x7: {  	s9 =	sadd.s32 $0x6800, s5;
	s11 =	sadd.s32 $0xE00, s5;
	s10 =	smul.u32 $0x280, s3  }
0x8: {  	s13 =	sadd.s32 $0x100800, s5;
	s6 =	ssub.s32 $0x2, s6;
	s8 =	smul.u32 $0x50000, s3  }
0x9: {  	_ =	strace $0x8000004D;
	s28 =	smul.u32 $0x1400, s3;
	s7 =	sshrl.u32 s6, $0x1  }
0xa: {  	s29 =	sshll.u32 s3, $0x6;
	s14 =	ssub.s32 s6, s7;
	s25 =	sshrl.u32 s8, $0x2  }
0xb: {  	s26 =	sadd.s32 s10, s24;
	s6 =	sor.u32 $0x1C05, s29;
	s30 =	sshrl.u32 s28, $0x3  }
0xc: {  	s7 =	sadd.s32 s9, s10;
	s8 =	sadd.s32 s11, s10;
	s15 =	sadd.s32 s25, s1  }
0xd: {  	s12 =	sshll.u32 s26, $0x4;
	s16 =	sadd.s32 $0x2800, s30;
	s25 =	sadd.s32 $0x5000, s24  }
0xe: {  	v0 =	vmov s24;
	s14 =	smax.u32 s14, $0x1;
	s24 =	simm.s32 $0x3;
	s26 =	simm.s32 $0x0  }
0xf: {  	s5 =	sadd.s32 s4, s12;
	s9 =	sadd.s32 s9, s16;
	s17 =	sadd.s32 s10, s25  }
0x10: {  	s10 =	sadd.s32 s11, s16;
	s11 =	sadd.s32 s13, s12;
	s15 =	sshrl.u32 s15, $0x3  }
0x11: {  	s16 =	simm.s32 $0x5;
	v1 =	vmov s25;
	s25 =	simm.s32 $0x4;
	s31 =	sshll.u32 s17, $0x4  }
0x12: {  	s17 =	simm.s32 $0x14000;
	s12 =	sadd.s32 s4, s31;
	s13 =	sadd.s32 s13, s31  }
.LBB2_1:
0x13: {  	[spmem:s15], [sflag:s6] =	dma.local [hbm:s5], $0x2800  }
0x14: {  	_ =	swait.ge [sflag:s16], $0x2800  }
0x15: {  	[sflag:s16] =	ssyncset.done $0x0  }
0x16: {  	[sflag:s16] =	ssyncadd.s32 $0xFFFFD800  }
0x17: {  	[bflag:$0x0] =	sbarrier.arrive $0xFFFF  }
0x18: {  	[tilespmem:s17], [sflag:$0x5] =	stream.linear.gather [hbm4b:s7+s2], $0x1400, $0x38;
	[tilespmem:$0x1E800] =	vst v63  }
0x19: {  	_ =	swait.ge [sflag:s16], $0x1400  }
0x1a: {  	[sflag:s16] =	ssyncset.done $0x0  }
0x1b: {  	[sflag:s16] =	ssyncadd.s32 $0xFFFFEC00  }
0x1c: {  	[tilespmem:s18], [sflag:$0x5] =	stream.linear.gather [hbm4b:s8+s2], $0x1400, $0x38;
	[tilespmem:$0x1E800] =	vst v63  }
0x1d: {  	_ =	swait.ge [sflag:s16], $0x1400  }
0x1e: {  	[sflag:s16] =	ssyncset.done $0x0  }
0x1f: {  	s28 =	simm.s32 $0x0;
	[sflag:s16] =	ssyncadd.s32 $0xFFFFEC00  }
0x20: {  	v4 =	vld [tilespmem:s28+$0x14000]  }
0x21: {  	v6 =	vld [tilespmem:s28+$0x14010]  }
0x22: {  	v5 =	vld [tilespmem:s28+$0x14020]  }
0x23: {  	v3 =	vld [tilespmem:s28+$0x14030]  }
0x24: {  	v2 =	vld [tilespmem:s28+$0x14040]  }
0x25: {  	v7 =	vadd.s32 v0, v4;
	v4 =	vld [tilespmem:s28+$0x14050]  }
0x26: {  	s29 =	simm.s32 $0x200;
	[tilespmem:s28+$0x14000] =	vst v7;
	v7 =	vadd.s32 v0, v6;
	v6 =	vld [tilespmem:s28+$0x14060]  }
.LBB2_2:
0x27: {  	s30 =	sshra.s32 s29, $0x2;
	p0 =	sne.s32 s29, $0x4E00;
	[tilespmem:s28+$0x14010] =	vst v7;
	v5 =	vadd.s32 v0, v5;
	v7 =	vld [tilespmem:s28+$0x14070]  }
0x28: {  	v8 =	vld [tilespmem:s30+$0x14000];
	[tilespmem:s28+$0x14020] =	vst v5;
	v3 =	vadd.s32 v0, v3  }
0x29: {  	v9 =	vld [tilespmem:s30+$0x14010];
	[tilespmem:s28+$0x14030] =	vst v3;
	v2 =	vadd.s32 v0, v2  }
.Ltmp0:
0x2a: {  	v5 =	vld [tilespmem:s30+$0x14020];
	[tilespmem:s28+$0x14040] =	vst v2;
	v2 =	vadd.s32 v0, v4;
	(pc) =	sbr.rel @p0 .LBB2_2-.Ltmp0, $4  }
0x2b: {  	v3 =	vld [tilespmem:s30+$0x14030];
	[tilespmem:s28+$0x14050] =	vst v2;
	v4 =	vadd.s32 v0, v6  }
0x2c: {  	v2 =	vld [tilespmem:s30+$0x14040];
	[tilespmem:s28+$0x14060] =	vst v4;
	v6 =	vadd.s32 v0, v7  }
0x2d: {  	v7 =	vadd.s32 v0, v8;
	v4 =	vld [tilespmem:s30+$0x14050];
	[tilespmem:s28+$0x14070] =	vst v6;
	s28 =	smov.u32 s30  }
0x2e: {  	s29 =	sadd.s32 $0x200, s29;
	[tilespmem:s28+$0x14000] =	vst v7;
	v7 =	vadd.s32 v0, v9;
	v6 =	vld [tilespmem:s28+$0x14060]  }
0x2f: {  	[tilespmem:s28+$0x14010] =	vst v7;
	v5 =	vadd.s32 v0, v5;
	v63 =	vld [tilespmem:s28+$0x14070]  }
0x30: {  	[tilespmem:s28+$0x14020] =	vst v5;
	v3 =	vadd.s32 v0, v3  }
0x31: {  	[tilespmem:s28+$0x14030] =	vst v3;
	v2 =	vadd.s32 v0, v2  }
0x32: {  	[tilespmem:s28+$0x14040] =	vst v2;
	v2 =	vadd.s32 v0, v4  }
0x33: {  	[tilespmem:s28+$0x14050] =	vst v2;
	v2 =	vadd.s32 v0, v6  }
0x34: {  	[tilespmem:s28+$0x14060] =	vst v2;
	v2 =	vadd.s32 v0, v63  }
0x35: {  	[tilespmem:s28+$0x14070] =	vst v2;
	s28 =	simm.s32 $0x14000  }
0x36: {  	[tilespmem:s20], [sflag:$0x1] =	stream.indirect.gather [hbm4b:s4+s19], $0x80, s28, s19, $0xb8;
	[tilespmem:$0x1E800] =	vst v63  }
0x37: {  	s28 =	simm.s32 $0x14080  }
0x38: {  	[tilespmem:s21], [sflag:$0x2] =	stream.indirect.gather [hbm4b:s4+s19], $0x80, s28, s19, $0xb8;
	[tilespmem:$0x1E800] =	vst v63  }
0x39: {  	_ =	swait.ge [sflag:s22], $0x4000  }
0x3a: {  	[sflag:s22] =	ssyncset.done $0x0  }
0x3b: {  	s28 =	simm.s32 $0x15400;
	[sflag:s22] =	ssyncadd.s32 $0xFFFFC000  }
0x3c: {  	[spmem:s1] =	stream.indirect.scatter.add.f32 [tilespmem:s20], [sflag:$0x3], $0x80, s28, s19, $0xb8;
	[tilespmem:$0x1E800] =	vst v63  }
0x3d: {  	_ =	swait.ge [sflag:s23], $0x4000  }
0x3e: {  	[sflag:s23] =	ssyncset.done $0x0  }
0x3f: {  	s28 =	simm.s32 $0x15480;
	[sflag:s23] =	ssyncadd.s32 $0xFFFFC000  }
0x40: {  	[spmem:s1] =	stream.indirect.scatter.add.f32 [tilespmem:s21], [sflag:$0x4], $0x80, s28, s19, $0xb8;
	[tilespmem:$0x1E800] =	vst v63  }
0x41: {  	_ =	swait.ge [sflag:s24], $0x4000  }
0x42: {  	[sflag:s24] =	ssyncset.done $0x0  }
0x43: {  	[sflag:s24] =	ssyncadd.s32 $0xFFFFC000  }
0x44: {  	_ =	swait.ge [sflag:s25], $0x4000  }
0x45: {  	s29 =	simm.s32 $0x800;
	s28 =	simm.s32 $0x100;
	[sflag:s25] =	ssyncset.done $0x0  }
.LBB2_4:
0x46: {  	s30 =	sadd.s32 $0x14000, s28  }
0x47: {  	[sflag:s25] =	ssyncadd.s32 $0xFFFFC000;
	s31 =	smov.u32 s29;
	s0 =	sadd.s32 $0x400, s29  }
0x48: {  	[tilespmem:s20], [sflag:$0x1] =	stream.indirect.gather [hbm4b:s4+s19], $0x80, s30, s19, $0xb8;
	[tilespmem:$0x1E800] =	vst v63  }
0x49: {  	p0 =	sne.s32 s29, $0x4C00;
	s29 =	sadd.s32 $0x14080, s28  }
0x4a: {  	[tilespmem:s21], [sflag:$0x2] =	stream.indirect.gather [hbm4b:s4+s19], $0x80, s29, s19, $0xb8;
	[tilespmem:$0x1E800] =	vst v63  }
0x4b: {  	_ =	swait.ge [sflag:s22], $0x4000  }
0x4c: {  	[sflag:s22] =	ssyncset.done $0x0  }
0x4d: {  	s29 =	sadd.s32 $0x15400, s28;
	[sflag:s22] =	ssyncadd.s32 $0xFFFFC000  }
0x4e: {  	[spmem:s1] =	stream.indirect.scatter.add.f32 [tilespmem:s20], [sflag:$0x3], $0x80, s29, s19, $0xb8;
	[tilespmem:$0x1E800] =	vst v63  }
0x4f: {  	_ =	swait.ge [sflag:s23], $0x4000  }
0x50: {  	[sflag:s23] =	ssyncset.done $0x0  }
0x51: {  	s28 =	sadd.s32 $0x15480, s28;
	[sflag:s23] =	ssyncadd.s32 $0xFFFFC000  }
0x52: {  	[spmem:s1] =	stream.indirect.scatter.add.f32 [tilespmem:s21], [sflag:$0x4], $0x80, s28, s19, $0xb8;
	[tilespmem:$0x1E800] =	vst v63  }
.Ltmp1:
0x53: {  	_ =	swait.ge [sflag:s24], $0x4000;
	(pc) =	sbr.rel @p0 .LBB2_4-.Ltmp1, $4  }
0x54: {  	[sflag:s24] =	ssyncset.done $0x0  }
0x55: {  	[sflag:s24] =	ssyncadd.s32 $0xFFFFC000  }
0x56: {  	_ =	swait.ge [sflag:s25], $0x4000  }
0x57: {  	s29 =	smov.u32 s0;
	s28 =	sshra.s32 s31, $0x2;
	[sflag:s25] =	ssyncset.done $0x0  }
0x58: {  	s0 =	sadd.s32 $0x14000, s28;
	[sflag:s25] =	ssyncadd.s32 $0xFFFFC000  }
0x59: {  	[tilespmem:s20], [sflag:$0x1] =	stream.indirect.gather [hbm4b:s4+s19], $0x80, s0, s19, $0xb8;
	[tilespmem:$0x1E800] =	vst v63  }
0x5a: {  	s30 =	sadd.s32 $0x14080, s28  }
0x5b: {  	[tilespmem:s21], [sflag:$0x2] =	stream.indirect.gather [hbm4b:s4+s19], $0x80, s30, s19, $0xb8;
	[tilespmem:$0x1E800] =	vst v63  }
0x5c: {  	_ =	swait.ge [sflag:s22], $0x4000  }
0x5d: {  	[sflag:s22] =	ssyncset.done $0x0  }
0x5e: {  	s31 =	sadd.s32 $0x15400, s28;
	[sflag:s22] =	ssyncadd.s32 $0xFFFFC000  }
0x5f: {  	[spmem:s1] =	stream.indirect.scatter.add.f32 [tilespmem:s20], [sflag:$0x3], $0x80, s31, s19, $0xb8;
	[tilespmem:$0x1E800] =	vst v63  }
0x60: {  	_ =	swait.ge [sflag:s23], $0x4000  }
0x61: {  	[sflag:s23] =	ssyncset.done $0x0  }
0x62: {  	s30 =	sadd.s32 $0x15480, s28;
	[sflag:s23] =	ssyncadd.s32 $0xFFFFC000  }
0x63: {  	[spmem:s1] =	stream.indirect.scatter.add.f32 [tilespmem:s21], [sflag:$0x4], $0x80, s30, s19, $0xb8;
	[tilespmem:$0x1E800] =	vst v63  }
0x64: {  	_ =	swait.ge [sflag:s24], $0x4000  }
0x65: {  	[sflag:s24] =	ssyncset.done $0x0  }
0x66: {  	[sflag:s24] =	ssyncadd.s32 $0xFFFFC000  }
0x67: {  	_ =	swait.ge [sflag:s25], $0x4000  }
0x68: {  	[sflag:s25] =	ssyncset.done $0x0  }
0x69: {  	s31 =	simm.s32 $0x0;
	[sflag:s25] =	ssyncadd.s32 $0xFFFFC000  }
0x6a: {  	[tilespmem:s17], [sflag:$0x5] =	stream.linear.gather [hbm4b:s9+s31], $0x1400, $0x38;
	[tilespmem:$0x1E800] =	vst v63  }
0x6b: {  	_ =	swait.ge [sflag:s16], $0x1400  }
0x6c: {  	[sflag:s16] =	ssyncset.done $0x0  }
0x6d: {  	[sflag:s16] =	ssyncadd.s32 $0xFFFFEC00  }
0x6e: {  	[tilespmem:s18], [sflag:$0x5] =	stream.linear.gather [hbm4b:s10+s31], $0x1400, $0x38;
	[tilespmem:$0x1E800] =	vst v63  }
0x6f: {  	_ =	swait.ge [sflag:s16], $0x1400  }
0x70: {  	[sflag:s16] =	ssyncset.done $0x0  }
0x71: {  	s28 =	simm.s32 $0x0;
	[sflag:s16] =	ssyncadd.s32 $0xFFFFEC00  }
0x72: {  	v4 =	vld [tilespmem:s28+$0x14000]  }
0x73: {  	v6 =	vld [tilespmem:s28+$0x14010]  }
0x74: {  	v5 =	vld [tilespmem:s28+$0x14020]  }
0x75: {  	v3 =	vld [tilespmem:s28+$0x14030]  }
0x76: {  	v2 =	vld [tilespmem:s28+$0x14040]  }
0x77: {  	v7 =	vadd.s32 v0, v4;
	v4 =	vld [tilespmem:s28+$0x14050]  }
0x78: {  	s29 =	simm.s32 $0x200;
	[tilespmem:s28+$0x14000] =	vst v7;
	v7 =	vadd.s32 v0, v6;
	v6 =	vld [tilespmem:s28+$0x14060]  }
.LBB2_6:
0x79: {  	s0 =	sshra.s32 s29, $0x2;
	p0 =	sne.s32 s29, $0x4E00;
	[tilespmem:s28+$0x14010] =	vst v7;
	v5 =	vadd.s32 v0, v5;
	v7 =	vld [tilespmem:s28+$0x14070]  }
0x7a: {  	v8 =	vld [tilespmem:s0+$0x14000];
	[tilespmem:s28+$0x14020] =	vst v5;
	v3 =	vadd.s32 v0, v3  }
0x7b: {  	v9 =	vld [tilespmem:s0+$0x14010];
	[tilespmem:s28+$0x14030] =	vst v3;
	v2 =	vadd.s32 v0, v2  }
.Ltmp2:
0x7c: {  	v5 =	vld [tilespmem:s0+$0x14020];
	[tilespmem:s28+$0x14040] =	vst v2;
	v2 =	vadd.s32 v0, v4;
	(pc) =	sbr.rel @p0 .LBB2_6-.Ltmp2, $4  }
0x7d: {  	v3 =	vld [tilespmem:s0+$0x14030];
	[tilespmem:s28+$0x14050] =	vst v2;
	v4 =	vadd.s32 v0, v6  }
0x7e: {  	v2 =	vld [tilespmem:s0+$0x14040];
	[tilespmem:s28+$0x14060] =	vst v4;
	v6 =	vadd.s32 v0, v7  }
0x7f: {  	v7 =	vadd.s32 v0, v8;
	v4 =	vld [tilespmem:s0+$0x14050];
	[tilespmem:s28+$0x14070] =	vst v6;
	s28 =	smov.u32 s0  }
0x80: {  	s29 =	sadd.s32 $0x200, s29;
	[tilespmem:s28+$0x14000] =	vst v7;
	v7 =	vadd.s32 v0, v9;
	v6 =	vld [tilespmem:s28+$0x14060]  }
0x81: {  	[tilespmem:s28+$0x14010] =	vst v7;
	v5 =	vadd.s32 v0, v5;
	v63 =	vld [tilespmem:s28+$0x14070]  }
0x82: {  	[tilespmem:s28+$0x14020] =	vst v5;
	v3 =	vadd.s32 v0, v3  }
0x83: {  	[tilespmem:s28+$0x14030] =	vst v3;
	v2 =	vadd.s32 v0, v2  }
0x84: {  	[tilespmem:s28+$0x14040] =	vst v2;
	v2 =	vadd.s32 v0, v4  }
0x85: {  	[tilespmem:s28+$0x14050] =	vst v2;
	v2 =	vadd.s32 v0, v6  }
0x86: {  	[tilespmem:s28+$0x14060] =	vst v2;
	v2 =	vadd.s32 v0, v63  }
0x87: {  	s0 =	simm.s32 $0x14000;
	[tilespmem:s28+$0x14070] =	vst v2  }
0x88: {  	[tilespmem:s20], [sflag:$0x1] =	stream.indirect.gather [hbm4b:s4+s19], $0x80, s0, s19, $0xb8;
	[tilespmem:$0x1E800] =	vst v63  }
0x89: {  	s31 =	simm.s32 $0x14080  }
0x8a: {  	[tilespmem:s21], [sflag:$0x2] =	stream.indirect.gather [hbm4b:s4+s19], $0x80, s31, s19, $0xb8;
	[tilespmem:$0x1E800] =	vst v63  }
0x8b: {  	_ =	swait.ge [sflag:s22], $0x4000  }
0x8c: {  	[sflag:s22] =	ssyncset.done $0x0  }
0x8d: {  	s30 =	simm.s32 $0x15400;
	[sflag:s22] =	ssyncadd.s32 $0xFFFFC000  }
0x8e: {  	[spmem:s1] =	stream.indirect.scatter.add.f32 [tilespmem:s20], [sflag:$0x3], $0x80, s30, s19, $0xb8;
	[tilespmem:$0x1E800] =	vst v63  }
0x8f: {  	_ =	swait.ge [sflag:s23], $0x4000  }
0x90: {  	[sflag:s23] =	ssyncset.done $0x0  }
0x91: {  	s31 =	simm.s32 $0x15480;
	[sflag:s23] =	ssyncadd.s32 $0xFFFFC000  }
0x92: {  	[spmem:s1] =	stream.indirect.scatter.add.f32 [tilespmem:s21], [sflag:$0x4], $0x80, s31, s19, $0xb8;
	[tilespmem:$0x1E800] =	vst v63  }
0x93: {  	_ =	swait.ge [sflag:s24], $0x4000  }
0x94: {  	[sflag:s24] =	ssyncset.done $0x0  }
0x95: {  	[sflag:s24] =	ssyncadd.s32 $0xFFFFC000  }
0x96: {  	_ =	swait.ge [sflag:s25], $0x4000  }
0x97: {  	s29 =	simm.s32 $0x800;
	s28 =	simm.s32 $0x100;
	[sflag:s25] =	ssyncset.done $0x0  }
.LBB2_8:
0x98: {  	s0 =	sadd.s32 $0x14000, s28  }
0x99: {  	[sflag:s25] =	ssyncadd.s32 $0xFFFFC000;
	s30 =	smov.u32 s29;
	s31 =	sadd.s32 $0x400, s29  }
0x9a: {  	[tilespmem:s20], [sflag:$0x1] =	stream.indirect.gather [hbm4b:s4+s19], $0x80, s0, s19, $0xb8;
	[tilespmem:$0x1E800] =	vst v63  }
0x9b: {  	p0 =	sne.s32 s29, $0x4C00;
	s0 =	sadd.s32 $0x14080, s28  }
0x9c: {  	[tilespmem:s21], [sflag:$0x2] =	stream.indirect.gather [hbm4b:s4+s19], $0x80, s0, s19, $0xb8;
	[tilespmem:$0x1E800] =	vst v63  }
0x9d: {  	_ =	swait.ge [sflag:s22], $0x4000  }
0x9e: {  	[sflag:s22] =	ssyncset.done $0x0  }
0x9f: {  	s0 =	sadd.s32 $0x15400, s28;
	[sflag:s22] =	ssyncadd.s32 $0xFFFFC000  }
0xa0: {  	[spmem:s1] =	stream.indirect.scatter.add.f32 [tilespmem:s20], [sflag:$0x3], $0x80, s0, s19, $0xb8;
	[tilespmem:$0x1E800] =	vst v63  }
0xa1: {  	_ =	swait.ge [sflag:s23], $0x4000  }
0xa2: {  	[sflag:s23] =	ssyncset.done $0x0  }
0xa3: {  	s0 =	sadd.s32 $0x15480, s28;
	[sflag:s23] =	ssyncadd.s32 $0xFFFFC000  }
0xa4: {  	[spmem:s1] =	stream.indirect.scatter.add.f32 [tilespmem:s21], [sflag:$0x4], $0x80, s0, s19, $0xb8;
	[tilespmem:$0x1E800] =	vst v63  }
.Ltmp3:
0xa5: {  	_ =	swait.ge [sflag:s24], $0x4000;
	(pc) =	sbr.rel @p0 .LBB2_8-.Ltmp3, $4  }
0xa6: {  	[sflag:s24] =	ssyncset.done $0x0  }
0xa7: {  	[sflag:s24] =	ssyncadd.s32 $0xFFFFC000  }
0xa8: {  	_ =	swait.ge [sflag:s25], $0x4000  }
0xa9: {  	s29 =	smov.u32 s31;
	s28 =	sshra.s32 s30, $0x2;
	[sflag:s25] =	ssyncset.done $0x0  }
0xaa: {  	s0 =	sadd.s32 $0x14000, s28;
	[sflag:s25] =	ssyncadd.s32 $0xFFFFC000  }
0xab: {  	[tilespmem:s20], [sflag:$0x1] =	stream.indirect.gather [hbm4b:s4+s19], $0x80, s0, s19, $0xb8;
	[tilespmem:$0x1E800] =	vst v63  }
0xac: {  	s30 =	sadd.s32 $0x14080, s28  }
0xad: {  	[tilespmem:s21], [sflag:$0x2] =	stream.indirect.gather [hbm4b:s4+s19], $0x80, s30, s19, $0xb8;
	[tilespmem:$0x1E800] =	vst v63  }
0xae: {  	_ =	swait.ge [sflag:s22], $0x4000  }
0xaf: {  	[sflag:s22] =	ssyncset.done $0x0  }
0xb0: {  	s31 =	sadd.s32 $0x15400, s28;
	[sflag:s22] =	ssyncadd.s32 $0xFFFFC000  }
0xb1: {  	[spmem:s1] =	stream.indirect.scatter.add.f32 [tilespmem:s20], [sflag:$0x3], $0x80, s31, s19, $0xb8;
	[tilespmem:$0x1E800] =	vst v63  }
0xb2: {  	_ =	swait.ge [sflag:s23], $0x4000  }
0xb3: {  	[sflag:s23] =	ssyncset.done $0x0  }
0xb4: {  	s30 =	sadd.s32 $0x15480, s28;
	[sflag:s23] =	ssyncadd.s32 $0xFFFFC000  }
0xb5: {  	[spmem:s1] =	stream.indirect.scatter.add.f32 [tilespmem:s21], [sflag:$0x4], $0x80, s30, s19, $0xb8;
	[tilespmem:$0x1E800] =	vst v63  }
0xb6: {  	_ =	swait.ge [sflag:s24], $0x4000  }
0xb7: {  	[sflag:s24] =	ssyncset.done $0x0  }
0xb8: {  	[sflag:s24] =	ssyncadd.s32 $0xFFFFC000  }
0xb9: {  	_ =	swait.ge [sflag:s25], $0x4000  }
0xba: {  	[sflag:s25] =	ssyncset.done $0x0  }
0xbb: {  	[sflag:s25] =	ssyncadd.s32 $0xFFFFC000  }
0xbc: {  	[bflag:$0x0] =	sbarrier.arrive $0xFFFF  }
0xbd: {  	[hbm:s11], [sflag:s6] =	dma.local [spmem:s15], $0x2800  }
0xbe: {  	_ =	swait.ge [sflag:s16], $0x2800  }
0xbf: {  	[sflag:s16] =	ssyncset.done $0x0  }
0xc0: {  	[sflag:s16] =	ssyncadd.s32 $0xFFFFD800  }
0xc1: {  	[bflag:$0x0] =	sbarrier.arrive $0xFFFF  }
0xc2: {  	[spmem:s15], [sflag:s6] =	dma.local [hbm:s12], $0x2800  }
0xc3: {  	_ =	swait.ge [sflag:s16], $0x2800  }
0xc4: {  	[sflag:s16] =	ssyncset.done $0x0  }
0xc5: {  	[sflag:s16] =	ssyncadd.s32 $0xFFFFD800  }
0xc6: {  	s31 =	simm.s32 $0x0;
	[bflag:$0x0] =	sbarrier.arrive $0xFFFF  }
0xc7: {  	[tilespmem:s17], [sflag:$0x5] =	stream.linear.gather [hbm4b:s7+s31], $0x1400, $0x38;
	[tilespmem:$0x1E800] =	vst v63  }
0xc8: {  	_ =	swait.ge [sflag:s16], $0x1400  }
0xc9: {  	[sflag:s16] =	ssyncset.done $0x0  }
0xca: {  	[sflag:s16] =	ssyncadd.s32 $0xFFFFEC00  }
0xcb: {  	[tilespmem:s18], [sflag:$0x5] =	stream.linear.gather [hbm4b:s8+s31], $0x1400, $0x38;
	[tilespmem:$0x1E800] =	vst v63  }
0xcc: {  	_ =	swait.ge [sflag:s16], $0x1400  }
0xcd: {  	[sflag:s16] =	ssyncset.done $0x0  }
0xce: {  	s28 =	simm.s32 $0x0;
	[sflag:s16] =	ssyncadd.s32 $0xFFFFEC00  }
0xcf: {  	v4 =	vld [tilespmem:s28+$0x14000]  }
0xd0: {  	v6 =	vld [tilespmem:s28+$0x14010]  }
0xd1: {  	v5 =	vld [tilespmem:s28+$0x14020]  }
0xd2: {  	v3 =	vld [tilespmem:s28+$0x14030]  }
0xd3: {  	v2 =	vld [tilespmem:s28+$0x14040]  }
0xd4: {  	v7 =	vadd.s32 v1, v4;
	v4 =	vld [tilespmem:s28+$0x14050]  }
0xd5: {  	s29 =	simm.s32 $0x200;
	[tilespmem:s28+$0x14000] =	vst v7;
	v7 =	vadd.s32 v1, v6;
	v6 =	vld [tilespmem:s28+$0x14060]  }
.LBB2_10:
0xd6: {  	s0 =	sshra.s32 s29, $0x2;
	p0 =	sne.s32 s29, $0x4E00;
	[tilespmem:s28+$0x14010] =	vst v7;
	v5 =	vadd.s32 v1, v5;
	v7 =	vld [tilespmem:s28+$0x14070]  }
0xd7: {  	v8 =	vld [tilespmem:s0+$0x14000];
	[tilespmem:s28+$0x14020] =	vst v5;
	v3 =	vadd.s32 v1, v3  }
0xd8: {  	v9 =	vld [tilespmem:s0+$0x14010];
	[tilespmem:s28+$0x14030] =	vst v3;
	v2 =	vadd.s32 v1, v2  }
.Ltmp4:
0xd9: {  	v5 =	vld [tilespmem:s0+$0x14020];
	[tilespmem:s28+$0x14040] =	vst v2;
	v2 =	vadd.s32 v1, v4;
	(pc) =	sbr.rel @p0 .LBB2_10-.Ltmp4, $4  }
0xda: {  	v3 =	vld [tilespmem:s0+$0x14030];
	[tilespmem:s28+$0x14050] =	vst v2;
	v4 =	vadd.s32 v1, v6  }
0xdb: {  	v2 =	vld [tilespmem:s0+$0x14040];
	[tilespmem:s28+$0x14060] =	vst v4;
	v6 =	vadd.s32 v1, v7  }
0xdc: {  	v7 =	vadd.s32 v1, v8;
	v4 =	vld [tilespmem:s0+$0x14050];
	[tilespmem:s28+$0x14070] =	vst v6;
	s28 =	smov.u32 s0  }
0xdd: {  	s29 =	sadd.s32 $0x200, s29;
	[tilespmem:s28+$0x14000] =	vst v7;
	v7 =	vadd.s32 v1, v9;
	v6 =	vld [tilespmem:s28+$0x14060]  }
0xde: {  	[tilespmem:s28+$0x14010] =	vst v7;
	v5 =	vadd.s32 v1, v5;
	v63 =	vld [tilespmem:s28+$0x14070]  }
0xdf: {  	[tilespmem:s28+$0x14020] =	vst v5;
	v3 =	vadd.s32 v1, v3  }
0xe0: {  	[tilespmem:s28+$0x14030] =	vst v3;
	v2 =	vadd.s32 v1, v2  }
0xe1: {  	[tilespmem:s28+$0x14040] =	vst v2;
	v2 =	vadd.s32 v1, v4  }
0xe2: {  	[tilespmem:s28+$0x14050] =	vst v2;
	v2 =	vadd.s32 v1, v6  }
0xe3: {  	[tilespmem:s28+$0x14060] =	vst v2;
	v2 =	vadd.s32 v1, v63  }
0xe4: {  	s0 =	simm.s32 $0x14000;
	[tilespmem:s28+$0x14070] =	vst v2  }
0xe5: {  	[tilespmem:s20], [sflag:$0x1] =	stream.indirect.gather [hbm4b:s4+s19], $0x80, s0, s19, $0xb8;
	[tilespmem:$0x1E800] =	vst v63  }
0xe6: {  	s31 =	simm.s32 $0x14080  }
0xe7: {  	[tilespmem:s21], [sflag:$0x2] =	stream.indirect.gather [hbm4b:s4+s19], $0x80, s31, s19, $0xb8;
	[tilespmem:$0x1E800] =	vst v63  }
0xe8: {  	_ =	swait.ge [sflag:s22], $0x4000  }
0xe9: {  	[sflag:s22] =	ssyncset.done $0x0  }
0xea: {  	s30 =	simm.s32 $0x15400;
	[sflag:s22] =	ssyncadd.s32 $0xFFFFC000  }
0xeb: {  	[spmem:s1] =	stream.indirect.scatter.add.f32 [tilespmem:s20], [sflag:$0x3], $0x80, s30, s19, $0xb8;
	[tilespmem:$0x1E800] =	vst v63  }
0xec: {  	_ =	swait.ge [sflag:s23], $0x4000  }
0xed: {  	[sflag:s23] =	ssyncset.done $0x0  }
0xee: {  	s31 =	simm.s32 $0x15480;
	[sflag:s23] =	ssyncadd.s32 $0xFFFFC000  }
0xef: {  	[spmem:s1] =	stream.indirect.scatter.add.f32 [tilespmem:s21], [sflag:$0x4], $0x80, s31, s19, $0xb8;
	[tilespmem:$0x1E800] =	vst v63  }
0xf0: {  	_ =	swait.ge [sflag:s24], $0x4000  }
0xf1: {  	[sflag:s24] =	ssyncset.done $0x0  }
0xf2: {  	[sflag:s24] =	ssyncadd.s32 $0xFFFFC000  }
0xf3: {  	_ =	swait.ge [sflag:s25], $0x4000  }
0xf4: {  	s29 =	simm.s32 $0x800;
	s28 =	simm.s32 $0x100;
	[sflag:s25] =	ssyncset.done $0x0  }
.LBB2_12:
0xf5: {  	s0 =	sadd.s32 $0x14000, s28  }
0xf6: {  	[sflag:s25] =	ssyncadd.s32 $0xFFFFC000;
	s30 =	smov.u32 s29;
	s31 =	sadd.s32 $0x400, s29  }
0xf7: {  	[tilespmem:s20], [sflag:$0x1] =	stream.indirect.gather [hbm4b:s4+s19], $0x80, s0, s19, $0xb8;
	[tilespmem:$0x1E800] =	vst v63  }
0xf8: {  	p0 =	sne.s32 s29, $0x4C00;
	s0 =	sadd.s32 $0x14080, s28  }
0xf9: {  	[tilespmem:s21], [sflag:$0x2] =	stream.indirect.gather [hbm4b:s4+s19], $0x80, s0, s19, $0xb8;
	[tilespmem:$0x1E800] =	vst v63  }
0xfa: {  	_ =	swait.ge [sflag:s22], $0x4000  }
0xfb: {  	[sflag:s22] =	ssyncset.done $0x0  }
0xfc: {  	s0 =	sadd.s32 $0x15400, s28;
	[sflag:s22] =	ssyncadd.s32 $0xFFFFC000  }
0xfd: {  	[spmem:s1] =	stream.indirect.scatter.add.f32 [tilespmem:s20], [sflag:$0x3], $0x80, s0, s19, $0xb8;
	[tilespmem:$0x1E800] =	vst v63  }
0xfe: {  	_ =	swait.ge [sflag:s23], $0x4000  }
0xff: {  	[sflag:s23] =	ssyncset.done $0x0  }
0x100: {  	s0 =	sadd.s32 $0x15480, s28;
	[sflag:s23] =	ssyncadd.s32 $0xFFFFC000  }
0x101: {  	[spmem:s1] =	stream.indirect.scatter.add.f32 [tilespmem:s21], [sflag:$0x4], $0x80, s0, s19, $0xb8;
	[tilespmem:$0x1E800] =	vst v63  }
.Ltmp5:
0x102: {  	_ =	swait.ge [sflag:s24], $0x4000;
	(pc) =	sbr.rel @p0 .LBB2_12-.Ltmp5, $4  }
0x103: {  	[sflag:s24] =	ssyncset.done $0x0  }
0x104: {  	[sflag:s24] =	ssyncadd.s32 $0xFFFFC000  }
0x105: {  	_ =	swait.ge [sflag:s25], $0x4000  }
0x106: {  	s29 =	smov.u32 s31;
	s28 =	sshra.s32 s30, $0x2;
	[sflag:s25] =	ssyncset.done $0x0  }
0x107: {  	s0 =	sadd.s32 $0x14000, s28;
	[sflag:s25] =	ssyncadd.s32 $0xFFFFC000  }
0x108: {  	[tilespmem:s20], [sflag:$0x1] =	stream.indirect.gather [hbm4b:s4+s19], $0x80, s0, s19, $0xb8;
	[tilespmem:$0x1E800] =	vst v63  }
0x109: {  	s30 =	sadd.s32 $0x14080, s28  }
0x10a: {  	[tilespmem:s21], [sflag:$0x2] =	stream.indirect.gather [hbm4b:s4+s19], $0x80, s30, s19, $0xb8;
	[tilespmem:$0x1E800] =	vst v63  }
0x10b: {  	_ =	swait.ge [sflag:s22], $0x4000  }
0x10c: {  	[sflag:s22] =	ssyncset.done $0x0  }
0x10d: {  	s31 =	sadd.s32 $0x15400, s28;
	[sflag:s22] =	ssyncadd.s32 $0xFFFFC000  }
0x10e: {  	[spmem:s1] =	stream.indirect.scatter.add.f32 [tilespmem:s20], [sflag:$0x3], $0x80, s31, s19, $0xb8;
	[tilespmem:$0x1E800] =	vst v63  }
0x10f: {  	_ =	swait.ge [sflag:s23], $0x4000  }
0x110: {  	[sflag:s23] =	ssyncset.done $0x0  }
0x111: {  	s30 =	sadd.s32 $0x15480, s28;
	[sflag:s23] =	ssyncadd.s32 $0xFFFFC000  }
0x112: {  	[spmem:s1] =	stream.indirect.scatter.add.f32 [tilespmem:s21], [sflag:$0x4], $0x80, s30, s19, $0xb8;
	[tilespmem:$0x1E800] =	vst v63  }
0x113: {  	_ =	swait.ge [sflag:s24], $0x4000  }
0x114: {  	[sflag:s24] =	ssyncset.done $0x0  }
0x115: {  	[sflag:s24] =	ssyncadd.s32 $0xFFFFC000  }
0x116: {  	_ =	swait.ge [sflag:s25], $0x4000  }
0x117: {  	[sflag:s25] =	ssyncset.done $0x0  }
0x118: {  	s31 =	simm.s32 $0x0;
	[sflag:s25] =	ssyncadd.s32 $0xFFFFC000  }
0x119: {  	[tilespmem:s17], [sflag:$0x5] =	stream.linear.gather [hbm4b:s9+s31], $0x1400, $0x38;
	[tilespmem:$0x1E800] =	vst v63  }
0x11a: {  	_ =	swait.ge [sflag:s16], $0x1400  }
0x11b: {  	[sflag:s16] =	ssyncset.done $0x0  }
0x11c: {  	[sflag:s16] =	ssyncadd.s32 $0xFFFFEC00  }
0x11d: {  	[tilespmem:s18], [sflag:$0x5] =	stream.linear.gather [hbm4b:s10+s31], $0x1400, $0x38;
	[tilespmem:$0x1E800] =	vst v63  }
0x11e: {  	_ =	swait.ge [sflag:s16], $0x1400  }
0x11f: {  	[sflag:s16] =	ssyncset.done $0x0  }
0x120: {  	s28 =	simm.s32 $0x0;
	[sflag:s16] =	ssyncadd.s32 $0xFFFFEC00  }
0x121: {  	v4 =	vld [tilespmem:s28+$0x14000]  }
0x122: {  	v6 =	vld [tilespmem:s28+$0x14010]  }
0x123: {  	v5 =	vld [tilespmem:s28+$0x14020]  }
0x124: {  	v3 =	vld [tilespmem:s28+$0x14030]  }
0x125: {  	v2 =	vld [tilespmem:s28+$0x14040]  }
0x126: {  	v7 =	vadd.s32 v1, v4;
	v4 =	vld [tilespmem:s28+$0x14050]  }
0x127: {  	s29 =	simm.s32 $0x200;
	[tilespmem:s28+$0x14000] =	vst v7;
	v7 =	vadd.s32 v1, v6;
	v6 =	vld [tilespmem:s28+$0x14060]  }
.LBB2_14:
0x128: {  	s0 =	sshra.s32 s29, $0x2;
	p0 =	sne.s32 s29, $0x4E00;
	[tilespmem:s28+$0x14010] =	vst v7;
	v5 =	vadd.s32 v1, v5;
	v7 =	vld [tilespmem:s28+$0x14070]  }
0x129: {  	v8 =	vld [tilespmem:s0+$0x14000];
	[tilespmem:s28+$0x14020] =	vst v5;
	v3 =	vadd.s32 v1, v3  }
0x12a: {  	v9 =	vld [tilespmem:s0+$0x14010];
	[tilespmem:s28+$0x14030] =	vst v3;
	v2 =	vadd.s32 v1, v2  }
.Ltmp6:
0x12b: {  	v5 =	vld [tilespmem:s0+$0x14020];
	[tilespmem:s28+$0x14040] =	vst v2;
	v2 =	vadd.s32 v1, v4;
	(pc) =	sbr.rel @p0 .LBB2_14-.Ltmp6, $4  }
0x12c: {  	v3 =	vld [tilespmem:s0+$0x14030];
	[tilespmem:s28+$0x14050] =	vst v2;
	v4 =	vadd.s32 v1, v6  }
0x12d: {  	v2 =	vld [tilespmem:s0+$0x14040];
	[tilespmem:s28+$0x14060] =	vst v4;
	v6 =	vadd.s32 v1, v7  }
0x12e: {  	v7 =	vadd.s32 v1, v8;
	v4 =	vld [tilespmem:s0+$0x14050];
	[tilespmem:s28+$0x14070] =	vst v6;
	s28 =	smov.u32 s0  }
0x12f: {  	s29 =	sadd.s32 $0x200, s29;
	[tilespmem:s28+$0x14000] =	vst v7;
	v7 =	vadd.s32 v1, v9;
	v6 =	vld [tilespmem:s28+$0x14060]  }
0x130: {  	[tilespmem:s28+$0x14010] =	vst v7;
	v5 =	vadd.s32 v1, v5;
	v63 =	vld [tilespmem:s28+$0x14070]  }
0x131: {  	[tilespmem:s28+$0x14020] =	vst v5;
	v3 =	vadd.s32 v1, v3  }
0x132: {  	[tilespmem:s28+$0x14030] =	vst v3;
	v2 =	vadd.s32 v1, v2  }
0x133: {  	[tilespmem:s28+$0x14040] =	vst v2;
	v2 =	vadd.s32 v1, v4  }
0x134: {  	[tilespmem:s28+$0x14050] =	vst v2;
	v2 =	vadd.s32 v1, v6  }
0x135: {  	[tilespmem:s28+$0x14060] =	vst v2;
	v2 =	vadd.s32 v1, v63  }
0x136: {  	s0 =	simm.s32 $0x14000;
	[tilespmem:s28+$0x14070] =	vst v2  }
0x137: {  	[tilespmem:s20], [sflag:$0x1] =	stream.indirect.gather [hbm4b:s4+s19], $0x80, s0, s19, $0xb8;
	[tilespmem:$0x1E800] =	vst v63  }
0x138: {  	s31 =	simm.s32 $0x14080  }
0x139: {  	[tilespmem:s21], [sflag:$0x2] =	stream.indirect.gather [hbm4b:s4+s19], $0x80, s31, s19, $0xb8;
	[tilespmem:$0x1E800] =	vst v63  }
0x13a: {  	_ =	swait.ge [sflag:s22], $0x4000  }
0x13b: {  	[sflag:s22] =	ssyncset.done $0x0  }
0x13c: {  	s30 =	simm.s32 $0x15400;
	[sflag:s22] =	ssyncadd.s32 $0xFFFFC000  }
0x13d: {  	[spmem:s1] =	stream.indirect.scatter.add.f32 [tilespmem:s20], [sflag:$0x3], $0x80, s30, s19, $0xb8;
	[tilespmem:$0x1E800] =	vst v63  }
0x13e: {  	_ =	swait.ge [sflag:s23], $0x4000  }
0x13f: {  	[sflag:s23] =	ssyncset.done $0x0  }
0x140: {  	s31 =	simm.s32 $0x15480;
	[sflag:s23] =	ssyncadd.s32 $0xFFFFC000  }
0x141: {  	[spmem:s1] =	stream.indirect.scatter.add.f32 [tilespmem:s21], [sflag:$0x4], $0x80, s31, s19, $0xb8;
	[tilespmem:$0x1E800] =	vst v63  }
0x142: {  	_ =	swait.ge [sflag:s24], $0x4000  }
0x143: {  	[sflag:s24] =	ssyncset.done $0x0  }
0x144: {  	[sflag:s24] =	ssyncadd.s32 $0xFFFFC000  }
0x145: {  	_ =	swait.ge [sflag:s25], $0x4000  }
0x146: {  	s29 =	simm.s32 $0x800;
	s28 =	simm.s32 $0x100;
	[sflag:s25] =	ssyncset.done $0x0  }
.LBB2_16:
0x147: {  	s0 =	sadd.s32 $0x14000, s28  }
0x148: {  	[sflag:s25] =	ssyncadd.s32 $0xFFFFC000;
	s30 =	smov.u32 s29;
	s31 =	sadd.s32 $0x400, s29  }
0x149: {  	[tilespmem:s20], [sflag:$0x1] =	stream.indirect.gather [hbm4b:s4+s19], $0x80, s0, s19, $0xb8;
	[tilespmem:$0x1E800] =	vst v63  }
0x14a: {  	p0 =	sne.s32 s29, $0x4C00;
	s0 =	sadd.s32 $0x14080, s28  }
0x14b: {  	[tilespmem:s21], [sflag:$0x2] =	stream.indirect.gather [hbm4b:s4+s19], $0x80, s0, s19, $0xb8;
	[tilespmem:$0x1E800] =	vst v63  }
0x14c: {  	_ =	swait.ge [sflag:s22], $0x4000  }
0x14d: {  	[sflag:s22] =	ssyncset.done $0x0  }
0x14e: {  	s0 =	sadd.s32 $0x15400, s28;
	[sflag:s22] =	ssyncadd.s32 $0xFFFFC000  }
0x14f: {  	[spmem:s1] =	stream.indirect.scatter.add.f32 [tilespmem:s20], [sflag:$0x3], $0x80, s0, s19, $0xb8;
	[tilespmem:$0x1E800] =	vst v63  }
0x150: {  	_ =	swait.ge [sflag:s23], $0x4000  }
0x151: {  	[sflag:s23] =	ssyncset.done $0x0  }
0x152: {  	s0 =	sadd.s32 $0x15480, s28;
	[sflag:s23] =	ssyncadd.s32 $0xFFFFC000  }
0x153: {  	[spmem:s1] =	stream.indirect.scatter.add.f32 [tilespmem:s21], [sflag:$0x4], $0x80, s0, s19, $0xb8;
	[tilespmem:$0x1E800] =	vst v63  }
.Ltmp7:
0x154: {  	_ =	swait.ge [sflag:s24], $0x4000;
	(pc) =	sbr.rel @p0 .LBB2_16-.Ltmp7, $4  }
0x155: {  	[sflag:s24] =	ssyncset.done $0x0  }
0x156: {  	[sflag:s24] =	ssyncadd.s32 $0xFFFFC000  }
0x157: {  	_ =	swait.ge [sflag:s25], $0x4000  }
0x158: {  	s29 =	smov.u32 s31;
	s28 =	sshra.s32 s30, $0x2;
	[sflag:s25] =	ssyncset.done $0x0  }
0x159: {  	s0 =	sadd.s32 $0x14000, s28;
	[sflag:s25] =	ssyncadd.s32 $0xFFFFC000  }
0x15a: {  	[tilespmem:s20], [sflag:$0x1] =	stream.indirect.gather [hbm4b:s4+s19], $0x80, s0, s19, $0xb8;
	[tilespmem:$0x1E800] =	vst v63  }
0x15b: {  	s29 =	sadd.s32 $0x14080, s28  }
0x15c: {  	[tilespmem:s21], [sflag:$0x2] =	stream.indirect.gather [hbm4b:s4+s19], $0x80, s29, s19, $0xb8;
	[tilespmem:$0x1E800] =	vst v63  }
0x15d: {  	_ =	swait.ge [sflag:s22], $0x4000  }
0x15e: {  	[sflag:s22] =	ssyncset.done $0x0  }
0x15f: {  	s30 =	sadd.s32 $0x15400, s28;
	[sflag:s22] =	ssyncadd.s32 $0xFFFFC000  }
0x160: {  	[spmem:s1] =	stream.indirect.scatter.add.f32 [tilespmem:s20], [sflag:$0x3], $0x80, s30, s19, $0xb8;
	[tilespmem:$0x1E800] =	vst v63  }
0x161: {  	_ =	swait.ge [sflag:s23], $0x4000  }
0x162: {  	[sflag:s23] =	ssyncset.done $0x0  }
0x163: {  	s31 =	sadd.s32 $0x15480, s28;
	[sflag:s23] =	ssyncadd.s32 $0xFFFFC000  }
0x164: {  	[spmem:s1] =	stream.indirect.scatter.add.f32 [tilespmem:s21], [sflag:$0x4], $0x80, s31, s19, $0xb8;
	[tilespmem:$0x1E800] =	vst v63  }
0x165: {  	_ =	swait.ge [sflag:s24], $0x4000  }
0x166: {  	[sflag:s24] =	ssyncset.done $0x0  }
0x167: {  	[sflag:s24] =	ssyncadd.s32 $0xFFFFC000  }
0x168: {  	_ =	swait.ge [sflag:s25], $0x4000  }
0x169: {  	[sflag:s25] =	ssyncset.done $0x0  }
0x16a: {  	s26 =	sadd.s32 $0x1, s26;
	[sflag:s25] =	ssyncadd.s32 $0xFFFFC000  }
0x16b: {  	p0 =	sne.s32 s26, s14;
	[bflag:$0x0] =	sbarrier.arrive $0xFFFF  }
0x16c: {  	[hbm:s13], [sflag:s6] =	dma.local [spmem:s15], $0x2800  }
.Ltmp8:
0x16d: {  	_ =	swait.ge [sflag:s16], $0x2800;
	(pc) =	sbr.rel @p0 .LBB2_1-.Ltmp8, $3  }
0x16e: {  	[sflag:s16] =	ssyncset.done $0x0  }
0x16f: {  	[sflag:s16] =	ssyncadd.s32 $0xFFFFD800  }
0x170: {  	[bflag:$0x0] =	sbarrier.arrive $0xFFFF;
	_ =	sdelay $0x1  }
0x171: {  	_ =	sfence.sel $0x180000  }
0x172: {  	[bflag:$0x0] =	sbarrier.arrive $0xFFFF  }
0x173: {  	_ =	strace $0x9000004D  }
0x174: {  	[bflag:$0x2] =	sbarrier.arrive $0xFFFF  }
0x175: {  	p0 =	sne.s32 s3, $0x0;
	s0 =	rddreg [dreg:$0x2]  }
0x176: {  	s0 =	sadd.s32 @!p0 $0x100000, s0  }
0x177: {  	[sflag:s0] =	ssyncadd.tile.s32 @!p0 $0x1;
	_ =	shalt  }
.Lfunc_end2:
_tile_overlayer_lowered:
.L_overlay_start_2:
0x178: {  	(tag) =	ssettag $0x2  }
0x179: {  	s0 =	rddreg [dreg:$0x0];
	s2 =	stileid.u32  }
0x17a: {  	s1 =	rddreg [dreg:$0x1];
	p0 =	sne.s32 s2, $0x0  }
0x17b: {  	s3 =	rddreg [dreg:$0x2];
	[bflag:$0x3] =	sbarrier.arrive $0xFFFF;
	s2 =	simm.s32 @!p0 $0x1C05  }
0x17c: {  	[timem:s3], [sflag:s2] =	dma.local @!p0 [hbm:s0], s1  }
0x17d: {  	s0 =	simm.s32 @!p0 $0x5  }
0x17e: {  	_ =	swait.ge @!p0 [sflag:s0], s1  }
0x17f: {  	s1 =	ssub.s32 @!p0 $0x0, s1;
	[sflag:s0] =	ssyncset.done @!p0 $0x0  }
0x180: {  	[sflag:s0] =	ssyncadd.s32 @!p0 s1  }
0x181: {  	[bflag:$0x3] =	sbarrier.arrive $0xFFFF  }
0x182: {  	_ =	shalt  }

// kernel: kernel.21.cloned.1.call-start
scs
__scs_entry_jumppad:
0x0: {  	(pc) =	sbr.rel $0x88, $3  }
0x1: {  	(tag) =	ssettag $0x0;
	lr =	simm.s32 $0x1  }
0x2: {  	[smem:$0x3F96] =	sst lr;
	_ =	strace $0xD0000000  }
0x3: {  	_ = 	snop  }
0x4: {  	_ = 	snop  }
0x5: {  	_ = 	snop  }
0x6: {  	_ = 	snop  }
0x7: {  	_ = 	snop  }
__scs_overlays_trampoline_lowered:
0x8: {  	[smem:$0x3FA5] =	sst s0  }
0x9: {  	[smem:$0x3FA6] =	sst s1  }
0xa: {  	[smem:$0x3FA7] =	sst s2  }
0xb: {  	[smem:$0x3FA8] =	sst s3  }
0xc: {  	[smem:$0x3FA9] =	sst s4  }
0xd: {  	[smem:$0x3FAA] =	sst s5  }
0xe: {  	[smem:$0x3FAB] =	sst s6  }
0xf: {  	[smem:$0x3FAC] =	sst s7  }
0x10: {  	[smem:$0x3FAD] =	sst s8  }
0x11: {  	[smem:$0x3FAE] =	sst s9;
	s0 =	simm.s32 @!p0 $0x0  }
0x12: {  	s1 =	sld [smem:$0x3F94];
	s0 =	simm.s32 @p0 $0x1  }
0x13: {  	[smem:$0x3FAF] =	sst s0;
	s0 =	simm.s32 @!p1 $0x0  }
0x14: {  	s2 =	sld [smem:$0x3F93];
	s0 =	simm.s32 @p1 $0x1  }
0x15: {  	[smem:$0x3FB0] =	sst s0;
	s0 =	simm.s32 @!p2 $0x0  }
0x16: {  	s3 =	sld [smem:$0x3FDB];
	s0 =	simm.s32 @p2 $0x1  }
0x17: {  	s4 =	simm.s32 $0x1BF5;
	[smem:$0x3FB2] =	sst s0  }
0x18: {  	s0 =	sld [smem:$0x3F95];
	_ =	swait.ge [sflag:s4], $0x0  }
0x19: {  	s7 =	sld [smem:$0x3F96]  }
0x1a: {  	s8 =	sadd.s32 $0xFFFFE003, lr  }
0x1b: {  	s9 =	sadd.s32 $0xFFFFFEF7, lr;
	s5 =	simm.s32 $0xFFFFFFFF;
	p2 =	slt.u32 s8, $0xFFFFF086  }
0x1c: {  	p1 =	slt.u32 s9, $0xF7A;
	s5 =	simm.s32 @!p2 $0x0  }
0x1d: {  	s5 =	simm.s32 @p1 $0x1;
	p0 =	seq.s32 s7, s2  }
0x1e: {  	s7 =	smul.u32 @!p0 $0xF7A, s2;
	p2 =	seq.s32 @!p0 s5, $0x0  }
0x1f: {  	s9 =	smul.u32 $0xF7A, s1;
	s8 =	simm.s32 @!p0 $0x1BF5;
	p2 =	por !p2, p0  }
0x20: {  	[sflag:s8] =	ssyncset.s32 @!p0 $0xFFFFF086;
	s6 =	sadd.s32 @!p0 s3, s7;
	s7 =	simm.s32 @!p0 $0x108  }
0x21: {  	s3 =	sadd.s32 s3, s9;
	s6 =	sadd.s32 @!p0 $0x88, s6;
	s7 =	simm.s32 @p2 $0x1082  }
0x22: {  	[simem:s7], [sflag:s8] =	dma.local @!p0 [hbm:s6], $0xF7A  }
0x23: {  	s9 =	sor.u32 $0xD0000000, s2;
	s6 =	simm.s32 $0x108;
	_ =	swait.ge @!p0 [sflag:s8], $0x0  }
0x24: {  	s3 =	sadd.s32 $0x88, s3;
	s6 =	simm.s32 @!p1 $0x1082;
	[sflag:s4] =	ssyncset.s32 $0xFFFFF086  }
0x25: {  	[simem:s6], [sflag:s4] =	dma.local [hbm:s3], $0xF7A  }
0x26: {  	[smem:$0x3F96] =	sst s1;
	(tag) =	ssettag s2;
	_ =	strace s9  }
0x27: {  	s1 =	sld [smem:$0x3FA6]  }
0x28: {  	s2 =	sld [smem:$0x3FA7]  }
0x29: {  	s4 =	sld [smem:$0x3FA9]  }
0x2a: {  	p0 =	seq.s32 s5, $0x0;
	s5 =	sld [smem:$0x3FAA]  }
0x2b: {  	s6 =	sld [smem:$0x3FAB]  }
0x2c: {  	s7 =	sld [smem:$0x3FAC]  }
0x2d: {  	s3 =	simm.s32 $0x108;
	s8 =	sld [smem:$0x3FAD]  }
0x2e: {  	s3 =	simm.s32 @!p0 $0x1082;
	s9 =	sld [smem:$0x3FAE]  }
0x2f: {  	lr =	sadd.s32 s0, s3;
	s0 =	sld [smem:$0x3FA5]  }
0x30: {  	s3 =	sld [smem:$0x3FA8]  }
0x31: {  	[smem:$0x3FB1] =	sst s10  }
0x32: {  	s10 =	sld [smem:$0x3FAF];
	_ =	sdelay $0x3  }
0x33: {  	p0 =	seq.s32 s10, $0x1;
	s10 =	sld [smem:$0x3FB1];
	_ =	sdelay $0x3  }
0x34: {  	[smem:$0x3FB1] =	sst s10  }
0x35: {  	s10 =	sld [smem:$0x3FB0];
	_ =	sdelay $0x3  }
0x36: {  	p1 =	seq.s32 s10, $0x1;
	s10 =	sld [smem:$0x3FB1];
	_ =	sdelay $0x3  }
0x37: {  	[smem:$0x3FB1] =	sst s10  }
0x38: {  	s10 =	sld [smem:$0x3FB2]  }
0x39: {  	_ = 	snop;
	(pc) =	sbr.ind lr, $3  }
0x3a: {  	_ = 	snop  }
0x3b: {  	_ = 	snop  }
0x3c: {  	p2 =	seq.s32 s10, $0x1;
	s10 =	sld [smem:$0x3FB1]  }
0x3d: {  	_ =	shalt  }
0x3e: {  	_ =	shalt  }
0x3f: {  	_ =	shalt  }
0x40: {  	_ =	shalt  }
0x41: {  	_ =	shalt  }
0x42: {  	_ =	shalt  }
0x43: {  	_ =	shalt  }
0x44: {  	_ =	shalt  }
0x45: {  	_ =	shalt  }
0x46: {  	_ =	shalt  }
0x47: {  	_ =	shalt  }
0x48: {  	_ =	shalt  }
0x49: {  	_ =	shalt  }
0x4a: {  	_ =	shalt  }
0x4b: {  	_ =	shalt  }
0x4c: {  	_ =	shalt  }
0x4d: {  	_ =	shalt  }
0x4e: {  	_ =	shalt  }
0x4f: {  	_ =	shalt  }
0x50: {  	_ =	shalt  }
0x51: {  	_ =	shalt  }
0x52: {  	_ =	shalt  }
0x53: {  	_ =	shalt  }
0x54: {  	_ =	shalt  }
0x55: {  	_ =	shalt  }
0x56: {  	_ =	shalt  }
0x57: {  	_ =	shalt  }
0x58: {  	_ =	shalt  }
0x59: {  	_ =	shalt  }
0x5a: {  	_ =	shalt  }
0x5b: {  	_ =	shalt  }
0x5c: {  	_ =	shalt  }
0x5d: {  	_ =	shalt  }
0x5e: {  	_ =	shalt  }
0x5f: {  	_ =	shalt  }
0x60: {  	_ =	shalt  }
0x61: {  	_ =	shalt  }
0x62: {  	_ =	shalt  }
0x63: {  	_ =	shalt  }
0x64: {  	_ =	shalt  }
0x65: {  	_ =	shalt  }
0x66: {  	_ =	shalt  }
0x67: {  	_ =	shalt  }
0x68: {  	_ =	shalt  }
0x69: {  	_ =	shalt  }
0x6a: {  	_ =	shalt  }
0x6b: {  	_ =	shalt  }
0x6c: {  	_ =	shalt  }
0x6d: {  	_ =	shalt  }
0x6e: {  	_ =	shalt  }
0x6f: {  	_ =	shalt  }
0x70: {  	_ =	shalt  }
0x71: {  	_ =	shalt  }
0x72: {  	_ =	shalt  }
0x73: {  	_ =	shalt  }
0x74: {  	_ =	shalt  }
0x75: {  	_ =	shalt  }
0x76: {  	_ =	shalt  }
0x77: {  	_ =	shalt  }
0x78: {  	_ =	shalt  }
0x79: {  	_ =	shalt  }
0x7a: {  	_ =	shalt  }
0x7b: {  	_ =	shalt  }
0x7c: {  	_ =	shalt  }
0x7d: {  	_ =	shalt  }
0x7e: {  	_ =	shalt  }
0x7f: {  	_ =	shalt  }
0x80: {  	_ =	shalt  }
0x81: {  	_ =	shalt  }
0x82: {  	_ =	shalt  }
0x83: {  	_ =	shalt  }
0x84: {  	_ =	shalt  }
0x85: {  	_ =	shalt  }
0x86: {  	_ =	shalt  }
0x87: {  	_ =	shalt  }
.Lfunc_end0:
.L_simem_size_0:
called_computation.3_lowered:
.L_overlay_start_0:
0x88: {  	s2 =	sld [smem:$0x3FD9]  }
0x89: {  	s3 =	sld [smem:$0x3FFE];
	_ =	sdelay $0x1  }
0x8a: {  	s1 =	srdreg.scid  }
0x8b: {  	s0 =	sand.u32 $0x1, s1  }
0x8c: {  	s16 =	sshll.u32 s0, $0xA;
	s2 =	sadd.s32 s3, s2  }
0x8d: {  	s2 =	sadd.s32 s2, s16  }
0x8e: {  	[smem:$0x3FBD] =	sst s2  }
0x8f: {  	_ = 	snop  }
0x90: {  	(tm) =	ssettm $0x1  }
0x91: {  	s17 =	sld [smem:$0x3FFB];
	_ =	sdelay $0x3  }
0x92: {  	_ =	strace s17  }
0x93: {  	s2 =	sld [smem:$0x3FFC];
	_ =	sdelay $0x3  }
0x94: {  	_ =	strace s2  }
0x95: {  	s2 =	sld [smem:$0x3FFD];
	_ =	sdelay $0x3  }
0x96: {  	_ =	strace s2  }
0x97: {  	_ =	strace $0x8FFFFFFF  }
0x98: {  	s18 =	sld [smem:$0x3FDB];
	_ =	sdelay $0x1  }
0x99: {  	s19 =	simm.s32 $_scs_section_size  }
0x9a: {  	s4 =	simm.s32 $_size__tile_overlayer_lowered;
	s5 =	simm.s32 $_tile_overlayer_lowered  }
0x9b: {  	s22 =	simm.s32 $0x1BFF;
	s21 =	sshll.u32 s5, $0x1;
	s2 =	sadd.s32 s19, s18  }
0x9c: {  	s6 =	simm.s32 $0x0;
	s20 =	sshll.u32 s4, $0x1;
	s4 =	sadd.s32 s21, s2  }
0x9d: {  	[timem:s6], [sflag:s22] =	dma.local [hbm:s4], s20  }
0x9e: {  	_ =	swait.ge [sflag:s22], s20  }
0x9f: {  	s3 =	ssub.s32 $0x0, s20;
	[sflag:s22] =	ssyncset.done $0x0  }
0xa0: {  	[sflag:s22] =	ssyncadd.s32 s3;
	_ =	sdelay $0x1  }
0xa1: {  	s23 =	simm.s32 $0x1B8B  }
0xa2: {  	_ =	swait.ge [sflag:s23], $0x1  }
0xa3: {  	[sflag:s23] =	ssyncset.done $0x0  }
0xa4: {  	s25 =	simm.s32 $0x1B8E;
	s24 =	sld [smem:$0x3FFE];
	[sflag:s23] =	ssyncadd.s32 $0xFFFFFFFF  }
0xa5: {  	s26 =	simm.s32 $execute0_lowered;
	[smem:$0x3FD2] =	sst s25  }
0xa6: {  	s4 =	sshll.u32 s26, $0x1;
	_ =	strace $0x8000004F;
	[dreg:$0x1] =	wrdreg $0xFFFFFFFF  }
0xa7: {  	s28 =	simm.s32 $_size_execute0_lowered;
	s2 =	sadd.s32 s2, s4;
	[dreg:$0x0] =	wrdreg $0x0  }
0xa8: {  	s4 =	sshll.u32 s28, $0x1;
	[dreg:$0x2] =	wrdreg s2  }
0xa9: {  	[dreg:$0x3] =	wrdreg s4  }
0xaa: {  	[dreg:$0x4] =	wrdreg $0xC0  }
0xab: {  	_ =	task [dreg:s6], $0x5FFFF  }
0xac: {  	[dreg:$0x1] =	wrdreg $0xFFFFFFFF  }
0xad: {  	[dreg:$0x0] =	wrdreg $0x60  }
0xae: {  	[dreg:$0x2] =	wrdreg s24  }
0xaf: {  	[dreg:$0x3] =	wrdreg $0x0  }
0xb0: {  	[dreg:$0x4] =	wrdreg $0x9  }
0xb1: {  	_ =	task.clear_ibuf [dreg:s6], $0x5FFFF;
	_ =	strace $0x9000004F  }
0xb2: {  	s29 =	simm.s32 $0x9;
	_ =	strace $0x80000051  }
0xb3: {  	_ =	swait.ge [sflag:s29], $0x1  }
0xb4: {  	[sflag:s29] =	ssyncadd.s32 $0xFFFFFFFF  }
0xb5: {  	_ =	strace $0x90000051  }
0xb6: {  	_ =	sfence  }
0xb7: {  	s30 =	sld [smem:$0x0];
	_ =	sdelay $0x2  }
0xb8: {  	s31 =	sshll.u32 s1, $0xD;
	s1 =	sshrl.u32 s1, $0x2  }
0xb9: {  	s3 =	sand.u32 $0x4000, s31;
	s1 =	sadd.s32 s1, s30  }
0xba: {  	s0 =	sor.u32 s3, s0;
	s1 =	sshll.u32 s1, $0x11  }
0xbb: {  	s0 =	sor.u32 s1, s0  }
0xbc: {  	s0 =	sadd.s32 $0x8F2B, s0  }
0xbd: {  	[sflag:s0] =	ssyncadd.remote.s32 $0x1  }
0xbe: {  	_ =	sfence.sel $0xFFFF  }
0xbf: {  	[dreg:$0x0] =	wrdreg $0xFFFFFFFF;
	(pc) =	sbr.abs _section_cstart, $3  }
0xc0: {  	[dreg:$0x1] =	wrdreg $0xFFFFFFFF  }
0xc1: {  	_ =	task.clear_ibuf [dreg:s6], $0x2FFFF;
	_ =	strace $0x9FFFFFFF  }
0xc2: {  	(tm) =	ssettm $0x7FFFFFFF  }
0xc3: {  	_ =	shalt  }
tec
execute0_lowered:
.L_overlay_start_1:
0x0: {  	(tag) =	ssettag $0x1  }
0x1: {  	s5 =	rddreg [dreg:$0x0]  }
0x2: {  	s1 =	rddreg [dreg:$0x1];
	s2 =	simm.s32 $0x0  }
0x3: {  	s3 =	srdreg.scid;
	s18 =	simm.s32 $0x15400;
	s19 =	simm.s32 $0x80  }
0x4: {  	s20 =	simm.s32 $0x16800;
	s21 =	simm.s32 $0x1A800;
	s22 =	simm.s32 $0x1  }
0x5: {  	s23 =	simm.s32 $0x2;
	[smem:$0x7FF] =	sst s2;
	s6 =	sand.u32 $0x1, s3  }
0x6: {  	s3 =	stileid.u32;
	s4 =	sadd.s32 $0xB800, s5;
	s24 =	smul.u32 $0x2800, s6  }
0x7: {  	s9 =	sadd.s32 $0x6800, s5;
	s11 =	sadd.s32 $0xE00, s5;
	s10 =	smul.u32 $0x280, s3  }
0x8: {  	s13 =	sadd.s32 $0xAB800, s5;
	s6 =	ssub.s32 $0x2, s6;
	s8 =	smul.u32 $0x50000, s3  }
0x9: {  	_ =	strace $0x80000050;
	s28 =	smul.u32 $0x1400, s3;
	s7 =	sshrl.u32 s6, $0x1  }
0xa: {  	s29 =	sshll.u32 s3, $0x6;
	s14 =	ssub.s32 s6, s7;
	s25 =	sshrl.u32 s8, $0x2  }
0xb: {  	s26 =	sadd.s32 s10, s24;
	s6 =	sor.u32 $0x1C05, s29;
	s30 =	sshrl.u32 s28, $0x3  }
0xc: {  	s7 =	sadd.s32 s9, s10;
	s8 =	sadd.s32 s11, s10;
	s15 =	sadd.s32 s25, s1  }
0xd: {  	s12 =	sshll.u32 s26, $0x4;
	s16 =	sadd.s32 $0x2800, s30;
	s25 =	sadd.s32 $0x5000, s24  }
0xe: {  	v0 =	vmov s24;
	s14 =	smax.u32 s14, $0x1;
	s24 =	simm.s32 $0x3;
	s26 =	simm.s32 $0x0  }
0xf: {  	s5 =	sadd.s32 s4, s12;
	s9 =	sadd.s32 s9, s16;
	s17 =	sadd.s32 s10, s25  }
0x10: {  	s10 =	sadd.s32 s11, s16;
	s11 =	sadd.s32 s13, s12;
	s15 =	sshrl.u32 s15, $0x3  }
0x11: {  	s16 =	simm.s32 $0x5;
	v1 =	vmov s25;
	s25 =	simm.s32 $0x4;
	s31 =	sshll.u32 s17, $0x4  }
0x12: {  	s17 =	simm.s32 $0x14000;
	s12 =	sadd.s32 s4, s31;
	s13 =	sadd.s32 s13, s31  }
.LBB2_1:
0x13: {  	[spmem:s15], [sflag:s6] =	dma.local [hbm:s5], $0x2800  }
0x14: {  	_ =	swait.ge [sflag:s16], $0x2800  }
0x15: {  	[sflag:s16] =	ssyncset.done $0x0  }
0x16: {  	[sflag:s16] =	ssyncadd.s32 $0xFFFFD800  }
0x17: {  	[bflag:$0x0] =	sbarrier.arrive $0xFFFF  }
0x18: {  	[tilespmem:s17], [sflag:$0x5] =	stream.linear.gather [hbm4b:s7+s2], $0x1400, $0x38;
	[tilespmem:$0x1E800] =	vst v63  }
0x19: {  	_ =	swait.ge [sflag:s16], $0x1400  }
0x1a: {  	[sflag:s16] =	ssyncset.done $0x0  }
0x1b: {  	[sflag:s16] =	ssyncadd.s32 $0xFFFFEC00  }
0x1c: {  	[tilespmem:s18], [sflag:$0x5] =	stream.linear.gather [hbm4b:s8+s2], $0x1400, $0x38;
	[tilespmem:$0x1E800] =	vst v63  }
0x1d: {  	_ =	swait.ge [sflag:s16], $0x1400  }
0x1e: {  	[sflag:s16] =	ssyncset.done $0x0  }
0x1f: {  	s28 =	simm.s32 $0x0;
	[sflag:s16] =	ssyncadd.s32 $0xFFFFEC00  }
0x20: {  	v4 =	vld [tilespmem:s28+$0x14000]  }
0x21: {  	v6 =	vld [tilespmem:s28+$0x14010]  }
0x22: {  	v5 =	vld [tilespmem:s28+$0x14020]  }
0x23: {  	v3 =	vld [tilespmem:s28+$0x14030]  }
0x24: {  	v2 =	vld [tilespmem:s28+$0x14040]  }
0x25: {  	v7 =	vadd.s32 v0, v4;
	v4 =	vld [tilespmem:s28+$0x14050]  }
0x26: {  	s29 =	simm.s32 $0x200;
	[tilespmem:s28+$0x14000] =	vst v7;
	v7 =	vadd.s32 v0, v6;
	v6 =	vld [tilespmem:s28+$0x14060]  }
.LBB2_2:
0x27: {  	s30 =	sshra.s32 s29, $0x2;
	p0 =	sne.s32 s29, $0x4E00;
	[tilespmem:s28+$0x14010] =	vst v7;
	v5 =	vadd.s32 v0, v5;
	v7 =	vld [tilespmem:s28+$0x14070]  }
0x28: {  	v8 =	vld [tilespmem:s30+$0x14000];
	[tilespmem:s28+$0x14020] =	vst v5;
	v3 =	vadd.s32 v0, v3  }
0x29: {  	v9 =	vld [tilespmem:s30+$0x14010];
	[tilespmem:s28+$0x14030] =	vst v3;
	v2 =	vadd.s32 v0, v2  }
.Ltmp0:
0x2a: {  	v5 =	vld [tilespmem:s30+$0x14020];
	[tilespmem:s28+$0x14040] =	vst v2;
	v2 =	vadd.s32 v0, v4;
	(pc) =	sbr.rel @p0 .LBB2_2-.Ltmp0, $4  }
0x2b: {  	v3 =	vld [tilespmem:s30+$0x14030];
	[tilespmem:s28+$0x14050] =	vst v2;
	v4 =	vadd.s32 v0, v6  }
0x2c: {  	v2 =	vld [tilespmem:s30+$0x14040];
	[tilespmem:s28+$0x14060] =	vst v4;
	v6 =	vadd.s32 v0, v7  }
0x2d: {  	v7 =	vadd.s32 v0, v8;
	v4 =	vld [tilespmem:s30+$0x14050];
	[tilespmem:s28+$0x14070] =	vst v6;
	s28 =	smov.u32 s30  }
0x2e: {  	s29 =	sadd.s32 $0x200, s29;
	[tilespmem:s28+$0x14000] =	vst v7;
	v7 =	vadd.s32 v0, v9;
	v6 =	vld [tilespmem:s28+$0x14060]  }
0x2f: {  	[tilespmem:s28+$0x14010] =	vst v7;
	v5 =	vadd.s32 v0, v5;
	v63 =	vld [tilespmem:s28+$0x14070]  }
0x30: {  	[tilespmem:s28+$0x14020] =	vst v5;
	v3 =	vadd.s32 v0, v3  }
0x31: {  	[tilespmem:s28+$0x14030] =	vst v3;
	v2 =	vadd.s32 v0, v2  }
0x32: {  	[tilespmem:s28+$0x14040] =	vst v2;
	v2 =	vadd.s32 v0, v4  }
0x33: {  	[tilespmem:s28+$0x14050] =	vst v2;
	v2 =	vadd.s32 v0, v6  }
0x34: {  	[tilespmem:s28+$0x14060] =	vst v2;
	v2 =	vadd.s32 v0, v63  }
0x35: {  	[tilespmem:s28+$0x14070] =	vst v2;
	s28 =	simm.s32 $0x14000  }
0x36: {  	[tilespmem:s20], [sflag:$0x1] =	stream.indirect.gather [hbm4b:s4+s19], $0x80, s28, s19, $0xb8;
	[tilespmem:$0x1E800] =	vst v63  }
0x37: {  	s28 =	simm.s32 $0x14080  }
0x38: {  	[tilespmem:s21], [sflag:$0x2] =	stream.indirect.gather [hbm4b:s4+s19], $0x80, s28, s19, $0xb8;
	[tilespmem:$0x1E800] =	vst v63  }
0x39: {  	_ =	swait.ge [sflag:s22], $0x4000  }
0x3a: {  	[sflag:s22] =	ssyncset.done $0x0  }
0x3b: {  	s28 =	simm.s32 $0x15400;
	[sflag:s22] =	ssyncadd.s32 $0xFFFFC000  }
0x3c: {  	[spmem:s1] =	stream.indirect.scatter.add.f32 [tilespmem:s20], [sflag:$0x3], $0x80, s28, s19, $0xb8;
	[tilespmem:$0x1E800] =	vst v63  }
0x3d: {  	_ =	swait.ge [sflag:s23], $0x4000  }
0x3e: {  	[sflag:s23] =	ssyncset.done $0x0  }
0x3f: {  	s28 =	simm.s32 $0x15480;
	[sflag:s23] =	ssyncadd.s32 $0xFFFFC000  }
0x40: {  	[spmem:s1] =	stream.indirect.scatter.add.f32 [tilespmem:s21], [sflag:$0x4], $0x80, s28, s19, $0xb8;
	[tilespmem:$0x1E800] =	vst v63  }
0x41: {  	_ =	swait.ge [sflag:s24], $0x4000  }
0x42: {  	[sflag:s24] =	ssyncset.done $0x0  }
0x43: {  	[sflag:s24] =	ssyncadd.s32 $0xFFFFC000  }
0x44: {  	_ =	swait.ge [sflag:s25], $0x4000  }
0x45: {  	s29 =	simm.s32 $0x800;
	s28 =	simm.s32 $0x100;
	[sflag:s25] =	ssyncset.done $0x0  }
.LBB2_4:
0x46: {  	s30 =	sadd.s32 $0x14000, s28  }
0x47: {  	[sflag:s25] =	ssyncadd.s32 $0xFFFFC000;
	s31 =	smov.u32 s29;
	s0 =	sadd.s32 $0x400, s29  }
0x48: {  	[tilespmem:s20], [sflag:$0x1] =	stream.indirect.gather [hbm4b:s4+s19], $0x80, s30, s19, $0xb8;
	[tilespmem:$0x1E800] =	vst v63  }
0x49: {  	p0 =	sne.s32 s29, $0x4C00;
	s29 =	sadd.s32 $0x14080, s28  }
0x4a: {  	[tilespmem:s21], [sflag:$0x2] =	stream.indirect.gather [hbm4b:s4+s19], $0x80, s29, s19, $0xb8;
	[tilespmem:$0x1E800] =	vst v63  }
0x4b: {  	_ =	swait.ge [sflag:s22], $0x4000  }
0x4c: {  	[sflag:s22] =	ssyncset.done $0x0  }
0x4d: {  	s29 =	sadd.s32 $0x15400, s28;
	[sflag:s22] =	ssyncadd.s32 $0xFFFFC000  }
0x4e: {  	[spmem:s1] =	stream.indirect.scatter.add.f32 [tilespmem:s20], [sflag:$0x3], $0x80, s29, s19, $0xb8;
	[tilespmem:$0x1E800] =	vst v63  }
0x4f: {  	_ =	swait.ge [sflag:s23], $0x4000  }
0x50: {  	[sflag:s23] =	ssyncset.done $0x0  }
0x51: {  	s28 =	sadd.s32 $0x15480, s28;
	[sflag:s23] =	ssyncadd.s32 $0xFFFFC000  }
0x52: {  	[spmem:s1] =	stream.indirect.scatter.add.f32 [tilespmem:s21], [sflag:$0x4], $0x80, s28, s19, $0xb8;
	[tilespmem:$0x1E800] =	vst v63  }
.Ltmp1:
0x53: {  	_ =	swait.ge [sflag:s24], $0x4000;
	(pc) =	sbr.rel @p0 .LBB2_4-.Ltmp1, $4  }
0x54: {  	[sflag:s24] =	ssyncset.done $0x0  }
0x55: {  	[sflag:s24] =	ssyncadd.s32 $0xFFFFC000  }
0x56: {  	_ =	swait.ge [sflag:s25], $0x4000  }
0x57: {  	s29 =	smov.u32 s0;
	s28 =	sshra.s32 s31, $0x2;
	[sflag:s25] =	ssyncset.done $0x0  }
0x58: {  	s0 =	sadd.s32 $0x14000, s28;
	[sflag:s25] =	ssyncadd.s32 $0xFFFFC000  }
0x59: {  	[tilespmem:s20], [sflag:$0x1] =	stream.indirect.gather [hbm4b:s4+s19], $0x80, s0, s19, $0xb8;
	[tilespmem:$0x1E800] =	vst v63  }
0x5a: {  	s30 =	sadd.s32 $0x14080, s28  }
0x5b: {  	[tilespmem:s21], [sflag:$0x2] =	stream.indirect.gather [hbm4b:s4+s19], $0x80, s30, s19, $0xb8;
	[tilespmem:$0x1E800] =	vst v63  }
0x5c: {  	_ =	swait.ge [sflag:s22], $0x4000  }
0x5d: {  	[sflag:s22] =	ssyncset.done $0x0  }
0x5e: {  	s31 =	sadd.s32 $0x15400, s28;
	[sflag:s22] =	ssyncadd.s32 $0xFFFFC000  }
0x5f: {  	[spmem:s1] =	stream.indirect.scatter.add.f32 [tilespmem:s20], [sflag:$0x3], $0x80, s31, s19, $0xb8;
	[tilespmem:$0x1E800] =	vst v63  }
0x60: {  	_ =	swait.ge [sflag:s23], $0x4000  }
0x61: {  	[sflag:s23] =	ssyncset.done $0x0  }
0x62: {  	s30 =	sadd.s32 $0x15480, s28;
	[sflag:s23] =	ssyncadd.s32 $0xFFFFC000  }
0x63: {  	[spmem:s1] =	stream.indirect.scatter.add.f32 [tilespmem:s21], [sflag:$0x4], $0x80, s30, s19, $0xb8;
	[tilespmem:$0x1E800] =	vst v63  }
0x64: {  	_ =	swait.ge [sflag:s24], $0x4000  }
0x65: {  	[sflag:s24] =	ssyncset.done $0x0  }
0x66: {  	[sflag:s24] =	ssyncadd.s32 $0xFFFFC000  }
0x67: {  	_ =	swait.ge [sflag:s25], $0x4000  }
0x68: {  	[sflag:s25] =	ssyncset.done $0x0  }
0x69: {  	s31 =	simm.s32 $0x0;
	[sflag:s25] =	ssyncadd.s32 $0xFFFFC000  }
0x6a: {  	[tilespmem:s17], [sflag:$0x5] =	stream.linear.gather [hbm4b:s9+s31], $0x1400, $0x38;
	[tilespmem:$0x1E800] =	vst v63  }
0x6b: {  	_ =	swait.ge [sflag:s16], $0x1400  }
0x6c: {  	[sflag:s16] =	ssyncset.done $0x0  }
0x6d: {  	[sflag:s16] =	ssyncadd.s32 $0xFFFFEC00  }
0x6e: {  	[tilespmem:s18], [sflag:$0x5] =	stream.linear.gather [hbm4b:s10+s31], $0x1400, $0x38;
	[tilespmem:$0x1E800] =	vst v63  }
0x6f: {  	_ =	swait.ge [sflag:s16], $0x1400  }
0x70: {  	[sflag:s16] =	ssyncset.done $0x0  }
0x71: {  	s28 =	simm.s32 $0x0;
	[sflag:s16] =	ssyncadd.s32 $0xFFFFEC00  }
0x72: {  	v4 =	vld [tilespmem:s28+$0x14000]  }
0x73: {  	v6 =	vld [tilespmem:s28+$0x14010]  }
0x74: {  	v5 =	vld [tilespmem:s28+$0x14020]  }
0x75: {  	v3 =	vld [tilespmem:s28+$0x14030]  }
0x76: {  	v2 =	vld [tilespmem:s28+$0x14040]  }
0x77: {  	v7 =	vadd.s32 v0, v4;
	v4 =	vld [tilespmem:s28+$0x14050]  }
0x78: {  	s29 =	simm.s32 $0x200;
	[tilespmem:s28+$0x14000] =	vst v7;
	v7 =	vadd.s32 v0, v6;
	v6 =	vld [tilespmem:s28+$0x14060]  }
.LBB2_6:
0x79: {  	s0 =	sshra.s32 s29, $0x2;
	p0 =	sne.s32 s29, $0x4E00;
	[tilespmem:s28+$0x14010] =	vst v7;
	v5 =	vadd.s32 v0, v5;
	v7 =	vld [tilespmem:s28+$0x14070]  }
0x7a: {  	v8 =	vld [tilespmem:s0+$0x14000];
	[tilespmem:s28+$0x14020] =	vst v5;
	v3 =	vadd.s32 v0, v3  }
0x7b: {  	v9 =	vld [tilespmem:s0+$0x14010];
	[tilespmem:s28+$0x14030] =	vst v3;
	v2 =	vadd.s32 v0, v2  }
.Ltmp2:
0x7c: {  	v5 =	vld [tilespmem:s0+$0x14020];
	[tilespmem:s28+$0x14040] =	vst v2;
	v2 =	vadd.s32 v0, v4;
	(pc) =	sbr.rel @p0 .LBB2_6-.Ltmp2, $4  }
0x7d: {  	v3 =	vld [tilespmem:s0+$0x14030];
	[tilespmem:s28+$0x14050] =	vst v2;
	v4 =	vadd.s32 v0, v6  }
0x7e: {  	v2 =	vld [tilespmem:s0+$0x14040];
	[tilespmem:s28+$0x14060] =	vst v4;
	v6 =	vadd.s32 v0, v7  }
0x7f: {  	v7 =	vadd.s32 v0, v8;
	v4 =	vld [tilespmem:s0+$0x14050];
	[tilespmem:s28+$0x14070] =	vst v6;
	s28 =	smov.u32 s0  }
0x80: {  	s29 =	sadd.s32 $0x200, s29;
	[tilespmem:s28+$0x14000] =	vst v7;
	v7 =	vadd.s32 v0, v9;
	v6 =	vld [tilespmem:s28+$0x14060]  }
0x81: {  	[tilespmem:s28+$0x14010] =	vst v7;
	v5 =	vadd.s32 v0, v5;
	v63 =	vld [tilespmem:s28+$0x14070]  }
0x82: {  	[tilespmem:s28+$0x14020] =	vst v5;
	v3 =	vadd.s32 v0, v3  }
0x83: {  	[tilespmem:s28+$0x14030] =	vst v3;
	v2 =	vadd.s32 v0, v2  }
0x84: {  	[tilespmem:s28+$0x14040] =	vst v2;
	v2 =	vadd.s32 v0, v4  }
0x85: {  	[tilespmem:s28+$0x14050] =	vst v2;
	v2 =	vadd.s32 v0, v6  }
0x86: {  	[tilespmem:s28+$0x14060] =	vst v2;
	v2 =	vadd.s32 v0, v63  }
0x87: {  	s0 =	simm.s32 $0x14000;
	[tilespmem:s28+$0x14070] =	vst v2  }
0x88: {  	[tilespmem:s20], [sflag:$0x1] =	stream.indirect.gather [hbm4b:s4+s19], $0x80, s0, s19, $0xb8;
	[tilespmem:$0x1E800] =	vst v63  }
0x89: {  	s31 =	simm.s32 $0x14080  }
0x8a: {  	[tilespmem:s21], [sflag:$0x2] =	stream.indirect.gather [hbm4b:s4+s19], $0x80, s31, s19, $0xb8;
	[tilespmem:$0x1E800] =	vst v63  }
0x8b: {  	_ =	swait.ge [sflag:s22], $0x4000  }
0x8c: {  	[sflag:s22] =	ssyncset.done $0x0  }
0x8d: {  	s30 =	simm.s32 $0x15400;
	[sflag:s22] =	ssyncadd.s32 $0xFFFFC000  }
0x8e: {  	[spmem:s1] =	stream.indirect.scatter.add.f32 [tilespmem:s20], [sflag:$0x3], $0x80, s30, s19, $0xb8;
	[tilespmem:$0x1E800] =	vst v63  }
0x8f: {  	_ =	swait.ge [sflag:s23], $0x4000  }
0x90: {  	[sflag:s23] =	ssyncset.done $0x0  }
0x91: {  	s31 =	simm.s32 $0x15480;
	[sflag:s23] =	ssyncadd.s32 $0xFFFFC000  }
0x92: {  	[spmem:s1] =	stream.indirect.scatter.add.f32 [tilespmem:s21], [sflag:$0x4], $0x80, s31, s19, $0xb8;
	[tilespmem:$0x1E800] =	vst v63  }
0x93: {  	_ =	swait.ge [sflag:s24], $0x4000  }
0x94: {  	[sflag:s24] =	ssyncset.done $0x0  }
0x95: {  	[sflag:s24] =	ssyncadd.s32 $0xFFFFC000  }
0x96: {  	_ =	swait.ge [sflag:s25], $0x4000  }
0x97: {  	s29 =	simm.s32 $0x800;
	s28 =	simm.s32 $0x100;
	[sflag:s25] =	ssyncset.done $0x0  }
.LBB2_8:
0x98: {  	s0 =	sadd.s32 $0x14000, s28  }
0x99: {  	[sflag:s25] =	ssyncadd.s32 $0xFFFFC000;
	s30 =	smov.u32 s29;
	s31 =	sadd.s32 $0x400, s29  }
0x9a: {  	[tilespmem:s20], [sflag:$0x1] =	stream.indirect.gather [hbm4b:s4+s19], $0x80, s0, s19, $0xb8;
	[tilespmem:$0x1E800] =	vst v63  }
0x9b: {  	p0 =	sne.s32 s29, $0x4C00;
	s0 =	sadd.s32 $0x14080, s28  }
0x9c: {  	[tilespmem:s21], [sflag:$0x2] =	stream.indirect.gather [hbm4b:s4+s19], $0x80, s0, s19, $0xb8;
	[tilespmem:$0x1E800] =	vst v63  }
0x9d: {  	_ =	swait.ge [sflag:s22], $0x4000  }
0x9e: {  	[sflag:s22] =	ssyncset.done $0x0  }
0x9f: {  	s0 =	sadd.s32 $0x15400, s28;
	[sflag:s22] =	ssyncadd.s32 $0xFFFFC000  }
0xa0: {  	[spmem:s1] =	stream.indirect.scatter.add.f32 [tilespmem:s20], [sflag:$0x3], $0x80, s0, s19, $0xb8;
	[tilespmem:$0x1E800] =	vst v63  }
0xa1: {  	_ =	swait.ge [sflag:s23], $0x4000  }
0xa2: {  	[sflag:s23] =	ssyncset.done $0x0  }
0xa3: {  	s0 =	sadd.s32 $0x15480, s28;
	[sflag:s23] =	ssyncadd.s32 $0xFFFFC000  }
0xa4: {  	[spmem:s1] =	stream.indirect.scatter.add.f32 [tilespmem:s21], [sflag:$0x4], $0x80, s0, s19, $0xb8;
	[tilespmem:$0x1E800] =	vst v63  }
.Ltmp3:
0xa5: {  	_ =	swait.ge [sflag:s24], $0x4000;
	(pc) =	sbr.rel @p0 .LBB2_8-.Ltmp3, $4  }
0xa6: {  	[sflag:s24] =	ssyncset.done $0x0  }
0xa7: {  	[sflag:s24] =	ssyncadd.s32 $0xFFFFC000  }
0xa8: {  	_ =	swait.ge [sflag:s25], $0x4000  }
0xa9: {  	s29 =	smov.u32 s31;
	s28 =	sshra.s32 s30, $0x2;
	[sflag:s25] =	ssyncset.done $0x0  }
0xaa: {  	s0 =	sadd.s32 $0x14000, s28;
	[sflag:s25] =	ssyncadd.s32 $0xFFFFC000  }
0xab: {  	[tilespmem:s20], [sflag:$0x1] =	stream.indirect.gather [hbm4b:s4+s19], $0x80, s0, s19, $0xb8;
	[tilespmem:$0x1E800] =	vst v63  }
0xac: {  	s30 =	sadd.s32 $0x14080, s28  }
0xad: {  	[tilespmem:s21], [sflag:$0x2] =	stream.indirect.gather [hbm4b:s4+s19], $0x80, s30, s19, $0xb8;
	[tilespmem:$0x1E800] =	vst v63  }
0xae: {  	_ =	swait.ge [sflag:s22], $0x4000  }
0xaf: {  	[sflag:s22] =	ssyncset.done $0x0  }
0xb0: {  	s31 =	sadd.s32 $0x15400, s28;
	[sflag:s22] =	ssyncadd.s32 $0xFFFFC000  }
0xb1: {  	[spmem:s1] =	stream.indirect.scatter.add.f32 [tilespmem:s20], [sflag:$0x3], $0x80, s31, s19, $0xb8;
	[tilespmem:$0x1E800] =	vst v63  }
0xb2: {  	_ =	swait.ge [sflag:s23], $0x4000  }
0xb3: {  	[sflag:s23] =	ssyncset.done $0x0  }
0xb4: {  	s30 =	sadd.s32 $0x15480, s28;
	[sflag:s23] =	ssyncadd.s32 $0xFFFFC000  }
0xb5: {  	[spmem:s1] =	stream.indirect.scatter.add.f32 [tilespmem:s21], [sflag:$0x4], $0x80, s30, s19, $0xb8;
	[tilespmem:$0x1E800] =	vst v63  }
0xb6: {  	_ =	swait.ge [sflag:s24], $0x4000  }
0xb7: {  	[sflag:s24] =	ssyncset.done $0x0  }
0xb8: {  	[sflag:s24] =	ssyncadd.s32 $0xFFFFC000  }
0xb9: {  	_ =	swait.ge [sflag:s25], $0x4000  }
0xba: {  	[sflag:s25] =	ssyncset.done $0x0  }
0xbb: {  	[sflag:s25] =	ssyncadd.s32 $0xFFFFC000  }
0xbc: {  	[bflag:$0x0] =	sbarrier.arrive $0xFFFF  }
0xbd: {  	[hbm:s11], [sflag:s6] =	dma.local [spmem:s15], $0x2800  }
0xbe: {  	_ =	swait.ge [sflag:s16], $0x2800  }
0xbf: {  	[sflag:s16] =	ssyncset.done $0x0  }
0xc0: {  	[sflag:s16] =	ssyncadd.s32 $0xFFFFD800  }
0xc1: {  	[bflag:$0x0] =	sbarrier.arrive $0xFFFF  }
0xc2: {  	[spmem:s15], [sflag:s6] =	dma.local [hbm:s12], $0x2800  }
0xc3: {  	_ =	swait.ge [sflag:s16], $0x2800  }
0xc4: {  	[sflag:s16] =	ssyncset.done $0x0  }
0xc5: {  	[sflag:s16] =	ssyncadd.s32 $0xFFFFD800  }
0xc6: {  	s31 =	simm.s32 $0x0;
	[bflag:$0x0] =	sbarrier.arrive $0xFFFF  }
0xc7: {  	[tilespmem:s17], [sflag:$0x5] =	stream.linear.gather [hbm4b:s7+s31], $0x1400, $0x38;
	[tilespmem:$0x1E800] =	vst v63  }
0xc8: {  	_ =	swait.ge [sflag:s16], $0x1400  }
0xc9: {  	[sflag:s16] =	ssyncset.done $0x0  }
0xca: {  	[sflag:s16] =	ssyncadd.s32 $0xFFFFEC00  }
0xcb: {  	[tilespmem:s18], [sflag:$0x5] =	stream.linear.gather [hbm4b:s8+s31], $0x1400, $0x38;
	[tilespmem:$0x1E800] =	vst v63  }
0xcc: {  	_ =	swait.ge [sflag:s16], $0x1400  }
0xcd: {  	[sflag:s16] =	ssyncset.done $0x0  }
0xce: {  	s28 =	simm.s32 $0x0;
	[sflag:s16] =	ssyncadd.s32 $0xFFFFEC00  }
0xcf: {  	v4 =	vld [tilespmem:s28+$0x14000]  }
0xd0: {  	v6 =	vld [tilespmem:s28+$0x14010]  }
0xd1: {  	v5 =	vld [tilespmem:s28+$0x14020]  }
0xd2: {  	v3 =	vld [tilespmem:s28+$0x14030]  }
0xd3: {  	v2 =	vld [tilespmem:s28+$0x14040]  }
0xd4: {  	v7 =	vadd.s32 v1, v4;
	v4 =	vld [tilespmem:s28+$0x14050]  }
0xd5: {  	s29 =	simm.s32 $0x200;
	[tilespmem:s28+$0x14000] =	vst v7;
	v7 =	vadd.s32 v1, v6;
	v6 =	vld [tilespmem:s28+$0x14060]  }
.LBB2_10:
0xd6: {  	s0 =	sshra.s32 s29, $0x2;
	p0 =	sne.s32 s29, $0x4E00;
	[tilespmem:s28+$0x14010] =	vst v7;
	v5 =	vadd.s32 v1, v5;
	v7 =	vld [tilespmem:s28+$0x14070]  }
0xd7: {  	v8 =	vld [tilespmem:s0+$0x14000];
	[tilespmem:s28+$0x14020] =	vst v5;
	v3 =	vadd.s32 v1, v3  }
0xd8: {  	v9 =	vld [tilespmem:s0+$0x14010];
	[tilespmem:s28+$0x14030] =	vst v3;
	v2 =	vadd.s32 v1, v2  }
.Ltmp4:
0xd9: {  	v5 =	vld [tilespmem:s0+$0x14020];
	[tilespmem:s28+$0x14040] =	vst v2;
	v2 =	vadd.s32 v1, v4;
	(pc) =	sbr.rel @p0 .LBB2_10-.Ltmp4, $4  }
0xda: {  	v3 =	vld [tilespmem:s0+$0x14030];
	[tilespmem:s28+$0x14050] =	vst v2;
	v4 =	vadd.s32 v1, v6  }
0xdb: {  	v2 =	vld [tilespmem:s0+$0x14040];
	[tilespmem:s28+$0x14060] =	vst v4;
	v6 =	vadd.s32 v1, v7  }
0xdc: {  	v7 =	vadd.s32 v1, v8;
	v4 =	vld [tilespmem:s0+$0x14050];
	[tilespmem:s28+$0x14070] =	vst v6;
	s28 =	smov.u32 s0  }
0xdd: {  	s29 =	sadd.s32 $0x200, s29;
	[tilespmem:s28+$0x14000] =	vst v7;
	v7 =	vadd.s32 v1, v9;
	v6 =	vld [tilespmem:s28+$0x14060]  }
0xde: {  	[tilespmem:s28+$0x14010] =	vst v7;
	v5 =	vadd.s32 v1, v5;
	v63 =	vld [tilespmem:s28+$0x14070]  }
0xdf: {  	[tilespmem:s28+$0x14020] =	vst v5;
	v3 =	vadd.s32 v1, v3  }
0xe0: {  	[tilespmem:s28+$0x14030] =	vst v3;
	v2 =	vadd.s32 v1, v2  }
0xe1: {  	[tilespmem:s28+$0x14040] =	vst v2;
	v2 =	vadd.s32 v1, v4  }
0xe2: {  	[tilespmem:s28+$0x14050] =	vst v2;
	v2 =	vadd.s32 v1, v6  }
0xe3: {  	[tilespmem:s28+$0x14060] =	vst v2;
	v2 =	vadd.s32 v1, v63  }
0xe4: {  	s0 =	simm.s32 $0x14000;
	[tilespmem:s28+$0x14070] =	vst v2  }
0xe5: {  	[tilespmem:s20], [sflag:$0x1] =	stream.indirect.gather [hbm4b:s4+s19], $0x80, s0, s19, $0xb8;
	[tilespmem:$0x1E800] =	vst v63  }
0xe6: {  	s31 =	simm.s32 $0x14080  }
0xe7: {  	[tilespmem:s21], [sflag:$0x2] =	stream.indirect.gather [hbm4b:s4+s19], $0x80, s31, s19, $0xb8;
	[tilespmem:$0x1E800] =	vst v63  }
0xe8: {  	_ =	swait.ge [sflag:s22], $0x4000  }
0xe9: {  	[sflag:s22] =	ssyncset.done $0x0  }
0xea: {  	s30 =	simm.s32 $0x15400;
	[sflag:s22] =	ssyncadd.s32 $0xFFFFC000  }
0xeb: {  	[spmem:s1] =	stream.indirect.scatter.add.f32 [tilespmem:s20], [sflag:$0x3], $0x80, s30, s19, $0xb8;
	[tilespmem:$0x1E800] =	vst v63  }
0xec: {  	_ =	swait.ge [sflag:s23], $0x4000  }
0xed: {  	[sflag:s23] =	ssyncset.done $0x0  }
0xee: {  	s31 =	simm.s32 $0x15480;
	[sflag:s23] =	ssyncadd.s32 $0xFFFFC000  }
0xef: {  	[spmem:s1] =	stream.indirect.scatter.add.f32 [tilespmem:s21], [sflag:$0x4], $0x80, s31, s19, $0xb8;
	[tilespmem:$0x1E800] =	vst v63  }
0xf0: {  	_ =	swait.ge [sflag:s24], $0x4000  }
0xf1: {  	[sflag:s24] =	ssyncset.done $0x0  }
0xf2: {  	[sflag:s24] =	ssyncadd.s32 $0xFFFFC000  }
0xf3: {  	_ =	swait.ge [sflag:s25], $0x4000  }
0xf4: {  	s29 =	simm.s32 $0x800;
	s28 =	simm.s32 $0x100;
	[sflag:s25] =	ssyncset.done $0x0  }
.LBB2_12:
0xf5: {  	s0 =	sadd.s32 $0x14000, s28  }
0xf6: {  	[sflag:s25] =	ssyncadd.s32 $0xFFFFC000;
	s30 =	smov.u32 s29;
	s31 =	sadd.s32 $0x400, s29  }
0xf7: {  	[tilespmem:s20], [sflag:$0x1] =	stream.indirect.gather [hbm4b:s4+s19], $0x80, s0, s19, $0xb8;
	[tilespmem:$0x1E800] =	vst v63  }
0xf8: {  	p0 =	sne.s32 s29, $0x4C00;
	s0 =	sadd.s32 $0x14080, s28  }
0xf9: {  	[tilespmem:s21], [sflag:$0x2] =	stream.indirect.gather [hbm4b:s4+s19], $0x80, s0, s19, $0xb8;
	[tilespmem:$0x1E800] =	vst v63  }
0xfa: {  	_ =	swait.ge [sflag:s22], $0x4000  }
0xfb: {  	[sflag:s22] =	ssyncset.done $0x0  }
0xfc: {  	s0 =	sadd.s32 $0x15400, s28;
	[sflag:s22] =	ssyncadd.s32 $0xFFFFC000  }
0xfd: {  	[spmem:s1] =	stream.indirect.scatter.add.f32 [tilespmem:s20], [sflag:$0x3], $0x80, s0, s19, $0xb8;
	[tilespmem:$0x1E800] =	vst v63  }
0xfe: {  	_ =	swait.ge [sflag:s23], $0x4000  }
0xff: {  	[sflag:s23] =	ssyncset.done $0x0  }
0x100: {  	s0 =	sadd.s32 $0x15480, s28;
	[sflag:s23] =	ssyncadd.s32 $0xFFFFC000  }
0x101: {  	[spmem:s1] =	stream.indirect.scatter.add.f32 [tilespmem:s21], [sflag:$0x4], $0x80, s0, s19, $0xb8;
	[tilespmem:$0x1E800] =	vst v63  }
.Ltmp5:
0x102: {  	_ =	swait.ge [sflag:s24], $0x4000;
	(pc) =	sbr.rel @p0 .LBB2_12-.Ltmp5, $4  }
0x103: {  	[sflag:s24] =	ssyncset.done $0x0  }
0x104: {  	[sflag:s24] =	ssyncadd.s32 $0xFFFFC000  }
0x105: {  	_ =	swait.ge [sflag:s25], $0x4000  }
0x106: {  	s29 =	smov.u32 s31;
	s28 =	sshra.s32 s30, $0x2;
	[sflag:s25] =	ssyncset.done $0x0  }
0x107: {  	s0 =	sadd.s32 $0x14000, s28;
	[sflag:s25] =	ssyncadd.s32 $0xFFFFC000  }
0x108: {  	[tilespmem:s20], [sflag:$0x1] =	stream.indirect.gather [hbm4b:s4+s19], $0x80, s0, s19, $0xb8;
	[tilespmem:$0x1E800] =	vst v63  }
0x109: {  	s30 =	sadd.s32 $0x14080, s28  }
0x10a: {  	[tilespmem:s21], [sflag:$0x2] =	stream.indirect.gather [hbm4b:s4+s19], $0x80, s30, s19, $0xb8;
	[tilespmem:$0x1E800] =	vst v63  }
0x10b: {  	_ =	swait.ge [sflag:s22], $0x4000  }
0x10c: {  	[sflag:s22] =	ssyncset.done $0x0  }
0x10d: {  	s31 =	sadd.s32 $0x15400, s28;
	[sflag:s22] =	ssyncadd.s32 $0xFFFFC000  }
0x10e: {  	[spmem:s1] =	stream.indirect.scatter.add.f32 [tilespmem:s20], [sflag:$0x3], $0x80, s31, s19, $0xb8;
	[tilespmem:$0x1E800] =	vst v63  }
0x10f: {  	_ =	swait.ge [sflag:s23], $0x4000  }
0x110: {  	[sflag:s23] =	ssyncset.done $0x0  }
0x111: {  	s30 =	sadd.s32 $0x15480, s28;
	[sflag:s23] =	ssyncadd.s32 $0xFFFFC000  }
0x112: {  	[spmem:s1] =	stream.indirect.scatter.add.f32 [tilespmem:s21], [sflag:$0x4], $0x80, s30, s19, $0xb8;
	[tilespmem:$0x1E800] =	vst v63  }
0x113: {  	_ =	swait.ge [sflag:s24], $0x4000  }
0x114: {  	[sflag:s24] =	ssyncset.done $0x0  }
0x115: {  	[sflag:s24] =	ssyncadd.s32 $0xFFFFC000  }
0x116: {  	_ =	swait.ge [sflag:s25], $0x4000  }
0x117: {  	[sflag:s25] =	ssyncset.done $0x0  }
0x118: {  	s31 =	simm.s32 $0x0;
	[sflag:s25] =	ssyncadd.s32 $0xFFFFC000  }
0x119: {  	[tilespmem:s17], [sflag:$0x5] =	stream.linear.gather [hbm4b:s9+s31], $0x1400, $0x38;
	[tilespmem:$0x1E800] =	vst v63  }
0x11a: {  	_ =	swait.ge [sflag:s16], $0x1400  }
0x11b: {  	[sflag:s16] =	ssyncset.done $0x0  }
0x11c: {  	[sflag:s16] =	ssyncadd.s32 $0xFFFFEC00  }
0x11d: {  	[tilespmem:s18], [sflag:$0x5] =	stream.linear.gather [hbm4b:s10+s31], $0x1400, $0x38;
	[tilespmem:$0x1E800] =	vst v63  }
0x11e: {  	_ =	swait.ge [sflag:s16], $0x1400  }
0x11f: {  	[sflag:s16] =	ssyncset.done $0x0  }
0x120: {  	s28 =	simm.s32 $0x0;
	[sflag:s16] =	ssyncadd.s32 $0xFFFFEC00  }
0x121: {  	v4 =	vld [tilespmem:s28+$0x14000]  }
0x122: {  	v6 =	vld [tilespmem:s28+$0x14010]  }
0x123: {  	v5 =	vld [tilespmem:s28+$0x14020]  }
0x124: {  	v3 =	vld [tilespmem:s28+$0x14030]  }
0x125: {  	v2 =	vld [tilespmem:s28+$0x14040]  }
0x126: {  	v7 =	vadd.s32 v1, v4;
	v4 =	vld [tilespmem:s28+$0x14050]  }
0x127: {  	s29 =	simm.s32 $0x200;
	[tilespmem:s28+$0x14000] =	vst v7;
	v7 =	vadd.s32 v1, v6;
	v6 =	vld [tilespmem:s28+$0x14060]  }
.LBB2_14:
0x128: {  	s0 =	sshra.s32 s29, $0x2;
	p0 =	sne.s32 s29, $0x4E00;
	[tilespmem:s28+$0x14010] =	vst v7;
	v5 =	vadd.s32 v1, v5;
	v7 =	vld [tilespmem:s28+$0x14070]  }
0x129: {  	v8 =	vld [tilespmem:s0+$0x14000];
	[tilespmem:s28+$0x14020] =	vst v5;
	v3 =	vadd.s32 v1, v3  }
0x12a: {  	v9 =	vld [tilespmem:s0+$0x14010];
	[tilespmem:s28+$0x14030] =	vst v3;
	v2 =	vadd.s32 v1, v2  }
.Ltmp6:
0x12b: {  	v5 =	vld [tilespmem:s0+$0x14020];
	[tilespmem:s28+$0x14040] =	vst v2;
	v2 =	vadd.s32 v1, v4;
	(pc) =	sbr.rel @p0 .LBB2_14-.Ltmp6, $4  }
0x12c: {  	v3 =	vld [tilespmem:s0+$0x14030];
	[tilespmem:s28+$0x14050] =	vst v2;
	v4 =	vadd.s32 v1, v6  }
0x12d: {  	v2 =	vld [tilespmem:s0+$0x14040];
	[tilespmem:s28+$0x14060] =	vst v4;
	v6 =	vadd.s32 v1, v7  }
0x12e: {  	v7 =	vadd.s32 v1, v8;
	v4 =	vld [tilespmem:s0+$0x14050];
	[tilespmem:s28+$0x14070] =	vst v6;
	s28 =	smov.u32 s0  }
0x12f: {  	s29 =	sadd.s32 $0x200, s29;
	[tilespmem:s28+$0x14000] =	vst v7;
	v7 =	vadd.s32 v1, v9;
	v6 =	vld [tilespmem:s28+$0x14060]  }
0x130: {  	[tilespmem:s28+$0x14010] =	vst v7;
	v5 =	vadd.s32 v1, v5;
	v63 =	vld [tilespmem:s28+$0x14070]  }
0x131: {  	[tilespmem:s28+$0x14020] =	vst v5;
	v3 =	vadd.s32 v1, v3  }
0x132: {  	[tilespmem:s28+$0x14030] =	vst v3;
	v2 =	vadd.s32 v1, v2  }
0x133: {  	[tilespmem:s28+$0x14040] =	vst v2;
	v2 =	vadd.s32 v1, v4  }
0x134: {  	[tilespmem:s28+$0x14050] =	vst v2;
	v2 =	vadd.s32 v1, v6  }
0x135: {  	[tilespmem:s28+$0x14060] =	vst v2;
	v2 =	vadd.s32 v1, v63  }
0x136: {  	s0 =	simm.s32 $0x14000;
	[tilespmem:s28+$0x14070] =	vst v2  }
0x137: {  	[tilespmem:s20], [sflag:$0x1] =	stream.indirect.gather [hbm4b:s4+s19], $0x80, s0, s19, $0xb8;
	[tilespmem:$0x1E800] =	vst v63  }
0x138: {  	s31 =	simm.s32 $0x14080  }
0x139: {  	[tilespmem:s21], [sflag:$0x2] =	stream.indirect.gather [hbm4b:s4+s19], $0x80, s31, s19, $0xb8;
	[tilespmem:$0x1E800] =	vst v63  }
0x13a: {  	_ =	swait.ge [sflag:s22], $0x4000  }
0x13b: {  	[sflag:s22] =	ssyncset.done $0x0  }
0x13c: {  	s30 =	simm.s32 $0x15400;
	[sflag:s22] =	ssyncadd.s32 $0xFFFFC000  }
0x13d: {  	[spmem:s1] =	stream.indirect.scatter.add.f32 [tilespmem:s20], [sflag:$0x3], $0x80, s30, s19, $0xb8;
	[tilespmem:$0x1E800] =	vst v63  }
0x13e: {  	_ =	swait.ge [sflag:s23], $0x4000  }
0x13f: {  	[sflag:s23] =	ssyncset.done $0x0  }
0x140: {  	s31 =	simm.s32 $0x15480;
	[sflag:s23] =	ssyncadd.s32 $0xFFFFC000  }
0x141: {  	[spmem:s1] =	stream.indirect.scatter.add.f32 [tilespmem:s21], [sflag:$0x4], $0x80, s31, s19, $0xb8;
	[tilespmem:$0x1E800] =	vst v63  }
0x142: {  	_ =	swait.ge [sflag:s24], $0x4000  }
0x143: {  	[sflag:s24] =	ssyncset.done $0x0  }
0x144: {  	[sflag:s24] =	ssyncadd.s32 $0xFFFFC000  }
0x145: {  	_ =	swait.ge [sflag:s25], $0x4000  }
0x146: {  	s29 =	simm.s32 $0x800;
	s28 =	simm.s32 $0x100;
	[sflag:s25] =	ssyncset.done $0x0  }
.LBB2_16:
0x147: {  	s0 =	sadd.s32 $0x14000, s28  }
0x148: {  	[sflag:s25] =	ssyncadd.s32 $0xFFFFC000;
	s30 =	smov.u32 s29;
	s31 =	sadd.s32 $0x400, s29  }
0x149: {  	[tilespmem:s20], [sflag:$0x1] =	stream.indirect.gather [hbm4b:s4+s19], $0x80, s0, s19, $0xb8;
	[tilespmem:$0x1E800] =	vst v63  }
0x14a: {  	p0 =	sne.s32 s29, $0x4C00;
	s0 =	sadd.s32 $0x14080, s28  }
0x14b: {  	[tilespmem:s21], [sflag:$0x2] =	stream.indirect.gather [hbm4b:s4+s19], $0x80, s0, s19, $0xb8;
	[tilespmem:$0x1E800] =	vst v63  }
0x14c: {  	_ =	swait.ge [sflag:s22], $0x4000  }
0x14d: {  	[sflag:s22] =	ssyncset.done $0x0  }
0x14e: {  	s0 =	sadd.s32 $0x15400, s28;
	[sflag:s22] =	ssyncadd.s32 $0xFFFFC000  }
0x14f: {  	[spmem:s1] =	stream.indirect.scatter.add.f32 [tilespmem:s20], [sflag:$0x3], $0x80, s0, s19, $0xb8;
	[tilespmem:$0x1E800] =	vst v63  }
0x150: {  	_ =	swait.ge [sflag:s23], $0x4000  }
0x151: {  	[sflag:s23] =	ssyncset.done $0x0  }
0x152: {  	s0 =	sadd.s32 $0x15480, s28;
	[sflag:s23] =	ssyncadd.s32 $0xFFFFC000  }
0x153: {  	[spmem:s1] =	stream.indirect.scatter.add.f32 [tilespmem:s21], [sflag:$0x4], $0x80, s0, s19, $0xb8;
	[tilespmem:$0x1E800] =	vst v63  }
.Ltmp7:
0x154: {  	_ =	swait.ge [sflag:s24], $0x4000;
	(pc) =	sbr.rel @p0 .LBB2_16-.Ltmp7, $4  }
0x155: {  	[sflag:s24] =	ssyncset.done $0x0  }
0x156: {  	[sflag:s24] =	ssyncadd.s32 $0xFFFFC000  }
0x157: {  	_ =	swait.ge [sflag:s25], $0x4000  }
0x158: {  	s29 =	smov.u32 s31;
	s28 =	sshra.s32 s30, $0x2;
	[sflag:s25] =	ssyncset.done $0x0  }
0x159: {  	s0 =	sadd.s32 $0x14000, s28;
	[sflag:s25] =	ssyncadd.s32 $0xFFFFC000  }
0x15a: {  	[tilespmem:s20], [sflag:$0x1] =	stream.indirect.gather [hbm4b:s4+s19], $0x80, s0, s19, $0xb8;
	[tilespmem:$0x1E800] =	vst v63  }
0x15b: {  	s29 =	sadd.s32 $0x14080, s28  }
0x15c: {  	[tilespmem:s21], [sflag:$0x2] =	stream.indirect.gather [hbm4b:s4+s19], $0x80, s29, s19, $0xb8;
	[tilespmem:$0x1E800] =	vst v63  }
0x15d: {  	_ =	swait.ge [sflag:s22], $0x4000  }
0x15e: {  	[sflag:s22] =	ssyncset.done $0x0  }
0x15f: {  	s30 =	sadd.s32 $0x15400, s28;
	[sflag:s22] =	ssyncadd.s32 $0xFFFFC000  }
0x160: {  	[spmem:s1] =	stream.indirect.scatter.add.f32 [tilespmem:s20], [sflag:$0x3], $0x80, s30, s19, $0xb8;
	[tilespmem:$0x1E800] =	vst v63  }
0x161: {  	_ =	swait.ge [sflag:s23], $0x4000  }
0x162: {  	[sflag:s23] =	ssyncset.done $0x0  }
0x163: {  	s31 =	sadd.s32 $0x15480, s28;
	[sflag:s23] =	ssyncadd.s32 $0xFFFFC000  }
0x164: {  	[spmem:s1] =	stream.indirect.scatter.add.f32 [tilespmem:s21], [sflag:$0x4], $0x80, s31, s19, $0xb8;
	[tilespmem:$0x1E800] =	vst v63  }
0x165: {  	_ =	swait.ge [sflag:s24], $0x4000  }
0x166: {  	[sflag:s24] =	ssyncset.done $0x0  }
0x167: {  	[sflag:s24] =	ssyncadd.s32 $0xFFFFC000  }
0x168: {  	_ =	swait.ge [sflag:s25], $0x4000  }
0x169: {  	[sflag:s25] =	ssyncset.done $0x0  }
0x16a: {  	s26 =	sadd.s32 $0x1, s26;
	[sflag:s25] =	ssyncadd.s32 $0xFFFFC000  }
0x16b: {  	p0 =	sne.s32 s26, s14;
	[bflag:$0x0] =	sbarrier.arrive $0xFFFF  }
0x16c: {  	[hbm:s13], [sflag:s6] =	dma.local [spmem:s15], $0x2800  }
.Ltmp8:
0x16d: {  	_ =	swait.ge [sflag:s16], $0x2800;
	(pc) =	sbr.rel @p0 .LBB2_1-.Ltmp8, $3  }
0x16e: {  	[sflag:s16] =	ssyncset.done $0x0  }
0x16f: {  	[sflag:s16] =	ssyncadd.s32 $0xFFFFD800  }
0x170: {  	[bflag:$0x0] =	sbarrier.arrive $0xFFFF;
	_ =	sdelay $0x1  }
0x171: {  	_ =	sfence.sel $0x180000  }
0x172: {  	[bflag:$0x0] =	sbarrier.arrive $0xFFFF  }
0x173: {  	_ =	strace $0x90000050  }
0x174: {  	[bflag:$0x2] =	sbarrier.arrive $0xFFFF  }
0x175: {  	p0 =	sne.s32 s3, $0x0;
	s0 =	rddreg [dreg:$0x2]  }
0x176: {  	s0 =	sadd.s32 @!p0 $0x100000, s0  }
0x177: {  	[sflag:s0] =	ssyncadd.tile.s32 @!p0 $0x1;
	_ =	shalt  }
.Lfunc_end2:
_tile_overlayer_lowered:
.L_overlay_start_2:
0x178: {  	(tag) =	ssettag $0x2  }
0x179: {  	s0 =	rddreg [dreg:$0x0];
	s2 =	stileid.u32  }
0x17a: {  	s1 =	rddreg [dreg:$0x1];
	p0 =	sne.s32 s2, $0x0  }
0x17b: {  	s3 =	rddreg [dreg:$0x2];
	[bflag:$0x3] =	sbarrier.arrive $0xFFFF;
	s2 =	simm.s32 @!p0 $0x1C05  }
0x17c: {  	[timem:s3], [sflag:s2] =	dma.local @!p0 [hbm:s0], s1  }
0x17d: {  	s0 =	simm.s32 @!p0 $0x5  }
0x17e: {  	_ =	swait.ge @!p0 [sflag:s0], s1  }
0x17f: {  	s1 =	ssub.s32 @!p0 $0x0, s1;
	[sflag:s0] =	ssyncset.done @!p0 $0x0  }
0x180: {  	[sflag:s0] =	ssyncadd.s32 @!p0 s1  }
0x181: {  	[bflag:$0x3] =	sbarrier.arrive $0xFFFF  }
0x182: {  	_ =	shalt  }

// kernel: kernel.24.cloned.1.call-start
scs
__scs_entry_jumppad:
0x0: {  	(pc) =	sbr.rel $0x88, $3  }
0x1: {  	(tag) =	ssettag $0x0;
	lr =	simm.s32 $0x1  }
0x2: {  	[smem:$0x3F96] =	sst lr;
	_ =	strace $0xD0000000  }
0x3: {  	_ = 	snop  }
0x4: {  	_ = 	snop  }
0x5: {  	_ = 	snop  }
0x6: {  	_ = 	snop  }
0x7: {  	_ = 	snop  }
__scs_overlays_trampoline_lowered:
0x8: {  	[smem:$0x3FA5] =	sst s0  }
0x9: {  	[smem:$0x3FA6] =	sst s1  }
0xa: {  	[smem:$0x3FA7] =	sst s2  }
0xb: {  	[smem:$0x3FA8] =	sst s3  }
0xc: {  	[smem:$0x3FA9] =	sst s4  }
0xd: {  	[smem:$0x3FAA] =	sst s5  }
0xe: {  	[smem:$0x3FAB] =	sst s6  }
0xf: {  	[smem:$0x3FAC] =	sst s7  }
0x10: {  	[smem:$0x3FAD] =	sst s8  }
0x11: {  	[smem:$0x3FAE] =	sst s9;
	s0 =	simm.s32 @!p0 $0x0  }
0x12: {  	s1 =	sld [smem:$0x3F94];
	s0 =	simm.s32 @p0 $0x1  }
0x13: {  	[smem:$0x3FAF] =	sst s0;
	s0 =	simm.s32 @!p1 $0x0  }
0x14: {  	s2 =	sld [smem:$0x3F93];
	s0 =	simm.s32 @p1 $0x1  }
0x15: {  	[smem:$0x3FB0] =	sst s0;
	s0 =	simm.s32 @!p2 $0x0  }
0x16: {  	s3 =	sld [smem:$0x3FDB];
	s0 =	simm.s32 @p2 $0x1  }
0x17: {  	s4 =	simm.s32 $0x1BF5;
	[smem:$0x3FB2] =	sst s0  }
0x18: {  	s0 =	sld [smem:$0x3F95];
	_ =	swait.ge [sflag:s4], $0x0  }
0x19: {  	s7 =	sld [smem:$0x3F96]  }
0x1a: {  	s8 =	sadd.s32 $0xFFFFE003, lr  }
0x1b: {  	s9 =	sadd.s32 $0xFFFFFEF7, lr;
	s5 =	simm.s32 $0xFFFFFFFF;
	p2 =	slt.u32 s8, $0xFFFFF086  }
0x1c: {  	p1 =	slt.u32 s9, $0xF7A;
	s5 =	simm.s32 @!p2 $0x0  }
0x1d: {  	s5 =	simm.s32 @p1 $0x1;
	p0 =	seq.s32 s7, s2  }
0x1e: {  	s7 =	smul.u32 @!p0 $0xF7A, s2;
	p2 =	seq.s32 @!p0 s5, $0x0  }
0x1f: {  	s9 =	smul.u32 $0xF7A, s1;
	s8 =	simm.s32 @!p0 $0x1BF5;
	p2 =	por !p2, p0  }
0x20: {  	[sflag:s8] =	ssyncset.s32 @!p0 $0xFFFFF086;
	s6 =	sadd.s32 @!p0 s3, s7;
	s7 =	simm.s32 @!p0 $0x108  }
0x21: {  	s3 =	sadd.s32 s3, s9;
	s6 =	sadd.s32 @!p0 $0x88, s6;
	s7 =	simm.s32 @p2 $0x1082  }
0x22: {  	[simem:s7], [sflag:s8] =	dma.local @!p0 [hbm:s6], $0xF7A  }
0x23: {  	s9 =	sor.u32 $0xD0000000, s2;
	s6 =	simm.s32 $0x108;
	_ =	swait.ge @!p0 [sflag:s8], $0x0  }
0x24: {  	s3 =	sadd.s32 $0x88, s3;
	s6 =	simm.s32 @!p1 $0x1082;
	[sflag:s4] =	ssyncset.s32 $0xFFFFF086  }
0x25: {  	[simem:s6], [sflag:s4] =	dma.local [hbm:s3], $0xF7A  }
0x26: {  	[smem:$0x3F96] =	sst s1;
	(tag) =	ssettag s2;
	_ =	strace s9  }
0x27: {  	s1 =	sld [smem:$0x3FA6]  }
0x28: {  	s2 =	sld [smem:$0x3FA7]  }
0x29: {  	s4 =	sld [smem:$0x3FA9]  }
0x2a: {  	p0 =	seq.s32 s5, $0x0;
	s5 =	sld [smem:$0x3FAA]  }
0x2b: {  	s6 =	sld [smem:$0x3FAB]  }
0x2c: {  	s7 =	sld [smem:$0x3FAC]  }
0x2d: {  	s3 =	simm.s32 $0x108;
	s8 =	sld [smem:$0x3FAD]  }
0x2e: {  	s3 =	simm.s32 @!p0 $0x1082;
	s9 =	sld [smem:$0x3FAE]  }
0x2f: {  	lr =	sadd.s32 s0, s3;
	s0 =	sld [smem:$0x3FA5]  }
0x30: {  	s3 =	sld [smem:$0x3FA8]  }
0x31: {  	[smem:$0x3FB1] =	sst s10  }
0x32: {  	s10 =	sld [smem:$0x3FAF];
	_ =	sdelay $0x3  }
0x33: {  	p0 =	seq.s32 s10, $0x1;
	s10 =	sld [smem:$0x3FB1];
	_ =	sdelay $0x3  }
0x34: {  	[smem:$0x3FB1] =	sst s10  }
0x35: {  	s10 =	sld [smem:$0x3FB0];
	_ =	sdelay $0x3  }
0x36: {  	p1 =	seq.s32 s10, $0x1;
	s10 =	sld [smem:$0x3FB1];
	_ =	sdelay $0x3  }
0x37: {  	[smem:$0x3FB1] =	sst s10  }
0x38: {  	s10 =	sld [smem:$0x3FB2]  }
0x39: {  	_ = 	snop;
	(pc) =	sbr.ind lr, $3  }
0x3a: {  	_ = 	snop  }
0x3b: {  	_ = 	snop  }
0x3c: {  	p2 =	seq.s32 s10, $0x1;
	s10 =	sld [smem:$0x3FB1]  }
0x3d: {  	_ =	shalt  }
0x3e: {  	_ =	shalt  }
0x3f: {  	_ =	shalt  }
0x40: {  	_ =	shalt  }
0x41: {  	_ =	shalt  }
0x42: {  	_ =	shalt  }
0x43: {  	_ =	shalt  }
0x44: {  	_ =	shalt  }
0x45: {  	_ =	shalt  }
0x46: {  	_ =	shalt  }
0x47: {  	_ =	shalt  }
0x48: {  	_ =	shalt  }
0x49: {  	_ =	shalt  }
0x4a: {  	_ =	shalt  }
0x4b: {  	_ =	shalt  }
0x4c: {  	_ =	shalt  }
0x4d: {  	_ =	shalt  }
0x4e: {  	_ =	shalt  }
0x4f: {  	_ =	shalt  }
0x50: {  	_ =	shalt  }
0x51: {  	_ =	shalt  }
0x52: {  	_ =	shalt  }
0x53: {  	_ =	shalt  }
0x54: {  	_ =	shalt  }
0x55: {  	_ =	shalt  }
0x56: {  	_ =	shalt  }
0x57: {  	_ =	shalt  }
0x58: {  	_ =	shalt  }
0x59: {  	_ =	shalt  }
0x5a: {  	_ =	shalt  }
0x5b: {  	_ =	shalt  }
0x5c: {  	_ =	shalt  }
0x5d: {  	_ =	shalt  }
0x5e: {  	_ =	shalt  }
0x5f: {  	_ =	shalt  }
0x60: {  	_ =	shalt  }
0x61: {  	_ =	shalt  }
0x62: {  	_ =	shalt  }
0x63: {  	_ =	shalt  }
0x64: {  	_ =	shalt  }
0x65: {  	_ =	shalt  }
0x66: {  	_ =	shalt  }
0x67: {  	_ =	shalt  }
0x68: {  	_ =	shalt  }
0x69: {  	_ =	shalt  }
0x6a: {  	_ =	shalt  }
0x6b: {  	_ =	shalt  }
0x6c: {  	_ =	shalt  }
0x6d: {  	_ =	shalt  }
0x6e: {  	_ =	shalt  }
0x6f: {  	_ =	shalt  }
0x70: {  	_ =	shalt  }
0x71: {  	_ =	shalt  }
0x72: {  	_ =	shalt  }
0x73: {  	_ =	shalt  }
0x74: {  	_ =	shalt  }
0x75: {  	_ =	shalt  }
0x76: {  	_ =	shalt  }
0x77: {  	_ =	shalt  }
0x78: {  	_ =	shalt  }
0x79: {  	_ =	shalt  }
0x7a: {  	_ =	shalt  }
0x7b: {  	_ =	shalt  }
0x7c: {  	_ =	shalt  }
0x7d: {  	_ =	shalt  }
0x7e: {  	_ =	shalt  }
0x7f: {  	_ =	shalt  }
0x80: {  	_ =	shalt  }
0x81: {  	_ =	shalt  }
0x82: {  	_ =	shalt  }
0x83: {  	_ =	shalt  }
0x84: {  	_ =	shalt  }
0x85: {  	_ =	shalt  }
0x86: {  	_ =	shalt  }
0x87: {  	_ =	shalt  }
.Lfunc_end0:
.L_simem_size_0:
called_computation.4_lowered:
.L_overlay_start_0:
0x88: {  	s2 =	sld [smem:$0x3FD9]  }
0x89: {  	s3 =	sld [smem:$0x3FFE];
	_ =	sdelay $0x1  }
0x8a: {  	s1 =	srdreg.scid  }
0x8b: {  	s0 =	sand.u32 $0x1, s1  }
0x8c: {  	s17 =	sshll.u32 s0, $0xA;
	s2 =	sadd.s32 s3, s2  }
0x8d: {  	s2 =	sadd.s32 s2, s17  }
0x8e: {  	[smem:$0x3FBD] =	sst s2  }
0x8f: {  	_ = 	snop  }
0x90: {  	s2 =	sld [smem:$0x3FD0];
	(tm) =	ssettm $0x1  }
0x91: {  	s18 =	sld [smem:$0x3FFB];
	_ =	sdelay $0x3  }
0x92: {  	_ =	strace s18  }
0x93: {  	s3 =	sld [smem:$0x3FFC];
	_ =	sdelay $0x3  }
0x94: {  	_ =	strace s3  }
0x95: {  	s3 =	sld [smem:$0x3FFD];
	_ =	sdelay $0x3  }
0x96: {  	_ =	strace s3  }
0x97: {  	_ =	strace $0x8FFFFFFF  }
0x98: {  	s19 =	sld [smem:$0x3FDB];
	_ =	sdelay $0x1  }
0x99: {  	s4 =	simm.s32 $_scs_section_size  }
0x9a: {  	s5 =	simm.s32 $_size__tile_overlayer_lowered;
	s6 =	simm.s32 $_tile_overlayer_lowered  }
0x9b: {  	s22 =	simm.s32 $0x1BFF;
	s21 =	sshll.u32 s6, $0x1;
	s3 =	sadd.s32 s4, s19  }
0x9c: {  	s7 =	simm.s32 $0x0;
	s20 =	sshll.u32 s5, $0x1;
	s5 =	sadd.s32 s21, s3  }
0x9d: {  	[timem:s7], [sflag:s22] =	dma.local [hbm:s5], s20  }
0x9e: {  	_ =	swait.ge [sflag:s22], s20  }
0x9f: {  	s4 =	ssub.s32 $0x0, s20;
	[sflag:s22] =	ssyncset.done $0x0  }
0xa0: {  	[sflag:s22] =	ssyncadd.s32 s4;
	_ =	sdelay $0x1  }
0xa1: {  	s23 =	simm.s32 $0x1B8B  }
0xa2: {  	_ =	swait.ge [sflag:s23], $0x1  }
0xa3: {  	[sflag:s23] =	ssyncset.done $0x0  }
0xa4: {  	s25 =	simm.s32 $0x1B8E;
	s24 =	sld [smem:$0x3FFE];
	[sflag:s23] =	ssyncadd.s32 $0xFFFFFFFF  }
0xa5: {  	s26 =	simm.s32 $execute0_lowered;
	[smem:$0x3FD2] =	sst s25  }
0xa6: {  	s5 =	sshll.u32 s26, $0x1;
	_ =	strace $0x80000052;
	[dreg:$0x1] =	wrdreg $0xFFFFFFFF  }
0xa7: {  	s28 =	simm.s32 $_size_execute0_lowered;
	s3 =	sadd.s32 s3, s5;
	[dreg:$0x0] =	wrdreg $0x0  }
0xa8: {  	s5 =	sshll.u32 s28, $0x1;
	[dreg:$0x2] =	wrdreg s3  }
0xa9: {  	[dreg:$0x3] =	wrdreg s5  }
0xaa: {  	[dreg:$0x4] =	wrdreg $0xC0  }
0xab: {  	_ =	task [dreg:s7], $0x5FFFF  }
0xac: {  	[dreg:$0x1] =	wrdreg $0xFFFFFFFF  }
0xad: {  	[dreg:$0x0] =	wrdreg $0x60  }
0xae: {  	[dreg:$0x2] =	wrdreg s24  }
0xaf: {  	[dreg:$0x3] =	wrdreg s2  }
0xb0: {  	[dreg:$0x4] =	wrdreg $0x0  }
0xb1: {  	[dreg:$0x5] =	wrdreg $0x9  }
0xb2: {  	_ =	task.clear_ibuf [dreg:s7], $0x6FFFF;
	_ =	strace $0x90000052  }
0xb3: {  	s29 =	simm.s32 $0x9;
	_ =	strace $0x80000054  }
0xb4: {  	_ =	swait.ge [sflag:s29], $0x1  }
0xb5: {  	[sflag:s29] =	ssyncadd.s32 $0xFFFFFFFF  }
0xb6: {  	_ =	strace $0x90000054  }
0xb7: {  	_ =	sfence  }
0xb8: {  	s30 =	sld [smem:$0x0];
	_ =	sdelay $0x2  }
0xb9: {  	s31 =	sshll.u32 s1, $0xD;
	s1 =	sshrl.u32 s1, $0x2  }
0xba: {  	s3 =	sand.u32 $0x4000, s31;
	s1 =	sadd.s32 s1, s30  }
0xbb: {  	s0 =	sor.u32 s3, s0;
	s1 =	sshll.u32 s1, $0x11  }
0xbc: {  	s0 =	sor.u32 s1, s0  }
0xbd: {  	s0 =	sadd.s32 $0x8F2B, s0  }
0xbe: {  	[sflag:s0] =	ssyncadd.remote.s32 $0x1  }
0xbf: {  	_ =	sfence.sel $0xFFFF  }
0xc0: {  	[dreg:$0x0] =	wrdreg $0xFFFFFFFF;
	(pc) =	sbr.abs _section_cstart, $3  }
0xc1: {  	[dreg:$0x1] =	wrdreg $0xFFFFFFFF  }
0xc2: {  	_ =	task.clear_ibuf [dreg:s7], $0x2FFFF;
	_ =	strace $0x9FFFFFFF  }
0xc3: {  	(tm) =	ssettm $0x7FFFFFFF  }
tec
execute0_lowered:
.L_overlay_start_1:
0x0: {  	(tag) =	ssettag $0x1  }
0x1: {  	s5 =	rddreg [dreg:$0x0]  }
0x2: {  	s1 =	rddreg [dreg:$0x1]  }
0x3: {  	s2 =	rddreg [dreg:$0x2]  }
0x4: {  	s3 =	srdreg.scid;
	s0 =	rddreg [dreg:$0x3];
	s4 =	simm.s32 $0x0  }
0x5: {  	s11 =	simm.s32 $0x1;
	s12 =	simm.s32 $0x280;
	s13 =	simm.s32 $0x1680  }
0x6: {  	s14 =	simm.s32 $0x2A80;
	s15 =	simm.s32 $0x80;
	s16 =	simm.s32 $0x5280  }
0x7: {  	s19 =	simm.s32 $0x20;
	s20 =	simm.s32 $0x10;
	s21 =	simm.s32 $0x0  }
0x8: {  	s6 =	sand.u32 $0x1, s3;
	s3 =	stileid.u32;
	[smem:$0x7FF] =	sst s4  }
0x9: {  	s7 =	sshll.u32 s6, $0x4;
	s8 =	smul.u32 $0x500, s3;
	_ =	strace $0x80000053  }
0xa: {  	s9 =	sshll.u32 s6, $0x7;
	s6 =	ssub.s32 $0x2, s6;
	s30 =	smul.u32 $0xA00, s3  }
0xb: {  	s17 =	sshll.u32 s3, $0x6;
	s7 =	sor.u32 s3, s7;
	s10 =	sshrl.u32 s6, $0x1  }
0xc: {  	s17 =	sor.u32 $0x1C01, s17;
	s7 =	smul.u32 $0x280, s7;
	s8 =	sor.u32 s9, s8  }
0xd: {  	s10 =	ssub.s32 s6, s10;
	s31 =	sshrl.u32 s30, $0x2;
	s8 =	sshrl.u32 s8, $0x3  }
0xe: {  	s9 =	smax.u32 s10, $0x1;
	s10 =	simm.s32 $0x5300;
	s7 =	sadd.s32 s7, s5  }
0xf: {  	s8 =	sadd.s32 s8, s5;
	s5 =	sadd.s32 s31, s2;
	s6 =	sadd.s32 $0x6800, s7  }
0x10: {  	v0 =	vimm.f32 $0.0e+00;
	s7 =	sadd.s32 $0xE00, s7;
	s8 =	sadd.s32 $0x5E00, s8;
	s18 =	sshrl.u32 s5, $0x3  }
.LBB2_1:
0x11: {  	[tilespmem:$0x5300] =	vst v0  }
0x12: {  	[tilespmem:$0x5310] =	vst v0  }
0x13: {  	[tilespmem:$0x5320] =	vst v0  }
0x14: {  	[tilespmem:$0x5330] =	vst v0  }
0x15: {  	[tilespmem:$0x5340] =	vst v0  }
0x16: {  	[tilespmem:$0x5350] =	vst v0  }
0x17: {  	[tilespmem:$0x5360] =	vst v0  }
0x18: {  	[tilespmem:$0x5370] =	vst v0  }
0x19: {  	[tilespmem:$0x5380] =	vst v0  }
0x1a: {  	[tilespmem:$0x5390] =	vst v0  }
0x1b: {  	[tilespmem:$0x53A0] =	vst v0  }
0x1c: {  	[tilespmem:$0x53B0] =	vst v0  }
0x1d: {  	[tilespmem:$0x53C0] =	vst v0  }
0x1e: {  	[tilespmem:$0x53D0] =	vst v0  }
0x1f: {  	[tilespmem:$0x53E0] =	vst v0  }
0x20: {  	[tilespmem:$0x53F0] =	vst v0  }
0x21: {  	[tilespmem:$0x5400] =	vst v0  }
0x22: {  	[tilespmem:$0x5410] =	vst v0  }
0x23: {  	[tilespmem:$0x5420] =	vst v0  }
0x24: {  	[tilespmem:$0x5430] =	vst v0  }
0x25: {  	[tilespmem:$0x5440] =	vst v0  }
0x26: {  	[tilespmem:$0x5450] =	vst v0  }
0x27: {  	[tilespmem:$0x5460] =	vst v0  }
0x28: {  	[tilespmem:$0x5470] =	vst v0  }
0x29: {  	[tilespmem:$0x5480] =	vst v0  }
0x2a: {  	[tilespmem:$0x5490] =	vst v0  }
0x2b: {  	[tilespmem:$0x54A0] =	vst v0  }
0x2c: {  	[tilespmem:$0x54B0] =	vst v0  }
0x2d: {  	[tilespmem:$0x54C0] =	vst v0  }
0x2e: {  	[tilespmem:$0x54D0] =	vst v0  }
0x2f: {  	[tilespmem:$0x54E0] =	vst v0  }
0x30: {  	[tilespmem:$0x54F0] =	vst v0  }
0x31: {  	[tilespmem:$0x5500] =	vst v0  }
0x32: {  	[tilespmem:$0x5510] =	vst v0  }
0x33: {  	[tilespmem:$0x5520] =	vst v0  }
0x34: {  	[tilespmem:$0x5530] =	vst v0  }
0x35: {  	[tilespmem:$0x5540] =	vst v0  }
0x36: {  	[tilespmem:$0x5550] =	vst v0  }
0x37: {  	[tilespmem:$0x5560] =	vst v0  }
0x38: {  	[tilespmem:$0x5570] =	vst v0  }
0x39: {  	[spmem:s5] =	stream.linear.scatter [tilespmem:s10], [sflag:$0x1], $0x280, $0x38;
	[tilespmem:$0x5580] =	vst v63  }
0x3a: {  	_ =	swait.ge [sflag:s11], $0x280  }
0x3b: {  	[sflag:s11] =	ssyncset.done $0x0  }
0x3c: {  	[sflag:s11] =	ssyncadd.s32 $0xFFFFFD80  }
0x3d: {  	[tilespmem:s12], [sflag:$0x1] =	stream.linear.gather [hbm4b:s6+s4], $0x1400, $0x38;
	[tilespmem:$0x5580] =	vst v63  }
0x3e: {  	_ =	swait.ge [sflag:s11], $0x1400  }
0x3f: {  	[sflag:s11] =	ssyncset.done $0x0  }
0x40: {  	[sflag:s11] =	ssyncadd.s32 $0xFFFFEC00  }
0x41: {  	[tilespmem:s13], [sflag:$0x1] =	stream.linear.gather [hbm4b:s7+s4], $0x1400, $0x38;
	[tilespmem:$0x5580] =	vst v63  }
0x42: {  	_ =	swait.ge [sflag:s11], $0x1400  }
0x43: {  	[sflag:s11] =	ssyncset.done $0x0  }
0x44: {  	[sflag:s11] =	ssyncadd.s32 $0xFFFFEC00  }
0x45: {  	[tilespmem:s14], [sflag:$0x1] =	stream.linear.gather [hbm4b:s1+s4], $0x2800, $0x38;
	[tilespmem:$0x5580] =	vst v63  }
0x46: {  	_ =	swait.ge [sflag:s11], $0x2800  }
0x47: {  	[sflag:s11] =	ssyncset.done $0x0  }
0x48: {  	[sflag:s11] =	ssyncadd.s32 $0xFFFFD800  }
0x49: {  	s22 =	simm.s32 $0x0;
	[bflag:$0x0] =	sbarrier.arrive $0xFFFF  }
.LBB2_2:
0x4a: {  	s23 =	sshra.s32 s22, $0x2  }
0x4b: {  	v1 =	vld [tilespmem:s23+$0x280];
	_ =	sdelay $0x7  }
0x4c: {  	v1 =	vld.idx.msk [tilespmem:v1+s14+$0x0], $0xffff;
	_ =	sdelay $0x4  }
0x4d: {  	[tilespmem:$0x5280] =	vst v1  }
0x4e: {  	v1 =	vld [tilespmem:s23+$0x290];
	_ =	sdelay $0x7  }
0x4f: {  	v1 =	vld.idx.msk [tilespmem:v1+s14+$0x0], $0xffff;
	_ =	sdelay $0x4  }
0x50: {  	[tilespmem:$0x5290] =	vst v1  }
0x51: {  	v1 =	vld [tilespmem:s23+$0x2A0];
	_ =	sdelay $0x7  }
0x52: {  	v1 =	vld.idx.msk [tilespmem:v1+s14+$0x0], $0xffff;
	_ =	sdelay $0x4  }
0x53: {  	[tilespmem:$0x52A0] =	vst v1  }
0x54: {  	v1 =	vld [tilespmem:s23+$0x2B0];
	_ =	sdelay $0x7  }
0x55: {  	v1 =	vld.idx.msk [tilespmem:v1+s14+$0x0], $0xffff;
	_ =	sdelay $0x4  }
0x56: {  	[tilespmem:$0x52B0] =	vst v1  }
0x57: {  	v1 =	vld [tilespmem:s23+$0x2C0];
	_ =	sdelay $0x7  }
0x58: {  	v1 =	vld.idx.msk [tilespmem:v1+s14+$0x0], $0xffff;
	_ =	sdelay $0x4  }
0x59: {  	[tilespmem:$0x52C0] =	vst v1  }
0x5a: {  	v1 =	vld [tilespmem:s23+$0x2D0];
	_ =	sdelay $0x7  }
0x5b: {  	v1 =	vld.idx.msk [tilespmem:v1+s14+$0x0], $0xffff;
	_ =	sdelay $0x4  }
0x5c: {  	[tilespmem:$0x52D0] =	vst v1  }
0x5d: {  	v1 =	vld [tilespmem:s23+$0x2E0];
	_ =	sdelay $0x7  }
0x5e: {  	v1 =	vld.idx.msk [tilespmem:v1+s14+$0x0], $0xffff;
	_ =	sdelay $0x4  }
0x5f: {  	[tilespmem:$0x52E0] =	vst v1  }
0x60: {  	v1 =	vld [tilespmem:s23+$0x2F0];
	_ =	sdelay $0x7  }
0x61: {  	v1 =	vld.idx.msk [tilespmem:v1+s14+$0x0], $0xffff;
	_ =	sdelay $0x3  }
0x62: {  	p0 =	sne.s32 s22, $0x4E00  }
.Ltmp0:
0x63: {  	s23 =	sadd.s32 $0x1680, s23;
	[tilespmem:$0x52F0] =	vst v1;
	(pc) =	sbr.rel @p0 .LBB2_2-.Ltmp0, $4  }
0x64: {  	[spmem:s2] =	stream.indirect.scatter.add.f32 [tilespmem:s16], [sflag:$0x1], $0x1, s23, s15, $0xb8;
	[tilespmem:$0x5580] =	vst v63  }
0x65: {  	_ =	swait.ge [sflag:s11], $0x80  }
0x66: {  	[sflag:s11] =	ssyncset.done $0x0  }
0x67: {  	s22 =	sadd.s32 $0x200, s22;
	[sflag:s11] =	ssyncadd.s32 $0xFFFFFF80  }
0x68: {  	s21 =	sadd.s32 $0x1, s21  }
0x69: {  	p0 =	sne.s32 s21, s9  }
.Ltmp1:
0x6a: {  	[bflag:$0x0] =	sbarrier.arrive $0xFFFF;
	(pc) =	sbr.rel @p0 .LBB2_1-.Ltmp1, $4  }
0x6b: {  	[hbm:s8@s19], [sflag:s17] =	dma.strided [spmem:s18@s20], $0x50, s11, $0x10   }
0x6c: {  	_ =	swait.ge [sflag:s11], $0x50  }
0x6d: {  	[sflag:s11] =	ssyncset.done $0x0  }
0x6e: {  	[sflag:s11] =	ssyncadd.s32 $0xFFFFFFB0  }
0x6f: {  	_ =	sfence.sel $0x180000  }
0x70: {  	[bflag:$0x0] =	sbarrier.arrive $0xFFFF  }
0x71: {  	p0 =	sne.s32 s3, $0x0;
	_ =	strace $0x90000053  }
0x72: {  	s0 =	sadd.s32 @!p0 $0x100000, s0;
	[bflag:$0x2] =	sbarrier.arrive $0xFFFF  }
0x73: {  	[sflag:s0] =	ssyncadd.tile.s32 @!p0 $0x1;
	_ =	shalt  }
.Lfunc_end2:
_tile_overlayer_lowered:
.L_overlay_start_2:
0x74: {  	(tag) =	ssettag $0x2  }
0x75: {  	s0 =	rddreg [dreg:$0x0];
	s2 =	stileid.u32  }
0x76: {  	s1 =	rddreg [dreg:$0x1];
	p0 =	sne.s32 s2, $0x0  }
0x77: {  	s3 =	rddreg [dreg:$0x2];
	[bflag:$0x3] =	sbarrier.arrive $0xFFFF;
	s2 =	simm.s32 @!p0 $0x1C01  }
0x78: {  	[timem:s3], [sflag:s2] =	dma.local @!p0 [hbm:s0], s1  }
0x79: {  	s0 =	simm.s32 @!p0 $0x1  }
0x7a: {  	_ =	swait.ge @!p0 [sflag:s0], s1  }
0x7b: {  	s1 =	ssub.s32 @!p0 $0x0, s1;
	[sflag:s0] =	ssyncset.done @!p0 $0x0  }
0x7c: {  	[sflag:s0] =	ssyncadd.s32 @!p0 s1  }
0x7d: {  	[bflag:$0x3] =	sbarrier.arrive $0xFFFF  }
0x7e: {  	_ =	shalt  }

</sc_bundles>
